<compile_context>
chip_gen: v7x
topology: tpu7x:2x2x1
jax: 0.10.2.dev20260603
libtpu: 0.0.44.dev20260713+nightly
codegen_flags: <defaults>
</compile_context>

<pallas_src>
import functools

import jax
import jax.numpy as jnp
from jax import lax
from jax.experimental import pallas as pl
from jax.experimental.pallas import tpu as pltpu, tpu_sc as plsc

N = 10000
E = 320000
C = 128

NC, NS, L = 2, 16, 16
NW = NC * NS
B = 64
K = 164
EPAD = NW * B * K
PAD_N = 10112
ROWS_PER_TILE = PAD_N // NS
_ZCHUNKS = (128, 128, 128, 128, 120)


def _project_body(x_ref, wl_ref, wr_ref, xl_ref, xr_ref):
    xb = x_ref[...]
    xl_ref[...] = jnp.dot(xb, wl_ref[...], preferred_element_type=jnp.float32)
    xr_ref[...] = jnp.dot(xb, wr_ref[...], preferred_element_type=jnp.float32)


def _project(x, W_l, W_r):
    blk = 1000
    return pl.pallas_call(
        _project_body,
        grid=(N // blk,),
        in_specs=[
            pl.BlockSpec((blk, C), lambda i: (i, 0)),
            pl.BlockSpec((C, C), lambda i: (0, 0)),
            pl.BlockSpec((C, C), lambda i: (0, 0)),
        ],
        out_specs=[
            pl.BlockSpec((blk, C), lambda i: (i, 0)),
            pl.BlockSpec((blk, C), lambda i: (i, 0)),
        ],
        out_shape=[
            jax.ShapeDtypeStruct((N, C), jnp.float32),
            jax.ShapeDtypeStruct((N, C), jnp.float32),
        ],
    )(x, W_l, W_r)


def _sc_body(xl_hbm, xr_hbm, src_hbm, dst_hbm, att_hbm,
             acc_out, den_out,
             acc_sh, den_sh,
             xlb0, xlb1, xrb0, xrb1,
             sidx0, sidx1, didxg0, didxg1, didxs0, didxs1,
             drb0, drb1, attv,
             sem_g0, sem_g1, sem_i0, sem_i1, sem_s0, sem_s1):
    cid = lax.axis_index("c")
    sid = lax.axis_index("s")
    wid = cid * NS + sid

    zv = jnp.zeros((L,), jnp.float32)
    lane = lax.iota(jnp.int32, L)

    XLB, XRB = (xlb0, xlb1), (xrb0, xrb1)
    SIDX, DIDXG, DIDXS = (sidx0, sidx1), (didxg0, didxg1), (didxs0, didxs1)
    DRB = (drb0, drb1)
    SEMG, SEMI, SEMS = (sem_g0, sem_g1), (sem_i0, sem_i1), (sem_s0, sem_s1)

    def _zero(r, _):
        for c in range(C // L):
            xlb0[r, pl.ds(c * L, L)] = zv
        drb0[r, :] = zv
        return 0
    lax.fori_loop(0, B, _zero, 0)
    base_row = sid * ROWS_PER_TILE
    for t in range(10):
        sz = 64 if t < 9 else 56
        pltpu.sync_copy(xlb0.at[pl.ds(0, sz)],
                        acc_sh.at[pl.ds(base_row + t * 64, sz)])
        pltpu.sync_copy(drb0.at[pl.ds(0, sz)],
                        den_sh.at[pl.ds(base_row + t * 64, sz)])
    pltpu.sync_copy(att_hbm, attv)
    plsc.subcore_barrier()

    att_regs = [attv[pl.ds(c * L, L)] for c in range(C // L)]
    ebase = wid * (K * B)

    def _issue_gather(b, off):
        pltpu.async_copy(xl_hbm.at[SIDX[b]], XLB[b], SEMG[b])
        pltpu.async_copy(xr_hbm.at[DIDXG[b]], XRB[b], SEMG[b])
        del off

    def _wait_gather(b):
        pltpu.make_async_copy(xl_hbm.at[SIDX[b]], XLB[b], SEMG[b]).wait()
        pltpu.make_async_copy(xr_hbm.at[DIDXG[b]], XRB[b], SEMG[b]).wait()

    for b in (0, 1):
        pltpu.sync_copy(src_hbm.at[pl.ds(ebase + b * B, B)], SIDX[b])
        pltpu.sync_copy(dst_hbm.at[pl.ds(ebase + b * B, B)], DIDXG[b])
        _issue_gather(b, None)

    def _compute(b):
        xlb, xrb, drb = XLB[b], XRB[b], DRB[b]

        def _edge(e, _):
            xl_r = [xlb[e, pl.ds(c * L, L)] for c in range(C // L)]
            acc = zv
            for c in range(C // L):
                v = xl_r[c] + xrb[e, pl.ds(c * L, L)]
                v = jnp.maximum(v, 0.2 * v)
                acc = acc + v * att_regs[c]
            for h in (8, 4, 2, 1):
                acc = acc + acc.at[lane ^ h].get(mode="promise_in_bounds")
            wv = jnp.exp(acc)
            for c in range(C // L):
                xlb[e, pl.ds(c * L, L)] = xl_r[c] * wv
            drb[e, :] = jnp.where(lane == 0, wv, 0.0)
            return 0
        lax.fori_loop(0, B, _edge, 0, unroll=4)

    def _kk(kk, _):
        for b in (0, 1):
            k = 2 * kk + b
            _wait_gather(b)
            for j in range(B // L):
                DIDXS[b][pl.ds(j * L, L)] = DIDXG[b][pl.ds(j * L, L)]
            off2 = ebase + (k + 2) * B
            @pl.when(kk < K // 2 - 1)
            def _():
                pltpu.async_copy(src_hbm.at[pl.ds(off2, B)], SIDX[b], SEMI[b])
                pltpu.async_copy(dst_hbm.at[pl.ds(off2, B)], DIDXG[b], SEMI[b])
            _compute(b)
            sc1 = pltpu.async_copy(XLB[b], acc_sh.at[DIDXS[b]], SEMS[b],
                                   add=True)
            sc2 = pltpu.async_copy(DRB[b], den_sh.at[DIDXS[b]], SEMS[b],
                                   add=True)
            sc1.wait()
            sc2.wait()
            @pl.when(kk < K // 2 - 1)
            def _():
                pltpu.make_async_copy(src_hbm.at[pl.ds(off2, B)], SIDX[b],
                                      SEMI[b]).wait()
                pltpu.make_async_copy(dst_hbm.at[pl.ds(off2, B)], DIDXG[b],
                                      SEMI[b]).wait()
                _issue_gather(b, None)
        return 0
    lax.fori_loop(0, K // 2, _kk, 0)

    plsc.subcore_barrier()
    for t in range(10):
        sz = 64 if t < 9 else 56
        r0 = base_row + t * 64
        pltpu.sync_copy(acc_sh.at[pl.ds(r0, sz)], xlb0.at[pl.ds(0, sz)])
        pltpu.sync_copy(xlb0.at[pl.ds(0, sz)], acc_out.at[cid, pl.ds(r0, sz)])
        pltpu.sync_copy(den_sh.at[pl.ds(r0, sz)], drb0.at[pl.ds(0, sz)])
        pltpu.sync_copy(drb0.at[pl.ds(0, sz)], den_out.at[cid, pl.ds(r0, sz)])


def _sc_aggregate(xl, xr, src, dst, att_flat):
    mesh = plsc.VectorSubcoreMesh(core_axis_name="c", subcore_axis_name="s")
    return pl.kernel(
        _sc_body,
        out_type=[
            jax.ShapeDtypeStruct((NC, PAD_N, C), jnp.float32),
            jax.ShapeDtypeStruct((NC, PAD_N, L), jnp.float32),
        ],
        mesh=mesh,
        compiler_params=pltpu.CompilerParams(use_tc_tiling_on_sc=False),
        scratch_types=[
            pltpu.VMEM_SHARED((PAD_N, C), jnp.float32),
            pltpu.VMEM_SHARED((PAD_N, L), jnp.float32),
            pltpu.VMEM((B, C), jnp.float32),
            pltpu.VMEM((B, C), jnp.float32),
            pltpu.VMEM((B, C), jnp.float32),
            pltpu.VMEM((B, C), jnp.float32),
            pltpu.VMEM((B,), jnp.int32),
            pltpu.VMEM((B,), jnp.int32),
            pltpu.VMEM((B,), jnp.int32),
            pltpu.VMEM((B,), jnp.int32),
            pltpu.VMEM((B,), jnp.int32),
            pltpu.VMEM((B,), jnp.int32),
            pltpu.VMEM((B, L), jnp.float32),
            pltpu.VMEM((B, L), jnp.float32),
            pltpu.VMEM((C,), jnp.float32),
            pltpu.SemaphoreType.DMA,
            pltpu.SemaphoreType.DMA,
            pltpu.SemaphoreType.DMA,
            pltpu.SemaphoreType.DMA,
            pltpu.SemaphoreType.DMA,
            pltpu.SemaphoreType.DMA,
        ],
    )(xl, xr, src, dst, att_flat)


def _epilogue_body(acc_ref, den_ref, out_ref):
    num = acc_ref[0] + acc_ref[1]
    den = den_ref[0, :, 0:1] + den_ref[1, :, 0:1]
    out_ref[...] = num / (den + 1e-16)


def _epilogue(acc, den):
    blk = 1000
    return pl.pallas_call(
        _epilogue_body,
        grid=(N // blk,),
        in_specs=[
            pl.BlockSpec((NC, blk, C), lambda i: (0, i, 0)),
            pl.BlockSpec((NC, blk, L), lambda i: (0, i, 0)),
        ],
        out_specs=pl.BlockSpec((blk, C), lambda i: (i, 0)),
        out_shape=jax.ShapeDtypeStruct((N, C), jnp.float32),
    )(acc, den)


def kernel(x, edge_index, W_l, W_r, att):
    xl, xr = _project(x, W_l, W_r)
    npad = EPAD - (E + N)
    loop = jnp.arange(N, dtype=jnp.int32)
    src = jnp.concatenate([edge_index[0], loop,
                           jnp.zeros((npad,), jnp.int32)])
    dst = jnp.concatenate([edge_index[1], loop,
                           jnp.full((npad,), N, jnp.int32)])
    acc, den = _sc_aggregate(xl, xr, src, dst, att.reshape(C))
    return _epilogue(acc, den)

# --- scband reference (transcript-rebuilt; emitter-appended) ---
"""Pipeline reference for scband-glantconv-38998303048289 (READ-ONLY COPY).

The authoritative reference and input builder live on the scoring server;
editing this copy changes nothing except your own understanding.
"""

import jax, jax.numpy as jnp
import numpy as np

N = 10000
E = 320000
IN_CH = 128
OUT_CH = 128
HEADS = 1


def setup_inputs(seed: int = 0) -> dict:
    key = jax.random.key(seed)
    k1, k2, k3, k4, k5 = jax.random.split(key, 5)
    x = jax.random.normal(k1, (N, IN_CH), dtype=jnp.float32)
    edge_index = jax.random.randint(k2, (2, E), 0, N, dtype=jnp.int32)
    s_in = 1.0 / np.sqrt(IN_CH)
    W_l = jax.random.normal(k3, (IN_CH, HEADS * OUT_CH), dtype=jnp.float32) * s_in
    W_r = jax.random.normal(k4, (IN_CH, HEADS * OUT_CH), dtype=jnp.float32) * s_in
    att = jax.random.normal(k5, (HEADS, OUT_CH), dtype=jnp.float32) * (1.0 / np.sqrt(OUT_CH))
    return {"x": x, "edge_index": edge_index, "W_l": W_l, "W_r": W_r, "att": att}


def _gatv2(x, edge_index, W_l, W_r, att, negative_slope=0.2):
    # GATv2Conv: concat=False, bias=False, residual=False, dropout=0 (eval),
    # add_self_loops=True, share_weights=False, edge_dim=None.
    n = x.shape[0]
    H, C = att.shape
    loop = jnp.arange(n, dtype=edge_index.dtype)
    ei = jnp.concatenate([edge_index, jnp.stack([loop, loop], axis=0)], axis=1)
    src, dst = ei[0], ei[1]
    x_l = (x @ W_l).reshape(n, H, C)  # applied to source nodes (x_j)
    x_r = (x @ W_r).reshape(n, H, C)  # applied to target nodes (x_i)
    e = x_l[src] + x_r[dst]  # gather over edges: [E', H, C]
    e = jnp.where(e > 0, e, negative_slope * e)  # leaky_relu
    alpha = (e * att[None, :, :]).sum(axis=-1)  # [E', H]
    # softmax over incoming edges per target node (PyG detaches the max)
    amax = jax.ops.segment_max(alpha, dst, num_segments=n)
    amax = jax.lax.stop_gradient(jnp.where(jnp.isfinite(amax), amax, 0.0))
    ex = jnp.exp(alpha - amax[dst])
    denom = jax.ops.segment_sum(ex, dst, num_segments=n)
    a = ex / (denom[dst] + 1e-16)
    out = jax.ops.segment_sum(x_l[src] * a[:, :, None], dst, num_segments=n)  # [N, H, C]
    return out.mean(axis=1)  # concat=False -> mean over heads


def reference(x, edge_index, W_l, W_r, att):
    # GLANTConv with max_hops=1 and a single edge_index tensor:
    # edges = [edge_index]; out = convs[0](x, edges[0], None); theta loop is empty.
    return _gatv2(x, edge_index, W_l, W_r, att)

if __name__ == "__main__":
    import jax
    _d = setup_inputs()
    print(jax.jit(kernel)(*tuple(_d.values())))

</pallas_src>

<mosaic_0001>
#map = affine_map<(d0, d1) -> (0, 0)>
#map1 = affine_map<(d0, d1) -> (0)>
#map2 = affine_map<(d0, d1) -> (0, 0, 0)>
module attributes {stable_mosaic.version = 14 : i64} {
  func.func @_sc_body(%arg0: i32, %arg1: i32, %arg2: memref<10000x128xf32, #tpu.memory_space<hbm>>, %arg3: memref<10000x128xf32, #tpu.memory_space<hbm>>, %arg4: memref<335872xi32, #tpu.memory_space<hbm>>, %arg5: memref<335872xi32, #tpu.memory_space<hbm>>, %arg6: memref<128xf32, #tpu.memory_space<hbm>>, %arg7: memref<2x10112x128xf32, #tpu.memory_space<hbm>>, %arg8: memref<2x10112x16xf32, #tpu.memory_space<hbm>>, %arg9: memref<10112x128xf32, #tpu.memory_space<vmem_shared>>, %arg10: memref<10112x16xf32, #tpu.memory_space<vmem_shared>>, %arg11: memref<64x128xf32, #tpu.memory_space<vmem>>, %arg12: memref<64x128xf32, #tpu.memory_space<vmem>>, %arg13: memref<64x128xf32, #tpu.memory_space<vmem>>, %arg14: memref<64x128xf32, #tpu.memory_space<vmem>>, %arg15: memref<64xi32, #tpu.memory_space<vmem>>, %arg16: memref<64xi32, #tpu.memory_space<vmem>>, %arg17: memref<64xi32, #tpu.memory_space<vmem>>, %arg18: memref<64xi32, #tpu.memory_space<vmem>>, %arg19: memref<64xi32, #tpu.memory_space<vmem>>, %arg20: memref<64xi32, #tpu.memory_space<vmem>>, %arg21: memref<64x16xf32, #tpu.memory_space<vmem>>, %arg22: memref<64x16xf32, #tpu.memory_space<vmem>>, %arg23: memref<128xf32, #tpu.memory_space<vmem>>, %arg24: memref<!tpu.dma_semaphore, #tpu.memory_space<semaphore_mem>>, %arg25: memref<!tpu.dma_semaphore, #tpu.memory_space<semaphore_mem>>, %arg26: memref<!tpu.dma_semaphore, #tpu.memory_space<semaphore_mem>>, %arg27: memref<!tpu.dma_semaphore, #tpu.memory_space<semaphore_mem>>, %arg28: memref<!tpu.dma_semaphore, #tpu.memory_space<semaphore_mem>>, %arg29: memref<!tpu.dma_semaphore, #tpu.memory_space<semaphore_mem>>) attributes {dimension_semantics = [#tpu.dimension_semantics<core_parallel>, #tpu.dimension_semantics<subcore_parallel>], iteration_bounds = array<i64: 2, 16>, scalar_prefetch = 0 : i64, scratch_operands = 21 : i64, tpu.core_type = #tpu.core_type<sc_vector_subcore>, window_params = [{transform_indices = #map}, {transform_indices = #map}, {transform_indices = #map1}, {transform_indices = #map1}, {transform_indices = #map1}, {transform_indices = #map2}, {transform_indices = #map2}]} {
    %mul3A = arith.constant 16 : i32
    %mul3A_0 = arith.muli %arg0, %mul3A : i32
    %add3A = arith.addi %mul3A_0, %arg1 : i32
    %broadcast_in_dim3A = arith.constant 0.000000e+00 : f32
    %broadcast_in_dim3A_1 = vector.broadcast %broadcast_in_dim3A : f32 to vector<16xf32>
    %iota3A = tpu.iota {dimensions = array<i32: 0>} : vector<16xi32>
    %scan3A = arith.constant 0 : i32
    %scan3A_2 = arith.constant 0 : i32
    %scan3A_3 = arith.constant 64 : i32
    %scan3A_4 = arith.addi %scan3A_2, %scan3A_3 : i32
    %scan3A_5 = arith.constant 1 : i32
    %scan3A_6 = scf.for %scan3A_122 = %scan3A_2 to %scan3A_4 step %scan3A_5 iter_args(%scan3A_123 = %scan3A) -> (i32)  : i32 {
      %swap3A = arith.index_cast %scan3A_122 : i32 to index
      %swap3A_124 = arith.constant 0 : index
      %swap3A_125 = tpu.vector_load %arg11[%swap3A, %swap3A_124] {strides = array<i32>} : memref<64x128xf32, #tpu.memory_space<vmem>>, vector<1x16xf32>,
      %swap3A_126 = vector.shape_cast %swap3A_125 : vector<1x16xf32> to vector<16xf32>
      %swap3A_127 = vector.shape_cast %broadcast_in_dim3A_1 : vector<16xf32> to vector<1x16xf32>
      tpu.vector_store %arg11[%swap3A, %swap3A_124], %swap3A_127 {strides = array<i32>} : memref<64x128xf32, #tpu.memory_space<vmem>>, vector<1x16xf32>,
      %swap3A_128 = arith.index_cast %scan3A_122 : i32 to index
      %swap3A_129 = arith.constant 16 : index
      %swap3A_130 = tpu.vector_load %arg11[%swap3A_128, %swap3A_129] {strides = array<i32>} : memref<64x128xf32, #tpu.memory_space<vmem>>, vector<1x16xf32>,
      %swap3A_131 = vector.shape_cast %swap3A_130 : vector<1x16xf32> to vector<16xf32>
      %swap3A_132 = vector.shape_cast %broadcast_in_dim3A_1 : vector<16xf32> to vector<1x16xf32>
      tpu.vector_store %arg11[%swap3A_128, %swap3A_129], %swap3A_132 {strides = array<i32>} : memref<64x128xf32, #tpu.memory_space<vmem>>, vector<1x16xf32>,
      %swap3A_133 = arith.index_cast %scan3A_122 : i32 to index
      %swap3A_134 = arith.constant 32 : index
      %swap3A_135 = tpu.vector_load %arg11[%swap3A_133, %swap3A_134] {strides = array<i32>} : memref<64x128xf32, #tpu.memory_space<vmem>>, vector<1x16xf32>,
      %swap3A_136 = vector.shape_cast %swap3A_135 : vector<1x16xf32> to vector<16xf32>
      %swap3A_137 = vector.shape_cast %broadcast_in_dim3A_1 : vector<16xf32> to vector<1x16xf32>
      tpu.vector_store %arg11[%swap3A_133, %swap3A_134], %swap3A_137 {strides = array<i32>} : memref<64x128xf32, #tpu.memory_space<vmem>>, vector<1x16xf32>,
      %swap3A_138 = arith.index_cast %scan3A_122 : i32 to index
      %swap3A_139 = arith.constant 48 : index
      %swap3A_140 = tpu.vector_load %arg11[%swap3A_138, %swap3A_139] {strides = array<i32>} : memref<64x128xf32, #tpu.memory_space<vmem>>, vector<1x16xf32>,
      %swap3A_141 = vector.shape_cast %swap3A_140 : vector<1x16xf32> to vector<16xf32>
      %swap3A_142 = vector.shape_cast %broadcast_in_dim3A_1 : vector<16xf32> to vector<1x16xf32>
      tpu.vector_store %arg11[%swap3A_138, %swap3A_139], %swap3A_142 {strides = array<i32>} : memref<64x128xf32, #tpu.memory_space<vmem>>, vector<1x16xf32>,
      %swap3A_143 = arith.index_cast %scan3A_122 : i32 to index
      %swap3A_144 = arith.constant 64 : index
      %swap3A_145 = tpu.vector_load %arg11[%swap3A_143, %swap3A_144] {strides = array<i32>} : memref<64x128xf32, #tpu.memory_space<vmem>>, vector<1x16xf32>,
      %swap3A_146 = vector.shape_cast %swap3A_145 : vector<1x16xf32> to vector<16xf32>
      %swap3A_147 = vector.shape_cast %broadcast_in_dim3A_1 : vector<16xf32> to vector<1x16xf32>
      tpu.vector_store %arg11[%swap3A_143, %swap3A_144], %swap3A_147 {strides = array<i32>} : memref<64x128xf32, #tpu.memory_space<vmem>>, vector<1x16xf32>,
      %swap3A_148 = arith.index_cast %scan3A_122 : i32 to index
      %swap3A_149 = arith.constant 80 : index
      %swap3A_150 = tpu.vector_load %arg11[%swap3A_148, %swap3A_149] {strides = array<i32>} : memref<64x128xf32, #tpu.memory_space<vmem>>, vector<1x16xf32>,
      %swap3A_151 = vector.shape_cast %swap3A_150 : vector<1x16xf32> to vector<16xf32>
      %swap3A_152 = vector.shape_cast %broadcast_in_dim3A_1 : vector<16xf32> to vector<1x16xf32>
      tpu.vector_store %arg11[%swap3A_148, %swap3A_149], %swap3A_152 {strides = array<i32>} : memref<64x128xf32, #tpu.memory_space<vmem>>, vector<1x16xf32>,
      %swap3A_153 = arith.index_cast %scan3A_122 : i32 to index
      %swap3A_154 = arith.constant 96 : index
      %swap3A_155 = tpu.vector_load %arg11[%swap3A_153, %swap3A_154] {strides = array<i32>} : memref<64x128xf32, #tpu.memory_space<vmem>>, vector<1x16xf32>,
      %swap3A_156 = vector.shape_cast %swap3A_155 : vector<1x16xf32> to vector<16xf32>
      %swap3A_157 = vector.shape_cast %broadcast_in_dim3A_1 : vector<16xf32> to vector<1x16xf32>
      tpu.vector_store %arg11[%swap3A_153, %swap3A_154], %swap3A_157 {strides = array<i32>} : memref<64x128xf32, #tpu.memory_space<vmem>>, vector<1x16xf32>,
      %swap3A_158 = arith.index_cast %scan3A_122 : i32 to index
      %swap3A_159 = arith.constant 112 : index
      %swap3A_160 = tpu.vector_load %arg11[%swap3A_158, %swap3A_159] {strides = array<i32>} : memref<64x128xf32, #tpu.memory_space<vmem>>, vector<1x16xf32>,
      %swap3A_161 = vector.shape_cast %swap3A_160 : vector<1x16xf32> to vector<16xf32>
      %swap3A_162 = vector.shape_cast %broadcast_in_dim3A_1 : vector<16xf32> to vector<1x16xf32>
      tpu.vector_store %arg11[%swap3A_158, %swap3A_159], %swap3A_162 {strides = array<i32>} : memref<64x128xf32, #tpu.memory_space<vmem>>, vector<1x16xf32>,
      %swap3A_163 = arith.index_cast %scan3A_122 : i32 to index
      %swap3A_164 = arith.constant 0 : index
      %swap3A_165 = tpu.vector_load %arg21[%swap3A_163, %swap3A_164] {strides = array<i32>} : memref<64x16xf32, #tpu.memory_space<vmem>>, vector<1x16xf32>,
      %swap3A_166 = vector.shape_cast %swap3A_165 : vector<1x16xf32> to vector<16xf32>
      %swap3A_167 = vector.shape_cast %broadcast_in_dim3A_1 : vector<16xf32> to vector<1x16xf32>
      tpu.vector_store %arg21[%swap3A_163, %swap3A_164], %swap3A_167 {strides = array<i32>} : memref<64x16xf32, #tpu.memory_space<vmem>>, vector<1x16xf32>,
      %scan3A_168 = arith.constant 0 : i32
      scf.yield %scan3A_168 : i32
    }
    %scan3A_7 = arith.constant 64 : i32
    %mul3A_8 = arith.constant 632 : i32
    %mul3A_9 = arith.muli %arg1, %mul3A_8 : i32
    %add3A_10 = arith.constant 0 : i32
    %add3A_11 = arith.addi %mul3A_9, %add3A_10 : i32
    "tpu.region"() ({
      %run_scoped3A = tpu.sem_alloc : memref<!tpu.dma_semaphore, #tpu.memory_space<semaphore_mem>>
      %dma_start3A_122 = arith.constant 0 : i32
      %dma_start3A_123 = arith.constant 0 : i32
      %dma_start3A_124 = tpu.memref_slice %arg11[%dma_start3A_122, %dma_start3A_123] : memref<64x128xf32, #tpu.memory_space<vmem>> -> memref<64x128xf32, #tpu.memory_space<vmem>>
      %dma_start3A_125 = arith.constant 0 : i32
      %dma_start3A_126 = tpu.memref_slice %arg9[%add3A_11, %dma_start3A_125] : memref<10112x128xf32, #tpu.memory_space<vmem_shared>> -> memref<64x128xf32, #tpu.memory_space<vmem_shared>>
      %dma_start3A_127 = arith.constant 0 : i32
      %dma_start3A_128 = tpu.memref_slice %arg9[%add3A_11, %dma_start3A_127] : memref<10112x128xf32, #tpu.memory_space<vmem_shared>> -> memref<64x128xf32, #tpu.memory_space<vmem_shared>>
      %dma_start3A_129 = arith.constant 0 : i32
      %dma_start3A_130 = arith.constant 0 : i32
      %dma_start3A_131 = tpu.memref_slice %arg11[%dma_start3A_129, %dma_start3A_130] : memref<64x128xf32, #tpu.memory_space<vmem>> -> memref<64x128xf32, #tpu.memory_space<vmem>>
      tpu.enqueue_dma source(%dma_start3A_131 : memref<64x128xf32, #tpu.memory_space<vmem>>) target(%dma_start3A_128 : memref<64x128xf32, #tpu.memory_space<vmem_shared>>) target_semaphore(%run_scoped3A : memref<!tpu.dma_semaphore, #tpu.memory_space<semaphore_mem>>)
      %dma_wait3A = arith.constant 0 : i32
      %dma_wait3A_132 = arith.constant 0 : i32
      %dma_wait3A_133 = tpu.memref_slice %arg11[%dma_wait3A, %dma_wait3A_132] : memref<64x128xf32, #tpu.memory_space<vmem>> -> memref<64x128xf32, #tpu.memory_space<vmem>>
      %dma_wait3A_134 = arith.constant 0 : i32
      %dma_wait3A_135 = tpu.memref_slice %arg9[%add3A_11, %dma_wait3A_134] : memref<10112x128xf32, #tpu.memory_space<vmem_shared>> -> memref<64x128xf32, #tpu.memory_space<vmem_shared>>
      %dma_wait3A_136 = arith.constant 0 : i32
      %dma_wait3A_137 = tpu.memref_slice %arg9[%add3A_11, %dma_wait3A_136] : memref<10112x128xf32, #tpu.memory_space<vmem_shared>> -> memref<64x128xf32, #tpu.memory_space<vmem_shared>>
      %dma_wait3A_138 = arith.constant 0 : i32
      %dma_wait3A_139 = arith.constant 0 : i32
      %dma_wait3A_140 = tpu.memref_slice %arg11[%dma_wait3A_138, %dma_wait3A_139] : memref<64x128xf32, #tpu.memory_space<vmem>> -> memref<64x128xf32, #tpu.memory_space<vmem>>
      tpu.wait_dma2 semaphore(%run_scoped3A : memref<!tpu.dma_semaphore, #tpu.memory_space<semaphore_mem>>) src(%dma_wait3A_140 : memref<64x128xf32, #tpu.memory_space<vmem>>) dst(%dma_wait3A_137 : memref<64x128xf32, #tpu.memory_space<vmem_shared>>)
      tpu.yield
    }) : () -> ()
    %add3A_12 = arith.constant 0 : i32
    %add3A_13 = arith.addi %mul3A_9, %add3A_12 : i32
    "tpu.region"() ({
      %run_scoped3A = tpu.sem_alloc : memref<!tpu.dma_semaphore, #tpu.memory_space<semaphore_mem>>
      %dma_start3A_122 = arith.constant 0 : i32
      %dma_start3A_123 = arith.constant 0 : i32
      %dma_start3A_124 = tpu.memref_slice %arg21[%dma_start3A_122, %dma_start3A_123] : memref<64x16xf32, #tpu.memory_space<vmem>> -> memref<64x16xf32, #tpu.memory_space<vmem>>
      %dma_start3A_125 = arith.constant 0 : i32
      %dma_start3A_126 = tpu.memref_slice %arg10[%add3A_13, %dma_start3A_125] : memref<10112x16xf32, #tpu.memory_space<vmem_shared>> -> memref<64x16xf32, #tpu.memory_space<vmem_shared>>
      %dma_start3A_127 = arith.constant 0 : i32
      %dma_start3A_128 = tpu.memref_slice %arg10[%add3A_13, %dma_start3A_127] : memref<10112x16xf32, #tpu.memory_space<vmem_shared>> -> memref<64x16xf32, #tpu.memory_space<vmem_shared>>
      %dma_start3A_129 = arith.constant 0 : i32
      %dma_start3A_130 = arith.constant 0 : i32
      %dma_start3A_131 = tpu.memref_slice %arg21[%dma_start3A_129, %dma_start3A_130] : memref<64x16xf32, #tpu.memory_space<vmem>> -> memref<64x16xf32, #tpu.memory_space<vmem>>
      tpu.enqueue_dma source(%dma_start3A_131 : memref<64x16xf32, #tpu.memory_space<vmem>>) target(%dma_start3A_128 : memref<64x16xf32, #tpu.memory_space<vmem_shared>>) target_semaphore(%run_scoped3A : memref<!tpu.dma_semaphore, #tpu.memory_space<semaphore_mem>>)
      %dma_wait3A = arith.constant 0 : i32
      %dma_wait3A_132 = arith.constant 0 : i32
      %dma_wait3A_133 = tpu.memref_slice %arg21[%dma_wait3A, %dma_wait3A_132] : memref<64x16xf32, #tpu.memory_space<vmem>> -> memref<64x16xf32, #tpu.memory_space<vmem>>
      %dma_wait3A_134 = arith.constant 0 : i32
      %dma_wait3A_135 = tpu.memref_slice %arg10[%add3A_13, %dma_wait3A_134] : memref<10112x16xf32, #tpu.memory_space<vmem_shared>> -> memref<64x16xf32, #tpu.memory_space<vmem_shared>>
      %dma_wait3A_136 = arith.constant 0 : i32
      %dma_wait3A_137 = tpu.memref_slice %arg10[%add3A_13, %dma_wait3A_136] : memref<10112x16xf32, #tpu.memory_space<vmem_shared>> -> memref<64x16xf32, #tpu.memory_space<vmem_shared>>
      %dma_wait3A_138 = arith.constant 0 : i32
      %dma_wait3A_139 = arith.constant 0 : i32
      %dma_wait3A_140 = tpu.memref_slice %arg21[%dma_wait3A_138, %dma_wait3A_139] : memref<64x16xf32, #tpu.memory_space<vmem>> -> memref<64x16xf32, #tpu.memory_space<vmem>>
      tpu.wait_dma2 semaphore(%run_scoped3A : memref<!tpu.dma_semaphore, #tpu.memory_space<semaphore_mem>>) src(%dma_wait3A_140 : memref<64x16xf32, #tpu.memory_space<vmem>>) dst(%dma_wait3A_137 : memref<64x16xf32, #tpu.memory_space<vmem_shared>>)
      tpu.yield
    }) : () -> ()
    %add3A_14 = arith.constant 64 : i32
    %add3A_15 = arith.addi %mul3A_9, %add3A_14 : i32
    "tpu.region"() ({
      %run_scoped3A = tpu.sem_alloc : memref<!tpu.dma_semaphore, #tpu.memory_space<semaphore_mem>>
      %dma_start3A_122 = arith.constant 0 : i32
      %dma_start3A_123 = arith.constant 0 : i32
      %dma_start3A_124 = tpu.memref_slice %arg11[%dma_start3A_122, %dma_start3A_123] : memref<64x128xf32, #tpu.memory_space<vmem>> -> memref<64x128xf32, #tpu.memory_space<vmem>>
      %dma_start3A_125 = arith.constant 0 : i32
      %dma_start3A_126 = tpu.memref_slice %arg9[%add3A_15, %dma_start3A_125] : memref<10112x128xf32, #tpu.memory_space<vmem_shared>> -> memref<64x128xf32, #tpu.memory_space<vmem_shared>>
      %dma_start3A_127 = arith.constant 0 : i32
      %dma_start3A_128 = tpu.memref_slice %arg9[%add3A_15, %dma_start3A_127] : memref<10112x128xf32, #tpu.memory_space<vmem_shared>> -> memref<64x128xf32, #tpu.memory_space<vmem_shared>>
      %dma_start3A_129 = arith.constant 0 : i32
      %dma_start3A_130 = arith.constant 0 : i32
      %dma_start3A_131 = tpu.memref_slice %arg11[%dma_start3A_129, %dma_start3A_130] : memref<64x128xf32, #tpu.memory_space<vmem>> -> memref<64x128xf32, #tpu.memory_space<vmem>>
      tpu.enqueue_dma source(%dma_start3A_131 : memref<64x128xf32, #tpu.memory_space<vmem>>) target(%dma_start3A_128 : memref<64x128xf32, #tpu.memory_space<vmem_shared>>) target_semaphore(%run_scoped3A : memref<!tpu.dma_semaphore, #tpu.memory_space<semaphore_mem>>)
      %dma_wait3A = arith.constant 0 : i32
      %dma_wait3A_132 = arith.constant 0 : i32
      %dma_wait3A_133 = tpu.memref_slice %arg11[%dma_wait3A, %dma_wait3A_132] : memref<64x128xf32, #tpu.memory_space<vmem>> -> memref<64x128xf32, #tpu.memory_space<vmem>>
      %dma_wait3A_134 = arith.constant 0 : i32
      %dma_wait3A_135 = tpu.memref_slice %arg9[%add3A_15, %dma_wait3A_134] : memref<10112x128xf32, #tpu.memory_space<vmem_shared>> -> memref<64x128xf32, #tpu.memory_space<vmem_shared>>
      %dma_wait3A_136 = arith.constant 0 : i32
      %dma_wait3A_137 = tpu.memref_slice %arg9[%add3A_15, %dma_wait3A_136] : memref<10112x128xf32, #tpu.memory_space<vmem_shared>> -> memref<64x128xf32, #tpu.memory_space<vmem_shared>>
      %dma_wait3A_138 = arith.constant 0 : i32
      %dma_wait3A_139 = arith.constant 0 : i32
      %dma_wait3A_140 = tpu.memref_slice %arg11[%dma_wait3A_138, %dma_wait3A_139] : memref<64x128xf32, #tpu.memory_space<vmem>> -> memref<64x128xf32, #tpu.memory_space<vmem>>
      tpu.wait_dma2 semaphore(%run_scoped3A : memref<!tpu.dma_semaphore, #tpu.memory_space<semaphore_mem>>) src(%dma_wait3A_140 : memref<64x128xf32, #tpu.memory_space<vmem>>) dst(%dma_wait3A_137 : memref<64x128xf32, #tpu.memory_space<vmem_shared>>)
      tpu.yield
    }) : () -> ()
    %add3A_16 = arith.constant 64 : i32
    %add3A_17 = arith.addi %mul3A_9, %add3A_16 : i32
    "tpu.region"() ({
      %run_scoped3A = tpu.sem_alloc : memref<!tpu.dma_semaphore, #tpu.memory_space<semaphore_mem>>
      %dma_start3A_122 = arith.constant 0 : i32
      %dma_start3A_123 = arith.constant 0 : i32
      %dma_start3A_124 = tpu.memref_slice %arg21[%dma_start3A_122, %dma_start3A_123] : memref<64x16xf32, #tpu.memory_space<vmem>> -> memref<64x16xf32, #tpu.memory_space<vmem>>
      %dma_start3A_125 = arith.constant 0 : i32
      %dma_start3A_126 = tpu.memref_slice %arg10[%add3A_17, %dma_start3A_125] : memref<10112x16xf32, #tpu.memory_space<vmem_shared>> -> memref<64x16xf32, #tpu.memory_space<vmem_shared>>
      %dma_start3A_127 = arith.constant 0 : i32
      %dma_start3A_128 = tpu.memref_slice %arg10[%add3A_17, %dma_start3A_127] : memref<10112x16xf32, #tpu.memory_space<vmem_shared>> -> memref<64x16xf32, #tpu.memory_space<vmem_shared>>
      %dma_start3A_129 = arith.constant 0 : i32
      %dma_start3A_130 = arith.constant 0 : i32
      %dma_start3A_131 = tpu.memref_slice %arg21[%dma_start3A_129, %dma_start3A_130] : memref<64x16xf32, #tpu.memory_space<vmem>> -> memref<64x16xf32, #tpu.memory_space<vmem>>
      tpu.enqueue_dma source(%dma_start3A_131 : memref<64x16xf32, #tpu.memory_space<vmem>>) target(%dma_start3A_128 : memref<64x16xf32, #tpu.memory_space<vmem_shared>>) target_semaphore(%run_scoped3A : memref<!tpu.dma_semaphore, #tpu.memory_space<semaphore_mem>>)
      %dma_wait3A = arith.constant 0 : i32
      %dma_wait3A_132 = arith.constant 0 : i32
      %dma_wait3A_133 = tpu.memref_slice %arg21[%dma_wait3A, %dma_wait3A_132] : memref<64x16xf32, #tpu.memory_space<vmem>> -> memref<64x16xf32, #tpu.memory_space<vmem>>
      %dma_wait3A_134 = arith.constant 0 : i32
      %dma_wait3A_135 = tpu.memref_slice %arg10[%add3A_17, %dma_wait3A_134] : memref<10112x16xf32, #tpu.memory_space<vmem_shared>> -> memref<64x16xf32, #tpu.memory_space<vmem_shared>>
      %dma_wait3A_136 = arith.constant 0 : i32
      %dma_wait3A_137 = tpu.memref_slice %arg10[%add3A_17, %dma_wait3A_136] : memref<10112x16xf32, #tpu.memory_space<vmem_shared>> -> memref<64x16xf32, #tpu.memory_space<vmem_shared>>
      %dma_wait3A_138 = arith.constant 0 : i32
      %dma_wait3A_139 = arith.constant 0 : i32
      %dma_wait3A_140 = tpu.memref_slice %arg21[%dma_wait3A_138, %dma_wait3A_139] : memref<64x16xf32, #tpu.memory_space<vmem>> -> memref<64x16xf32, #tpu.memory_space<vmem>>
      tpu.wait_dma2 semaphore(%run_scoped3A : memref<!tpu.dma_semaphore, #tpu.memory_space<semaphore_mem>>) src(%dma_wait3A_140 : memref<64x16xf32, #tpu.memory_space<vmem>>) dst(%dma_wait3A_137 : memref<64x16xf32, #tpu.memory_space<vmem_shared>>)
      tpu.yield
    }) : () -> ()
    %add3A_18 = arith.constant 128 : i32
    %add3A_19 = arith.addi %mul3A_9, %add3A_18 : i32
    "tpu.region"() ({
      %run_scoped3A = tpu.sem_alloc : memref<!tpu.dma_semaphore, #tpu.memory_space<semaphore_mem>>
      %dma_start3A_122 = arith.constant 0 : i32
      %dma_start3A_123 = arith.constant 0 : i32
      %dma_start3A_124 = tpu.memref_slice %arg11[%dma_start3A_122, %dma_start3A_123] : memref<64x128xf32, #tpu.memory_space<vmem>> -> memref<64x128xf32, #tpu.memory_space<vmem>>
      %dma_start3A_125 = arith.constant 0 : i32
      %dma_start3A_126 = tpu.memref_slice %arg9[%add3A_19, %dma_start3A_125] : memref<10112x128xf32, #tpu.memory_space<vmem_shared>> -> memref<64x128xf32, #tpu.memory_space<vmem_shared>>
      %dma_start3A_127 = arith.constant 0 : i32
      %dma_start3A_128 = tpu.memref_slice %arg9[%add3A_19, %dma_start3A_127] : memref<10112x128xf32, #tpu.memory_space<vmem_shared>> -> memref<64x128xf32, #tpu.memory_space<vmem_shared>>
      %dma_start3A_129 = arith.constant 0 : i32
      %dma_start3A_130 = arith.constant 0 : i32
      %dma_start3A_131 = tpu.memref_slice %arg11[%dma_start3A_129, %dma_start3A_130] : memref<64x128xf32, #tpu.memory_space<vmem>> -> memref<64x128xf32, #tpu.memory_space<vmem>>
      tpu.enqueue_dma source(%dma_start3A_131 : memref<64x128xf32, #tpu.memory_space<vmem>>) target(%dma_start3A_128 : memref<64x128xf32, #tpu.memory_space<vmem_shared>>) target_semaphore(%run_scoped3A : memref<!tpu.dma_semaphore, #tpu.memory_space<semaphore_mem>>)
      %dma_wait3A = arith.constant 0 : i32
      %dma_wait3A_132 = arith.constant 0 : i32
      %dma_wait3A_133 = tpu.memref_slice %arg11[%dma_wait3A, %dma_wait3A_132] : memref<64x128xf32, #tpu.memory_space<vmem>> -> memref<64x128xf32, #tpu.memory_space<vmem>>
      %dma_wait3A_134 = arith.constant 0 : i32
      %dma_wait3A_135 = tpu.memref_slice %arg9[%add3A_19, %dma_wait3A_134] : memref<10112x128xf32, #tpu.memory_space<vmem_shared>> -> memref<64x128xf32, #tpu.memory_space<vmem_shared>>
      %dma_wait3A_136 = arith.constant 0 : i32
      %dma_wait3A_137 = tpu.memref_slice %arg9[%add3A_19, %dma_wait3A_136] : memref<10112x128xf32, #tpu.memory_space<vmem_shared>> -> memref<64x128xf32, #tpu.memory_space<vmem_shared>>
      %dma_wait3A_138 = arith.constant 0 : i32
      %dma_wait3A_139 = arith.constant 0 : i32
      %dma_wait3A_140 = tpu.memref_slice %arg11[%dma_wait3A_138, %dma_wait3A_139] : memref<64x128xf32, #tpu.memory_space<vmem>> -> memref<64x128xf32, #tpu.memory_space<vmem>>
      tpu.wait_dma2 semaphore(%run_scoped3A : memref<!tpu.dma_semaphore, #tpu.memory_space<semaphore_mem>>) src(%dma_wait3A_140 : memref<64x128xf32, #tpu.memory_space<vmem>>) dst(%dma_wait3A_137 : memref<64x128xf32, #tpu.memory_space<vmem_shared>>)
      tpu.yield
    }) : () -> ()
    %add3A_20 = arith.constant 128 : i32
    %add3A_21 = arith.addi %mul3A_9, %add3A_20 : i32
    "tpu.region"() ({
      %run_scoped3A = tpu.sem_alloc : memref<!tpu.dma_semaphore, #tpu.memory_space<semaphore_mem>>
      %dma_start3A_122 = arith.constant 0 : i32
      %dma_start3A_123 = arith.constant 0 : i32
      %dma_start3A_124 = tpu.memref_slice %arg21[%dma_start3A_122, %dma_start3A_123] : memref<64x16xf32, #tpu.memory_space<vmem>> -> memref<64x16xf32, #tpu.memory_space<vmem>>
      %dma_start3A_125 = arith.constant 0 : i32
      %dma_start3A_126 = tpu.memref_slice %arg10[%add3A_21, %dma_start3A_125] : memref<10112x16xf32, #tpu.memory_space<vmem_shared>> -> memref<64x16xf32, #tpu.memory_space<vmem_shared>>
      %dma_start3A_127 = arith.constant 0 : i32
      %dma_start3A_128 = tpu.memref_slice %arg10[%add3A_21, %dma_start3A_127] : memref<10112x16xf32, #tpu.memory_space<vmem_shared>> -> memref<64x16xf32, #tpu.memory_space<vmem_shared>>
      %dma_start3A_129 = arith.constant 0 : i32
      %dma_start3A_130 = arith.constant 0 : i32
      %dma_start3A_131 = tpu.memref_slice %arg21[%dma_start3A_129, %dma_start3A_130] : memref<64x16xf32, #tpu.memory_space<vmem>> -> memref<64x16xf32, #tpu.memory_space<vmem>>
      tpu.enqueue_dma source(%dma_start3A_131 : memref<64x16xf32, #tpu.memory_space<vmem>>) target(%dma_start3A_128 : memref<64x16xf32, #tpu.memory_space<vmem_shared>>) target_semaphore(%run_scoped3A : memref<!tpu.dma_semaphore, #tpu.memory_space<semaphore_mem>>)
      %dma_wait3A = arith.constant 0 : i32
      %dma_wait3A_132 = arith.constant 0 : i32
      %dma_wait3A_133 = tpu.memref_slice %arg21[%dma_wait3A, %dma_wait3A_132] : memref<64x16xf32, #tpu.memory_space<vmem>> -> memref<64x16xf32, #tpu.memory_space<vmem>>
      %dma_wait3A_134 = arith.constant 0 : i32
      %dma_wait3A_135 = tpu.memref_slice %arg10[%add3A_21, %dma_wait3A_134] : memref<10112x16xf32, #tpu.memory_space<vmem_shared>> -> memref<64x16xf32, #tpu.memory_space<vmem_shared>>
      %dma_wait3A_136 = arith.constant 0 : i32
      %dma_wait3A_137 = tpu.memref_slice %arg10[%add3A_21, %dma_wait3A_136] : memref<10112x16xf32, #tpu.memory_space<vmem_shared>> -> memref<64x16xf32, #tpu.memory_space<vmem_shared>>
      %dma_wait3A_138 = arith.constant 0 : i32
      %dma_wait3A_139 = arith.constant 0 : i32
      %dma_wait3A_140 = tpu.memref_slice %arg21[%dma_wait3A_138, %dma_wait3A_139] : memref<64x16xf32, #tpu.memory_space<vmem>> -> memref<64x16xf32, #tpu.memory_space<vmem>>
      tpu.wait_dma2 semaphore(%run_scoped3A : memref<!tpu.dma_semaphore, #tpu.memory_space<semaphore_mem>>) src(%dma_wait3A_140 : memref<64x16xf32, #tpu.memory_space<vmem>>) dst(%dma_wait3A_137 : memref<64x16xf32, #tpu.memory_space<vmem_shared>>)
      tpu.yield
    }) : () -> ()
    %add3A_22 = arith.constant 192 : i32
    %add3A_23 = arith.addi %mul3A_9, %add3A_22 : i32
    "tpu.region"() ({
      %run_scoped3A = tpu.sem_alloc : memref<!tpu.dma_semaphore, #tpu.memory_space<semaphore_mem>>
      %dma_start3A_122 = arith.constant 0 : i32
      %dma_start3A_123 = arith.constant 0 : i32
      %dma_start3A_124 = tpu.memref_slice %arg11[%dma_start3A_122, %dma_start3A_123] : memref<64x128xf32, #tpu.memory_space<vmem>> -> memref<64x128xf32, #tpu.memory_space<vmem>>
      %dma_start3A_125 = arith.constant 0 : i32
      %dma_start3A_126 = tpu.memref_slice %arg9[%add3A_23, %dma_start3A_125] : memref<10112x128xf32, #tpu.memory_space<vmem_shared>> -> memref<64x128xf32, #tpu.memory_space<vmem_shared>>
      %dma_start3A_127 = arith.constant 0 : i32
      %dma_start3A_128 = tpu.memref_slice %arg9[%add3A_23, %dma_start3A_127] : memref<10112x128xf32, #tpu.memory_space<vmem_shared>> -> memref<64x128xf32, #tpu.memory_space<vmem_shared>>
      %dma_start3A_129 = arith.constant 0 : i32
      %dma_start3A_130 = arith.constant 0 : i32
      %dma_start3A_131 = tpu.memref_slice %arg11[%dma_start3A_129, %dma_start3A_130] : memref<64x128xf32, #tpu.memory_space<vmem>> -> memref<64x128xf32, #tpu.memory_space<vmem>>
      tpu.enqueue_dma source(%dma_start3A_131 : memref<64x128xf32, #tpu.memory_space<vmem>>) target(%dma_start3A_128 : memref<64x128xf32, #tpu.memory_space<vmem_shared>>) target_semaphore(%run_scoped3A : memref<!tpu.dma_semaphore, #tpu.memory_space<semaphore_mem>>)
      %dma_wait3A = arith.constant 0 : i32
      %dma_wait3A_132 = arith.constant 0 : i32
      %dma_wait3A_133 = tpu.memref_slice %arg11[%dma_wait3A, %dma_wait3A_132] : memref<64x128xf32, #tpu.memory_space<vmem>> -> memref<64x128xf32, #tpu.memory_space<vmem>>
      %dma_wait3A_134 = arith.constant 0 : i32
      %dma_wait3A_135 = tpu.memref_slice %arg9[%add3A_23, %dma_wait3A_134] : memref<10112x128xf32, #tpu.memory_space<vmem_shared>> -> memref<64x128xf32, #tpu.memory_space<vmem_shared>>
      %dma_wait3A_136 = arith.constant 0 : i32
      %dma_wait3A_137 = tpu.memref_slice %arg9[%add3A_23, %dma_wait3A_136] : memref<10112x128xf32, #tpu.memory_space<vmem_shared>> -> memref<64x128xf32, #tpu.memory_space<vmem_shared>>
      %dma_wait3A_138 = arith.constant 0 : i32
      %dma_wait3A_139 = arith.constant 0 : i32
      %dma_wait3A_140 = tpu.memref_slice %arg11[%dma_wait3A_138, %dma_wait3A_139] : memref<64x128xf32, #tpu.memory_space<vmem>> -> memref<64x128xf32, #tpu.memory_space<vmem>>
      tpu.wait_dma2 semaphore(%run_scoped3A : memref<!tpu.dma_semaphore, #tpu.memory_space<semaphore_mem>>) src(%dma_wait3A_140 : memref<64x128xf32, #tpu.memory_space<vmem>>) dst(%dma_wait3A_137 : memref<64x128xf32, #tpu.memory_space<vmem_shared>>)
      tpu.yield
    }) : () -> ()
    %add3A_24 = arith.constant 192 : i32
    %add3A_25 = arith.addi %mul3A_9, %add3A_24 : i32
    "tpu.region"() ({
      %run_scoped3A = tpu.sem_alloc : memref<!tpu.dma_semaphore, #tpu.memory_space<semaphore_mem>>
      %dma_start3A_122 = arith.constant 0 : i32
      %dma_start3A_123 = arith.constant 0 : i32
      %dma_start3A_124 = tpu.memref_slice %arg21[%dma_start3A_122, %dma_start3A_123] : memref<64x16xf32, #tpu.memory_space<vmem>> -> memref<64x16xf32, #tpu.memory_space<vmem>>
      %dma_start3A_125 = arith.constant 0 : i32
      %dma_start3A_126 = tpu.memref_slice %arg10[%add3A_25, %dma_start3A_125] : memref<10112x16xf32, #tpu.memory_space<vmem_shared>> -> memref<64x16xf32, #tpu.memory_space<vmem_shared>>
      %dma_start3A_127 = arith.constant 0 : i32
      %dma_start3A_128 = tpu.memref_slice %arg10[%add3A_25, %dma_start3A_127] : memref<10112x16xf32, #tpu.memory_space<vmem_shared>> -> memref<64x16xf32, #tpu.memory_space<vmem_shared>>
      %dma_start3A_129 = arith.constant 0 : i32
      %dma_start3A_130 = arith.constant 0 : i32
      %dma_start3A_131 = tpu.memref_slice %arg21[%dma_start3A_129, %dma_start3A_130] : memref<64x16xf32, #tpu.memory_space<vmem>> -> memref<64x16xf32, #tpu.memory_space<vmem>>
      tpu.enqueue_dma source(%dma_start3A_131 : memref<64x16xf32, #tpu.memory_space<vmem>>) target(%dma_start3A_128 : memref<64x16xf32, #tpu.memory_space<vmem_shared>>) target_semaphore(%run_scoped3A : memref<!tpu.dma_semaphore, #tpu.memory_space<semaphore_mem>>)
      %dma_wait3A = arith.constant 0 : i32
      %dma_wait3A_132 = arith.constant 0 : i32
      %dma_wait3A_133 = tpu.memref_slice %arg21[%dma_wait3A, %dma_wait3A_132] : memref<64x16xf32, #tpu.memory_space<vmem>> -> memref<64x16xf32, #tpu.memory_space<vmem>>
      %dma_wait3A_134 = arith.constant 0 : i32
      %dma_wait3A_135 = tpu.memref_slice %arg10[%add3A_25, %dma_wait3A_134] : memref<10112x16xf32, #tpu.memory_space<vmem_shared>> -> memref<64x16xf32, #tpu.memory_space<vmem_shared>>
      %dma_wait3A_136 = arith.constant 0 : i32
      %dma_wait3A_137 = tpu.memref_slice %arg10[%add3A_25, %dma_wait3A_136] : memref<10112x16xf32, #tpu.memory_space<vmem_shared>> -> memref<64x16xf32, #tpu.memory_space<vmem_shared>>
      %dma_wait3A_138 = arith.constant 0 : i32
      %dma_wait3A_139 = arith.constant 0 : i32
      %dma_wait3A_140 = tpu.memref_slice %arg21[%dma_wait3A_138, %dma_wait3A_139] : memref<64x16xf32, #tpu.memory_space<vmem>> -> memref<64x16xf32, #tpu.memory_space<vmem>>
      tpu.wait_dma2 semaphore(%run_scoped3A : memref<!tpu.dma_semaphore, #tpu.memory_space<semaphore_mem>>) src(%dma_wait3A_140 : memref<64x16xf32, #tpu.memory_space<vmem>>) dst(%dma_wait3A_137 : memref<64x16xf32, #tpu.memory_space<vmem_shared>>)
      tpu.yield
    }) : () -> ()
    %add3A_26 = arith.constant 256 : i32
    %add3A_27 = arith.addi %mul3A_9, %add3A_26 : i32
    "tpu.region"() ({
      %run_scoped3A = tpu.sem_alloc : memref<!tpu.dma_semaphore, #tpu.memory_space<semaphore_mem>>
      %dma_start3A_122 = arith.constant 0 : i32
      %dma_start3A_123 = arith.constant 0 : i32
      %dma_start3A_124 = tpu.memref_slice %arg11[%dma_start3A_122, %dma_start3A_123] : memref<64x128xf32, #tpu.memory_space<vmem>> -> memref<64x128xf32, #tpu.memory_space<vmem>>
      %dma_start3A_125 = arith.constant 0 : i32
      %dma_start3A_126 = tpu.memref_slice %arg9[%add3A_27, %dma_start3A_125] : memref<10112x128xf32, #tpu.memory_space<vmem_shared>> -> memref<64x128xf32, #tpu.memory_space<vmem_shared>>
      %dma_start3A_127 = arith.constant 0 : i32
      %dma_start3A_128 = tpu.memref_slice %arg9[%add3A_27, %dma_start3A_127] : memref<10112x128xf32, #tpu.memory_space<vmem_shared>> -> memref<64x128xf32, #tpu.memory_space<vmem_shared>>
      %dma_start3A_129 = arith.constant 0 : i32
      %dma_start3A_130 = arith.constant 0 : i32
      %dma_start3A_131 = tpu.memref_slice %arg11[%dma_start3A_129, %dma_start3A_130] : memref<64x128xf32, #tpu.memory_space<vmem>> -> memref<64x128xf32, #tpu.memory_space<vmem>>
      tpu.enqueue_dma source(%dma_start3A_131 : memref<64x128xf32, #tpu.memory_space<vmem>>) target(%dma_start3A_128 : memref<64x128xf32, #tpu.memory_space<vmem_shared>>) target_semaphore(%run_scoped3A : memref<!tpu.dma_semaphore, #tpu.memory_space<semaphore_mem>>)
      %dma_wait3A = arith.constant 0 : i32
      %dma_wait3A_132 = arith.constant 0 : i32
      %dma_wait3A_133 = tpu.memref_slice %arg11[%dma_wait3A, %dma_wait3A_132] : memref<64x128xf32, #tpu.memory_space<vmem>> -> memref<64x128xf32, #tpu.memory_space<vmem>>
      %dma_wait3A_134 = arith.constant 0 : i32
      %dma_wait3A_135 = tpu.memref_slice %arg9[%add3A_27, %dma_wait3A_134] : memref<10112x128xf32, #tpu.memory_space<vmem_shared>> -> memref<64x128xf32, #tpu.memory_space<vmem_shared>>
      %dma_wait3A_136 = arith.constant 0 : i32
      %dma_wait3A_137 = tpu.memref_slice %arg9[%add3A_27, %dma_wait3A_136] : memref<10112x128xf32, #tpu.memory_space<vmem_shared>> -> memref<64x128xf32, #tpu.memory_space<vmem_shared>>
      %dma_wait3A_138 = arith.constant 0 : i32
      %dma_wait3A_139 = arith.constant 0 : i32
      %dma_wait3A_140 = tpu.memref_slice %arg11[%dma_wait3A_138, %dma_wait3A_139] : memref<64x128xf32, #tpu.memory_space<vmem>> -> memref<64x128xf32, #tpu.memory_space<vmem>>
      tpu.wait_dma2 semaphore(%run_scoped3A : memref<!tpu.dma_semaphore, #tpu.memory_space<semaphore_mem>>) src(%dma_wait3A_140 : memref<64x128xf32, #tpu.memory_space<vmem>>) dst(%dma_wait3A_137 : memref<64x128xf32, #tpu.memory_space<vmem_shared>>)
      tpu.yield
    }) : () -> ()
    %add3A_28 = arith.constant 256 : i32
    %add3A_29 = arith.addi %mul3A_9, %add3A_28 : i32
    "tpu.region"() ({
      %run_scoped3A = tpu.sem_alloc : memref<!tpu.dma_semaphore, #tpu.memory_space<semaphore_mem>>
      %dma_start3A_122 = arith.constant 0 : i32
      %dma_start3A_123 = arith.constant 0 : i32
      %dma_start3A_124 = tpu.memref_slice %arg21[%dma_start3A_122, %dma_start3A_123] : memref<64x16xf32, #tpu.memory_space<vmem>> -> memref<64x16xf32, #tpu.memory_space<vmem>>
      %dma_start3A_125 = arith.constant 0 : i32
      %dma_start3A_126 = tpu.memref_slice %arg10[%add3A_29, %dma_start3A_125] : memref<10112x16xf32, #tpu.memory_space<vmem_shared>> -> memref<64x16xf32, #tpu.memory_space<vmem_shared>>
      %dma_start3A_127 = arith.constant 0 : i32
      %dma_start3A_128 = tpu.memref_slice %arg10[%add3A_29, %dma_start3A_127] : memref<10112x16xf32, #tpu.memory_space<vmem_shared>> -> memref<64x16xf32, #tpu.memory_space<vmem_shared>>
      %dma_start3A_129 = arith.constant 0 : i32
      %dma_start3A_130 = arith.constant 0 : i32
      %dma_start3A_131 = tpu.memref_slice %arg21[%dma_start3A_129, %dma_start3A_130] : memref<64x16xf32, #tpu.memory_space<vmem>> -> memref<64x16xf32, #tpu.memory_space<vmem>>
      tpu.enqueue_dma source(%dma_start3A_131 : memref<64x16xf32, #tpu.memory_space<vmem>>) target(%dma_start3A_128 : memref<64x16xf32, #tpu.memory_space<vmem_shared>>) target_semaphore(%run_scoped3A : memref<!tpu.dma_semaphore, #tpu.memory_space<semaphore_mem>>)
      %dma_wait3A = arith.constant 0 : i32
      %dma_wait3A_132 = arith.constant 0 : i32
      %dma_wait3A_133 = tpu.memref_slice %arg21[%dma_wait3A, %dma_wait3A_132] : memref<64x16xf32, #tpu.memory_space<vmem>> -> memref<64x16xf32, #tpu.memory_space<vmem>>
      %dma_wait3A_134 = arith.constant 0 : i32
      %dma_wait3A_135 = tpu.memref_slice %arg10[%add3A_29, %dma_wait3A_134] : memref<10112x16xf32, #tpu.memory_space<vmem_shared>> -> memref<64x16xf32, #tpu.memory_space<vmem_shared>>
      %dma_wait3A_136 = arith.constant 0 : i32
      %dma_wait3A_137 = tpu.memref_slice %arg10[%add3A_29, %dma_wait3A_136] : memref<10112x16xf32, #tpu.memory_space<vmem_shared>> -> memref<64x16xf32, #tpu.memory_space<vmem_shared>>
      %dma_wait3A_138 = arith.constant 0 : i32
      %dma_wait3A_139 = arith.constant 0 : i32
      %dma_wait3A_140 = tpu.memref_slice %arg21[%dma_wait3A_138, %dma_wait3A_139] : memref<64x16xf32, #tpu.memory_space<vmem>> -> memref<64x16xf32, #tpu.memory_space<vmem>>
      tpu.wait_dma2 semaphore(%run_scoped3A : memref<!tpu.dma_semaphore, #tpu.memory_space<semaphore_mem>>) src(%dma_wait3A_140 : memref<64x16xf32, #tpu.memory_space<vmem>>) dst(%dma_wait3A_137 : memref<64x16xf32, #tpu.memory_space<vmem_shared>>)
      tpu.yield
    }) : () -> ()
    %add3A_30 = arith.constant 320 : i32
    %add3A_31 = arith.addi %mul3A_9, %add3A_30 : i32
    "tpu.region"() ({
      %run_scoped3A = tpu.sem_alloc : memref<!tpu.dma_semaphore, #tpu.memory_space<semaphore_mem>>
      %dma_start3A_122 = arith.constant 0 : i32
      %dma_start3A_123 = arith.constant 0 : i32
      %dma_start3A_124 = tpu.memref_slice %arg11[%dma_start3A_122, %dma_start3A_123] : memref<64x128xf32, #tpu.memory_space<vmem>> -> memref<64x128xf32, #tpu.memory_space<vmem>>
      %dma_start3A_125 = arith.constant 0 : i32
      %dma_start3A_126 = tpu.memref_slice %arg9[%add3A_31, %dma_start3A_125] : memref<10112x128xf32, #tpu.memory_space<vmem_shared>> -> memref<64x128xf32, #tpu.memory_space<vmem_shared>>
      %dma_start3A_127 = arith.constant 0 : i32
      %dma_start3A_128 = tpu.memref_slice %arg9[%add3A_31, %dma_start3A_127] : memref<10112x128xf32, #tpu.memory_space<vmem_shared>> -> memref<64x128xf32, #tpu.memory_space<vmem_shared>>
      %dma_start3A_129 = arith.constant 0 : i32
      %dma_start3A_130 = arith.constant 0 : i32
      %dma_start3A_131 = tpu.memref_slice %arg11[%dma_start3A_129, %dma_start3A_130] : memref<64x128xf32, #tpu.memory_space<vmem>> -> memref<64x128xf32, #tpu.memory_space<vmem>>
      tpu.enqueue_dma source(%dma_start3A_131 : memref<64x128xf32, #tpu.memory_space<vmem>>) target(%dma_start3A_128 : memref<64x128xf32, #tpu.memory_space<vmem_shared>>) target_semaphore(%run_scoped3A : memref<!tpu.dma_semaphore, #tpu.memory_space<semaphore_mem>>)
      %dma_wait3A = arith.constant 0 : i32
      %dma_wait3A_132 = arith.constant 0 : i32
      %dma_wait3A_133 = tpu.memref_slice %arg11[%dma_wait3A, %dma_wait3A_132] : memref<64x128xf32, #tpu.memory_space<vmem>> -> memref<64x128xf32, #tpu.memory_space<vmem>>
      %dma_wait3A_134 = arith.constant 0 : i32
      %dma_wait3A_135 = tpu.memref_slice %arg9[%add3A_31, %dma_wait3A_134] : memref<10112x128xf32, #tpu.memory_space<vmem_shared>> -> memref<64x128xf32, #tpu.memory_space<vmem_shared>>
      %dma_wait3A_136 = arith.constant 0 : i32
      %dma_wait3A_137 = tpu.memref_slice %arg9[%add3A_31, %dma_wait3A_136] : memref<10112x128xf32, #tpu.memory_space<vmem_shared>> -> memref<64x128xf32, #tpu.memory_space<vmem_shared>>
      %dma_wait3A_138 = arith.constant 0 : i32
      %dma_wait3A_139 = arith.constant 0 : i32
      %dma_wait3A_140 = tpu.memref_slice %arg11[%dma_wait3A_138, %dma_wait3A_139] : memref<64x128xf32, #tpu.memory_space<vmem>> -> memref<64x128xf32, #tpu.memory_space<vmem>>
      tpu.wait_dma2 semaphore(%run_scoped3A : memref<!tpu.dma_semaphore, #tpu.memory_space<semaphore_mem>>) src(%dma_wait3A_140 : memref<64x128xf32, #tpu.memory_space<vmem>>) dst(%dma_wait3A_137 : memref<64x128xf32, #tpu.memory_space<vmem_shared>>)
      tpu.yield
    }) : () -> ()
    %add3A_32 = arith.constant 320 : i32
    %add3A_33 = arith.addi %mul3A_9, %add3A_32 : i32
    "tpu.region"() ({
      %run_scoped3A = tpu.sem_alloc : memref<!tpu.dma_semaphore, #tpu.memory_space<semaphore_mem>>
      %dma_start3A_122 = arith.constant 0 : i32
      %dma_start3A_123 = arith.constant 0 : i32
      %dma_start3A_124 = tpu.memref_slice %arg21[%dma_start3A_122, %dma_start3A_123] : memref<64x16xf32, #tpu.memory_space<vmem>> -> memref<64x16xf32, #tpu.memory_space<vmem>>
      %dma_start3A_125 = arith.constant 0 : i32
      %dma_start3A_126 = tpu.memref_slice %arg10[%add3A_33, %dma_start3A_125] : memref<10112x16xf32, #tpu.memory_space<vmem_shared>> -> memref<64x16xf32, #tpu.memory_space<vmem_shared>>
      %dma_start3A_127 = arith.constant 0 : i32
      %dma_start3A_128 = tpu.memref_slice %arg10[%add3A_33, %dma_start3A_127] : memref<10112x16xf32, #tpu.memory_space<vmem_shared>> -> memref<64x16xf32, #tpu.memory_space<vmem_shared>>
      %dma_start3A_129 = arith.constant 0 : i32
      %dma_start3A_130 = arith.constant 0 : i32
      %dma_start3A_131 = tpu.memref_slice %arg21[%dma_start3A_129, %dma_start3A_130] : memref<64x16xf32, #tpu.memory_space<vmem>> -> memref<64x16xf32, #tpu.memory_space<vmem>>
      tpu.enqueue_dma source(%dma_start3A_131 : memref<64x16xf32, #tpu.memory_space<vmem>>) target(%dma_start3A_128 : memref<64x16xf32, #tpu.memory_space<vmem_shared>>) target_semaphore(%run_scoped3A : memref<!tpu.dma_semaphore, #tpu.memory_space<semaphore_mem>>)
      %dma_wait3A = arith.constant 0 : i32
      %dma_wait3A_132 = arith.constant 0 : i32
      %dma_wait3A_133 = tpu.memref_slice %arg21[%dma_wait3A, %dma_wait3A_132] : memref<64x16xf32, #tpu.memory_space<vmem>> -> memref<64x16xf32, #tpu.memory_space<vmem>>
      %dma_wait3A_134 = arith.constant 0 : i32
      %dma_wait3A_135 = tpu.memref_slice %arg10[%add3A_33, %dma_wait3A_134] : memref<10112x16xf32, #tpu.memory_space<vmem_shared>> -> memref<64x16xf32, #tpu.memory_space<vmem_shared>>
      %dma_wait3A_136 = arith.constant 0 : i32
      %dma_wait3A_137 = tpu.memref_slice %arg10[%add3A_33, %dma_wait3A_136] : memref<10112x16xf32, #tpu.memory_space<vmem_shared>> -> memref<64x16xf32, #tpu.memory_space<vmem_shared>>
      %dma_wait3A_138 = arith.constant 0 : i32
      %dma_wait3A_139 = arith.constant 0 : i32
      %dma_wait3A_140 = tpu.memref_slice %arg21[%dma_wait3A_138, %dma_wait3A_139] : memref<64x16xf32, #tpu.memory_space<vmem>> -> memref<64x16xf32, #tpu.memory_space<vmem>>
      tpu.wait_dma2 semaphore(%run_scoped3A : memref<!tpu.dma_semaphore, #tpu.memory_space<semaphore_mem>>) src(%dma_wait3A_140 : memref<64x16xf32, #tpu.memory_space<vmem>>) dst(%dma_wait3A_137 : memref<64x16xf32, #tpu.memory_space<vmem_shared>>)
      tpu.yield
    }) : () -> ()
    %add3A_34 = arith.constant 384 : i32
    %add3A_35 = arith.addi %mul3A_9, %add3A_34 : i32
    "tpu.region"() ({
      %run_scoped3A = tpu.sem_alloc : memref<!tpu.dma_semaphore, #tpu.memory_space<semaphore_mem>>
      %dma_start3A_122 = arith.constant 0 : i32
      %dma_start3A_123 = arith.constant 0 : i32
      %dma_start3A_124 = tpu.memref_slice %arg11[%dma_start3A_122, %dma_start3A_123] : memref<64x128xf32, #tpu.memory_space<vmem>> -> memref<64x128xf32, #tpu.memory_space<vmem>>
      %dma_start3A_125 = arith.constant 0 : i32
      %dma_start3A_126 = tpu.memref_slice %arg9[%add3A_35, %dma_start3A_125] : memref<10112x128xf32, #tpu.memory_space<vmem_shared>> -> memref<64x128xf32, #tpu.memory_space<vmem_shared>>
      %dma_start3A_127 = arith.constant 0 : i32
      %dma_start3A_128 = tpu.memref_slice %arg9[%add3A_35, %dma_start3A_127] : memref<10112x128xf32, #tpu.memory_space<vmem_shared>> -> memref<64x128xf32, #tpu.memory_space<vmem_shared>>
      %dma_start3A_129 = arith.constant 0 : i32
      %dma_start3A_130 = arith.constant 0 : i32
      %dma_start3A_131 = tpu.memref_slice %arg11[%dma_start3A_129, %dma_start3A_130] : memref<64x128xf32, #tpu.memory_space<vmem>> -> memref<64x128xf32, #tpu.memory_space<vmem>>
      tpu.enqueue_dma source(%dma_start3A_131 : memref<64x128xf32, #tpu.memory_space<vmem>>) target(%dma_start3A_128 : memref<64x128xf32, #tpu.memory_space<vmem_shared>>) target_semaphore(%run_scoped3A : memref<!tpu.dma_semaphore, #tpu.memory_space<semaphore_mem>>)
      %dma_wait3A = arith.constant 0 : i32
      %dma_wait3A_132 = arith.constant 0 : i32
      %dma_wait3A_133 = tpu.memref_slice %arg11[%dma_wait3A, %dma_wait3A_132] : memref<64x128xf32, #tpu.memory_space<vmem>> -> memref<64x128xf32, #tpu.memory_space<vmem>>
      %dma_wait3A_134 = arith.constant 0 : i32
      %dma_wait3A_135 = tpu.memref_slice %arg9[%add3A_35, %dma_wait3A_134] : memref<10112x128xf32, #tpu.memory_space<vmem_shared>> -> memref<64x128xf32, #tpu.memory_space<vmem_shared>>
      %dma_wait3A_136 = arith.constant 0 : i32
      %dma_wait3A_137 = tpu.memref_slice %arg9[%add3A_35, %dma_wait3A_136] : memref<10112x128xf32, #tpu.memory_space<vmem_shared>> -> memref<64x128xf32, #tpu.memory_space<vmem_shared>>
      %dma_wait3A_138 = arith.constant 0 : i32
      %dma_wait3A_139 = arith.constant 0 : i32
      %dma_wait3A_140 = tpu.memref_slice %arg11[%dma_wait3A_138, %dma_wait3A_139] : memref<64x128xf32, #tpu.memory_space<vmem>> -> memref<64x128xf32, #tpu.memory_space<vmem>>
      tpu.wait_dma2 semaphore(%run_scoped3A : memref<!tpu.dma_semaphore, #tpu.memory_space<semaphore_mem>>) src(%dma_wait3A_140 : memref<64x128xf32, #tpu.memory_space<vmem>>) dst(%dma_wait3A_137 : memref<64x128xf32, #tpu.memory_space<vmem_shared>>)
      tpu.yield
    }) : () -> ()
    %add3A_36 = arith.constant 384 : i32
    %add3A_37 = arith.addi %mul3A_9, %add3A_36 : i32
    "tpu.region"() ({
      %run_scoped3A = tpu.sem_alloc : memref<!tpu.dma_semaphore, #tpu.memory_space<semaphore_mem>>
      %dma_start3A_122 = arith.constant 0 : i32
      %dma_start3A_123 = arith.constant 0 : i32
      %dma_start3A_124 = tpu.memref_slice %arg21[%dma_start3A_122, %dma_start3A_123] : memref<64x16xf32, #tpu.memory_space<vmem>> -> memref<64x16xf32, #tpu.memory_space<vmem>>
      %dma_start3A_125 = arith.constant 0 : i32
      %dma_start3A_126 = tpu.memref_slice %arg10[%add3A_37, %dma_start3A_125] : memref<10112x16xf32, #tpu.memory_space<vmem_shared>> -> memref<64x16xf32, #tpu.memory_space<vmem_shared>>
      %dma_start3A_127 = arith.constant 0 : i32
      %dma_start3A_128 = tpu.memref_slice %arg10[%add3A_37, %dma_start3A_127] : memref<10112x16xf32, #tpu.memory_space<vmem_shared>> -> memref<64x16xf32, #tpu.memory_space<vmem_shared>>
      %dma_start3A_129 = arith.constant 0 : i32
      %dma_start3A_130 = arith.constant 0 : i32
      %dma_start3A_131 = tpu.memref_slice %arg21[%dma_start3A_129, %dma_start3A_130] : memref<64x16xf32, #tpu.memory_space<vmem>> -> memref<64x16xf32, #tpu.memory_space<vmem>>
      tpu.enqueue_dma source(%dma_start3A_131 : memref<64x16xf32, #tpu.memory_space<vmem>>) target(%dma_start3A_128 : memref<64x16xf32, #tpu.memory_space<vmem_shared>>) target_semaphore(%run_scoped3A : memref<!tpu.dma_semaphore, #tpu.memory_space<semaphore_mem>>)
      %dma_wait3A = arith.constant 0 : i32
      %dma_wait3A_132 = arith.constant 0 : i32
      %dma_wait3A_133 = tpu.memref_slice %arg21[%dma_wait3A, %dma_wait3A_132] : memref<64x16xf32, #tpu.memory_space<vmem>> -> memref<64x16xf32, #tpu.memory_space<vmem>>
      %dma_wait3A_134 = arith.constant 0 : i32
      %dma_wait3A_135 = tpu.memref_slice %arg10[%add3A_37, %dma_wait3A_134] : memref<10112x16xf32, #tpu.memory_space<vmem_shared>> -> memref<64x16xf32, #tpu.memory_space<vmem_shared>>
      %dma_wait3A_136 = arith.constant 0 : i32
      %dma_wait3A_137 = tpu.memref_slice %arg10[%add3A_37, %dma_wait3A_136] : memref<10112x16xf32, #tpu.memory_space<vmem_shared>> -> memref<64x16xf32, #tpu.memory_space<vmem_shared>>
      %dma_wait3A_138 = arith.constant 0 : i32
      %dma_wait3A_139 = arith.constant 0 : i32
      %dma_wait3A_140 = tpu.memref_slice %arg21[%dma_wait3A_138, %dma_wait3A_139] : memref<64x16xf32, #tpu.memory_space<vmem>> -> memref<64x16xf32, #tpu.memory_space<vmem>>
      tpu.wait_dma2 semaphore(%run_scoped3A : memref<!tpu.dma_semaphore, #tpu.memory_space<semaphore_mem>>) src(%dma_wait3A_140 : memref<64x16xf32, #tpu.memory_space<vmem>>) dst(%dma_wait3A_137 : memref<64x16xf32, #tpu.memory_space<vmem_shared>>)
      tpu.yield
    }) : () -> ()
    %add3A_38 = arith.constant 448 : i32
    %add3A_39 = arith.addi %mul3A_9, %add3A_38 : i32
    "tpu.region"() ({
      %run_scoped3A = tpu.sem_alloc : memref<!tpu.dma_semaphore, #tpu.memory_space<semaphore_mem>>
      %dma_start3A_122 = arith.constant 0 : i32
      %dma_start3A_123 = arith.constant 0 : i32
      %dma_start3A_124 = tpu.memref_slice %arg11[%dma_start3A_122, %dma_start3A_123] : memref<64x128xf32, #tpu.memory_space<vmem>> -> memref<64x128xf32, #tpu.memory_space<vmem>>
      %dma_start3A_125 = arith.constant 0 : i32
      %dma_start3A_126 = tpu.memref_slice %arg9[%add3A_39, %dma_start3A_125] : memref<10112x128xf32, #tpu.memory_space<vmem_shared>> -> memref<64x128xf32, #tpu.memory_space<vmem_shared>>
      %dma_start3A_127 = arith.constant 0 : i32
      %dma_start3A_128 = tpu.memref_slice %arg9[%add3A_39, %dma_start3A_127] : memref<10112x128xf32, #tpu.memory_space<vmem_shared>> -> memref<64x128xf32, #tpu.memory_space<vmem_shared>>
      %dma_start3A_129 = arith.constant 0 : i32
      %dma_start3A_130 = arith.constant 0 : i32
      %dma_start3A_131 = tpu.memref_slice %arg11[%dma_start3A_129, %dma_start3A_130] : memref<64x128xf32, #tpu.memory_space<vmem>> -> memref<64x128xf32, #tpu.memory_space<vmem>>
      tpu.enqueue_dma source(%dma_start3A_131 : memref<64x128xf32, #tpu.memory_space<vmem>>) target(%dma_start3A_128 : memref<64x128xf32, #tpu.memory_space<vmem_shared>>) target_semaphore(%run_scoped3A : memref<!tpu.dma_semaphore, #tpu.memory_space<semaphore_mem>>)
      %dma_wait3A = arith.constant 0 : i32
      %dma_wait3A_132 = arith.constant 0 : i32
      %dma_wait3A_133 = tpu.memref_slice %arg11[%dma_wait3A, %dma_wait3A_132] : memref<64x128xf32, #tpu.memory_space<vmem>> -> memref<64x128xf32, #tpu.memory_space<vmem>>
      %dma_wait3A_134 = arith.constant 0 : i32
      %dma_wait3A_135 = tpu.memref_slice %arg9[%add3A_39, %dma_wait3A_134] : memref<10112x128xf32, #tpu.memory_space<vmem_shared>> -> memref<64x128xf32, #tpu.memory_space<vmem_shared>>
      %dma_wait3A_136 = arith.constant 0 : i32
      %dma_wait3A_137 = tpu.memref_slice %arg9[%add3A_39, %dma_wait3A_136] : memref<10112x128xf32, #tpu.memory_space<vmem_shared>> -> memref<64x128xf32, #tpu.memory_space<vmem_shared>>
      %dma_wait3A_138 = arith.constant 0 : i32
      %dma_wait3A_139 = arith.constant 0 : i32
      %dma_wait3A_140 = tpu.memref_slice %arg11[%dma_wait3A_138, %dma_wait3A_139] : memref<64x128xf32, #tpu.memory_space<vmem>> -> memref<64x128xf32, #tpu.memory_space<vmem>>
      tpu.wait_dma2 semaphore(%run_scoped3A : memref<!tpu.dma_semaphore, #tpu.memory_space<semaphore_mem>>) src(%dma_wait3A_140 : memref<64x128xf32, #tpu.memory_space<vmem>>) dst(%dma_wait3A_137 : memref<64x128xf32, #tpu.memory_space<vmem_shared>>)
      tpu.yield
    }) : () -> ()
    %add3A_40 = arith.constant 448 : i32
    %add3A_41 = arith.addi %mul3A_9, %add3A_40 : i32
    "tpu.region"() ({
      %run_scoped3A = tpu.sem_alloc : memref<!tpu.dma_semaphore, #tpu.memory_space<semaphore_mem>>
      %dma_start3A_122 = arith.constant 0 : i32
      %dma_start3A_123 = arith.constant 0 : i32
      %dma_start3A_124 = tpu.memref_slice %arg21[%dma_start3A_122, %dma_start3A_123] : memref<64x16xf32, #tpu.memory_space<vmem>> -> memref<64x16xf32, #tpu.memory_space<vmem>>
      %dma_start3A_125 = arith.constant 0 : i32
      %dma_start3A_126 = tpu.memref_slice %arg10[%add3A_41, %dma_start3A_125] : memref<10112x16xf32, #tpu.memory_space<vmem_shared>> -> memref<64x16xf32, #tpu.memory_space<vmem_shared>>
      %dma_start3A_127 = arith.constant 0 : i32
      %dma_start3A_128 = tpu.memref_slice %arg10[%add3A_41, %dma_start3A_127] : memref<10112x16xf32, #tpu.memory_space<vmem_shared>> -> memref<64x16xf32, #tpu.memory_space<vmem_shared>>
      %dma_start3A_129 = arith.constant 0 : i32
      %dma_start3A_130 = arith.constant 0 : i32
      %dma_start3A_131 = tpu.memref_slice %arg21[%dma_start3A_129, %dma_start3A_130] : memref<64x16xf32, #tpu.memory_space<vmem>> -> memref<64x16xf32, #tpu.memory_space<vmem>>
      tpu.enqueue_dma source(%dma_start3A_131 : memref<64x16xf32, #tpu.memory_space<vmem>>) target(%dma_start3A_128 : memref<64x16xf32, #tpu.memory_space<vmem_shared>>) target_semaphore(%run_scoped3A : memref<!tpu.dma_semaphore, #tpu.memory_space<semaphore_mem>>)
      %dma_wait3A = arith.constant 0 : i32
      %dma_wait3A_132 = arith.constant 0 : i32
      %dma_wait3A_133 = tpu.memref_slice %arg21[%dma_wait3A, %dma_wait3A_132] : memref<64x16xf32, #tpu.memory_space<vmem>> -> memref<64x16xf32, #tpu.memory_space<vmem>>
      %dma_wait3A_134 = arith.constant 0 : i32
      %dma_wait3A_135 = tpu.memref_slice %arg10[%add3A_41, %dma_wait3A_134] : memref<10112x16xf32, #tpu.memory_space<vmem_shared>> -> memref<64x16xf32, #tpu.memory_space<vmem_shared>>
      %dma_wait3A_136 = arith.constant 0 : i32
      %dma_wait3A_137 = tpu.memref_slice %arg10[%add3A_41, %dma_wait3A_136] : memref<10112x16xf32, #tpu.memory_space<vmem_shared>> -> memref<64x16xf32, #tpu.memory_space<vmem_shared>>
      %dma_wait3A_138 = arith.constant 0 : i32
      %dma_wait3A_139 = arith.constant 0 : i32
      %dma_wait3A_140 = tpu.memref_slice %arg21[%dma_wait3A_138, %dma_wait3A_139] : memref<64x16xf32, #tpu.memory_space<vmem>> -> memref<64x16xf32, #tpu.memory_space<vmem>>
      tpu.wait_dma2 semaphore(%run_scoped3A : memref<!tpu.dma_semaphore, #tpu.memory_space<semaphore_mem>>) src(%dma_wait3A_140 : memref<64x16xf32, #tpu.memory_space<vmem>>) dst(%dma_wait3A_137 : memref<64x16xf32, #tpu.memory_space<vmem_shared>>)
      tpu.yield
    }) : () -> ()
    %add3A_42 = arith.constant 512 : i32
    %add3A_43 = arith.addi %mul3A_9, %add3A_42 : i32
    "tpu.region"() ({
      %run_scoped3A = tpu.sem_alloc : memref<!tpu.dma_semaphore, #tpu.memory_space<semaphore_mem>>
      %dma_start3A_122 = arith.constant 0 : i32
      %dma_start3A_123 = arith.constant 0 : i32
      %dma_start3A_124 = tpu.memref_slice %arg11[%dma_start3A_122, %dma_start3A_123] : memref<64x128xf32, #tpu.memory_space<vmem>> -> memref<64x128xf32, #tpu.memory_space<vmem>>
      %dma_start3A_125 = arith.constant 0 : i32
      %dma_start3A_126 = tpu.memref_slice %arg9[%add3A_43, %dma_start3A_125] : memref<10112x128xf32, #tpu.memory_space<vmem_shared>> -> memref<64x128xf32, #tpu.memory_space<vmem_shared>>
      %dma_start3A_127 = arith.constant 0 : i32
      %dma_start3A_128 = tpu.memref_slice %arg9[%add3A_43, %dma_start3A_127] : memref<10112x128xf32, #tpu.memory_space<vmem_shared>> -> memref<64x128xf32, #tpu.memory_space<vmem_shared>>
      %dma_start3A_129 = arith.constant 0 : i32
      %dma_start3A_130 = arith.constant 0 : i32
      %dma_start3A_131 = tpu.memref_slice %arg11[%dma_start3A_129, %dma_start3A_130] : memref<64x128xf32, #tpu.memory_space<vmem>> -> memref<64x128xf32, #tpu.memory_space<vmem>>
      tpu.enqueue_dma source(%dma_start3A_131 : memref<64x128xf32, #tpu.memory_space<vmem>>) target(%dma_start3A_128 : memref<64x128xf32, #tpu.memory_space<vmem_shared>>) target_semaphore(%run_scoped3A : memref<!tpu.dma_semaphore, #tpu.memory_space<semaphore_mem>>)
      %dma_wait3A = arith.constant 0 : i32
      %dma_wait3A_132 = arith.constant 0 : i32
      %dma_wait3A_133 = tpu.memref_slice %arg11[%dma_wait3A, %dma_wait3A_132] : memref<64x128xf32, #tpu.memory_space<vmem>> -> memref<64x128xf32, #tpu.memory_space<vmem>>
      %dma_wait3A_134 = arith.constant 0 : i32
      %dma_wait3A_135 = tpu.memref_slice %arg9[%add3A_43, %dma_wait3A_134] : memref<10112x128xf32, #tpu.memory_space<vmem_shared>> -> memref<64x128xf32, #tpu.memory_space<vmem_shared>>
      %dma_wait3A_136 = arith.constant 0 : i32
      %dma_wait3A_137 = tpu.memref_slice %arg9[%add3A_43, %dma_wait3A_136] : memref<10112x128xf32, #tpu.memory_space<vmem_shared>> -> memref<64x128xf32, #tpu.memory_space<vmem_shared>>
      %dma_wait3A_138 = arith.constant 0 : i32
      %dma_wait3A_139 = arith.constant 0 : i32
      %dma_wait3A_140 = tpu.memref_slice %arg11[%dma_wait3A_138, %dma_wait3A_139] : memref<64x128xf32, #tpu.memory_space<vmem>> -> memref<64x128xf32, #tpu.memory_space<vmem>>
      tpu.wait_dma2 semaphore(%run_scoped3A : memref<!tpu.dma_semaphore, #tpu.memory_space<semaphore_mem>>) src(%dma_wait3A_140 : memref<64x128xf32, #tpu.memory_space<vmem>>) dst(%dma_wait3A_137 : memref<64x128xf32, #tpu.memory_space<vmem_shared>>)
      tpu.yield
    }) : () -> ()
    %add3A_44 = arith.constant 512 : i32
    %add3A_45 = arith.addi %mul3A_9, %add3A_44 : i32
    "tpu.region"() ({
      %run_scoped3A = tpu.sem_alloc : memref<!tpu.dma_semaphore, #tpu.memory_space<semaphore_mem>>
      %dma_start3A_122 = arith.constant 0 : i32
      %dma_start3A_123 = arith.constant 0 : i32
      %dma_start3A_124 = tpu.memref_slice %arg21[%dma_start3A_122, %dma_start3A_123] : memref<64x16xf32, #tpu.memory_space<vmem>> -> memref<64x16xf32, #tpu.memory_space<vmem>>
      %dma_start3A_125 = arith.constant 0 : i32
      %dma_start3A_126 = tpu.memref_slice %arg10[%add3A_45, %dma_start3A_125] : memref<10112x16xf32, #tpu.memory_space<vmem_shared>> -> memref<64x16xf32, #tpu.memory_space<vmem_shared>>
      %dma_start3A_127 = arith.constant 0 : i32
      %dma_start3A_128 = tpu.memref_slice %arg10[%add3A_45, %dma_start3A_127] : memref<10112x16xf32, #tpu.memory_space<vmem_shared>> -> memref<64x16xf32, #tpu.memory_space<vmem_shared>>
      %dma_start3A_129 = arith.constant 0 : i32
      %dma_start3A_130 = arith.constant 0 : i32
      %dma_start3A_131 = tpu.memref_slice %arg21[%dma_start3A_129, %dma_start3A_130] : memref<64x16xf32, #tpu.memory_space<vmem>> -> memref<64x16xf32, #tpu.memory_space<vmem>>
      tpu.enqueue_dma source(%dma_start3A_131 : memref<64x16xf32, #tpu.memory_space<vmem>>) target(%dma_start3A_128 : memref<64x16xf32, #tpu.memory_space<vmem_shared>>) target_semaphore(%run_scoped3A : memref<!tpu.dma_semaphore, #tpu.memory_space<semaphore_mem>>)
      %dma_wait3A = arith.constant 0 : i32
      %dma_wait3A_132 = arith.constant 0 : i32
      %dma_wait3A_133 = tpu.memref_slice %arg21[%dma_wait3A, %dma_wait3A_132] : memref<64x16xf32, #tpu.memory_space<vmem>> -> memref<64x16xf32, #tpu.memory_space<vmem>>
      %dma_wait3A_134 = arith.constant 0 : i32
      %dma_wait3A_135 = tpu.memref_slice %arg10[%add3A_45, %dma_wait3A_134] : memref<10112x16xf32, #tpu.memory_space<vmem_shared>> -> memref<64x16xf32, #tpu.memory_space<vmem_shared>>
      %dma_wait3A_136 = arith.constant 0 : i32
      %dma_wait3A_137 = tpu.memref_slice %arg10[%add3A_45, %dma_wait3A_136] : memref<10112x16xf32, #tpu.memory_space<vmem_shared>> -> memref<64x16xf32, #tpu.memory_space<vmem_shared>>
      %dma_wait3A_138 = arith.constant 0 : i32
      %dma_wait3A_139 = arith.constant 0 : i32
      %dma_wait3A_140 = tpu.memref_slice %arg21[%dma_wait3A_138, %dma_wait3A_139] : memref<64x16xf32, #tpu.memory_space<vmem>> -> memref<64x16xf32, #tpu.memory_space<vmem>>
      tpu.wait_dma2 semaphore(%run_scoped3A : memref<!tpu.dma_semaphore, #tpu.memory_space<semaphore_mem>>) src(%dma_wait3A_140 : memref<64x16xf32, #tpu.memory_space<vmem>>) dst(%dma_wait3A_137 : memref<64x16xf32, #tpu.memory_space<vmem_shared>>)
      tpu.yield
    }) : () -> ()
    %add3A_46 = arith.constant 576 : i32
    %add3A_47 = arith.addi %mul3A_9, %add3A_46 : i32
    "tpu.region"() ({
      %run_scoped3A = tpu.sem_alloc : memref<!tpu.dma_semaphore, #tpu.memory_space<semaphore_mem>>
      %dma_start3A_122 = arith.constant 0 : i32
      %dma_start3A_123 = arith.constant 0 : i32
      %dma_start3A_124 = tpu.memref_slice %arg11[%dma_start3A_122, %dma_start3A_123] : memref<64x128xf32, #tpu.memory_space<vmem>> -> memref<56x128xf32, #tpu.memory_space<vmem>>
      %dma_start3A_125 = arith.constant 0 : i32
      %dma_start3A_126 = tpu.memref_slice %arg9[%add3A_47, %dma_start3A_125] : memref<10112x128xf32, #tpu.memory_space<vmem_shared>> -> memref<56x128xf32, #tpu.memory_space<vmem_shared>>
      %dma_start3A_127 = arith.constant 0 : i32
      %dma_start3A_128 = tpu.memref_slice %arg9[%add3A_47, %dma_start3A_127] : memref<10112x128xf32, #tpu.memory_space<vmem_shared>> -> memref<56x128xf32, #tpu.memory_space<vmem_shared>>
      %dma_start3A_129 = arith.constant 0 : i32
      %dma_start3A_130 = arith.constant 0 : i32
      %dma_start3A_131 = tpu.memref_slice %arg11[%dma_start3A_129, %dma_start3A_130] : memref<64x128xf32, #tpu.memory_space<vmem>> -> memref<56x128xf32, #tpu.memory_space<vmem>>
      tpu.enqueue_dma source(%dma_start3A_131 : memref<56x128xf32, #tpu.memory_space<vmem>>) target(%dma_start3A_128 : memref<56x128xf32, #tpu.memory_space<vmem_shared>>) target_semaphore(%run_scoped3A : memref<!tpu.dma_semaphore, #tpu.memory_space<semaphore_mem>>)
      %dma_wait3A = arith.constant 0 : i32
      %dma_wait3A_132 = arith.constant 0 : i32
      %dma_wait3A_133 = tpu.memref_slice %arg11[%dma_wait3A, %dma_wait3A_132] : memref<64x128xf32, #tpu.memory_space<vmem>> -> memref<56x128xf32, #tpu.memory_space<vmem>>
      %dma_wait3A_134 = arith.constant 0 : i32
      %dma_wait3A_135 = tpu.memref_slice %arg9[%add3A_47, %dma_wait3A_134] : memref<10112x128xf32, #tpu.memory_space<vmem_shared>> -> memref<56x128xf32, #tpu.memory_space<vmem_shared>>
      %dma_wait3A_136 = arith.constant 0 : i32
      %dma_wait3A_137 = tpu.memref_slice %arg9[%add3A_47, %dma_wait3A_136] : memref<10112x128xf32, #tpu.memory_space<vmem_shared>> -> memref<56x128xf32, #tpu.memory_space<vmem_shared>>
      %dma_wait3A_138 = arith.constant 0 : i32
      %dma_wait3A_139 = arith.constant 0 : i32
      %dma_wait3A_140 = tpu.memref_slice %arg11[%dma_wait3A_138, %dma_wait3A_139] : memref<64x128xf32, #tpu.memory_space<vmem>> -> memref<56x128xf32, #tpu.memory_space<vmem>>
      tpu.wait_dma2 semaphore(%run_scoped3A : memref<!tpu.dma_semaphore, #tpu.memory_space<semaphore_mem>>) src(%dma_wait3A_140 : memref<56x128xf32, #tpu.memory_space<vmem>>) dst(%dma_wait3A_137 : memref<56x128xf32, #tpu.memory_space<vmem_shared>>)
      tpu.yield
    }) : () -> ()
    %add3A_48 = arith.constant 576 : i32
    %add3A_49 = arith.addi %mul3A_9, %add3A_48 : i32
    "tpu.region"() ({
      %run_scoped3A = tpu.sem_alloc : memref<!tpu.dma_semaphore, #tpu.memory_space<semaphore_mem>>
      %dma_start3A_122 = arith.constant 0 : i32
      %dma_start3A_123 = arith.constant 0 : i32
      %dma_start3A_124 = tpu.memref_slice %arg21[%dma_start3A_122, %dma_start3A_123] : memref<64x16xf32, #tpu.memory_space<vmem>> -> memref<56x16xf32, #tpu.memory_space<vmem>>
      %dma_start3A_125 = arith.constant 0 : i32
      %dma_start3A_126 = tpu.memref_slice %arg10[%add3A_49, %dma_start3A_125] : memref<10112x16xf32, #tpu.memory_space<vmem_shared>> -> memref<56x16xf32, #tpu.memory_space<vmem_shared>>
      %dma_start3A_127 = arith.constant 0 : i32
      %dma_start3A_128 = tpu.memref_slice %arg10[%add3A_49, %dma_start3A_127] : memref<10112x16xf32, #tpu.memory_space<vmem_shared>> -> memref<56x16xf32, #tpu.memory_space<vmem_shared>>
      %dma_start3A_129 = arith.constant 0 : i32
      %dma_start3A_130 = arith.constant 0 : i32
      %dma_start3A_131 = tpu.memref_slice %arg21[%dma_start3A_129, %dma_start3A_130] : memref<64x16xf32, #tpu.memory_space<vmem>> -> memref<56x16xf32, #tpu.memory_space<vmem>>
      tpu.enqueue_dma source(%dma_start3A_131 : memref<56x16xf32, #tpu.memory_space<vmem>>) target(%dma_start3A_128 : memref<56x16xf32, #tpu.memory_space<vmem_shared>>) target_semaphore(%run_scoped3A : memref<!tpu.dma_semaphore, #tpu.memory_space<semaphore_mem>>)
      %dma_wait3A = arith.constant 0 : i32
      %dma_wait3A_132 = arith.constant 0 : i32
      %dma_wait3A_133 = tpu.memref_slice %arg21[%dma_wait3A, %dma_wait3A_132] : memref<64x16xf32, #tpu.memory_space<vmem>> -> memref<56x16xf32, #tpu.memory_space<vmem>>
      %dma_wait3A_134 = arith.constant 0 : i32
      %dma_wait3A_135 = tpu.memref_slice %arg10[%add3A_49, %dma_wait3A_134] : memref<10112x16xf32, #tpu.memory_space<vmem_shared>> -> memref<56x16xf32, #tpu.memory_space<vmem_shared>>
      %dma_wait3A_136 = arith.constant 0 : i32
      %dma_wait3A_137 = tpu.memref_slice %arg10[%add3A_49, %dma_wait3A_136] : memref<10112x16xf32, #tpu.memory_space<vmem_shared>> -> memref<56x16xf32, #tpu.memory_space<vmem_shared>>
      %dma_wait3A_138 = arith.constant 0 : i32
      %dma_wait3A_139 = arith.constant 0 : i32
      %dma_wait3A_140 = tpu.memref_slice %arg21[%dma_wait3A_138, %dma_wait3A_139] : memref<64x16xf32, #tpu.memory_space<vmem>> -> memref<56x16xf32, #tpu.memory_space<vmem>>
      tpu.wait_dma2 semaphore(%run_scoped3A : memref<!tpu.dma_semaphore, #tpu.memory_space<semaphore_mem>>) src(%dma_wait3A_140 : memref<56x16xf32, #tpu.memory_space<vmem>>) dst(%dma_wait3A_137 : memref<56x16xf32, #tpu.memory_space<vmem_shared>>)
      tpu.yield
    }) : () -> ()
    "tpu.region"() ({
      %run_scoped3A = tpu.sem_alloc : memref<!tpu.dma_semaphore, #tpu.memory_space<semaphore_mem>>
      tpu.enqueue_dma source(%arg6 : memref<128xf32, #tpu.memory_space<hbm>>) target(%arg23 : memref<128xf32, #tpu.memory_space<vmem>>) target_semaphore(%run_scoped3A : memref<!tpu.dma_semaphore, #tpu.memory_space<semaphore_mem>>)
      tpu.wait_dma2 semaphore(%run_scoped3A : memref<!tpu.dma_semaphore, #tpu.memory_space<semaphore_mem>>) src(%arg6 : memref<128xf32, #tpu.memory_space<hbm>>) dst(%arg23 : memref<128xf32, #tpu.memory_space<vmem>>)
      tpu.yield
    }) : () -> ()
    %barrier3A = arith.constant 0 : index
    tpu.barrier barrier_id(%barrier3A)
    %get3A = arith.constant 0 : index
    %get3A_50 = tpu.vector_load %arg23[%get3A] {strides = array<i32>} : memref<128xf32, #tpu.memory_space<vmem>>, vector<16xf32>,
    %get3A_51 = vector.shape_cast %get3A_50 : vector<16xf32> to vector<16xf32>
    %get3A_52 = arith.constant 16 : index
    %get3A_53 = tpu.vector_load %arg23[%get3A_52] {strides = array<i32>} : memref<128xf32, #tpu.memory_space<vmem>>, vector<16xf32>,
    %get3A_54 = vector.shape_cast %get3A_53 : vector<16xf32> to vector<16xf32>
    %get3A_55 = arith.constant 32 : index
    %get3A_56 = tpu.vector_load %arg23[%get3A_55] {strides = array<i32>} : memref<128xf32, #tpu.memory_space<vmem>>, vector<16xf32>,
    %get3A_57 = vector.shape_cast %get3A_56 : vector<16xf32> to vector<16xf32>
    %get3A_58 = arith.constant 48 : index
    %get3A_59 = tpu.vector_load %arg23[%get3A_58] {strides = array<i32>} : memref<128xf32, #tpu.memory_space<vmem>>, vector<16xf32>,
    %get3A_60 = vector.shape_cast %get3A_59 : vector<16xf32> to vector<16xf32>
    %get3A_61 = arith.constant 64 : index
    %get3A_62 = tpu.vector_load %arg23[%get3A_61] {strides = array<i32>} : memref<128xf32, #tpu.memory_space<vmem>>, vector<16xf32>,
    %get3A_63 = vector.shape_cast %get3A_62 : vector<16xf32> to vector<16xf32>
    %get3A_64 = arith.constant 80 : index
    %get3A_65 = tpu.vector_load %arg23[%get3A_64] {strides = array<i32>} : memref<128xf32, #tpu.memory_space<vmem>>, vector<16xf32>,
    %get3A_66 = vector.shape_cast %get3A_65 : vector<16xf32> to vector<16xf32>
    %get3A_67 = arith.constant 96 : index
    %get3A_68 = tpu.vector_load %arg23[%get3A_67] {strides = array<i32>} : memref<128xf32, #tpu.memory_space<vmem>>, vector<16xf32>,
    %get3A_69 = vector.shape_cast %get3A_68 : vector<16xf32> to vector<16xf32>
    %get3A_70 = arith.constant 112 : index
    %get3A_71 = tpu.vector_load %arg23[%get3A_70] {strides = array<i32>} : memref<128xf32, #tpu.memory_space<vmem>>, vector<16xf32>,
    %get3A_72 = vector.shape_cast %get3A_71 : vector<16xf32> to vector<16xf32>
    %mul3A_73 = arith.constant 10496 : i32
    %mul3A_74 = arith.muli %add3A, %mul3A_73 : i32
    %add3A_75 = arith.constant 0 : i32
    %add3A_76 = arith.addi %mul3A_74, %add3A_75 : i32
    "tpu.region"() ({
      %run_scoped3A = tpu.sem_alloc : memref<!tpu.dma_semaphore, #tpu.memory_space<semaphore_mem>>
      %dma_start3A_122 = tpu.memref_slice %arg4[%add3A_76] : memref<335872xi32, #tpu.memory_space<hbm>> -> memref<64xi32, #tpu.memory_space<hbm>>
      %dma_start3A_123 = tpu.memref_slice %arg4[%add3A_76] : memref<335872xi32, #tpu.memory_space<hbm>> -> memref<64xi32, #tpu.memory_space<hbm>>
      tpu.enqueue_dma source(%dma_start3A_123 : memref<64xi32, #tpu.memory_space<hbm>>) target(%arg15 : memref<64xi32, #tpu.memory_space<vmem>>) target_semaphore(%run_scoped3A : memref<!tpu.dma_semaphore, #tpu.memory_space<semaphore_mem>>)
      %dma_wait3A = tpu.memref_slice %arg4[%add3A_76] : memref<335872xi32, #tpu.memory_space<hbm>> -> memref<64xi32, #tpu.memory_space<hbm>>
      %dma_wait3A_124 = tpu.memref_slice %arg4[%add3A_76] : memref<335872xi32, #tpu.memory_space<hbm>> -> memref<64xi32, #tpu.memory_space<hbm>>
      tpu.wait_dma2 semaphore(%run_scoped3A : memref<!tpu.dma_semaphore, #tpu.memory_space<semaphore_mem>>) src(%dma_wait3A_124 : memref<64xi32, #tpu.memory_space<hbm>>) dst(%arg15 : memref<64xi32, #tpu.memory_space<vmem>>)
      tpu.yield
    }) : () -> ()
    %add3A_77 = arith.constant 0 : i32
    %add3A_78 = arith.addi %mul3A_74, %add3A_77 : i32
    "tpu.region"() ({
      %run_scoped3A = tpu.sem_alloc : memref<!tpu.dma_semaphore, #tpu.memory_space<semaphore_mem>>
      %dma_start3A_122 = tpu.memref_slice %arg5[%add3A_78] : memref<335872xi32, #tpu.memory_space<hbm>> -> memref<64xi32, #tpu.memory_space<hbm>>
      %dma_start3A_123 = tpu.memref_slice %arg5[%add3A_78] : memref<335872xi32, #tpu.memory_space<hbm>> -> memref<64xi32, #tpu.memory_space<hbm>>
      tpu.enqueue_dma source(%dma_start3A_123 : memref<64xi32, #tpu.memory_space<hbm>>) target(%arg17 : memref<64xi32, #tpu.memory_space<vmem>>) target_semaphore(%run_scoped3A : memref<!tpu.dma_semaphore, #tpu.memory_space<semaphore_mem>>)
      %dma_wait3A = tpu.memref_slice %arg5[%add3A_78] : memref<335872xi32, #tpu.memory_space<hbm>> -> memref<64xi32, #tpu.memory_space<hbm>>
      %dma_wait3A_124 = tpu.memref_slice %arg5[%add3A_78] : memref<335872xi32, #tpu.memory_space<hbm>> -> memref<64xi32, #tpu.memory_space<hbm>>
      tpu.wait_dma2 semaphore(%run_scoped3A : memref<!tpu.dma_semaphore, #tpu.memory_space<semaphore_mem>>) src(%dma_wait3A_124 : memref<64xi32, #tpu.memory_space<hbm>>) dst(%arg17 : memref<64xi32, #tpu.memory_space<vmem>>)
      tpu.yield
    }) : () -> ()
    %dma_start3A = arith.constant 0 : i32
    %dma_start3A_79 = arith.constant 0 : i32
    %dma_start3A_80 = tpu.memref_slice %arg2[%dma_start3A, %dma_start3A_79] : memref<10000x128xf32, #tpu.memory_space<hbm>> -> memref<10000x128xf32, #tpu.memory_space<hbm>>
    tpu.enqueue_indirect_dma source(%dma_start3A_80 : memref<10000x128xf32, #tpu.memory_space<hbm>>) target(%arg11 : memref<64x128xf32, #tpu.memory_space<vmem>>) offsets(%arg15 : memref<64xi32, #tpu.memory_space<vmem>>) semaphore(%arg24 : memref<!tpu.dma_semaphore, #tpu.memory_space<semaphore_mem>>)
    %dma_start3A_81 = arith.constant 0 : i32
    %dma_start3A_82 = arith.constant 0 : i32
    %dma_start3A_83 = tpu.memref_slice %arg3[%dma_start3A_81, %dma_start3A_82] : memref<10000x128xf32, #tpu.memory_space<hbm>> -> memref<10000x128xf32, #tpu.memory_space<hbm>>
    tpu.enqueue_indirect_dma source(%dma_start3A_83 : memref<10000x128xf32, #tpu.memory_space<hbm>>) target(%arg13 : memref<64x128xf32, #tpu.memory_space<vmem>>) offsets(%arg17 : memref<64xi32, #tpu.memory_space<vmem>>) semaphore(%arg24 : memref<!tpu.dma_semaphore, #tpu.memory_space<semaphore_mem>>)
    %add3A_84 = arith.constant 64 : i32
    %add3A_85 = arith.addi %mul3A_74, %add3A_84 : i32
    "tpu.region"() ({
      %run_scoped3A = tpu.sem_alloc : memref<!tpu.dma_semaphore, #tpu.memory_space<semaphore_mem>>
      %dma_start3A_122 = tpu.memref_slice %arg4[%add3A_85] : memref<335872xi32, #tpu.memory_space<hbm>> -> memref<64xi32, #tpu.memory_space<hbm>>
      %dma_start3A_123 = tpu.memref_slice %arg4[%add3A_85] : memref<335872xi32, #tpu.memory_space<hbm>> -> memref<64xi32, #tpu.memory_space<hbm>>
      tpu.enqueue_dma source(%dma_start3A_123 : memref<64xi32, #tpu.memory_space<hbm>>) target(%arg16 : memref<64xi32, #tpu.memory_space<vmem>>) target_semaphore(%run_scoped3A : memref<!tpu.dma_semaphore, #tpu.memory_space<semaphore_mem>>)
      %dma_wait3A = tpu.memref_slice %arg4[%add3A_85] : memref<335872xi32, #tpu.memory_space<hbm>> -> memref<64xi32, #tpu.memory_space<hbm>>
      %dma_wait3A_124 = tpu.memref_slice %arg4[%add3A_85] : memref<335872xi32, #tpu.memory_space<hbm>> -> memref<64xi32, #tpu.memory_space<hbm>>
      tpu.wait_dma2 semaphore(%run_scoped3A : memref<!tpu.dma_semaphore, #tpu.memory_space<semaphore_mem>>) src(%dma_wait3A_124 : memref<64xi32, #tpu.memory_space<hbm>>) dst(%arg16 : memref<64xi32, #tpu.memory_space<vmem>>)
      tpu.yield
    }) : () -> ()
    %add3A_86 = arith.constant 64 : i32
    %add3A_87 = arith.addi %mul3A_74, %add3A_86 : i32
    "tpu.region"() ({
      %run_scoped3A = tpu.sem_alloc : memref<!tpu.dma_semaphore, #tpu.memory_space<semaphore_mem>>
      %dma_start3A_122 = tpu.memref_slice %arg5[%add3A_87] : memref<335872xi32, #tpu.memory_space<hbm>> -> memref<64xi32, #tpu.memory_space<hbm>>
      %dma_start3A_123 = tpu.memref_slice %arg5[%add3A_87] : memref<335872xi32, #tpu.memory_space<hbm>> -> memref<64xi32, #tpu.memory_space<hbm>>
      tpu.enqueue_dma source(%dma_start3A_123 : memref<64xi32, #tpu.memory_space<hbm>>) target(%arg18 : memref<64xi32, #tpu.memory_space<vmem>>) target_semaphore(%run_scoped3A : memref<!tpu.dma_semaphore, #tpu.memory_space<semaphore_mem>>)
      %dma_wait3A = tpu.memref_slice %arg5[%add3A_87] : memref<335872xi32, #tpu.memory_space<hbm>> -> memref<64xi32, #tpu.memory_space<hbm>>
      %dma_wait3A_124 = tpu.memref_slice %arg5[%add3A_87] : memref<335872xi32, #tpu.memory_space<hbm>> -> memref<64xi32, #tpu.memory_space<hbm>>
      tpu.wait_dma2 semaphore(%run_scoped3A : memref<!tpu.dma_semaphore, #tpu.memory_space<semaphore_mem>>) src(%dma_wait3A_124 : memref<64xi32, #tpu.memory_space<hbm>>) dst(%arg18 : memref<64xi32, #tpu.memory_space<vmem>>)
      tpu.yield
    }) : () -> ()
    %dma_start3A_88 = arith.constant 0 : i32
    %dma_start3A_89 = arith.constant 0 : i32
    %dma_start3A_90 = tpu.memref_slice %arg2[%dma_start3A_88, %dma_start3A_89] : memref<10000x128xf32, #tpu.memory_space<hbm>> -> memref<10000x128xf32, #tpu.memory_space<hbm>>
    tpu.enqueue_indirect_dma source(%dma_start3A_90 : memref<10000x128xf32, #tpu.memory_space<hbm>>) target(%arg12 : memref<64x128xf32, #tpu.memory_space<vmem>>) offsets(%arg16 : memref<64xi32, #tpu.memory_space<vmem>>) semaphore(%arg25 : memref<!tpu.dma_semaphore, #tpu.memory_space<semaphore_mem>>)
    %dma_start3A_91 = arith.constant 0 : i32
    %dma_start3A_92 = arith.constant 0 : i32
    %dma_start3A_93 = tpu.memref_slice %arg3[%dma_start3A_91, %dma_start3A_92] : memref<10000x128xf32, #tpu.memory_space<hbm>> -> memref<10000x128xf32, #tpu.memory_space<hbm>>
    tpu.enqueue_indirect_dma source(%dma_start3A_93 : memref<10000x128xf32, #tpu.memory_space<hbm>>) target(%arg14 : memref<64x128xf32, #tpu.memory_space<vmem>>) offsets(%arg18 : memref<64xi32, #tpu.memory_space<vmem>>) semaphore(%arg25 : memref<!tpu.dma_semaphore, #tpu.memory_space<semaphore_mem>>)
    %scan3A_94 = arith.constant 0 : i32
    %scan3A_95 = arith.constant 0 : i32
    %scan3A_96 = arith.constant 82 : i32
    %scan3A_97 = arith.addi %scan3A_95, %scan3A_96 : i32
    %scan3A_98 = arith.constant 1 : i32
    %scan3A_99 = scf.for %scan3A_122 = %scan3A_95 to %scan3A_97 step %scan3A_98 iter_args(%scan3A_123 = %scan3A_94) -> (i32)  : i32 {
      %mul3A_124 = arith.constant 2 : i32
      %mul3A_125 = arith.muli %mul3A_124, %scan3A_122 : i32
      %add3A_126 = arith.constant 0 : i32
      %add3A_127 = arith.addi %mul3A_125, %add3A_126 : i32
      %dma_wait3A = arith.constant 0 : i32
      %dma_wait3A_128 = arith.constant 0 : i32
      %dma_wait3A_129 = tpu.memref_slice %arg2[%dma_wait3A, %dma_wait3A_128] : memref<10000x128xf32, #tpu.memory_space<hbm>> -> memref<10000x128xf32, #tpu.memory_space<hbm>>
      tpu.wait_indirect_dma semaphore(%arg24 : memref<!tpu.dma_semaphore, #tpu.memory_space<semaphore_mem>>) src(%dma_wait3A_129 : memref<10000x128xf32, #tpu.memory_space<hbm>>) dst(%arg11 : memref<64x128xf32, #tpu.memory_space<vmem>>)
      %dma_wait3A_130 = arith.constant 0 : i32
      %dma_wait3A_131 = arith.constant 0 : i32
      %dma_wait3A_132 = tpu.memref_slice %arg3[%dma_wait3A_130, %dma_wait3A_131] : memref<10000x128xf32, #tpu.memory_space<hbm>> -> memref<10000x128xf32, #tpu.memory_space<hbm>>
      tpu.wait_indirect_dma semaphore(%arg24 : memref<!tpu.dma_semaphore, #tpu.memory_space<semaphore_mem>>) src(%dma_wait3A_132 : memref<10000x128xf32, #tpu.memory_space<hbm>>) dst(%arg13 : memref<64x128xf32, #tpu.memory_space<vmem>>)
      %get3A_133 = arith.constant 0 : index
      %get3A_134 = tpu.vector_load %arg17[%get3A_133] {strides = array<i32>} : memref<64xi32, #tpu.memory_space<vmem>>, vector<16xi32>,
      %get3A_135 = vector.shape_cast %get3A_134 : vector<16xi32> to vector<16xi32>
      %swap3A = arith.constant 0 : index
      %swap3A_136 = tpu.vector_load %arg19[%swap3A] {strides = array<i32>} : memref<64xi32, #tpu.memory_space<vmem>>, vector<16xi32>,
      %swap3A_137 = vector.shape_cast %swap3A_136 : vector<16xi32> to vector<16xi32>
      %swap3A_138 = vector.shape_cast %get3A_135 : vector<16xi32> to vector<16xi32>
      tpu.vector_store %arg19[%swap3A], %swap3A_138 {strides = array<i32>} : memref<64xi32, #tpu.memory_space<vmem>>, vector<16xi32>,
      %get3A_139 = arith.constant 16 : index
      %get3A_140 = tpu.vector_load %arg17[%get3A_139] {strides = array<i32>} : memref<64xi32, #tpu.memory_space<vmem>>, vector<16xi32>,
      %get3A_141 = vector.shape_cast %get3A_140 : vector<16xi32> to vector<16xi32>
      %swap3A_142 = arith.constant 16 : index
      %swap3A_143 = tpu.vector_load %arg19[%swap3A_142] {strides = array<i32>} : memref<64xi32, #tpu.memory_space<vmem>>, vector<16xi32>,
      %swap3A_144 = vector.shape_cast %swap3A_143 : vector<16xi32> to vector<16xi32>
      %swap3A_145 = vector.shape_cast %get3A_141 : vector<16xi32> to vector<16xi32>
      tpu.vector_store %arg19[%swap3A_142], %swap3A_145 {strides = array<i32>} : memref<64xi32, #tpu.memory_space<vmem>>, vector<16xi32>,
      %get3A_146 = arith.constant 32 : index
      %get3A_147 = tpu.vector_load %arg17[%get3A_146] {strides = array<i32>} : memref<64xi32, #tpu.memory_space<vmem>>, vector<16xi32>,
      %get3A_148 = vector.shape_cast %get3A_147 : vector<16xi32> to vector<16xi32>
      %swap3A_149 = arith.constant 32 : index
      %swap3A_150 = tpu.vector_load %arg19[%swap3A_149] {strides = array<i32>} : memref<64xi32, #tpu.memory_space<vmem>>, vector<16xi32>,
      %swap3A_151 = vector.shape_cast %swap3A_150 : vector<16xi32> to vector<16xi32>
      %swap3A_152 = vector.shape_cast %get3A_148 : vector<16xi32> to vector<16xi32>
      tpu.vector_store %arg19[%swap3A_149], %swap3A_152 {strides = array<i32>} : memref<64xi32, #tpu.memory_space<vmem>>, vector<16xi32>,
      %get3A_153 = arith.constant 48 : index
      %get3A_154 = tpu.vector_load %arg17[%get3A_153] {strides = array<i32>} : memref<64xi32, #tpu.memory_space<vmem>>, vector<16xi32>,
      %get3A_155 = vector.shape_cast %get3A_154 : vector<16xi32> to vector<16xi32>
      %swap3A_156 = arith.constant 48 : index
      %swap3A_157 = tpu.vector_load %arg19[%swap3A_156] {strides = array<i32>} : memref<64xi32, #tpu.memory_space<vmem>>, vector<16xi32>,
      %swap3A_158 = vector.shape_cast %swap3A_157 : vector<16xi32> to vector<16xi32>
      %swap3A_159 = vector.shape_cast %get3A_155 : vector<16xi32> to vector<16xi32>
      tpu.vector_store %arg19[%swap3A_156], %swap3A_159 {strides = array<i32>} : memref<64xi32, #tpu.memory_space<vmem>>, vector<16xi32>,
      %add3A_160 = arith.constant 2 : i32
      %add3A_161 = arith.addi %add3A_127, %add3A_160 : i32
      %mul3A_162 = arith.constant 64 : i32
      %mul3A_163 = arith.muli %add3A_161, %mul3A_162 : i32
      %add3A_164 = arith.addi %mul3A_74, %mul3A_163 : i32
      %lt3A = arith.constant 81 : i32
      %lt3A_165 = arith.cmpi slt, %scan3A_122, %lt3A : i32
      %convert_element_type3A = arith.extui %lt3A_165 : i1 to i32
      %cond3A = arith.constant 0 : i32
      %cond3A_166 = arith.cmpi ne, %convert_element_type3A, %cond3A : i32
      scf.if %cond3A_166 {
        %dma_start3A_264 = tpu.memref_slice %arg4[%add3A_164] : memref<335872xi32, #tpu.memory_space<hbm>> -> memref<64xi32, #tpu.memory_space<hbm>>
        %dma_start3A_265 = tpu.memref_slice %arg4[%add3A_164] : memref<335872xi32, #tpu.memory_space<hbm>> -> memref<64xi32, #tpu.memory_space<hbm>>
        tpu.enqueue_dma source(%dma_start3A_265 : memref<64xi32, #tpu.memory_space<hbm>>) target(%arg15 : memref<64xi32, #tpu.memory_space<vmem>>) target_semaphore(%arg26 : memref<!tpu.dma_semaphore, #tpu.memory_space<semaphore_mem>>)
        %dma_start3A_266 = tpu.memref_slice %arg5[%add3A_164] : memref<335872xi32, #tpu.memory_space<hbm>> -> memref<64xi32, #tpu.memory_space<hbm>>
        %dma_start3A_267 = tpu.memref_slice %arg5[%add3A_164] : memref<335872xi32, #tpu.memory_space<hbm>> -> memref<64xi32, #tpu.memory_space<hbm>>
        tpu.enqueue_dma source(%dma_start3A_267 : memref<64xi32, #tpu.memory_space<hbm>>) target(%arg17 : memref<64xi32, #tpu.memory_space<vmem>>) target_semaphore(%arg26 : memref<!tpu.dma_semaphore, #tpu.memory_space<semaphore_mem>>)
      } else {
      }
      %scan3A_167 = arith.constant 0 : i32
      %scan3A_168 = arith.constant 0 : i32
      %scan3A_169 = arith.constant 64 : i32
      %scan3A_170 = arith.addi %scan3A_168, %scan3A_169 : i32
      %scan3A_171 = arith.constant 4 : i32
      %scan3A_172 = scf.for %scan3A_264 = %scan3A_168 to %scan3A_170 step %scan3A_171 iter_args(%scan3A_265 = %scan3A_167) -> (i32)  : i32 {
        %get3A_266 = arith.index_cast %scan3A_264 : i32 to index
        %get3A_267 = arith.constant 0 : index
        %get3A_268 = tpu.vector_load %arg11[%get3A_266, %get3A_267] {strides = array<i32>} : memref<64x128xf32, #tpu.memory_space<vmem>>, vector<1x16xf32>,
        %get3A_269 = vector.shape_cast %get3A_268 : vector<1x16xf32> to vector<16xf32>
        %get3A_270 = arith.index_cast %scan3A_264 : i32 to index
        %get3A_271 = arith.constant 16 : index
        %get3A_272 = tpu.vector_load %arg11[%get3A_270, %get3A_271] {strides = array<i32>} : memref<64x128xf32, #tpu.memory_space<vmem>>, vector<1x16xf32>,
        %get3A_273 = vector.shape_cast %get3A_272 : vector<1x16xf32> to vector<16xf32>
        %get3A_274 = arith.index_cast %scan3A_264 : i32 to index
        %get3A_275 = arith.constant 32 : index
        %get3A_276 = tpu.vector_load %arg11[%get3A_274, %get3A_275] {strides = array<i32>} : memref<64x128xf32, #tpu.memory_space<vmem>>, vector<1x16xf32>,
        %get3A_277 = vector.shape_cast %get3A_276 : vector<1x16xf32> to vector<16xf32>
        %get3A_278 = arith.index_cast %scan3A_264 : i32 to index
        %get3A_279 = arith.constant 48 : index
        %get3A_280 = tpu.vector_load %arg11[%get3A_278, %get3A_279] {strides = array<i32>} : memref<64x128xf32, #tpu.memory_space<vmem>>, vector<1x16xf32>,
        %get3A_281 = vector.shape_cast %get3A_280 : vector<1x16xf32> to vector<16xf32>
        %get3A_282 = arith.index_cast %scan3A_264 : i32 to index
        %get3A_283 = arith.constant 64 : index
        %get3A_284 = tpu.vector_load %arg11[%get3A_282, %get3A_283] {strides = array<i32>} : memref<64x128xf32, #tpu.memory_space<vmem>>, vector<1x16xf32>,
        %get3A_285 = vector.shape_cast %get3A_284 : vector<1x16xf32> to vector<16xf32>
        %get3A_286 = arith.index_cast %scan3A_264 : i32 to index
        %get3A_287 = arith.constant 80 : index
        %get3A_288 = tpu.vector_load %arg11[%get3A_286, %get3A_287] {strides = array<i32>} : memref<64x128xf32, #tpu.memory_space<vmem>>, vector<1x16xf32>,
        %get3A_289 = vector.shape_cast %get3A_288 : vector<1x16xf32> to vector<16xf32>
        %get3A_290 = arith.index_cast %scan3A_264 : i32 to index
        %get3A_291 = arith.constant 96 : index
        %get3A_292 = tpu.vector_load %arg11[%get3A_290, %get3A_291] {strides = array<i32>} : memref<64x128xf32, #tpu.memory_space<vmem>>, vector<1x16xf32>,
        %get3A_293 = vector.shape_cast %get3A_292 : vector<1x16xf32> to vector<16xf32>
        %get3A_294 = arith.index_cast %scan3A_264 : i32 to index
        %get3A_295 = arith.constant 112 : index
        %get3A_296 = tpu.vector_load %arg11[%get3A_294, %get3A_295] {strides = array<i32>} : memref<64x128xf32, #tpu.memory_space<vmem>>, vector<1x16xf32>,
        %get3A_297 = vector.shape_cast %get3A_296 : vector<1x16xf32> to vector<16xf32>
        %get3A_298 = arith.index_cast %scan3A_264 : i32 to index
        %get3A_299 = arith.constant 0 : index
        %get3A_300 = tpu.vector_load %arg13[%get3A_298, %get3A_299] {strides = array<i32>} : memref<64x128xf32, #tpu.memory_space<vmem>>, vector<1x16xf32>,
        %get3A_301 = vector.shape_cast %get3A_300 : vector<1x16xf32> to vector<16xf32>
        %add3A_302 = arith.addf %get3A_269, %get3A_301 : vector<16xf32>
        %mul3A_303 = arith.constant 2.000000e-01 : f32
        %mul3A_304 = vector.broadcast %mul3A_303 : f32 to vector<16xf32>
        %mul3A_305 = arith.mulf %mul3A_304, %add3A_302 : vector<16xf32>
        %max3A = arith.maximumf %add3A_302, %mul3A_305 : vector<16xf32>
        %mul3A_306 = arith.mulf %max3A, %get3A_51 : vector<16xf32>
        %add3A_307 = arith.addf %broadcast_in_dim3A_1, %mul3A_306 : vector<16xf32>
        %get3A_308 = arith.index_cast %scan3A_264 : i32 to index
        %get3A_309 = arith.constant 16 : index
        %get3A_310 = tpu.vector_load %arg13[%get3A_308, %get3A_309] {strides = array<i32>} : memref<64x128xf32, #tpu.memory_space<vmem>>, vector<1x16xf32>,
        %get3A_311 = vector.shape_cast %get3A_310 : vector<1x16xf32> to vector<16xf32>
        %add3A_312 = arith.addf %get3A_273, %get3A_311 : vector<16xf32>
        %mul3A_313 = arith.constant 2.000000e-01 : f32
        %mul3A_314 = vector.broadcast %mul3A_313 : f32 to vector<16xf32>
        %mul3A_315 = arith.mulf %mul3A_314, %add3A_312 : vector<16xf32>
        %max3A_316 = arith.maximumf %add3A_312, %mul3A_315 : vector<16xf32>
        %mul3A_317 = arith.mulf %max3A_316, %get3A_54 : vector<16xf32>
        %add3A_318 = arith.addf %add3A_307, %mul3A_317 : vector<16xf32>
        %get3A_319 = arith.index_cast %scan3A_264 : i32 to index
        %get3A_320 = arith.constant 32 : index
        %get3A_321 = tpu.vector_load %arg13[%get3A_319, %get3A_320] {strides = array<i32>} : memref<64x128xf32, #tpu.memory_space<vmem>>, vector<1x16xf32>,
        %get3A_322 = vector.shape_cast %get3A_321 : vector<1x16xf32> to vector<16xf32>
        %add3A_323 = arith.addf %get3A_277, %get3A_322 : vector<16xf32>
        %mul3A_324 = arith.constant 2.000000e-01 : f32
        %mul3A_325 = vector.broadcast %mul3A_324 : f32 to vector<16xf32>
        %mul3A_326 = arith.mulf %mul3A_325, %add3A_323 : vector<16xf32>
        %max3A_327 = arith.maximumf %add3A_323, %mul3A_326 : vector<16xf32>
        %mul3A_328 = arith.mulf %max3A_327, %get3A_57 : vector<16xf32>
        %add3A_329 = arith.addf %add3A_318, %mul3A_328 : vector<16xf32>
        %get3A_330 = arith.index_cast %scan3A_264 : i32 to index
        %get3A_331 = arith.constant 48 : index
        %get3A_332 = tpu.vector_load %arg13[%get3A_330, %get3A_331] {strides = array<i32>} : memref<64x128xf32, #tpu.memory_space<vmem>>, vector<1x16xf32>,
        %get3A_333 = vector.shape_cast %get3A_332 : vector<1x16xf32> to vector<16xf32>
        %add3A_334 = arith.addf %get3A_281, %get3A_333 : vector<16xf32>
        %mul3A_335 = arith.constant 2.000000e-01 : f32
        %mul3A_336 = vector.broadcast %mul3A_335 : f32 to vector<16xf32>
        %mul3A_337 = arith.mulf %mul3A_336, %add3A_334 : vector<16xf32>
        %max3A_338 = arith.maximumf %add3A_334, %mul3A_337 : vector<16xf32>
        %mul3A_339 = arith.mulf %max3A_338, %get3A_60 : vector<16xf32>
        %add3A_340 = arith.addf %add3A_329, %mul3A_339 : vector<16xf32>
        %get3A_341 = arith.index_cast %scan3A_264 : i32 to index
        %get3A_342 = arith.constant 64 : index
        %get3A_343 = tpu.vector_load %arg13[%get3A_341, %get3A_342] {strides = array<i32>} : memref<64x128xf32, #tpu.memory_space<vmem>>, vector<1x16xf32>,
        %get3A_344 = vector.shape_cast %get3A_343 : vector<1x16xf32> to vector<16xf32>
        %add3A_345 = arith.addf %get3A_285, %get3A_344 : vector<16xf32>
        %mul3A_346 = arith.constant 2.000000e-01 : f32
        %mul3A_347 = vector.broadcast %mul3A_346 : f32 to vector<16xf32>
        %mul3A_348 = arith.mulf %mul3A_347, %add3A_345 : vector<16xf32>
        %max3A_349 = arith.maximumf %add3A_345, %mul3A_348 : vector<16xf32>
        %mul3A_350 = arith.mulf %max3A_349, %get3A_63 : vector<16xf32>
        %add3A_351 = arith.addf %add3A_340, %mul3A_350 : vector<16xf32>
        %get3A_352 = arith.index_cast %scan3A_264 : i32 to index
        %get3A_353 = arith.constant 80 : index
        %get3A_354 = tpu.vector_load %arg13[%get3A_352, %get3A_353] {strides = array<i32>} : memref<64x128xf32, #tpu.memory_space<vmem>>, vector<1x16xf32>,
        %get3A_355 = vector.shape_cast %get3A_354 : vector<1x16xf32> to vector<16xf32>
        %add3A_356 = arith.addf %get3A_289, %get3A_355 : vector<16xf32>
        %mul3A_357 = arith.constant 2.000000e-01 : f32
        %mul3A_358 = vector.broadcast %mul3A_357 : f32 to vector<16xf32>
        %mul3A_359 = arith.mulf %mul3A_358, %add3A_356 : vector<16xf32>
        %max3A_360 = arith.maximumf %add3A_356, %mul3A_359 : vector<16xf32>
        %mul3A_361 = arith.mulf %max3A_360, %get3A_66 : vector<16xf32>
        %add3A_362 = arith.addf %add3A_351, %mul3A_361 : vector<16xf32>
        %get3A_363 = arith.index_cast %scan3A_264 : i32 to index
        %get3A_364 = arith.constant 96 : index
        %get3A_365 = tpu.vector_load %arg13[%get3A_363, %get3A_364] {strides = array<i32>} : memref<64x128xf32, #tpu.memory_space<vmem>>, vector<1x16xf32>,
        %get3A_366 = vector.shape_cast %get3A_365 : vector<1x16xf32> to vector<16xf32>
        %add3A_367 = arith.addf %get3A_293, %get3A_366 : vector<16xf32>
        %mul3A_368 = arith.constant 2.000000e-01 : f32
        %mul3A_369 = vector.broadcast %mul3A_368 : f32 to vector<16xf32>
        %mul3A_370 = arith.mulf %mul3A_369, %add3A_367 : vector<16xf32>
        %max3A_371 = arith.maximumf %add3A_367, %mul3A_370 : vector<16xf32>
        %mul3A_372 = arith.mulf %max3A_371, %get3A_69 : vector<16xf32>
        %add3A_373 = arith.addf %add3A_362, %mul3A_372 : vector<16xf32>
        %get3A_374 = arith.index_cast %scan3A_264 : i32 to index
        %get3A_375 = arith.constant 112 : index
        %get3A_376 = tpu.vector_load %arg13[%get3A_374, %get3A_375] {strides = array<i32>} : memref<64x128xf32, #tpu.memory_space<vmem>>, vector<1x16xf32>,
        %get3A_377 = vector.shape_cast %get3A_376 : vector<1x16xf32> to vector<16xf32>
        %add3A_378 = arith.addf %get3A_297, %get3A_377 : vector<16xf32>
        %mul3A_379 = arith.constant 2.000000e-01 : f32
        %mul3A_380 = vector.broadcast %mul3A_379 : f32 to vector<16xf32>
        %mul3A_381 = arith.mulf %mul3A_380, %add3A_378 : vector<16xf32>
        %max3A_382 = arith.maximumf %add3A_378, %mul3A_381 : vector<16xf32>
        %mul3A_383 = arith.mulf %max3A_382, %get3A_72 : vector<16xf32>
        %add3A_384 = arith.addf %add3A_373, %mul3A_383 : vector<16xf32>
        %xor3A = arith.constant 8 : i32
        %xor3A_385 = vector.broadcast %xor3A : i32 to vector<16xi32>
        %xor3A_386 = arith.xori %iota3A, %xor3A_385 : vector<16xi32>
        %lt3A_387 = arith.constant 0 : i32
        %lt3A_388 = vector.broadcast %lt3A_387 : i32 to vector<16xi32>
        %lt3A_389 = arith.cmpi slt, %xor3A_386, %lt3A_388 : vector<16xi32>
        %add3A_390 = arith.constant 16 : i32
        %add3A_391 = vector.broadcast %add3A_390 : i32 to vector<16xi32>
        %add3A_392 = arith.addi %xor3A_386, %add3A_391 : vector<16xi32>
        %select_n3A = arith.select %lt3A_389, %add3A_392, %xor3A_386 : vector<16xi1>, vector<16xi32>
        %broadcast_in_dim3A_393 = vector.shape_cast %select_n3A : vector<16xi32> to vector<16x1xi32>
        %gather3A = vector.shape_cast %broadcast_in_dim3A_393 : vector<16x1xi32> to vector<16xi32>
        %gather3A_394 = tpu.dynamic_gather %add3A_384[%gather3A] in [0] : vector<16xf32>, vector<16xi32> -> vector<16xf32>
        %add3A_395 = arith.addf %add3A_384, %gather3A_394 : vector<16xf32>
        %xor3A_396 = arith.constant 4 : i32
        %xor3A_397 = vector.broadcast %xor3A_396 : i32 to vector<16xi32>
        %xor3A_398 = arith.xori %iota3A, %xor3A_397 : vector<16xi32>
        %lt3A_399 = arith.constant 0 : i32
        %lt3A_400 = vector.broadcast %lt3A_399 : i32 to vector<16xi32>
        %lt3A_401 = arith.cmpi slt, %xor3A_398, %lt3A_400 : vector<16xi32>
        %add3A_402 = arith.constant 16 : i32
        %add3A_403 = vector.broadcast %add3A_402 : i32 to vector<16xi32>
        %add3A_404 = arith.addi %xor3A_398, %add3A_403 : vector<16xi32>
        %select_n3A_405 = arith.select %lt3A_401, %add3A_404, %xor3A_398 : vector<16xi1>, vector<16xi32>
        %broadcast_in_dim3A_406 = vector.shape_cast %select_n3A_405 : vector<16xi32> to vector<16x1xi32>
        %gather3A_407 = vector.shape_cast %broadcast_in_dim3A_406 : vector<16x1xi32> to vector<16xi32>
        %gather3A_408 = tpu.dynamic_gather %add3A_395[%gather3A_407] in [0] : vector<16xf32>, vector<16xi32> -> vector<16xf32>
        %add3A_409 = arith.addf %add3A_395, %gather3A_408 : vector<16xf32>
        %xor3A_410 = arith.constant 2 : i32
        %xor3A_411 = vector.broadcast %xor3A_410 : i32 to vector<16xi32>
        %xor3A_412 = arith.xori %iota3A, %xor3A_411 : vector<16xi32>
        %lt3A_413 = arith.constant 0 : i32
        %lt3A_414 = vector.broadcast %lt3A_413 : i32 to vector<16xi32>
        %lt3A_415 = arith.cmpi slt, %xor3A_412, %lt3A_414 : vector<16xi32>
        %add3A_416 = arith.constant 16 : i32
        %add3A_417 = vector.broadcast %add3A_416 : i32 to vector<16xi32>
        %add3A_418 = arith.addi %xor3A_412, %add3A_417 : vector<16xi32>
        %select_n3A_419 = arith.select %lt3A_415, %add3A_418, %xor3A_412 : vector<16xi1>, vector<16xi32>
        %broadcast_in_dim3A_420 = vector.shape_cast %select_n3A_419 : vector<16xi32> to vector<16x1xi32>
        %gather3A_421 = vector.shape_cast %broadcast_in_dim3A_420 : vector<16x1xi32> to vector<16xi32>
        %gather3A_422 = tpu.dynamic_gather %add3A_409[%gather3A_421] in [0] : vector<16xf32>, vector<16xi32> -> vector<16xf32>
        %add3A_423 = arith.addf %add3A_409, %gather3A_422 : vector<16xf32>
        %xor3A_424 = arith.constant 1 : i32
        %xor3A_425 = vector.broadcast %xor3A_424 : i32 to vector<16xi32>
        %xor3A_426 = arith.xori %iota3A, %xor3A_425 : vector<16xi32>
        %lt3A_427 = arith.constant 0 : i32
        %lt3A_428 = vector.broadcast %lt3A_427 : i32 to vector<16xi32>
        %lt3A_429 = arith.cmpi slt, %xor3A_426, %lt3A_428 : vector<16xi32>
        %add3A_430 = arith.constant 16 : i32
        %add3A_431 = vector.broadcast %add3A_430 : i32 to vector<16xi32>
        %add3A_432 = arith.addi %xor3A_426, %add3A_431 : vector<16xi32>
        %select_n3A_433 = arith.select %lt3A_429, %add3A_432, %xor3A_426 : vector<16xi1>, vector<16xi32>
        %broadcast_in_dim3A_434 = vector.shape_cast %select_n3A_433 : vector<16xi32> to vector<16x1xi32>
        %gather3A_435 = vector.shape_cast %broadcast_in_dim3A_434 : vector<16x1xi32> to vector<16xi32>
        %gather3A_436 = tpu.dynamic_gather %add3A_423[%gather3A_435] in [0] : vector<16xf32>, vector<16xi32> -> vector<16xf32>
        %add3A_437 = arith.addf %add3A_423, %gather3A_436 : vector<16xf32>
        %exp3A = math.exp %add3A_437 : vector<16xf32>
        %mul3A_438 = arith.mulf %get3A_269, %exp3A : vector<16xf32>
        %swap3A_439 = arith.index_cast %scan3A_264 : i32 to index
        %swap3A_440 = arith.constant 0 : index
        %swap3A_441 = tpu.vector_load %arg11[%swap3A_439, %swap3A_440] {strides = array<i32>} : memref<64x128xf32, #tpu.memory_space<vmem>>, vector<1x16xf32>,
        %swap3A_442 = vector.shape_cast %swap3A_441 : vector<1x16xf32> to vector<16xf32>
        %swap3A_443 = vector.shape_cast %mul3A_438 : vector<16xf32> to vector<1x16xf32>
        tpu.vector_store %arg11[%swap3A_439, %swap3A_440], %swap3A_443 {strides = array<i32>} : memref<64x128xf32, #tpu.memory_space<vmem>>, vector<1x16xf32>,
        %mul3A_444 = arith.mulf %get3A_273, %exp3A : vector<16xf32>
        %swap3A_445 = arith.index_cast %scan3A_264 : i32 to index
        %swap3A_446 = arith.constant 16 : index
        %swap3A_447 = tpu.vector_load %arg11[%swap3A_445, %swap3A_446] {strides = array<i32>} : memref<64x128xf32, #tpu.memory_space<vmem>>, vector<1x16xf32>,
        %swap3A_448 = vector.shape_cast %swap3A_447 : vector<1x16xf32> to vector<16xf32>
        %swap3A_449 = vector.shape_cast %mul3A_444 : vector<16xf32> to vector<1x16xf32>
        tpu.vector_store %arg11[%swap3A_445, %swap3A_446], %swap3A_449 {strides = array<i32>} : memref<64x128xf32, #tpu.memory_space<vmem>>, vector<1x16xf32>,
        %mul3A_450 = arith.mulf %get3A_277, %exp3A : vector<16xf32>
        %swap3A_451 = arith.index_cast %scan3A_264 : i32 to index
        %swap3A_452 = arith.constant 32 : index
        %swap3A_453 = tpu.vector_load %arg11[%swap3A_451, %swap3A_452] {strides = array<i32>} : memref<64x128xf32, #tpu.memory_space<vmem>>, vector<1x16xf32>,
        %swap3A_454 = vector.shape_cast %swap3A_453 : vector<1x16xf32> to vector<16xf32>
        %swap3A_455 = vector.shape_cast %mul3A_450 : vector<16xf32> to vector<1x16xf32>
        tpu.vector_store %arg11[%swap3A_451, %swap3A_452], %swap3A_455 {strides = array<i32>} : memref<64x128xf32, #tpu.memory_space<vmem>>, vector<1x16xf32>,
        %mul3A_456 = arith.mulf %get3A_281, %exp3A : vector<16xf32>
        %swap3A_457 = arith.index_cast %scan3A_264 : i32 to index
        %swap3A_458 = arith.constant 48 : index
        %swap3A_459 = tpu.vector_load %arg11[%swap3A_457, %swap3A_458] {strides = array<i32>} : memref<64x128xf32, #tpu.memory_space<vmem>>, vector<1x16xf32>,
        %swap3A_460 = vector.shape_cast %swap3A_459 : vector<1x16xf32> to vector<16xf32>
        %swap3A_461 = vector.shape_cast %mul3A_456 : vector<16xf32> to vector<1x16xf32>
        tpu.vector_store %arg11[%swap3A_457, %swap3A_458], %swap3A_461 {strides = array<i32>} : memref<64x128xf32, #tpu.memory_space<vmem>>, vector<1x16xf32>,
        %mul3A_462 = arith.mulf %get3A_285, %exp3A : vector<16xf32>
        %swap3A_463 = arith.index_cast %scan3A_264 : i32 to index
        %swap3A_464 = arith.constant 64 : index
        %swap3A_465 = tpu.vector_load %arg11[%swap3A_463, %swap3A_464] {strides = array<i32>} : memref<64x128xf32, #tpu.memory_space<vmem>>, vector<1x16xf32>,
        %swap3A_466 = vector.shape_cast %swap3A_465 : vector<1x16xf32> to vector<16xf32>
        %swap3A_467 = vector.shape_cast %mul3A_462 : vector<16xf32> to vector<1x16xf32>
        tpu.vector_store %arg11[%swap3A_463, %swap3A_464], %swap3A_467 {strides = array<i32>} : memref<64x128xf32, #tpu.memory_space<vmem>>, vector<1x16xf32>,
        %mul3A_468 = arith.mulf %get3A_289, %exp3A : vector<16xf32>
        %swap3A_469 = arith.index_cast %scan3A_264 : i32 to index
        %swap3A_470 = arith.constant 80 : index
        %swap3A_471 = tpu.vector_load %arg11[%swap3A_469, %swap3A_470] {strides = array<i32>} : memref<64x128xf32, #tpu.memory_space<vmem>>, vector<1x16xf32>,
        %swap3A_472 = vector.shape_cast %swap3A_471 : vector<1x16xf32> to vector<16xf32>
        %swap3A_473 = vector.shape_cast %mul3A_468 : vector<16xf32> to vector<1x16xf32>
        tpu.vector_store %arg11[%swap3A_469, %swap3A_470], %swap3A_473 {strides = array<i32>} : memref<64x128xf32, #tpu.memory_space<vmem>>, vector<1x16xf32>,
        %mul3A_474 = arith.mulf %get3A_293, %exp3A : vector<16xf32>
        %swap3A_475 = arith.index_cast %scan3A_264 : i32 to index
        %swap3A_476 = arith.constant 96 : index
        %swap3A_477 = tpu.vector_load %arg11[%swap3A_475, %swap3A_476] {strides = array<i32>} : memref<64x128xf32, #tpu.memory_space<vmem>>, vector<1x16xf32>,
        %swap3A_478 = vector.shape_cast %swap3A_477 : vector<1x16xf32> to vector<16xf32>
        %swap3A_479 = vector.shape_cast %mul3A_474 : vector<16xf32> to vector<1x16xf32>
        tpu.vector_store %arg11[%swap3A_475, %swap3A_476], %swap3A_479 {strides = array<i32>} : memref<64x128xf32, #tpu.memory_space<vmem>>, vector<1x16xf32>,
        %mul3A_480 = arith.mulf %get3A_297, %exp3A : vector<16xf32>
        %swap3A_481 = arith.index_cast %scan3A_264 : i32 to index
        %swap3A_482 = arith.constant 112 : index
        %swap3A_483 = tpu.vector_load %arg11[%swap3A_481, %swap3A_482] {strides = array<i32>} : memref<64x128xf32, #tpu.memory_space<vmem>>, vector<1x16xf32>,
        %swap3A_484 = vector.shape_cast %swap3A_483 : vector<1x16xf32> to vector<16xf32>
        %swap3A_485 = vector.shape_cast %mul3A_480 : vector<16xf32> to vector<1x16xf32>
        tpu.vector_store %arg11[%swap3A_481, %swap3A_482], %swap3A_485 {strides = array<i32>} : memref<64x128xf32, #tpu.memory_space<vmem>>, vector<1x16xf32>,
        %eq3A = arith.constant 0 : i32
        %eq3A_486 = vector.broadcast %eq3A : i32 to vector<16xi32>
        %eq3A_487 = arith.cmpi eq, %iota3A, %eq3A_486 : vector<16xi32>
        %jit3A = arith.constant 0.000000e+00 : f32
        %broadcast_in_dim3A_488 = vector.broadcast %jit3A : f32 to vector<16xf32>
        %select_n3A_489 = arith.select %eq3A_487, %exp3A, %broadcast_in_dim3A_488 : vector<16xi1>, vector<16xf32>
        %swap3A_490 = arith.index_cast %scan3A_264 : i32 to index
        %swap3A_491 = arith.constant 0 : index
        %swap3A_492 = tpu.vector_load %arg21[%swap3A_490, %swap3A_491] {strides = array<i32>} : memref<64x16xf32, #tpu.memory_space<vmem>>, vector<1x16xf32>,
        %swap3A_493 = vector.shape_cast %swap3A_492 : vector<1x16xf32> to vector<16xf32>
        %swap3A_494 = vector.shape_cast %select_n3A_489 : vector<16xf32> to vector<1x16xf32>
        tpu.vector_store %arg21[%swap3A_490, %swap3A_491], %swap3A_494 {strides = array<i32>} : memref<64x16xf32, #tpu.memory_space<vmem>>, vector<1x16xf32>,
        %scan3A_495 = arith.constant 0 : i32
        %scan3A_496 = arith.constant 1 : i32
        %scan3A_497 = arith.addi %scan3A_264, %scan3A_496 : i32
        %get3A_498 = arith.index_cast %scan3A_497 : i32 to index
        %get3A_499 = arith.constant 0 : index
        %get3A_500 = tpu.vector_load %arg11[%get3A_498, %get3A_499] {strides = array<i32>} : memref<64x128xf32, #tpu.memory_space<vmem>>, vector<1x16xf32>,
        %get3A_501 = vector.shape_cast %get3A_500 : vector<1x16xf32> to vector<16xf32>
        %get3A_502 = arith.index_cast %scan3A_497 : i32 to index
        %get3A_503 = arith.constant 16 : index
        %get3A_504 = tpu.vector_load %arg11[%get3A_502, %get3A_503] {strides = array<i32>} : memref<64x128xf32, #tpu.memory_space<vmem>>, vector<1x16xf32>,
        %get3A_505 = vector.shape_cast %get3A_504 : vector<1x16xf32> to vector<16xf32>
        %get3A_506 = arith.index_cast %scan3A_497 : i32 to index
        %get3A_507 = arith.constant 32 : index
        %get3A_508 = tpu.vector_load %arg11[%get3A_506, %get3A_507] {strides = array<i32>} : memref<64x128xf32, #tpu.memory_space<vmem>>, vector<1x16xf32>,
        %get3A_509 = vector.shape_cast %get3A_508 : vector<1x16xf32> to vector<16xf32>
        %get3A_510 = arith.index_cast %scan3A_497 : i32 to index
        %get3A_511 = arith.constant 48 : index
        %get3A_512 = tpu.vector_load %arg11[%get3A_510, %get3A_511] {strides = array<i32>} : memref<64x128xf32, #tpu.memory_space<vmem>>, vector<1x16xf32>,
        %get3A_513 = vector.shape_cast %get3A_512 : vector<1x16xf32> to vector<16xf32>
        %get3A_514 = arith.index_cast %scan3A_497 : i32 to index
        %get3A_515 = arith.constant 64 : index
        %get3A_516 = tpu.vector_load %arg11[%get3A_514, %get3A_515] {strides = array<i32>} : memref<64x128xf32, #tpu.memory_space<vmem>>, vector<1x16xf32>,
        %get3A_517 = vector.shape_cast %get3A_516 : vector<1x16xf32> to vector<16xf32>
        %get3A_518 = arith.index_cast %scan3A_497 : i32 to index
        %get3A_519 = arith.constant 80 : index
        %get3A_520 = tpu.vector_load %arg11[%get3A_518, %get3A_519] {strides = array<i32>} : memref<64x128xf32, #tpu.memory_space<vmem>>, vector<1x16xf32>,
        %get3A_521 = vector.shape_cast %get3A_520 : vector<1x16xf32> to vector<16xf32>
        %get3A_522 = arith.index_cast %scan3A_497 : i32 to index
        %get3A_523 = arith.constant 96 : index
        %get3A_524 = tpu.vector_load %arg11[%get3A_522, %get3A_523] {strides = array<i32>} : memref<64x128xf32, #tpu.memory_space<vmem>>, vector<1x16xf32>,
        %get3A_525 = vector.shape_cast %get3A_524 : vector<1x16xf32> to vector<16xf32>
        %get3A_526 = arith.index_cast %scan3A_497 : i32 to index
        %get3A_527 = arith.constant 112 : index
        %get3A_528 = tpu.vector_load %arg11[%get3A_526, %get3A_527] {strides = array<i32>} : memref<64x128xf32, #tpu.memory_space<vmem>>, vector<1x16xf32>,
        %get3A_529 = vector.shape_cast %get3A_528 : vector<1x16xf32> to vector<16xf32>
        %get3A_530 = arith.index_cast %scan3A_497 : i32 to index
        %get3A_531 = arith.constant 0 : index
        %get3A_532 = tpu.vector_load %arg13[%get3A_530, %get3A_531] {strides = array<i32>} : memref<64x128xf32, #tpu.memory_space<vmem>>, vector<1x16xf32>,
        %get3A_533 = vector.shape_cast %get3A_532 : vector<1x16xf32> to vector<16xf32>
        %add3A_534 = arith.addf %get3A_501, %get3A_533 : vector<16xf32>
        %mul3A_535 = arith.constant 2.000000e-01 : f32
        %mul3A_536 = vector.broadcast %mul3A_535 : f32 to vector<16xf32>
        %mul3A_537 = arith.mulf %mul3A_536, %add3A_534 : vector<16xf32>
        %max3A_538 = arith.maximumf %add3A_534, %mul3A_537 : vector<16xf32>
        %mul3A_539 = arith.mulf %max3A_538, %get3A_51 : vector<16xf32>
        %add3A_540 = arith.addf %broadcast_in_dim3A_1, %mul3A_539 : vector<16xf32>
        %get3A_541 = arith.index_cast %scan3A_497 : i32 to index
        %get3A_542 = arith.constant 16 : index
        %get3A_543 = tpu.vector_load %arg13[%get3A_541, %get3A_542] {strides = array<i32>} : memref<64x128xf32, #tpu.memory_space<vmem>>, vector<1x16xf32>,
        %get3A_544 = vector.shape_cast %get3A_543 : vector<1x16xf32> to vector<16xf32>
        %add3A_545 = arith.addf %get3A_505, %get3A_544 : vector<16xf32>
        %mul3A_546 = arith.constant 2.000000e-01 : f32
        %mul3A_547 = vector.broadcast %mul3A_546 : f32 to vector<16xf32>
        %mul3A_548 = arith.mulf %mul3A_547, %add3A_545 : vector<16xf32>
        %max3A_549 = arith.maximumf %add3A_545, %mul3A_548 : vector<16xf32>
        %mul3A_550 = arith.mulf %max3A_549, %get3A_54 : vector<16xf32>
        %add3A_551 = arith.addf %add3A_540, %mul3A_550 : vector<16xf32>
        %get3A_552 = arith.index_cast %scan3A_497 : i32 to index
        %get3A_553 = arith.constant 32 : index
        %get3A_554 = tpu.vector_load %arg13[%get3A_552, %get3A_553] {strides = array<i32>} : memref<64x128xf32, #tpu.memory_space<vmem>>, vector<1x16xf32>,
        %get3A_555 = vector.shape_cast %get3A_554 : vector<1x16xf32> to vector<16xf32>
        %add3A_556 = arith.addf %get3A_509, %get3A_555 : vector<16xf32>
        %mul3A_557 = arith.constant 2.000000e-01 : f32
        %mul3A_558 = vector.broadcast %mul3A_557 : f32 to vector<16xf32>
        %mul3A_559 = arith.mulf %mul3A_558, %add3A_556 : vector<16xf32>
        %max3A_560 = arith.maximumf %add3A_556, %mul3A_559 : vector<16xf32>
        %mul3A_561 = arith.mulf %max3A_560, %get3A_57 : vector<16xf32>
        %add3A_562 = arith.addf %add3A_551, %mul3A_561 : vector<16xf32>
        %get3A_563 = arith.index_cast %scan3A_497 : i32 to index
        %get3A_564 = arith.constant 48 : index
        %get3A_565 = tpu.vector_load %arg13[%get3A_563, %get3A_564] {strides = array<i32>} : memref<64x128xf32, #tpu.memory_space<vmem>>, vector<1x16xf32>,
        %get3A_566 = vector.shape_cast %get3A_565 : vector<1x16xf32> to vector<16xf32>
        %add3A_567 = arith.addf %get3A_513, %get3A_566 : vector<16xf32>
        %mul3A_568 = arith.constant 2.000000e-01 : f32
        %mul3A_569 = vector.broadcast %mul3A_568 : f32 to vector<16xf32>
        %mul3A_570 = arith.mulf %mul3A_569, %add3A_567 : vector<16xf32>
        %max3A_571 = arith.maximumf %add3A_567, %mul3A_570 : vector<16xf32>
        %mul3A_572 = arith.mulf %max3A_571, %get3A_60 : vector<16xf32>
        %add3A_573 = arith.addf %add3A_562, %mul3A_572 : vector<16xf32>
        %get3A_574 = arith.index_cast %scan3A_497 : i32 to index
        %get3A_575 = arith.constant 64 : index
        %get3A_576 = tpu.vector_load %arg13[%get3A_574, %get3A_575] {strides = array<i32>} : memref<64x128xf32, #tpu.memory_space<vmem>>, vector<1x16xf32>,
        %get3A_577 = vector.shape_cast %get3A_576 : vector<1x16xf32> to vector<16xf32>
        %add3A_578 = arith.addf %get3A_517, %get3A_577 : vector<16xf32>
        %mul3A_579 = arith.constant 2.000000e-01 : f32
        %mul3A_580 = vector.broadcast %mul3A_579 : f32 to vector<16xf32>
        %mul3A_581 = arith.mulf %mul3A_580, %add3A_578 : vector<16xf32>
        %max3A_582 = arith.maximumf %add3A_578, %mul3A_581 : vector<16xf32>
        %mul3A_583 = arith.mulf %max3A_582, %get3A_63 : vector<16xf32>
        %add3A_584 = arith.addf %add3A_573, %mul3A_583 : vector<16xf32>
        %get3A_585 = arith.index_cast %scan3A_497 : i32 to index
        %get3A_586 = arith.constant 80 : index
        %get3A_587 = tpu.vector_load %arg13[%get3A_585, %get3A_586] {strides = array<i32>} : memref<64x128xf32, #tpu.memory_space<vmem>>, vector<1x16xf32>,
        %get3A_588 = vector.shape_cast %get3A_587 : vector<1x16xf32> to vector<16xf32>
        %add3A_589 = arith.addf %get3A_521, %get3A_588 : vector<16xf32>
        %mul3A_590 = arith.constant 2.000000e-01 : f32
        %mul3A_591 = vector.broadcast %mul3A_590 : f32 to vector<16xf32>
        %mul3A_592 = arith.mulf %mul3A_591, %add3A_589 : vector<16xf32>
        %max3A_593 = arith.maximumf %add3A_589, %mul3A_592 : vector<16xf32>
        %mul3A_594 = arith.mulf %max3A_593, %get3A_66 : vector<16xf32>
        %add3A_595 = arith.addf %add3A_584, %mul3A_594 : vector<16xf32>
        %get3A_596 = arith.index_cast %scan3A_497 : i32 to index
        %get3A_597 = arith.constant 96 : index
        %get3A_598 = tpu.vector_load %arg13[%get3A_596, %get3A_597] {strides = array<i32>} : memref<64x128xf32, #tpu.memory_space<vmem>>, vector<1x16xf32>,
        %get3A_599 = vector.shape_cast %get3A_598 : vector<1x16xf32> to vector<16xf32>
        %add3A_600 = arith.addf %get3A_525, %get3A_599 : vector<16xf32>
        %mul3A_601 = arith.constant 2.000000e-01 : f32
        %mul3A_602 = vector.broadcast %mul3A_601 : f32 to vector<16xf32>
        %mul3A_603 = arith.mulf %mul3A_602, %add3A_600 : vector<16xf32>
        %max3A_604 = arith.maximumf %add3A_600, %mul3A_603 : vector<16xf32>
        %mul3A_605 = arith.mulf %max3A_604, %get3A_69 : vector<16xf32>
        %add3A_606 = arith.addf %add3A_595, %mul3A_605 : vector<16xf32>
        %get3A_607 = arith.index_cast %scan3A_497 : i32 to index
        %get3A_608 = arith.constant 112 : index
        %get3A_609 = tpu.vector_load %arg13[%get3A_607, %get3A_608] {strides = array<i32>} : memref<64x128xf32, #tpu.memory_space<vmem>>, vector<1x16xf32>,
        %get3A_610 = vector.shape_cast %get3A_609 : vector<1x16xf32> to vector<16xf32>
        %add3A_611 = arith.addf %get3A_529, %get3A_610 : vector<16xf32>
        %mul3A_612 = arith.constant 2.000000e-01 : f32
        %mul3A_613 = vector.broadcast %mul3A_612 : f32 to vector<16xf32>
        %mul3A_614 = arith.mulf %mul3A_613, %add3A_611 : vector<16xf32>
        %max3A_615 = arith.maximumf %add3A_611, %mul3A_614 : vector<16xf32>
        %mul3A_616 = arith.mulf %max3A_615, %get3A_72 : vector<16xf32>
        %add3A_617 = arith.addf %add3A_606, %mul3A_616 : vector<16xf32>
        %xor3A_618 = arith.constant 8 : i32
        %xor3A_619 = vector.broadcast %xor3A_618 : i32 to vector<16xi32>
        %xor3A_620 = arith.xori %iota3A, %xor3A_619 : vector<16xi32>
        %lt3A_621 = arith.constant 0 : i32
        %lt3A_622 = vector.broadcast %lt3A_621 : i32 to vector<16xi32>
        %lt3A_623 = arith.cmpi slt, %xor3A_620, %lt3A_622 : vector<16xi32>
        %add3A_624 = arith.constant 16 : i32
        %add3A_625 = vector.broadcast %add3A_624 : i32 to vector<16xi32>
        %add3A_626 = arith.addi %xor3A_620, %add3A_625 : vector<16xi32>
        %select_n3A_627 = arith.select %lt3A_623, %add3A_626, %xor3A_620 : vector<16xi1>, vector<16xi32>
        %broadcast_in_dim3A_628 = vector.shape_cast %select_n3A_627 : vector<16xi32> to vector<16x1xi32>
        %gather3A_629 = vector.shape_cast %broadcast_in_dim3A_628 : vector<16x1xi32> to vector<16xi32>
        %gather3A_630 = tpu.dynamic_gather %add3A_617[%gather3A_629] in [0] : vector<16xf32>, vector<16xi32> -> vector<16xf32>
        %add3A_631 = arith.addf %add3A_617, %gather3A_630 : vector<16xf32>
        %xor3A_632 = arith.constant 4 : i32
        %xor3A_633 = vector.broadcast %xor3A_632 : i32 to vector<16xi32>
        %xor3A_634 = arith.xori %iota3A, %xor3A_633 : vector<16xi32>
        %lt3A_635 = arith.constant 0 : i32
        %lt3A_636 = vector.broadcast %lt3A_635 : i32 to vector<16xi32>
        %lt3A_637 = arith.cmpi slt, %xor3A_634, %lt3A_636 : vector<16xi32>
        %add3A_638 = arith.constant 16 : i32
        %add3A_639 = vector.broadcast %add3A_638 : i32 to vector<16xi32>
        %add3A_640 = arith.addi %xor3A_634, %add3A_639 : vector<16xi32>
        %select_n3A_641 = arith.select %lt3A_637, %add3A_640, %xor3A_634 : vector<16xi1>, vector<16xi32>
        %broadcast_in_dim3A_642 = vector.shape_cast %select_n3A_641 : vector<16xi32> to vector<16x1xi32>
        %gather3A_643 = vector.shape_cast %broadcast_in_dim3A_642 : vector<16x1xi32> to vector<16xi32>
        %gather3A_644 = tpu.dynamic_gather %add3A_631[%gather3A_643] in [0] : vector<16xf32>, vector<16xi32> -> vector<16xf32>
        %add3A_645 = arith.addf %add3A_631, %gather3A_644 : vector<16xf32>
        %xor3A_646 = arith.constant 2 : i32
        %xor3A_647 = vector.broadcast %xor3A_646 : i32 to vector<16xi32>
        %xor3A_648 = arith.xori %iota3A, %xor3A_647 : vector<16xi32>
        %lt3A_649 = arith.constant 0 : i32
        %lt3A_650 = vector.broadcast %lt3A_649 : i32 to vector<16xi32>
        %lt3A_651 = arith.cmpi slt, %xor3A_648, %lt3A_650 : vector<16xi32>
        %add3A_652 = arith.constant 16 : i32
        %add3A_653 = vector.broadcast %add3A_652 : i32 to vector<16xi32>
        %add3A_654 = arith.addi %xor3A_648, %add3A_653 : vector<16xi32>
        %select_n3A_655 = arith.select %lt3A_651, %add3A_654, %xor3A_648 : vector<16xi1>, vector<16xi32>
        %broadcast_in_dim3A_656 = vector.shape_cast %select_n3A_655 : vector<16xi32> to vector<16x1xi32>
        %gather3A_657 = vector.shape_cast %broadcast_in_dim3A_656 : vector<16x1xi32> to vector<16xi32>
        %gather3A_658 = tpu.dynamic_gather %add3A_645[%gather3A_657] in [0] : vector<16xf32>, vector<16xi32> -> vector<16xf32>
        %add3A_659 = arith.addf %add3A_645, %gather3A_658 : vector<16xf32>
        %xor3A_660 = arith.constant 1 : i32
        %xor3A_661 = vector.broadcast %xor3A_660 : i32 to vector<16xi32>
        %xor3A_662 = arith.xori %iota3A, %xor3A_661 : vector<16xi32>
        %lt3A_663 = arith.constant 0 : i32
        %lt3A_664 = vector.broadcast %lt3A_663 : i32 to vector<16xi32>
        %lt3A_665 = arith.cmpi slt, %xor3A_662, %lt3A_664 : vector<16xi32>
        %add3A_666 = arith.constant 16 : i32
        %add3A_667 = vector.broadcast %add3A_666 : i32 to vector<16xi32>
        %add3A_668 = arith.addi %xor3A_662, %add3A_667 : vector<16xi32>
        %select_n3A_669 = arith.select %lt3A_665, %add3A_668, %xor3A_662 : vector<16xi1>, vector<16xi32>
        %broadcast_in_dim3A_670 = vector.shape_cast %select_n3A_669 : vector<16xi32> to vector<16x1xi32>
        %gather3A_671 = vector.shape_cast %broadcast_in_dim3A_670 : vector<16x1xi32> to vector<16xi32>
        %gather3A_672 = tpu.dynamic_gather %add3A_659[%gather3A_671] in [0] : vector<16xf32>, vector<16xi32> -> vector<16xf32>
        %add3A_673 = arith.addf %add3A_659, %gather3A_672 : vector<16xf32>
        %exp3A_674 = math.exp %add3A_673 : vector<16xf32>
        %mul3A_675 = arith.mulf %get3A_501, %exp3A_674 : vector<16xf32>
        %swap3A_676 = arith.index_cast %scan3A_497 : i32 to index
        %swap3A_677 = arith.constant 0 : index
        %swap3A_678 = tpu.vector_load %arg11[%swap3A_676, %swap3A_677] {strides = array<i32>} : memref<64x128xf32, #tpu.memory_space<vmem>>, vector<1x16xf32>,
        %swap3A_679 = vector.shape_cast %swap3A_678 : vector<1x16xf32> to vector<16xf32>
        %swap3A_680 = vector.shape_cast %mul3A_675 : vector<16xf32> to vector<1x16xf32>
        tpu.vector_store %arg11[%swap3A_676, %swap3A_677], %swap3A_680 {strides = array<i32>} : memref<64x128xf32, #tpu.memory_space<vmem>>, vector<1x16xf32>,
        %mul3A_681 = arith.mulf %get3A_505, %exp3A_674 : vector<16xf32>
        %swap3A_682 = arith.index_cast %scan3A_497 : i32 to index
        %swap3A_683 = arith.constant 16 : index
        %swap3A_684 = tpu.vector_load %arg11[%swap3A_682, %swap3A_683] {strides = array<i32>} : memref<64x128xf32, #tpu.memory_space<vmem>>, vector<1x16xf32>,
        %swap3A_685 = vector.shape_cast %swap3A_684 : vector<1x16xf32> to vector<16xf32>
        %swap3A_686 = vector.shape_cast %mul3A_681 : vector<16xf32> to vector<1x16xf32>
        tpu.vector_store %arg11[%swap3A_682, %swap3A_683], %swap3A_686 {strides = array<i32>} : memref<64x128xf32, #tpu.memory_space<vmem>>, vector<1x16xf32>,
        %mul3A_687 = arith.mulf %get3A_509, %exp3A_674 : vector<16xf32>
        %swap3A_688 = arith.index_cast %scan3A_497 : i32 to index
        %swap3A_689 = arith.constant 32 : index
        %swap3A_690 = tpu.vector_load %arg11[%swap3A_688, %swap3A_689] {strides = array<i32>} : memref<64x128xf32, #tpu.memory_space<vmem>>, vector<1x16xf32>,
        %swap3A_691 = vector.shape_cast %swap3A_690 : vector<1x16xf32> to vector<16xf32>
        %swap3A_692 = vector.shape_cast %mul3A_687 : vector<16xf32> to vector<1x16xf32>
        tpu.vector_store %arg11[%swap3A_688, %swap3A_689], %swap3A_692 {strides = array<i32>} : memref<64x128xf32, #tpu.memory_space<vmem>>, vector<1x16xf32>,
        %mul3A_693 = arith.mulf %get3A_513, %exp3A_674 : vector<16xf32>
        %swap3A_694 = arith.index_cast %scan3A_497 : i32 to index
        %swap3A_695 = arith.constant 48 : index
        %swap3A_696 = tpu.vector_load %arg11[%swap3A_694, %swap3A_695] {strides = array<i32>} : memref<64x128xf32, #tpu.memory_space<vmem>>, vector<1x16xf32>,
        %swap3A_697 = vector.shape_cast %swap3A_696 : vector<1x16xf32> to vector<16xf32>
        %swap3A_698 = vector.shape_cast %mul3A_693 : vector<16xf32> to vector<1x16xf32>
        tpu.vector_store %arg11[%swap3A_694, %swap3A_695], %swap3A_698 {strides = array<i32>} : memref<64x128xf32, #tpu.memory_space<vmem>>, vector<1x16xf32>,
        %mul3A_699 = arith.mulf %get3A_517, %exp3A_674 : vector<16xf32>
        %swap3A_700 = arith.index_cast %scan3A_497 : i32 to index
        %swap3A_701 = arith.constant 64 : index
        %swap3A_702 = tpu.vector_load %arg11[%swap3A_700, %swap3A_701] {strides = array<i32>} : memref<64x128xf32, #tpu.memory_space<vmem>>, vector<1x16xf32>,
        %swap3A_703 = vector.shape_cast %swap3A_702 : vector<1x16xf32> to vector<16xf32>
        %swap3A_704 = vector.shape_cast %mul3A_699 : vector<16xf32> to vector<1x16xf32>
        tpu.vector_store %arg11[%swap3A_700, %swap3A_701], %swap3A_704 {strides = array<i32>} : memref<64x128xf32, #tpu.memory_space<vmem>>, vector<1x16xf32>,
        %mul3A_705 = arith.mulf %get3A_521, %exp3A_674 : vector<16xf32>
        %swap3A_706 = arith.index_cast %scan3A_497 : i32 to index
        %swap3A_707 = arith.constant 80 : index
        %swap3A_708 = tpu.vector_load %arg11[%swap3A_706, %swap3A_707] {strides = array<i32>} : memref<64x128xf32, #tpu.memory_space<vmem>>, vector<1x16xf32>,
        %swap3A_709 = vector.shape_cast %swap3A_708 : vector<1x16xf32> to vector<16xf32>
        %swap3A_710 = vector.shape_cast %mul3A_705 : vector<16xf32> to vector<1x16xf32>
        tpu.vector_store %arg11[%swap3A_706, %swap3A_707], %swap3A_710 {strides = array<i32>} : memref<64x128xf32, #tpu.memory_space<vmem>>, vector<1x16xf32>,
        %mul3A_711 = arith.mulf %get3A_525, %exp3A_674 : vector<16xf32>
        %swap3A_712 = arith.index_cast %scan3A_497 : i32 to index
        %swap3A_713 = arith.constant 96 : index
        %swap3A_714 = tpu.vector_load %arg11[%swap3A_712, %swap3A_713] {strides = array<i32>} : memref<64x128xf32, #tpu.memory_space<vmem>>, vector<1x16xf32>,
        %swap3A_715 = vector.shape_cast %swap3A_714 : vector<1x16xf32> to vector<16xf32>
        %swap3A_716 = vector.shape_cast %mul3A_711 : vector<16xf32> to vector<1x16xf32>
        tpu.vector_store %arg11[%swap3A_712, %swap3A_713], %swap3A_716 {strides = array<i32>} : memref<64x128xf32, #tpu.memory_space<vmem>>, vector<1x16xf32>,
        %mul3A_717 = arith.mulf %get3A_529, %exp3A_674 : vector<16xf32>
        %swap3A_718 = arith.index_cast %scan3A_497 : i32 to index
        %swap3A_719 = arith.constant 112 : index
        %swap3A_720 = tpu.vector_load %arg11[%swap3A_718, %swap3A_719] {strides = array<i32>} : memref<64x128xf32, #tpu.memory_space<vmem>>, vector<1x16xf32>,
        %swap3A_721 = vector.shape_cast %swap3A_720 : vector<1x16xf32> to vector<16xf32>
        %swap3A_722 = vector.shape_cast %mul3A_717 : vector<16xf32> to vector<1x16xf32>
        tpu.vector_store %arg11[%swap3A_718, %swap3A_719], %swap3A_722 {strides = array<i32>} : memref<64x128xf32, #tpu.memory_space<vmem>>, vector<1x16xf32>,
        %eq3A_723 = arith.constant 0 : i32
        %eq3A_724 = vector.broadcast %eq3A_723 : i32 to vector<16xi32>
        %eq3A_725 = arith.cmpi eq, %iota3A, %eq3A_724 : vector<16xi32>
        %jit3A_726 = arith.constant 0.000000e+00 : f32
        %broadcast_in_dim3A_727 = vector.broadcast %jit3A_726 : f32 to vector<16xf32>
        %select_n3A_728 = arith.select %eq3A_725, %exp3A_674, %broadcast_in_dim3A_727 : vector<16xi1>, vector<16xf32>
        %swap3A_729 = arith.index_cast %scan3A_497 : i32 to index
        %swap3A_730 = arith.constant 0 : index
        %swap3A_731 = tpu.vector_load %arg21[%swap3A_729, %swap3A_730] {strides = array<i32>} : memref<64x16xf32, #tpu.memory_space<vmem>>, vector<1x16xf32>,
        %swap3A_732 = vector.shape_cast %swap3A_731 : vector<1x16xf32> to vector<16xf32>
        %swap3A_733 = vector.shape_cast %select_n3A_728 : vector<16xf32> to vector<1x16xf32>
        tpu.vector_store %arg21[%swap3A_729, %swap3A_730], %swap3A_733 {strides = array<i32>} : memref<64x16xf32, #tpu.memory_space<vmem>>, vector<1x16xf32>,
        %scan3A_734 = arith.constant 0 : i32
        %scan3A_735 = arith.constant 2 : i32
        %scan3A_736 = arith.addi %scan3A_264, %scan3A_735 : i32
        %get3A_737 = arith.index_cast %scan3A_736 : i32 to index
        %get3A_738 = arith.constant 0 : index
        %get3A_739 = tpu.vector_load %arg11[%get3A_737, %get3A_738] {strides = array<i32>} : memref<64x128xf32, #tpu.memory_space<vmem>>, vector<1x16xf32>,
        %get3A_740 = vector.shape_cast %get3A_739 : vector<1x16xf32> to vector<16xf32>
        %get3A_741 = arith.index_cast %scan3A_736 : i32 to index
        %get3A_742 = arith.constant 16 : index
        %get3A_743 = tpu.vector_load %arg11[%get3A_741, %get3A_742] {strides = array<i32>} : memref<64x128xf32, #tpu.memory_space<vmem>>, vector<1x16xf32>,
        %get3A_744 = vector.shape_cast %get3A_743 : vector<1x16xf32> to vector<16xf32>
        %get3A_745 = arith.index_cast %scan3A_736 : i32 to index
        %get3A_746 = arith.constant 32 : index
        %get3A_747 = tpu.vector_load %arg11[%get3A_745, %get3A_746] {strides = array<i32>} : memref<64x128xf32, #tpu.memory_space<vmem>>, vector<1x16xf32>,
        %get3A_748 = vector.shape_cast %get3A_747 : vector<1x16xf32> to vector<16xf32>
        %get3A_749 = arith.index_cast %scan3A_736 : i32 to index
        %get3A_750 = arith.constant 48 : index
        %get3A_751 = tpu.vector_load %arg11[%get3A_749, %get3A_750] {strides = array<i32>} : memref<64x128xf32, #tpu.memory_space<vmem>>, vector<1x16xf32>,
        %get3A_752 = vector.shape_cast %get3A_751 : vector<1x16xf32> to vector<16xf32>
        %get3A_753 = arith.index_cast %scan3A_736 : i32 to index
        %get3A_754 = arith.constant 64 : index
        %get3A_755 = tpu.vector_load %arg11[%get3A_753, %get3A_754] {strides = array<i32>} : memref<64x128xf32, #tpu.memory_space<vmem>>, vector<1x16xf32>,
        %get3A_756 = vector.shape_cast %get3A_755 : vector<1x16xf32> to vector<16xf32>
        %get3A_757 = arith.index_cast %scan3A_736 : i32 to index
        %get3A_758 = arith.constant 80 : index
        %get3A_759 = tpu.vector_load %arg11[%get3A_757, %get3A_758] {strides = array<i32>} : memref<64x128xf32, #tpu.memory_space<vmem>>, vector<1x16xf32>,
        %get3A_760 = vector.shape_cast %get3A_759 : vector<1x16xf32> to vector<16xf32>
        %get3A_761 = arith.index_cast %scan3A_736 : i32 to index
        %get3A_762 = arith.constant 96 : index
        %get3A_763 = tpu.vector_load %arg11[%get3A_761, %get3A_762] {strides = array<i32>} : memref<64x128xf32, #tpu.memory_space<vmem>>, vector<1x16xf32>,
        %get3A_764 = vector.shape_cast %get3A_763 : vector<1x16xf32> to vector<16xf32>
        %get3A_765 = arith.index_cast %scan3A_736 : i32 to index
        %get3A_766 = arith.constant 112 : index
        %get3A_767 = tpu.vector_load %arg11[%get3A_765, %get3A_766] {strides = array<i32>} : memref<64x128xf32, #tpu.memory_space<vmem>>, vector<1x16xf32>,
        %get3A_768 = vector.shape_cast %get3A_767 : vector<1x16xf32> to vector<16xf32>
        %get3A_769 = arith.index_cast %scan3A_736 : i32 to index
        %get3A_770 = arith.constant 0 : index
        %get3A_771 = tpu.vector_load %arg13[%get3A_769, %get3A_770] {strides = array<i32>} : memref<64x128xf32, #tpu.memory_space<vmem>>, vector<1x16xf32>,
        %get3A_772 = vector.shape_cast %get3A_771 : vector<1x16xf32> to vector<16xf32>
        %add3A_773 = arith.addf %get3A_740, %get3A_772 : vector<16xf32>
        %mul3A_774 = arith.constant 2.000000e-01 : f32
        %mul3A_775 = vector.broadcast %mul3A_774 : f32 to vector<16xf32>
        %mul3A_776 = arith.mulf %mul3A_775, %add3A_773 : vector<16xf32>
        %max3A_777 = arith.maximumf %add3A_773, %mul3A_776 : vector<16xf32>
        %mul3A_778 = arith.mulf %max3A_777, %get3A_51 : vector<16xf32>
        %add3A_779 = arith.addf %broadcast_in_dim3A_1, %mul3A_778 : vector<16xf32>
        %get3A_780 = arith.index_cast %scan3A_736 : i32 to index
        %get3A_781 = arith.constant 16 : index
        %get3A_782 = tpu.vector_load %arg13[%get3A_780, %get3A_781] {strides = array<i32>} : memref<64x128xf32, #tpu.memory_space<vmem>>, vector<1x16xf32>,
        %get3A_783 = vector.shape_cast %get3A_782 : vector<1x16xf32> to vector<16xf32>
        %add3A_784 = arith.addf %get3A_744, %get3A_783 : vector<16xf32>
        %mul3A_785 = arith.constant 2.000000e-01 : f32
        %mul3A_786 = vector.broadcast %mul3A_785 : f32 to vector<16xf32>
        %mul3A_787 = arith.mulf %mul3A_786, %add3A_784 : vector<16xf32>
        %max3A_788 = arith.maximumf %add3A_784, %mul3A_787 : vector<16xf32>
        %mul3A_789 = arith.mulf %max3A_788, %get3A_54 : vector<16xf32>
        %add3A_790 = arith.addf %add3A_779, %mul3A_789 : vector<16xf32>
        %get3A_791 = arith.index_cast %scan3A_736 : i32 to index
        %get3A_792 = arith.constant 32 : index
        %get3A_793 = tpu.vector_load %arg13[%get3A_791, %get3A_792] {strides = array<i32>} : memref<64x128xf32, #tpu.memory_space<vmem>>, vector<1x16xf32>,
        %get3A_794 = vector.shape_cast %get3A_793 : vector<1x16xf32> to vector<16xf32>
        %add3A_795 = arith.addf %get3A_748, %get3A_794 : vector<16xf32>
        %mul3A_796 = arith.constant 2.000000e-01 : f32
        %mul3A_797 = vector.broadcast %mul3A_796 : f32 to vector<16xf32>
        %mul3A_798 = arith.mulf %mul3A_797, %add3A_795 : vector<16xf32>
        %max3A_799 = arith.maximumf %add3A_795, %mul3A_798 : vector<16xf32>
        %mul3A_800 = arith.mulf %max3A_799, %get3A_57 : vector<16xf32>
        %add3A_801 = arith.addf %add3A_790, %mul3A_800 : vector<16xf32>
        %get3A_802 = arith.index_cast %scan3A_736 : i32 to index
        %get3A_803 = arith.constant 48 : index
        %get3A_804 = tpu.vector_load %arg13[%get3A_802, %get3A_803] {strides = array<i32>} : memref<64x128xf32, #tpu.memory_space<vmem>>, vector<1x16xf32>,
        %get3A_805 = vector.shape_cast %get3A_804 : vector<1x16xf32> to vector<16xf32>
        %add3A_806 = arith.addf %get3A_752, %get3A_805 : vector<16xf32>
        %mul3A_807 = arith.constant 2.000000e-01 : f32
        %mul3A_808 = vector.broadcast %mul3A_807 : f32 to vector<16xf32>
        %mul3A_809 = arith.mulf %mul3A_808, %add3A_806 : vector<16xf32>
        %max3A_810 = arith.maximumf %add3A_806, %mul3A_809 : vector<16xf32>
        %mul3A_811 = arith.mulf %max3A_810, %get3A_60 : vector<16xf32>
        %add3A_812 = arith.addf %add3A_801, %mul3A_811 : vector<16xf32>
        %get3A_813 = arith.index_cast %scan3A_736 : i32 to index
        %get3A_814 = arith.constant 64 : index
        %get3A_815 = tpu.vector_load %arg13[%get3A_813, %get3A_814] {strides = array<i32>} : memref<64x128xf32, #tpu.memory_space<vmem>>, vector<1x16xf32>,
        %get3A_816 = vector.shape_cast %get3A_815 : vector<1x16xf32> to vector<16xf32>
        %add3A_817 = arith.addf %get3A_756, %get3A_816 : vector<16xf32>
        %mul3A_818 = arith.constant 2.000000e-01 : f32
        %mul3A_819 = vector.broadcast %mul3A_818 : f32 to vector<16xf32>
        %mul3A_820 = arith.mulf %mul3A_819, %add3A_817 : vector<16xf32>
        %max3A_821 = arith.maximumf %add3A_817, %mul3A_820 : vector<16xf32>
        %mul3A_822 = arith.mulf %max3A_821, %get3A_63 : vector<16xf32>
        %add3A_823 = arith.addf %add3A_812, %mul3A_822 : vector<16xf32>
        %get3A_824 = arith.index_cast %scan3A_736 : i32 to index
        %get3A_825 = arith.constant 80 : index
        %get3A_826 = tpu.vector_load %arg13[%get3A_824, %get3A_825] {strides = array<i32>} : memref<64x128xf32, #tpu.memory_space<vmem>>, vector<1x16xf32>,
        %get3A_827 = vector.shape_cast %get3A_826 : vector<1x16xf32> to vector<16xf32>
        %add3A_828 = arith.addf %get3A_760, %get3A_827 : vector<16xf32>
        %mul3A_829 = arith.constant 2.000000e-01 : f32
        %mul3A_830 = vector.broadcast %mul3A_829 : f32 to vector<16xf32>
        %mul3A_831 = arith.mulf %mul3A_830, %add3A_828 : vector<16xf32>
        %max3A_832 = arith.maximumf %add3A_828, %mul3A_831 : vector<16xf32>
        %mul3A_833 = arith.mulf %max3A_832, %get3A_66 : vector<16xf32>
        %add3A_834 = arith.addf %add3A_823, %mul3A_833 : vector<16xf32>
        %get3A_835 = arith.index_cast %scan3A_736 : i32 to index
        %get3A_836 = arith.constant 96 : index
        %get3A_837 = tpu.vector_load %arg13[%get3A_835, %get3A_836] {strides = array<i32>} : memref<64x128xf32, #tpu.memory_space<vmem>>, vector<1x16xf32>,
        %get3A_838 = vector.shape_cast %get3A_837 : vector<1x16xf32> to vector<16xf32>
        %add3A_839 = arith.addf %get3A_764, %get3A_838 : vector<16xf32>
        %mul3A_840 = arith.constant 2.000000e-01 : f32
        %mul3A_841 = vector.broadcast %mul3A_840 : f32 to vector<16xf32>
        %mul3A_842 = arith.mulf %mul3A_841, %add3A_839 : vector<16xf32>
        %max3A_843 = arith.maximumf %add3A_839, %mul3A_842 : vector<16xf32>
        %mul3A_844 = arith.mulf %max3A_843, %get3A_69 : vector<16xf32>
        %add3A_845 = arith.addf %add3A_834, %mul3A_844 : vector<16xf32>
        %get3A_846 = arith.index_cast %scan3A_736 : i32 to index
        %get3A_847 = arith.constant 112 : index
        %get3A_848 = tpu.vector_load %arg13[%get3A_846, %get3A_847] {strides = array<i32>} : memref<64x128xf32, #tpu.memory_space<vmem>>, vector<1x16xf32>,
        %get3A_849 = vector.shape_cast %get3A_848 : vector<1x16xf32> to vector<16xf32>
        %add3A_850 = arith.addf %get3A_768, %get3A_849 : vector<16xf32>
        %mul3A_851 = arith.constant 2.000000e-01 : f32
        %mul3A_852 = vector.broadcast %mul3A_851 : f32 to vector<16xf32>
        %mul3A_853 = arith.mulf %mul3A_852, %add3A_850 : vector<16xf32>
        %max3A_854 = arith.maximumf %add3A_850, %mul3A_853 : vector<16xf32>
        %mul3A_855 = arith.mulf %max3A_854, %get3A_72 : vector<16xf32>
        %add3A_856 = arith.addf %add3A_845, %mul3A_855 : vector<16xf32>
        %xor3A_857 = arith.constant 8 : i32
        %xor3A_858 = vector.broadcast %xor3A_857 : i32 to vector<16xi32>
        %xor3A_859 = arith.xori %iota3A, %xor3A_858 : vector<16xi32>
        %lt3A_860 = arith.constant 0 : i32
        %lt3A_861 = vector.broadcast %lt3A_860 : i32 to vector<16xi32>
        %lt3A_862 = arith.cmpi slt, %xor3A_859, %lt3A_861 : vector<16xi32>
        %add3A_863 = arith.constant 16 : i32
        %add3A_864 = vector.broadcast %add3A_863 : i32 to vector<16xi32>
        %add3A_865 = arith.addi %xor3A_859, %add3A_864 : vector<16xi32>
        %select_n3A_866 = arith.select %lt3A_862, %add3A_865, %xor3A_859 : vector<16xi1>, vector<16xi32>
        %broadcast_in_dim3A_867 = vector.shape_cast %select_n3A_866 : vector<16xi32> to vector<16x1xi32>
        %gather3A_868 = vector.shape_cast %broadcast_in_dim3A_867 : vector<16x1xi32> to vector<16xi32>
        %gather3A_869 = tpu.dynamic_gather %add3A_856[%gather3A_868] in [0] : vector<16xf32>, vector<16xi32> -> vector<16xf32>
        %add3A_870 = arith.addf %add3A_856, %gather3A_869 : vector<16xf32>
        %xor3A_871 = arith.constant 4 : i32
        %xor3A_872 = vector.broadcast %xor3A_871 : i32 to vector<16xi32>
        %xor3A_873 = arith.xori %iota3A, %xor3A_872 : vector<16xi32>
        %lt3A_874 = arith.constant 0 : i32
        %lt3A_875 = vector.broadcast %lt3A_874 : i32 to vector<16xi32>
        %lt3A_876 = arith.cmpi slt, %xor3A_873, %lt3A_875 : vector<16xi32>
        %add3A_877 = arith.constant 16 : i32
        %add3A_878 = vector.broadcast %add3A_877 : i32 to vector<16xi32>
        %add3A_879 = arith.addi %xor3A_873, %add3A_878 : vector<16xi32>
        %select_n3A_880 = arith.select %lt3A_876, %add3A_879, %xor3A_873 : vector<16xi1>, vector<16xi32>
        %broadcast_in_dim3A_881 = vector.shape_cast %select_n3A_880 : vector<16xi32> to vector<16x1xi32>
        %gather3A_882 = vector.shape_cast %broadcast_in_dim3A_881 : vector<16x1xi32> to vector<16xi32>
        %gather3A_883 = tpu.dynamic_gather %add3A_870[%gather3A_882] in [0] : vector<16xf32>, vector<16xi32> -> vector<16xf32>
        %add3A_884 = arith.addf %add3A_870, %gather3A_883 : vector<16xf32>
        %xor3A_885 = arith.constant 2 : i32
        %xor3A_886 = vector.broadcast %xor3A_885 : i32 to vector<16xi32>
        %xor3A_887 = arith.xori %iota3A, %xor3A_886 : vector<16xi32>
        %lt3A_888 = arith.constant 0 : i32
        %lt3A_889 = vector.broadcast %lt3A_888 : i32 to vector<16xi32>
        %lt3A_890 = arith.cmpi slt, %xor3A_887, %lt3A_889 : vector<16xi32>
        %add3A_891 = arith.constant 16 : i32
        %add3A_892 = vector.broadcast %add3A_891 : i32 to vector<16xi32>
        %add3A_893 = arith.addi %xor3A_887, %add3A_892 : vector<16xi32>
        %select_n3A_894 = arith.select %lt3A_890, %add3A_893, %xor3A_887 : vector<16xi1>, vector<16xi32>
        %broadcast_in_dim3A_895 = vector.shape_cast %select_n3A_894 : vector<16xi32> to vector<16x1xi32>
        %gather3A_896 = vector.shape_cast %broadcast_in_dim3A_895 : vector<16x1xi32> to vector<16xi32>
        %gather3A_897 = tpu.dynamic_gather %add3A_884[%gather3A_896] in [0] : vector<16xf32>, vector<16xi32> -> vector<16xf32>
        %add3A_898 = arith.addf %add3A_884, %gather3A_897 : vector<16xf32>
        %xor3A_899 = arith.constant 1 : i32
        %xor3A_900 = vector.broadcast %xor3A_899 : i32 to vector<16xi32>
        %xor3A_901 = arith.xori %iota3A, %xor3A_900 : vector<16xi32>
        %lt3A_902 = arith.constant 0 : i32
        %lt3A_903 = vector.broadcast %lt3A_902 : i32 to vector<16xi32>
        %lt3A_904 = arith.cmpi slt, %xor3A_901, %lt3A_903 : vector<16xi32>
        %add3A_905 = arith.constant 16 : i32
        %add3A_906 = vector.broadcast %add3A_905 : i32 to vector<16xi32>
        %add3A_907 = arith.addi %xor3A_901, %add3A_906 : vector<16xi32>
        %select_n3A_908 = arith.select %lt3A_904, %add3A_907, %xor3A_901 : vector<16xi1>, vector<16xi32>
        %broadcast_in_dim3A_909 = vector.shape_cast %select_n3A_908 : vector<16xi32> to vector<16x1xi32>
        %gather3A_910 = vector.shape_cast %broadcast_in_dim3A_909 : vector<16x1xi32> to vector<16xi32>
        %gather3A_911 = tpu.dynamic_gather %add3A_898[%gather3A_910] in [0] : vector<16xf32>, vector<16xi32> -> vector<16xf32>
        %add3A_912 = arith.addf %add3A_898, %gather3A_911 : vector<16xf32>
        %exp3A_913 = math.exp %add3A_912 : vector<16xf32>
        %mul3A_914 = arith.mulf %get3A_740, %exp3A_913 : vector<16xf32>
        %swap3A_915 = arith.index_cast %scan3A_736 : i32 to index
        %swap3A_916 = arith.constant 0 : index
        %swap3A_917 = tpu.vector_load %arg11[%swap3A_915, %swap3A_916] {strides = array<i32>} : memref<64x128xf32, #tpu.memory_space<vmem>>, vector<1x16xf32>,
        %swap3A_918 = vector.shape_cast %swap3A_917 : vector<1x16xf32> to vector<16xf32>
        %swap3A_919 = vector.shape_cast %mul3A_914 : vector<16xf32> to vector<1x16xf32>
        tpu.vector_store %arg11[%swap3A_915, %swap3A_916], %swap3A_919 {strides = array<i32>} : memref<64x128xf32, #tpu.memory_space<vmem>>, vector<1x16xf32>,
        %mul3A_920 = arith.mulf %get3A_744, %exp3A_913 : vector<16xf32>
        %swap3A_921 = arith.index_cast %scan3A_736 : i32 to index
        %swap3A_922 = arith.constant 16 : index
        %swap3A_923 = tpu.vector_load %arg11[%swap3A_921, %swap3A_922] {strides = array<i32>} : memref<64x128xf32, #tpu.memory_space<vmem>>, vector<1x16xf32>,
        %swap3A_924 = vector.shape_cast %swap3A_923 : vector<1x16xf32> to vector<16xf32>
        %swap3A_925 = vector.shape_cast %mul3A_920 : vector<16xf32> to vector<1x16xf32>
        tpu.vector_store %arg11[%swap3A_921, %swap3A_922], %swap3A_925 {strides = array<i32>} : memref<64x128xf32, #tpu.memory_space<vmem>>, vector<1x16xf32>,
        %mul3A_926 = arith.mulf %get3A_748, %exp3A_913 : vector<16xf32>
        %swap3A_927 = arith.index_cast %scan3A_736 : i32 to index
        %swap3A_928 = arith.constant 32 : index
        %swap3A_929 = tpu.vector_load %arg11[%swap3A_927, %swap3A_928] {strides = array<i32>} : memref<64x128xf32, #tpu.memory_space<vmem>>, vector<1x16xf32>,
        %swap3A_930 = vector.shape_cast %swap3A_929 : vector<1x16xf32> to vector<16xf32>
        %swap3A_931 = vector.shape_cast %mul3A_926 : vector<16xf32> to vector<1x16xf32>
        tpu.vector_store %arg11[%swap3A_927, %swap3A_928], %swap3A_931 {strides = array<i32>} : memref<64x128xf32, #tpu.memory_space<vmem>>, vector<1x16xf32>,
        %mul3A_932 = arith.mulf %get3A_752, %exp3A_913 : vector<16xf32>
        %swap3A_933 = arith.index_cast %scan3A_736 : i32 to index
        %swap3A_934 = arith.constant 48 : index
        %swap3A_935 = tpu.vector_load %arg11[%swap3A_933, %swap3A_934] {strides = array<i32>} : memref<64x128xf32, #tpu.memory_space<vmem>>, vector<1x16xf32>,
        %swap3A_936 = vector.shape_cast %swap3A_935 : vector<1x16xf32> to vector<16xf32>
        %swap3A_937 = vector.shape_cast %mul3A_932 : vector<16xf32> to vector<1x16xf32>
        tpu.vector_store %arg11[%swap3A_933, %swap3A_934], %swap3A_937 {strides = array<i32>} : memref<64x128xf32, #tpu.memory_space<vmem>>, vector<1x16xf32>,
        %mul3A_938 = arith.mulf %get3A_756, %exp3A_913 : vector<16xf32>
        %swap3A_939 = arith.index_cast %scan3A_736 : i32 to index
        %swap3A_940 = arith.constant 64 : index
        %swap3A_941 = tpu.vector_load %arg11[%swap3A_939, %swap3A_940] {strides = array<i32>} : memref<64x128xf32, #tpu.memory_space<vmem>>, vector<1x16xf32>,
        %swap3A_942 = vector.shape_cast %swap3A_941 : vector<1x16xf32> to vector<16xf32>
        %swap3A_943 = vector.shape_cast %mul3A_938 : vector<16xf32> to vector<1x16xf32>
        tpu.vector_store %arg11[%swap3A_939, %swap3A_940], %swap3A_943 {strides = array<i32>} : memref<64x128xf32, #tpu.memory_space<vmem>>, vector<1x16xf32>,
        %mul3A_944 = arith.mulf %get3A_760, %exp3A_913 : vector<16xf32>
        %swap3A_945 = arith.index_cast %scan3A_736 : i32 to index
        %swap3A_946 = arith.constant 80 : index
        %swap3A_947 = tpu.vector_load %arg11[%swap3A_945, %swap3A_946] {strides = array<i32>} : memref<64x128xf32, #tpu.memory_space<vmem>>, vector<1x16xf32>,
        %swap3A_948 = vector.shape_cast %swap3A_947 : vector<1x16xf32> to vector<16xf32>
        %swap3A_949 = vector.shape_cast %mul3A_944 : vector<16xf32> to vector<1x16xf32>
        tpu.vector_store %arg11[%swap3A_945, %swap3A_946], %swap3A_949 {strides = array<i32>} : memref<64x128xf32, #tpu.memory_space<vmem>>, vector<1x16xf32>,
        %mul3A_950 = arith.mulf %get3A_764, %exp3A_913 : vector<16xf32>
        %swap3A_951 = arith.index_cast %scan3A_736 : i32 to index
        %swap3A_952 = arith.constant 96 : index
        %swap3A_953 = tpu.vector_load %arg11[%swap3A_951, %swap3A_952] {strides = array<i32>} : memref<64x128xf32, #tpu.memory_space<vmem>>, vector<1x16xf32>,
        %swap3A_954 = vector.shape_cast %swap3A_953 : vector<1x16xf32> to vector<16xf32>
        %swap3A_955 = vector.shape_cast %mul3A_950 : vector<16xf32> to vector<1x16xf32>
        tpu.vector_store %arg11[%swap3A_951, %swap3A_952], %swap3A_955 {strides = array<i32>} : memref<64x128xf32, #tpu.memory_space<vmem>>, vector<1x16xf32>,
        %mul3A_956 = arith.mulf %get3A_768, %exp3A_913 : vector<16xf32>
        %swap3A_957 = arith.index_cast %scan3A_736 : i32 to index
        %swap3A_958 = arith.constant 112 : index
        %swap3A_959 = tpu.vector_load %arg11[%swap3A_957, %swap3A_958] {strides = array<i32>} : memref<64x128xf32, #tpu.memory_space<vmem>>, vector<1x16xf32>,
        %swap3A_960 = vector.shape_cast %swap3A_959 : vector<1x16xf32> to vector<16xf32>
        %swap3A_961 = vector.shape_cast %mul3A_956 : vector<16xf32> to vector<1x16xf32>
        tpu.vector_store %arg11[%swap3A_957, %swap3A_958], %swap3A_961 {strides = array<i32>} : memref<64x128xf32, #tpu.memory_space<vmem>>, vector<1x16xf32>,
        %eq3A_962 = arith.constant 0 : i32
        %eq3A_963 = vector.broadcast %eq3A_962 : i32 to vector<16xi32>
        %eq3A_964 = arith.cmpi eq, %iota3A, %eq3A_963 : vector<16xi32>
        %jit3A_965 = arith.constant 0.000000e+00 : f32
        %broadcast_in_dim3A_966 = vector.broadcast %jit3A_965 : f32 to vector<16xf32>
        %select_n3A_967 = arith.select %eq3A_964, %exp3A_913, %broadcast_in_dim3A_966 : vector<16xi1>, vector<16xf32>
        %swap3A_968 = arith.index_cast %scan3A_736 : i32 to index
        %swap3A_969 = arith.constant 0 : index
        %swap3A_970 = tpu.vector_load %arg21[%swap3A_968, %swap3A_969] {strides = array<i32>} : memref<64x16xf32, #tpu.memory_space<vmem>>, vector<1x16xf32>,
        %swap3A_971 = vector.shape_cast %swap3A_970 : vector<1x16xf32> to vector<16xf32>
        %swap3A_972 = vector.shape_cast %select_n3A_967 : vector<16xf32> to vector<1x16xf32>
        tpu.vector_store %arg21[%swap3A_968, %swap3A_969], %swap3A_972 {strides = array<i32>} : memref<64x16xf32, #tpu.memory_space<vmem>>, vector<1x16xf32>,
        %scan3A_973 = arith.constant 0 : i32
        %scan3A_974 = arith.constant 3 : i32
        %scan3A_975 = arith.addi %scan3A_264, %scan3A_974 : i32
        %get3A_976 = arith.index_cast %scan3A_975 : i32 to index
        %get3A_977 = arith.constant 0 : index
        %get3A_978 = tpu.vector_load %arg11[%get3A_976, %get3A_977] {strides = array<i32>} : memref<64x128xf32, #tpu.memory_space<vmem>>, vector<1x16xf32>,
        %get3A_979 = vector.shape_cast %get3A_978 : vector<1x16xf32> to vector<16xf32>
        %get3A_980 = arith.index_cast %scan3A_975 : i32 to index
        %get3A_981 = arith.constant 16 : index
        %get3A_982 = tpu.vector_load %arg11[%get3A_980, %get3A_981] {strides = array<i32>} : memref<64x128xf32, #tpu.memory_space<vmem>>, vector<1x16xf32>,
        %get3A_983 = vector.shape_cast %get3A_982 : vector<1x16xf32> to vector<16xf32>
        %get3A_984 = arith.index_cast %scan3A_975 : i32 to index
        %get3A_985 = arith.constant 32 : index
        %get3A_986 = tpu.vector_load %arg11[%get3A_984, %get3A_985] {strides = array<i32>} : memref<64x128xf32, #tpu.memory_space<vmem>>, vector<1x16xf32>,
        %get3A_987 = vector.shape_cast %get3A_986 : vector<1x16xf32> to vector<16xf32>
        %get3A_988 = arith.index_cast %scan3A_975 : i32 to index
        %get3A_989 = arith.constant 48 : index
        %get3A_990 = tpu.vector_load %arg11[%get3A_988, %get3A_989] {strides = array<i32>} : memref<64x128xf32, #tpu.memory_space<vmem>>, vector<1x16xf32>,
        %get3A_991 = vector.shape_cast %get3A_990 : vector<1x16xf32> to vector<16xf32>
        %get3A_992 = arith.index_cast %scan3A_975 : i32 to index
        %get3A_993 = arith.constant 64 : index
        %get3A_994 = tpu.vector_load %arg11[%get3A_992, %get3A_993] {strides = array<i32>} : memref<64x128xf32, #tpu.memory_space<vmem>>, vector<1x16xf32>,
        %get3A_995 = vector.shape_cast %get3A_994 : vector<1x16xf32> to vector<16xf32>
        %get3A_996 = arith.index_cast %scan3A_975 : i32 to index
        %get3A_997 = arith.constant 80 : index
        %get3A_998 = tpu.vector_load %arg11[%get3A_996, %get3A_997] {strides = array<i32>} : memref<64x128xf32, #tpu.memory_space<vmem>>, vector<1x16xf32>,
        %get3A_999 = vector.shape_cast %get3A_998 : vector<1x16xf32> to vector<16xf32>
        %get3A_1000 = arith.index_cast %scan3A_975 : i32 to index
        %get3A_1001 = arith.constant 96 : index
        %get3A_1002 = tpu.vector_load %arg11[%get3A_1000, %get3A_1001] {strides = array<i32>} : memref<64x128xf32, #tpu.memory_space<vmem>>, vector<1x16xf32>,
        %get3A_1003 = vector.shape_cast %get3A_1002 : vector<1x16xf32> to vector<16xf32>
        %get3A_1004 = arith.index_cast %scan3A_975 : i32 to index
        %get3A_1005 = arith.constant 112 : index
        %get3A_1006 = tpu.vector_load %arg11[%get3A_1004, %get3A_1005] {strides = array<i32>} : memref<64x128xf32, #tpu.memory_space<vmem>>, vector<1x16xf32>,
        %get3A_1007 = vector.shape_cast %get3A_1006 : vector<1x16xf32> to vector<16xf32>
        %get3A_1008 = arith.index_cast %scan3A_975 : i32 to index
        %get3A_1009 = arith.constant 0 : index
        %get3A_1010 = tpu.vector_load %arg13[%get3A_1008, %get3A_1009] {strides = array<i32>} : memref<64x128xf32, #tpu.memory_space<vmem>>, vector<1x16xf32>,
        %get3A_1011 = vector.shape_cast %get3A_1010 : vector<1x16xf32> to vector<16xf32>
        %add3A_1012 = arith.addf %get3A_979, %get3A_1011 : vector<16xf32>
        %mul3A_1013 = arith.constant 2.000000e-01 : f32
        %mul3A_1014 = vector.broadcast %mul3A_1013 : f32 to vector<16xf32>
        %mul3A_1015 = arith.mulf %mul3A_1014, %add3A_1012 : vector<16xf32>
        %max3A_1016 = arith.maximumf %add3A_1012, %mul3A_1015 : vector<16xf32>
        %mul3A_1017 = arith.mulf %max3A_1016, %get3A_51 : vector<16xf32>
        %add3A_1018 = arith.addf %broadcast_in_dim3A_1, %mul3A_1017 : vector<16xf32>
        %get3A_1019 = arith.index_cast %scan3A_975 : i32 to index
        %get3A_1020 = arith.constant 16 : index
        %get3A_1021 = tpu.vector_load %arg13[%get3A_1019, %get3A_1020] {strides = array<i32>} : memref<64x128xf32, #tpu.memory_space<vmem>>, vector<1x16xf32>,
        %get3A_1022 = vector.shape_cast %get3A_1021 : vector<1x16xf32> to vector<16xf32>
        %add3A_1023 = arith.addf %get3A_983, %get3A_1022 : vector<16xf32>
        %mul3A_1024 = arith.constant 2.000000e-01 : f32
        %mul3A_1025 = vector.broadcast %mul3A_1024 : f32 to vector<16xf32>
        %mul3A_1026 = arith.mulf %mul3A_1025, %add3A_1023 : vector<16xf32>
        %max3A_1027 = arith.maximumf %add3A_1023, %mul3A_1026 : vector<16xf32>
        %mul3A_1028 = arith.mulf %max3A_1027, %get3A_54 : vector<16xf32>
        %add3A_1029 = arith.addf %add3A_1018, %mul3A_1028 : vector<16xf32>
        %get3A_1030 = arith.index_cast %scan3A_975 : i32 to index
        %get3A_1031 = arith.constant 32 : index
        %get3A_1032 = tpu.vector_load %arg13[%get3A_1030, %get3A_1031] {strides = array<i32>} : memref<64x128xf32, #tpu.memory_space<vmem>>, vector<1x16xf32>,
        %get3A_1033 = vector.shape_cast %get3A_1032 : vector<1x16xf32> to vector<16xf32>
        %add3A_1034 = arith.addf %get3A_987, %get3A_1033 : vector<16xf32>
        %mul3A_1035 = arith.constant 2.000000e-01 : f32
        %mul3A_1036 = vector.broadcast %mul3A_1035 : f32 to vector<16xf32>
        %mul3A_1037 = arith.mulf %mul3A_1036, %add3A_1034 : vector<16xf32>
        %max3A_1038 = arith.maximumf %add3A_1034, %mul3A_1037 : vector<16xf32>
        %mul3A_1039 = arith.mulf %max3A_1038, %get3A_57 : vector<16xf32>
        %add3A_1040 = arith.addf %add3A_1029, %mul3A_1039 : vector<16xf32>
        %get3A_1041 = arith.index_cast %scan3A_975 : i32 to index
        %get3A_1042 = arith.constant 48 : index
        %get3A_1043 = tpu.vector_load %arg13[%get3A_1041, %get3A_1042] {strides = array<i32>} : memref<64x128xf32, #tpu.memory_space<vmem>>, vector<1x16xf32>,
        %get3A_1044 = vector.shape_cast %get3A_1043 : vector<1x16xf32> to vector<16xf32>
        %add3A_1045 = arith.addf %get3A_991, %get3A_1044 : vector<16xf32>
        %mul3A_1046 = arith.constant 2.000000e-01 : f32
        %mul3A_1047 = vector.broadcast %mul3A_1046 : f32 to vector<16xf32>
        %mul3A_1048 = arith.mulf %mul3A_1047, %add3A_1045 : vector<16xf32>
        %max3A_1049 = arith.maximumf %add3A_1045, %mul3A_1048 : vector<16xf32>
        %mul3A_1050 = arith.mulf %max3A_1049, %get3A_60 : vector<16xf32>
        %add3A_1051 = arith.addf %add3A_1040, %mul3A_1050 : vector<16xf32>
        %get3A_1052 = arith.index_cast %scan3A_975 : i32 to index
        %get3A_1053 = arith.constant 64 : index
        %get3A_1054 = tpu.vector_load %arg13[%get3A_1052, %get3A_1053] {strides = array<i32>} : memref<64x128xf32, #tpu.memory_space<vmem>>, vector<1x16xf32>,
        %get3A_1055 = vector.shape_cast %get3A_1054 : vector<1x16xf32> to vector<16xf32>
        %add3A_1056 = arith.addf %get3A_995, %get3A_1055 : vector<16xf32>
        %mul3A_1057 = arith.constant 2.000000e-01 : f32
        %mul3A_1058 = vector.broadcast %mul3A_1057 : f32 to vector<16xf32>
        %mul3A_1059 = arith.mulf %mul3A_1058, %add3A_1056 : vector<16xf32>
        %max3A_1060 = arith.maximumf %add3A_1056, %mul3A_1059 : vector<16xf32>
        %mul3A_1061 = arith.mulf %max3A_1060, %get3A_63 : vector<16xf32>
        %add3A_1062 = arith.addf %add3A_1051, %mul3A_1061 : vector<16xf32>
        %get3A_1063 = arith.index_cast %scan3A_975 : i32 to index
        %get3A_1064 = arith.constant 80 : index
        %get3A_1065 = tpu.vector_load %arg13[%get3A_1063, %get3A_1064] {strides = array<i32>} : memref<64x128xf32, #tpu.memory_space<vmem>>, vector<1x16xf32>,
        %get3A_1066 = vector.shape_cast %get3A_1065 : vector<1x16xf32> to vector<16xf32>
        %add3A_1067 = arith.addf %get3A_999, %get3A_1066 : vector<16xf32>
        %mul3A_1068 = arith.constant 2.000000e-01 : f32
        %mul3A_1069 = vector.broadcast %mul3A_1068 : f32 to vector<16xf32>
        %mul3A_1070 = arith.mulf %mul3A_1069, %add3A_1067 : vector<16xf32>
        %max3A_1071 = arith.maximumf %add3A_1067, %mul3A_1070 : vector<16xf32>
        %mul3A_1072 = arith.mulf %max3A_1071, %get3A_66 : vector<16xf32>
        %add3A_1073 = arith.addf %add3A_1062, %mul3A_1072 : vector<16xf32>
        %get3A_1074 = arith.index_cast %scan3A_975 : i32 to index
        %get3A_1075 = arith.constant 96 : index
        %get3A_1076 = tpu.vector_load %arg13[%get3A_1074, %get3A_1075] {strides = array<i32>} : memref<64x128xf32, #tpu.memory_space<vmem>>, vector<1x16xf32>,
        %get3A_1077 = vector.shape_cast %get3A_1076 : vector<1x16xf32> to vector<16xf32>
        %add3A_1078 = arith.addf %get3A_1003, %get3A_1077 : vector<16xf32>
        %mul3A_1079 = arith.constant 2.000000e-01 : f32
        %mul3A_1080 = vector.broadcast %mul3A_1079 : f32 to vector<16xf32>
        %mul3A_1081 = arith.mulf %mul3A_1080, %add3A_1078 : vector<16xf32>
        %max3A_1082 = arith.maximumf %add3A_1078, %mul3A_1081 : vector<16xf32>
        %mul3A_1083 = arith.mulf %max3A_1082, %get3A_69 : vector<16xf32>
        %add3A_1084 = arith.addf %add3A_1073, %mul3A_1083 : vector<16xf32>
        %get3A_1085 = arith.index_cast %scan3A_975 : i32 to index
        %get3A_1086 = arith.constant 112 : index
        %get3A_1087 = tpu.vector_load %arg13[%get3A_1085, %get3A_1086] {strides = array<i32>} : memref<64x128xf32, #tpu.memory_space<vmem>>, vector<1x16xf32>,
        %get3A_1088 = vector.shape_cast %get3A_1087 : vector<1x16xf32> to vector<16xf32>
        %add3A_1089 = arith.addf %get3A_1007, %get3A_1088 : vector<16xf32>
        %mul3A_1090 = arith.constant 2.000000e-01 : f32
        %mul3A_1091 = vector.broadcast %mul3A_1090 : f32 to vector<16xf32>
        %mul3A_1092 = arith.mulf %mul3A_1091, %add3A_1089 : vector<16xf32>
        %max3A_1093 = arith.maximumf %add3A_1089, %mul3A_1092 : vector<16xf32>
        %mul3A_1094 = arith.mulf %max3A_1093, %get3A_72 : vector<16xf32>
        %add3A_1095 = arith.addf %add3A_1084, %mul3A_1094 : vector<16xf32>
        %xor3A_1096 = arith.constant 8 : i32
        %xor3A_1097 = vector.broadcast %xor3A_1096 : i32 to vector<16xi32>
        %xor3A_1098 = arith.xori %iota3A, %xor3A_1097 : vector<16xi32>
        %lt3A_1099 = arith.constant 0 : i32
        %lt3A_1100 = vector.broadcast %lt3A_1099 : i32 to vector<16xi32>
        %lt3A_1101 = arith.cmpi slt, %xor3A_1098, %lt3A_1100 : vector<16xi32>
        %add3A_1102 = arith.constant 16 : i32
        %add3A_1103 = vector.broadcast %add3A_1102 : i32 to vector<16xi32>
        %add3A_1104 = arith.addi %xor3A_1098, %add3A_1103 : vector<16xi32>
        %select_n3A_1105 = arith.select %lt3A_1101, %add3A_1104, %xor3A_1098 : vector<16xi1>, vector<16xi32>
        %broadcast_in_dim3A_1106 = vector.shape_cast %select_n3A_1105 : vector<16xi32> to vector<16x1xi32>
        %gather3A_1107 = vector.shape_cast %broadcast_in_dim3A_1106 : vector<16x1xi32> to vector<16xi32>
        %gather3A_1108 = tpu.dynamic_gather %add3A_1095[%gather3A_1107] in [0] : vector<16xf32>, vector<16xi32> -> vector<16xf32>
        %add3A_1109 = arith.addf %add3A_1095, %gather3A_1108 : vector<16xf32>
        %xor3A_1110 = arith.constant 4 : i32
        %xor3A_1111 = vector.broadcast %xor3A_1110 : i32 to vector<16xi32>
        %xor3A_1112 = arith.xori %iota3A, %xor3A_1111 : vector<16xi32>
        %lt3A_1113 = arith.constant 0 : i32
        %lt3A_1114 = vector.broadcast %lt3A_1113 : i32 to vector<16xi32>
        %lt3A_1115 = arith.cmpi slt, %xor3A_1112, %lt3A_1114 : vector<16xi32>
        %add3A_1116 = arith.constant 16 : i32
        %add3A_1117 = vector.broadcast %add3A_1116 : i32 to vector<16xi32>
        %add3A_1118 = arith.addi %xor3A_1112, %add3A_1117 : vector<16xi32>
        %select_n3A_1119 = arith.select %lt3A_1115, %add3A_1118, %xor3A_1112 : vector<16xi1>, vector<16xi32>
        %broadcast_in_dim3A_1120 = vector.shape_cast %select_n3A_1119 : vector<16xi32> to vector<16x1xi32>
        %gather3A_1121 = vector.shape_cast %broadcast_in_dim3A_1120 : vector<16x1xi32> to vector<16xi32>
        %gather3A_1122 = tpu.dynamic_gather %add3A_1109[%gather3A_1121] in [0] : vector<16xf32>, vector<16xi32> -> vector<16xf32>
        %add3A_1123 = arith.addf %add3A_1109, %gather3A_1122 : vector<16xf32>
        %xor3A_1124 = arith.constant 2 : i32
        %xor3A_1125 = vector.broadcast %xor3A_1124 : i32 to vector<16xi32>
        %xor3A_1126 = arith.xori %iota3A, %xor3A_1125 : vector<16xi32>
        %lt3A_1127 = arith.constant 0 : i32
        %lt3A_1128 = vector.broadcast %lt3A_1127 : i32 to vector<16xi32>
        %lt3A_1129 = arith.cmpi slt, %xor3A_1126, %lt3A_1128 : vector<16xi32>
        %add3A_1130 = arith.constant 16 : i32
        %add3A_1131 = vector.broadcast %add3A_1130 : i32 to vector<16xi32>
        %add3A_1132 = arith.addi %xor3A_1126, %add3A_1131 : vector<16xi32>
        %select_n3A_1133 = arith.select %lt3A_1129, %add3A_1132, %xor3A_1126 : vector<16xi1>, vector<16xi32>
        %broadcast_in_dim3A_1134 = vector.shape_cast %select_n3A_1133 : vector<16xi32> to vector<16x1xi32>
        %gather3A_1135 = vector.shape_cast %broadcast_in_dim3A_1134 : vector<16x1xi32> to vector<16xi32>
        %gather3A_1136 = tpu.dynamic_gather %add3A_1123[%gather3A_1135] in [0] : vector<16xf32>, vector<16xi32> -> vector<16xf32>
        %add3A_1137 = arith.addf %add3A_1123, %gather3A_1136 : vector<16xf32>
        %xor3A_1138 = arith.constant 1 : i32
        %xor3A_1139 = vector.broadcast %xor3A_1138 : i32 to vector<16xi32>
        %xor3A_1140 = arith.xori %iota3A, %xor3A_1139 : vector<16xi32>
        %lt3A_1141 = arith.constant 0 : i32
        %lt3A_1142 = vector.broadcast %lt3A_1141 : i32 to vector<16xi32>
        %lt3A_1143 = arith.cmpi slt, %xor3A_1140, %lt3A_1142 : vector<16xi32>
        %add3A_1144 = arith.constant 16 : i32
        %add3A_1145 = vector.broadcast %add3A_1144 : i32 to vector<16xi32>
        %add3A_1146 = arith.addi %xor3A_1140, %add3A_1145 : vector<16xi32>
        %select_n3A_1147 = arith.select %lt3A_1143, %add3A_1146, %xor3A_1140 : vector<16xi1>, vector<16xi32>
        %broadcast_in_dim3A_1148 = vector.shape_cast %select_n3A_1147 : vector<16xi32> to vector<16x1xi32>
        %gather3A_1149 = vector.shape_cast %broadcast_in_dim3A_1148 : vector<16x1xi32> to vector<16xi32>
        %gather3A_1150 = tpu.dynamic_gather %add3A_1137[%gather3A_1149] in [0] : vector<16xf32>, vector<16xi32> -> vector<16xf32>
        %add3A_1151 = arith.addf %add3A_1137, %gather3A_1150 : vector<16xf32>
        %exp3A_1152 = math.exp %add3A_1151 : vector<16xf32>
        %mul3A_1153 = arith.mulf %get3A_979, %exp3A_1152 : vector<16xf32>
        %swap3A_1154 = arith.index_cast %scan3A_975 : i32 to index
        %swap3A_1155 = arith.constant 0 : index
        %swap3A_1156 = tpu.vector_load %arg11[%swap3A_1154, %swap3A_1155] {strides = array<i32>} : memref<64x128xf32, #tpu.memory_space<vmem>>, vector<1x16xf32>,
        %swap3A_1157 = vector.shape_cast %swap3A_1156 : vector<1x16xf32> to vector<16xf32>
        %swap3A_1158 = vector.shape_cast %mul3A_1153 : vector<16xf32> to vector<1x16xf32>
        tpu.vector_store %arg11[%swap3A_1154, %swap3A_1155], %swap3A_1158 {strides = array<i32>} : memref<64x128xf32, #tpu.memory_space<vmem>>, vector<1x16xf32>,
        %mul3A_1159 = arith.mulf %get3A_983, %exp3A_1152 : vector<16xf32>
        %swap3A_1160 = arith.index_cast %scan3A_975 : i32 to index
        %swap3A_1161 = arith.constant 16 : index
        %swap3A_1162 = tpu.vector_load %arg11[%swap3A_1160, %swap3A_1161] {strides = array<i32>} : memref<64x128xf32, #tpu.memory_space<vmem>>, vector<1x16xf32>,
        %swap3A_1163 = vector.shape_cast %swap3A_1162 : vector<1x16xf32> to vector<16xf32>
        %swap3A_1164 = vector.shape_cast %mul3A_1159 : vector<16xf32> to vector<1x16xf32>
        tpu.vector_store %arg11[%swap3A_1160, %swap3A_1161], %swap3A_1164 {strides = array<i32>} : memref<64x128xf32, #tpu.memory_space<vmem>>, vector<1x16xf32>,
        %mul3A_1165 = arith.mulf %get3A_987, %exp3A_1152 : vector<16xf32>
        %swap3A_1166 = arith.index_cast %scan3A_975 : i32 to index
        %swap3A_1167 = arith.constant 32 : index
        %swap3A_1168 = tpu.vector_load %arg11[%swap3A_1166, %swap3A_1167] {strides = array<i32>} : memref<64x128xf32, #tpu.memory_space<vmem>>, vector<1x16xf32>,
        %swap3A_1169 = vector.shape_cast %swap3A_1168 : vector<1x16xf32> to vector<16xf32>
        %swap3A_1170 = vector.shape_cast %mul3A_1165 : vector<16xf32> to vector<1x16xf32>
        tpu.vector_store %arg11[%swap3A_1166, %swap3A_1167], %swap3A_1170 {strides = array<i32>} : memref<64x128xf32, #tpu.memory_space<vmem>>, vector<1x16xf32>,
        %mul3A_1171 = arith.mulf %get3A_991, %exp3A_1152 : vector<16xf32>
        %swap3A_1172 = arith.index_cast %scan3A_975 : i32 to index
        %swap3A_1173 = arith.constant 48 : index
        %swap3A_1174 = tpu.vector_load %arg11[%swap3A_1172, %swap3A_1173] {strides = array<i32>} : memref<64x128xf32, #tpu.memory_space<vmem>>, vector<1x16xf32>,
        %swap3A_1175 = vector.shape_cast %swap3A_1174 : vector<1x16xf32> to vector<16xf32>
        %swap3A_1176 = vector.shape_cast %mul3A_1171 : vector<16xf32> to vector<1x16xf32>
        tpu.vector_store %arg11[%swap3A_1172, %swap3A_1173], %swap3A_1176 {strides = array<i32>} : memref<64x128xf32, #tpu.memory_space<vmem>>, vector<1x16xf32>,
        %mul3A_1177 = arith.mulf %get3A_995, %exp3A_1152 : vector<16xf32>
        %swap3A_1178 = arith.index_cast %scan3A_975 : i32 to index
        %swap3A_1179 = arith.constant 64 : index
        %swap3A_1180 = tpu.vector_load %arg11[%swap3A_1178, %swap3A_1179] {strides = array<i32>} : memref<64x128xf32, #tpu.memory_space<vmem>>, vector<1x16xf32>,
        %swap3A_1181 = vector.shape_cast %swap3A_1180 : vector<1x16xf32> to vector<16xf32>
        %swap3A_1182 = vector.shape_cast %mul3A_1177 : vector<16xf32> to vector<1x16xf32>
        tpu.vector_store %arg11[%swap3A_1178, %swap3A_1179], %swap3A_1182 {strides = array<i32>} : memref<64x128xf32, #tpu.memory_space<vmem>>, vector<1x16xf32>,
        %mul3A_1183 = arith.mulf %get3A_999, %exp3A_1152 : vector<16xf32>
        %swap3A_1184 = arith.index_cast %scan3A_975 : i32 to index
        %swap3A_1185 = arith.constant 80 : index
        %swap3A_1186 = tpu.vector_load %arg11[%swap3A_1184, %swap3A_1185] {strides = array<i32>} : memref<64x128xf32, #tpu.memory_space<vmem>>, vector<1x16xf32>,
        %swap3A_1187 = vector.shape_cast %swap3A_1186 : vector<1x16xf32> to vector<16xf32>
        %swap3A_1188 = vector.shape_cast %mul3A_1183 : vector<16xf32> to vector<1x16xf32>
        tpu.vector_store %arg11[%swap3A_1184, %swap3A_1185], %swap3A_1188 {strides = array<i32>} : memref<64x128xf32, #tpu.memory_space<vmem>>, vector<1x16xf32>,
        %mul3A_1189 = arith.mulf %get3A_1003, %exp3A_1152 : vector<16xf32>
        %swap3A_1190 = arith.index_cast %scan3A_975 : i32 to index
        %swap3A_1191 = arith.constant 96 : index
        %swap3A_1192 = tpu.vector_load %arg11[%swap3A_1190, %swap3A_1191] {strides = array<i32>} : memref<64x128xf32, #tpu.memory_space<vmem>>, vector<1x16xf32>,
        %swap3A_1193 = vector.shape_cast %swap3A_1192 : vector<1x16xf32> to vector<16xf32>
        %swap3A_1194 = vector.shape_cast %mul3A_1189 : vector<16xf32> to vector<1x16xf32>
        tpu.vector_store %arg11[%swap3A_1190, %swap3A_1191], %swap3A_1194 {strides = array<i32>} : memref<64x128xf32, #tpu.memory_space<vmem>>, vector<1x16xf32>,
        %mul3A_1195 = arith.mulf %get3A_1007, %exp3A_1152 : vector<16xf32>
        %swap3A_1196 = arith.index_cast %scan3A_975 : i32 to index
        %swap3A_1197 = arith.constant 112 : index
        %swap3A_1198 = tpu.vector_load %arg11[%swap3A_1196, %swap3A_1197] {strides = array<i32>} : memref<64x128xf32, #tpu.memory_space<vmem>>, vector<1x16xf32>,
        %swap3A_1199 = vector.shape_cast %swap3A_1198 : vector<1x16xf32> to vector<16xf32>
        %swap3A_1200 = vector.shape_cast %mul3A_1195 : vector<16xf32> to vector<1x16xf32>
        tpu.vector_store %arg11[%swap3A_1196, %swap3A_1197], %swap3A_1200 {strides = array<i32>} : memref<64x128xf32, #tpu.memory_space<vmem>>, vector<1x16xf32>,
        %eq3A_1201 = arith.constant 0 : i32
        %eq3A_1202 = vector.broadcast %eq3A_1201 : i32 to vector<16xi32>
        %eq3A_1203 = arith.cmpi eq, %iota3A, %eq3A_1202 : vector<16xi32>
        %jit3A_1204 = arith.constant 0.000000e+00 : f32
        %broadcast_in_dim3A_1205 = vector.broadcast %jit3A_1204 : f32 to vector<16xf32>
        %select_n3A_1206 = arith.select %eq3A_1203, %exp3A_1152, %broadcast_in_dim3A_1205 : vector<16xi1>, vector<16xf32>
        %swap3A_1207 = arith.index_cast %scan3A_975 : i32 to index
        %swap3A_1208 = arith.constant 0 : index
        %swap3A_1209 = tpu.vector_load %arg21[%swap3A_1207, %swap3A_1208] {strides = array<i32>} : memref<64x16xf32, #tpu.memory_space<vmem>>, vector<1x16xf32>,
        %swap3A_1210 = vector.shape_cast %swap3A_1209 : vector<1x16xf32> to vector<16xf32>
        %swap3A_1211 = vector.shape_cast %select_n3A_1206 : vector<16xf32> to vector<1x16xf32>
        tpu.vector_store %arg21[%swap3A_1207, %swap3A_1208], %swap3A_1211 {strides = array<i32>} : memref<64x16xf32, #tpu.memory_space<vmem>>, vector<1x16xf32>,
        %scan3A_1212 = arith.constant 0 : i32
        scf.yield %scan3A_1212 : i32
      }
      %scan3A_173 = arith.constant 64 : i32
      %dma_start3A_174 = arith.constant 0 : i32
      %dma_start3A_175 = arith.constant 0 : i32
      %dma_start3A_176 = tpu.memref_slice %arg9[%dma_start3A_174, %dma_start3A_175] : memref<10112x128xf32, #tpu.memory_space<vmem_shared>> -> memref<10112x128xf32, #tpu.memory_space<vmem_shared>>
      tpu.enqueue_indirect_dma source(%arg11 : memref<64x128xf32, #tpu.memory_space<vmem>>) target(%dma_start3A_176 : memref<10112x128xf32, #tpu.memory_space<vmem_shared>>) offsets(%arg19 : memref<64xi32, #tpu.memory_space<vmem>>) semaphore(%arg28 : memref<!tpu.dma_semaphore, #tpu.memory_space<semaphore_mem>>) {add = true}
      %dma_start3A_177 = arith.constant 0 : i32
      %dma_start3A_178 = arith.constant 0 : i32
      %dma_start3A_179 = tpu.memref_slice %arg10[%dma_start3A_177, %dma_start3A_178] : memref<10112x16xf32, #tpu.memory_space<vmem_shared>> -> memref<10112x16xf32, #tpu.memory_space<vmem_shared>>
      tpu.enqueue_indirect_dma source(%arg21 : memref<64x16xf32, #tpu.memory_space<vmem>>) target(%dma_start3A_179 : memref<10112x16xf32, #tpu.memory_space<vmem_shared>>) offsets(%arg19 : memref<64xi32, #tpu.memory_space<vmem>>) semaphore(%arg28 : memref<!tpu.dma_semaphore, #tpu.memory_space<semaphore_mem>>) {add = true}
      %dma_wait3A_180 = arith.constant 0 : i32
      %dma_wait3A_181 = arith.constant 0 : i32
      %dma_wait3A_182 = tpu.memref_slice %arg9[%dma_wait3A_180, %dma_wait3A_181] : memref<10112x128xf32, #tpu.memory_space<vmem_shared>> -> memref<10112x128xf32, #tpu.memory_space<vmem_shared>>
      tpu.wait_indirect_dma semaphore(%arg28 : memref<!tpu.dma_semaphore, #tpu.memory_space<semaphore_mem>>) src(%arg11 : memref<64x128xf32, #tpu.memory_space<vmem>>) dst(%dma_wait3A_182 : memref<10112x128xf32, #tpu.memory_space<vmem_shared>>)
      %dma_wait3A_183 = arith.constant 0 : i32
      %dma_wait3A_184 = arith.constant 0 : i32
      %dma_wait3A_185 = tpu.memref_slice %arg10[%dma_wait3A_183, %dma_wait3A_184] : memref<10112x16xf32, #tpu.memory_space<vmem_shared>> -> memref<10112x16xf32, #tpu.memory_space<vmem_shared>>
      tpu.wait_indirect_dma semaphore(%arg28 : memref<!tpu.dma_semaphore, #tpu.memory_space<semaphore_mem>>) src(%arg21 : memref<64x16xf32, #tpu.memory_space<vmem>>) dst(%dma_wait3A_185 : memref<10112x16xf32, #tpu.memory_space<vmem_shared>>)
      %lt3A_186 = arith.constant 81 : i32
      %lt3A_187 = arith.cmpi slt, %scan3A_122, %lt3A_186 : i32
      %convert_element_type3A_188 = arith.extui %lt3A_187 : i1 to i32
      %cond3A_189 = arith.constant 0 : i32
      %cond3A_190 = arith.cmpi ne, %convert_element_type3A_188, %cond3A_189 : i32
      scf.if %cond3A_190 {
        %dma_wait3A_264 = tpu.memref_slice %arg4[%add3A_164] : memref<335872xi32, #tpu.memory_space<hbm>> -> memref<64xi32, #tpu.memory_space<hbm>>
        %dma_wait3A_265 = tpu.memref_slice %arg4[%add3A_164] : memref<335872xi32, #tpu.memory_space<hbm>> -> memref<64xi32, #tpu.memory_space<hbm>>
        tpu.wait_dma2 semaphore(%arg26 : memref<!tpu.dma_semaphore, #tpu.memory_space<semaphore_mem>>) src(%dma_wait3A_265 : memref<64xi32, #tpu.memory_space<hbm>>) dst(%arg15 : memref<64xi32, #tpu.memory_space<vmem>>)
        %dma_wait3A_266 = tpu.memref_slice %arg5[%add3A_164] : memref<335872xi32, #tpu.memory_space<hbm>> -> memref<64xi32, #tpu.memory_space<hbm>>
        %dma_wait3A_267 = tpu.memref_slice %arg5[%add3A_164] : memref<335872xi32, #tpu.memory_space<hbm>> -> memref<64xi32, #tpu.memory_space<hbm>>
        tpu.wait_dma2 semaphore(%arg26 : memref<!tpu.dma_semaphore, #tpu.memory_space<semaphore_mem>>) src(%dma_wait3A_267 : memref<64xi32, #tpu.memory_space<hbm>>) dst(%arg17 : memref<64xi32, #tpu.memory_space<vmem>>)
        %dma_start3A_268 = arith.constant 0 : i32
        %dma_start3A_269 = arith.constant 0 : i32
        %dma_start3A_270 = tpu.memref_slice %arg2[%dma_start3A_268, %dma_start3A_269] : memref<10000x128xf32, #tpu.memory_space<hbm>> -> memref<10000x128xf32, #tpu.memory_space<hbm>>
        tpu.enqueue_indirect_dma source(%dma_start3A_270 : memref<10000x128xf32, #tpu.memory_space<hbm>>) target(%arg11 : memref<64x128xf32, #tpu.memory_space<vmem>>) offsets(%arg15 : memref<64xi32, #tpu.memory_space<vmem>>) semaphore(%arg24 : memref<!tpu.dma_semaphore, #tpu.memory_space<semaphore_mem>>)
        %dma_start3A_271 = arith.constant 0 : i32
        %dma_start3A_272 = arith.constant 0 : i32
        %dma_start3A_273 = tpu.memref_slice %arg3[%dma_start3A_271, %dma_start3A_272] : memref<10000x128xf32, #tpu.memory_space<hbm>> -> memref<10000x128xf32, #tpu.memory_space<hbm>>
        tpu.enqueue_indirect_dma source(%dma_start3A_273 : memref<10000x128xf32, #tpu.memory_space<hbm>>) target(%arg13 : memref<64x128xf32, #tpu.memory_space<vmem>>) offsets(%arg17 : memref<64xi32, #tpu.memory_space<vmem>>) semaphore(%arg24 : memref<!tpu.dma_semaphore, #tpu.memory_space<semaphore_mem>>)
      } else {
      }
      %mul3A_191 = arith.constant 2 : i32
      %mul3A_192 = arith.muli %mul3A_191, %scan3A_122 : i32
      %add3A_193 = arith.constant 1 : i32
      %add3A_194 = arith.addi %mul3A_192, %add3A_193 : i32
      %dma_wait3A_195 = arith.constant 0 : i32
      %dma_wait3A_196 = arith.constant 0 : i32
      %dma_wait3A_197 = tpu.memref_slice %arg2[%dma_wait3A_195, %dma_wait3A_196] : memref<10000x128xf32, #tpu.memory_space<hbm>> -> memref<10000x128xf32, #tpu.memory_space<hbm>>
      tpu.wait_indirect_dma semaphore(%arg25 : memref<!tpu.dma_semaphore, #tpu.memory_space<semaphore_mem>>) src(%dma_wait3A_197 : memref<10000x128xf32, #tpu.memory_space<hbm>>) dst(%arg12 : memref<64x128xf32, #tpu.memory_space<vmem>>)
      %dma_wait3A_198 = arith.constant 0 : i32
      %dma_wait3A_199 = arith.constant 0 : i32
      %dma_wait3A_200 = tpu.memref_slice %arg3[%dma_wait3A_198, %dma_wait3A_199] : memref<10000x128xf32, #tpu.memory_space<hbm>> -> memref<10000x128xf32, #tpu.memory_space<hbm>>
      tpu.wait_indirect_dma semaphore(%arg25 : memref<!tpu.dma_semaphore, #tpu.memory_space<semaphore_mem>>) src(%dma_wait3A_200 : memref<10000x128xf32, #tpu.memory_space<hbm>>) dst(%arg14 : memref<64x128xf32, #tpu.memory_space<vmem>>)
      %get3A_201 = arith.constant 0 : index
      %get3A_202 = tpu.vector_load %arg18[%get3A_201] {strides = array<i32>} : memref<64xi32, #tpu.memory_space<vmem>>, vector<16xi32>,
      %get3A_203 = vector.shape_cast %get3A_202 : vector<16xi32> to vector<16xi32>
      %swap3A_204 = arith.constant 0 : index
      %swap3A_205 = tpu.vector_load %arg20[%swap3A_204] {strides = array<i32>} : memref<64xi32, #tpu.memory_space<vmem>>, vector<16xi32>,
      %swap3A_206 = vector.shape_cast %swap3A_205 : vector<16xi32> to vector<16xi32>
      %swap3A_207 = vector.shape_cast %get3A_203 : vector<16xi32> to vector<16xi32>
      tpu.vector_store %arg20[%swap3A_204], %swap3A_207 {strides = array<i32>} : memref<64xi32, #tpu.memory_space<vmem>>, vector<16xi32>,
      %get3A_208 = arith.constant 16 : index
      %get3A_209 = tpu.vector_load %arg18[%get3A_208] {strides = array<i32>} : memref<64xi32, #tpu.memory_space<vmem>>, vector<16xi32>,
      %get3A_210 = vector.shape_cast %get3A_209 : vector<16xi32> to vector<16xi32>
      %swap3A_211 = arith.constant 16 : index
      %swap3A_212 = tpu.vector_load %arg20[%swap3A_211] {strides = array<i32>} : memref<64xi32, #tpu.memory_space<vmem>>, vector<16xi32>,
      %swap3A_213 = vector.shape_cast %swap3A_212 : vector<16xi32> to vector<16xi32>
      %swap3A_214 = vector.shape_cast %get3A_210 : vector<16xi32> to vector<16xi32>
      tpu.vector_store %arg20[%swap3A_211], %swap3A_214 {strides = array<i32>} : memref<64xi32, #tpu.memory_space<vmem>>, vector<16xi32>,
      %get3A_215 = arith.constant 32 : index
      %get3A_216 = tpu.vector_load %arg18[%get3A_215] {strides = array<i32>} : memref<64xi32, #tpu.memory_space<vmem>>, vector<16xi32>,
      %get3A_217 = vector.shape_cast %get3A_216 : vector<16xi32> to vector<16xi32>
      %swap3A_218 = arith.constant 32 : index
      %swap3A_219 = tpu.vector_load %arg20[%swap3A_218] {strides = array<i32>} : memref<64xi32, #tpu.memory_space<vmem>>, vector<16xi32>,
      %swap3A_220 = vector.shape_cast %swap3A_219 : vector<16xi32> to vector<16xi32>
      %swap3A_221 = vector.shape_cast %get3A_217 : vector<16xi32> to vector<16xi32>
      tpu.vector_store %arg20[%swap3A_218], %swap3A_221 {strides = array<i32>} : memref<64xi32, #tpu.memory_space<vmem>>, vector<16xi32>,
      %get3A_222 = arith.constant 48 : index
      %get3A_223 = tpu.vector_load %arg18[%get3A_222] {strides = array<i32>} : memref<64xi32, #tpu.memory_space<vmem>>, vector<16xi32>,
      %get3A_224 = vector.shape_cast %get3A_223 : vector<16xi32> to vector<16xi32>
      %swap3A_225 = arith.constant 48 : index
      %swap3A_226 = tpu.vector_load %arg20[%swap3A_225] {strides = array<i32>} : memref<64xi32, #tpu.memory_space<vmem>>, vector<16xi32>,
      %swap3A_227 = vector.shape_cast %swap3A_226 : vector<16xi32> to vector<16xi32>
      %swap3A_228 = vector.shape_cast %get3A_224 : vector<16xi32> to vector<16xi32>
      tpu.vector_store %arg20[%swap3A_225], %swap3A_228 {strides = array<i32>} : memref<64xi32, #tpu.memory_space<vmem>>, vector<16xi32>,
      %add3A_229 = arith.constant 2 : i32
      %add3A_230 = arith.addi %add3A_194, %add3A_229 : i32
      %mul3A_231 = arith.constant 64 : i32
      %mul3A_232 = arith.muli %add3A_230, %mul3A_231 : i32
      %add3A_233 = arith.addi %mul3A_74, %mul3A_232 : i32
      %lt3A_234 = arith.constant 81 : i32
      %lt3A_235 = arith.cmpi slt, %scan3A_122, %lt3A_234 : i32
      %convert_element_type3A_236 = arith.extui %lt3A_235 : i1 to i32
      %cond3A_237 = arith.constant 0 : i32
      %cond3A_238 = arith.cmpi ne, %convert_element_type3A_236, %cond3A_237 : i32
      scf.if %cond3A_238 {
        %dma_start3A_264 = tpu.memref_slice %arg4[%add3A_233] : memref<335872xi32, #tpu.memory_space<hbm>> -> memref<64xi32, #tpu.memory_space<hbm>>
        %dma_start3A_265 = tpu.memref_slice %arg4[%add3A_233] : memref<335872xi32, #tpu.memory_space<hbm>> -> memref<64xi32, #tpu.memory_space<hbm>>
        tpu.enqueue_dma source(%dma_start3A_265 : memref<64xi32, #tpu.memory_space<hbm>>) target(%arg16 : memref<64xi32, #tpu.memory_space<vmem>>) target_semaphore(%arg27 : memref<!tpu.dma_semaphore, #tpu.memory_space<semaphore_mem>>)
        %dma_start3A_266 = tpu.memref_slice %arg5[%add3A_233] : memref<335872xi32, #tpu.memory_space<hbm>> -> memref<64xi32, #tpu.memory_space<hbm>>
        %dma_start3A_267 = tpu.memref_slice %arg5[%add3A_233] : memref<335872xi32, #tpu.memory_space<hbm>> -> memref<64xi32, #tpu.memory_space<hbm>>
        tpu.enqueue_dma source(%dma_start3A_267 : memref<64xi32, #tpu.memory_space<hbm>>) target(%arg18 : memref<64xi32, #tpu.memory_space<vmem>>) target_semaphore(%arg27 : memref<!tpu.dma_semaphore, #tpu.memory_space<semaphore_mem>>)
      } else {
      }
      %scan3A_239 = arith.constant 0 : i32
      %scan3A_240 = arith.constant 0 : i32
      %scan3A_241 = arith.constant 64 : i32
      %scan3A_242 = arith.addi %scan3A_240, %scan3A_241 : i32
      %scan3A_243 = arith.constant 4 : i32
      %scan3A_244 = scf.for %scan3A_264 = %scan3A_240 to %scan3A_242 step %scan3A_243 iter_args(%scan3A_265 = %scan3A_239) -> (i32)  : i32 {
        %get3A_266 = arith.index_cast %scan3A_264 : i32 to index
        %get3A_267 = arith.constant 0 : index
        %get3A_268 = tpu.vector_load %arg12[%get3A_266, %get3A_267] {strides = array<i32>} : memref<64x128xf32, #tpu.memory_space<vmem>>, vector<1x16xf32>,
        %get3A_269 = vector.shape_cast %get3A_268 : vector<1x16xf32> to vector<16xf32>
        %get3A_270 = arith.index_cast %scan3A_264 : i32 to index
        %get3A_271 = arith.constant 16 : index
        %get3A_272 = tpu.vector_load %arg12[%get3A_270, %get3A_271] {strides = array<i32>} : memref<64x128xf32, #tpu.memory_space<vmem>>, vector<1x16xf32>,
        %get3A_273 = vector.shape_cast %get3A_272 : vector<1x16xf32> to vector<16xf32>
        %get3A_274 = arith.index_cast %scan3A_264 : i32 to index
        %get3A_275 = arith.constant 32 : index
        %get3A_276 = tpu.vector_load %arg12[%get3A_274, %get3A_275] {strides = array<i32>} : memref<64x128xf32, #tpu.memory_space<vmem>>, vector<1x16xf32>,
        %get3A_277 = vector.shape_cast %get3A_276 : vector<1x16xf32> to vector<16xf32>
        %get3A_278 = arith.index_cast %scan3A_264 : i32 to index
        %get3A_279 = arith.constant 48 : index
        %get3A_280 = tpu.vector_load %arg12[%get3A_278, %get3A_279] {strides = array<i32>} : memref<64x128xf32, #tpu.memory_space<vmem>>, vector<1x16xf32>,
        %get3A_281 = vector.shape_cast %get3A_280 : vector<1x16xf32> to vector<16xf32>
        %get3A_282 = arith.index_cast %scan3A_264 : i32 to index
        %get3A_283 = arith.constant 64 : index
        %get3A_284 = tpu.vector_load %arg12[%get3A_282, %get3A_283] {strides = array<i32>} : memref<64x128xf32, #tpu.memory_space<vmem>>, vector<1x16xf32>,
        %get3A_285 = vector.shape_cast %get3A_284 : vector<1x16xf32> to vector<16xf32>
        %get3A_286 = arith.index_cast %scan3A_264 : i32 to index
        %get3A_287 = arith.constant 80 : index
        %get3A_288 = tpu.vector_load %arg12[%get3A_286, %get3A_287] {strides = array<i32>} : memref<64x128xf32, #tpu.memory_space<vmem>>, vector<1x16xf32>,
        %get3A_289 = vector.shape_cast %get3A_288 : vector<1x16xf32> to vector<16xf32>
        %get3A_290 = arith.index_cast %scan3A_264 : i32 to index
        %get3A_291 = arith.constant 96 : index
        %get3A_292 = tpu.vector_load %arg12[%get3A_290, %get3A_291] {strides = array<i32>} : memref<64x128xf32, #tpu.memory_space<vmem>>, vector<1x16xf32>,
        %get3A_293 = vector.shape_cast %get3A_292 : vector<1x16xf32> to vector<16xf32>
        %get3A_294 = arith.index_cast %scan3A_264 : i32 to index
        %get3A_295 = arith.constant 112 : index
        %get3A_296 = tpu.vector_load %arg12[%get3A_294, %get3A_295] {strides = array<i32>} : memref<64x128xf32, #tpu.memory_space<vmem>>, vector<1x16xf32>,
        %get3A_297 = vector.shape_cast %get3A_296 : vector<1x16xf32> to vector<16xf32>
        %get3A_298 = arith.index_cast %scan3A_264 : i32 to index
        %get3A_299 = arith.constant 0 : index
        %get3A_300 = tpu.vector_load %arg14[%get3A_298, %get3A_299] {strides = array<i32>} : memref<64x128xf32, #tpu.memory_space<vmem>>, vector<1x16xf32>,
        %get3A_301 = vector.shape_cast %get3A_300 : vector<1x16xf32> to vector<16xf32>
        %add3A_302 = arith.addf %get3A_269, %get3A_301 : vector<16xf32>
        %mul3A_303 = arith.constant 2.000000e-01 : f32
        %mul3A_304 = vector.broadcast %mul3A_303 : f32 to vector<16xf32>
        %mul3A_305 = arith.mulf %mul3A_304, %add3A_302 : vector<16xf32>
        %max3A = arith.maximumf %add3A_302, %mul3A_305 : vector<16xf32>
        %mul3A_306 = arith.mulf %max3A, %get3A_51 : vector<16xf32>
        %add3A_307 = arith.addf %broadcast_in_dim3A_1, %mul3A_306 : vector<16xf32>
        %get3A_308 = arith.index_cast %scan3A_264 : i32 to index
        %get3A_309 = arith.constant 16 : index
        %get3A_310 = tpu.vector_load %arg14[%get3A_308, %get3A_309] {strides = array<i32>} : memref<64x128xf32, #tpu.memory_space<vmem>>, vector<1x16xf32>,
        %get3A_311 = vector.shape_cast %get3A_310 : vector<1x16xf32> to vector<16xf32>
        %add3A_312 = arith.addf %get3A_273, %get3A_311 : vector<16xf32>
        %mul3A_313 = arith.constant 2.000000e-01 : f32
        %mul3A_314 = vector.broadcast %mul3A_313 : f32 to vector<16xf32>
        %mul3A_315 = arith.mulf %mul3A_314, %add3A_312 : vector<16xf32>
        %max3A_316 = arith.maximumf %add3A_312, %mul3A_315 : vector<16xf32>
        %mul3A_317 = arith.mulf %max3A_316, %get3A_54 : vector<16xf32>
        %add3A_318 = arith.addf %add3A_307, %mul3A_317 : vector<16xf32>
        %get3A_319 = arith.index_cast %scan3A_264 : i32 to index
        %get3A_320 = arith.constant 32 : index
        %get3A_321 = tpu.vector_load %arg14[%get3A_319, %get3A_320] {strides = array<i32>} : memref<64x128xf32, #tpu.memory_space<vmem>>, vector<1x16xf32>,
        %get3A_322 = vector.shape_cast %get3A_321 : vector<1x16xf32> to vector<16xf32>
        %add3A_323 = arith.addf %get3A_277, %get3A_322 : vector<16xf32>
        %mul3A_324 = arith.constant 2.000000e-01 : f32
        %mul3A_325 = vector.broadcast %mul3A_324 : f32 to vector<16xf32>
        %mul3A_326 = arith.mulf %mul3A_325, %add3A_323 : vector<16xf32>
        %max3A_327 = arith.maximumf %add3A_323, %mul3A_326 : vector<16xf32>
        %mul3A_328 = arith.mulf %max3A_327, %get3A_57 : vector<16xf32>
        %add3A_329 = arith.addf %add3A_318, %mul3A_328 : vector<16xf32>
        %get3A_330 = arith.index_cast %scan3A_264 : i32 to index
        %get3A_331 = arith.constant 48 : index
        %get3A_332 = tpu.vector_load %arg14[%get3A_330, %get3A_331] {strides = array<i32>} : memref<64x128xf32, #tpu.memory_space<vmem>>, vector<1x16xf32>,
        %get3A_333 = vector.shape_cast %get3A_332 : vector<1x16xf32> to vector<16xf32>
        %add3A_334 = arith.addf %get3A_281, %get3A_333 : vector<16xf32>
        %mul3A_335 = arith.constant 2.000000e-01 : f32
        %mul3A_336 = vector.broadcast %mul3A_335 : f32 to vector<16xf32>
        %mul3A_337 = arith.mulf %mul3A_336, %add3A_334 : vector<16xf32>
        %max3A_338 = arith.maximumf %add3A_334, %mul3A_337 : vector<16xf32>
        %mul3A_339 = arith.mulf %max3A_338, %get3A_60 : vector<16xf32>
        %add3A_340 = arith.addf %add3A_329, %mul3A_339 : vector<16xf32>
        %get3A_341 = arith.index_cast %scan3A_264 : i32 to index
        %get3A_342 = arith.constant 64 : index
        %get3A_343 = tpu.vector_load %arg14[%get3A_341, %get3A_342] {strides = array<i32>} : memref<64x128xf32, #tpu.memory_space<vmem>>, vector<1x16xf32>,
        %get3A_344 = vector.shape_cast %get3A_343 : vector<1x16xf32> to vector<16xf32>
        %add3A_345 = arith.addf %get3A_285, %get3A_344 : vector<16xf32>
        %mul3A_346 = arith.constant 2.000000e-01 : f32
        %mul3A_347 = vector.broadcast %mul3A_346 : f32 to vector<16xf32>
        %mul3A_348 = arith.mulf %mul3A_347, %add3A_345 : vector<16xf32>
        %max3A_349 = arith.maximumf %add3A_345, %mul3A_348 : vector<16xf32>
        %mul3A_350 = arith.mulf %max3A_349, %get3A_63 : vector<16xf32>
        %add3A_351 = arith.addf %add3A_340, %mul3A_350 : vector<16xf32>
        %get3A_352 = arith.index_cast %scan3A_264 : i32 to index
        %get3A_353 = arith.constant 80 : index
        %get3A_354 = tpu.vector_load %arg14[%get3A_352, %get3A_353] {strides = array<i32>} : memref<64x128xf32, #tpu.memory_space<vmem>>, vector<1x16xf32>,
        %get3A_355 = vector.shape_cast %get3A_354 : vector<1x16xf32> to vector<16xf32>
        %add3A_356 = arith.addf %get3A_289, %get3A_355 : vector<16xf32>
        %mul3A_357 = arith.constant 2.000000e-01 : f32
        %mul3A_358 = vector.broadcast %mul3A_357 : f32 to vector<16xf32>
        %mul3A_359 = arith.mulf %mul3A_358, %add3A_356 : vector<16xf32>
        %max3A_360 = arith.maximumf %add3A_356, %mul3A_359 : vector<16xf32>
        %mul3A_361 = arith.mulf %max3A_360, %get3A_66 : vector<16xf32>
        %add3A_362 = arith.addf %add3A_351, %mul3A_361 : vector<16xf32>
        %get3A_363 = arith.index_cast %scan3A_264 : i32 to index
        %get3A_364 = arith.constant 96 : index
        %get3A_365 = tpu.vector_load %arg14[%get3A_363, %get3A_364] {strides = array<i32>} : memref<64x128xf32, #tpu.memory_space<vmem>>, vector<1x16xf32>,
        %get3A_366 = vector.shape_cast %get3A_365 : vector<1x16xf32> to vector<16xf32>
        %add3A_367 = arith.addf %get3A_293, %get3A_366 : vector<16xf32>
        %mul3A_368 = arith.constant 2.000000e-01 : f32
        %mul3A_369 = vector.broadcast %mul3A_368 : f32 to vector<16xf32>
        %mul3A_370 = arith.mulf %mul3A_369, %add3A_367 : vector<16xf32>
        %max3A_371 = arith.maximumf %add3A_367, %mul3A_370 : vector<16xf32>
        %mul3A_372 = arith.mulf %max3A_371, %get3A_69 : vector<16xf32>
        %add3A_373 = arith.addf %add3A_362, %mul3A_372 : vector<16xf32>
        %get3A_374 = arith.index_cast %scan3A_264 : i32 to index
        %get3A_375 = arith.constant 112 : index
        %get3A_376 = tpu.vector_load %arg14[%get3A_374, %get3A_375] {strides = array<i32>} : memref<64x128xf32, #tpu.memory_space<vmem>>, vector<1x16xf32>,
        %get3A_377 = vector.shape_cast %get3A_376 : vector<1x16xf32> to vector<16xf32>
        %add3A_378 = arith.addf %get3A_297, %get3A_377 : vector<16xf32>
        %mul3A_379 = arith.constant 2.000000e-01 : f32
        %mul3A_380 = vector.broadcast %mul3A_379 : f32 to vector<16xf32>
        %mul3A_381 = arith.mulf %mul3A_380, %add3A_378 : vector<16xf32>
        %max3A_382 = arith.maximumf %add3A_378, %mul3A_381 : vector<16xf32>
        %mul3A_383 = arith.mulf %max3A_382, %get3A_72 : vector<16xf32>
        %add3A_384 = arith.addf %add3A_373, %mul3A_383 : vector<16xf32>
        %xor3A = arith.constant 8 : i32
        %xor3A_385 = vector.broadcast %xor3A : i32 to vector<16xi32>
        %xor3A_386 = arith.xori %iota3A, %xor3A_385 : vector<16xi32>
        %lt3A_387 = arith.constant 0 : i32
        %lt3A_388 = vector.broadcast %lt3A_387 : i32 to vector<16xi32>
        %lt3A_389 = arith.cmpi slt, %xor3A_386, %lt3A_388 : vector<16xi32>
        %add3A_390 = arith.constant 16 : i32
        %add3A_391 = vector.broadcast %add3A_390 : i32 to vector<16xi32>
        %add3A_392 = arith.addi %xor3A_386, %add3A_391 : vector<16xi32>
        %select_n3A = arith.select %lt3A_389, %add3A_392, %xor3A_386 : vector<16xi1>, vector<16xi32>
        %broadcast_in_dim3A_393 = vector.shape_cast %select_n3A : vector<16xi32> to vector<16x1xi32>
        %gather3A = vector.shape_cast %broadcast_in_dim3A_393 : vector<16x1xi32> to vector<16xi32>
        %gather3A_394 = tpu.dynamic_gather %add3A_384[%gather3A] in [0] : vector<16xf32>, vector<16xi32> -> vector<16xf32>
        %add3A_395 = arith.addf %add3A_384, %gather3A_394 : vector<16xf32>
        %xor3A_396 = arith.constant 4 : i32
        %xor3A_397 = vector.broadcast %xor3A_396 : i32 to vector<16xi32>
        %xor3A_398 = arith.xori %iota3A, %xor3A_397 : vector<16xi32>
        %lt3A_399 = arith.constant 0 : i32
        %lt3A_400 = vector.broadcast %lt3A_399 : i32 to vector<16xi32>
        %lt3A_401 = arith.cmpi slt, %xor3A_398, %lt3A_400 : vector<16xi32>
        %add3A_402 = arith.constant 16 : i32
        %add3A_403 = vector.broadcast %add3A_402 : i32 to vector<16xi32>
        %add3A_404 = arith.addi %xor3A_398, %add3A_403 : vector<16xi32>
        %select_n3A_405 = arith.select %lt3A_401, %add3A_404, %xor3A_398 : vector<16xi1>, vector<16xi32>
        %broadcast_in_dim3A_406 = vector.shape_cast %select_n3A_405 : vector<16xi32> to vector<16x1xi32>
        %gather3A_407 = vector.shape_cast %broadcast_in_dim3A_406 : vector<16x1xi32> to vector<16xi32>
        %gather3A_408 = tpu.dynamic_gather %add3A_395[%gather3A_407] in [0] : vector<16xf32>, vector<16xi32> -> vector<16xf32>
        %add3A_409 = arith.addf %add3A_395, %gather3A_408 : vector<16xf32>
        %xor3A_410 = arith.constant 2 : i32
        %xor3A_411 = vector.broadcast %xor3A_410 : i32 to vector<16xi32>
        %xor3A_412 = arith.xori %iota3A, %xor3A_411 : vector<16xi32>
        %lt3A_413 = arith.constant 0 : i32
        %lt3A_414 = vector.broadcast %lt3A_413 : i32 to vector<16xi32>
        %lt3A_415 = arith.cmpi slt, %xor3A_412, %lt3A_414 : vector<16xi32>
        %add3A_416 = arith.constant 16 : i32
        %add3A_417 = vector.broadcast %add3A_416 : i32 to vector<16xi32>
        %add3A_418 = arith.addi %xor3A_412, %add3A_417 : vector<16xi32>
        %select_n3A_419 = arith.select %lt3A_415, %add3A_418, %xor3A_412 : vector<16xi1>, vector<16xi32>
        %broadcast_in_dim3A_420 = vector.shape_cast %select_n3A_419 : vector<16xi32> to vector<16x1xi32>
        %gather3A_421 = vector.shape_cast %broadcast_in_dim3A_420 : vector<16x1xi32> to vector<16xi32>
        %gather3A_422 = tpu.dynamic_gather %add3A_409[%gather3A_421] in [0] : vector<16xf32>, vector<16xi32> -> vector<16xf32>
        %add3A_423 = arith.addf %add3A_409, %gather3A_422 : vector<16xf32>
        %xor3A_424 = arith.constant 1 : i32
        %xor3A_425 = vector.broadcast %xor3A_424 : i32 to vector<16xi32>
        %xor3A_426 = arith.xori %iota3A, %xor3A_425 : vector<16xi32>
        %lt3A_427 = arith.constant 0 : i32
        %lt3A_428 = vector.broadcast %lt3A_427 : i32 to vector<16xi32>
        %lt3A_429 = arith.cmpi slt, %xor3A_426, %lt3A_428 : vector<16xi32>
        %add3A_430 = arith.constant 16 : i32
        %add3A_431 = vector.broadcast %add3A_430 : i32 to vector<16xi32>
        %add3A_432 = arith.addi %xor3A_426, %add3A_431 : vector<16xi32>
        %select_n3A_433 = arith.select %lt3A_429, %add3A_432, %xor3A_426 : vector<16xi1>, vector<16xi32>
        %broadcast_in_dim3A_434 = vector.shape_cast %select_n3A_433 : vector<16xi32> to vector<16x1xi32>
        %gather3A_435 = vector.shape_cast %broadcast_in_dim3A_434 : vector<16x1xi32> to vector<16xi32>
        %gather3A_436 = tpu.dynamic_gather %add3A_423[%gather3A_435] in [0] : vector<16xf32>, vector<16xi32> -> vector<16xf32>
        %add3A_437 = arith.addf %add3A_423, %gather3A_436 : vector<16xf32>
        %exp3A = math.exp %add3A_437 : vector<16xf32>
        %mul3A_438 = arith.mulf %get3A_269, %exp3A : vector<16xf32>
        %swap3A_439 = arith.index_cast %scan3A_264 : i32 to index
        %swap3A_440 = arith.constant 0 : index
        %swap3A_441 = tpu.vector_load %arg12[%swap3A_439, %swap3A_440] {strides = array<i32>} : memref<64x128xf32, #tpu.memory_space<vmem>>, vector<1x16xf32>,
        %swap3A_442 = vector.shape_cast %swap3A_441 : vector<1x16xf32> to vector<16xf32>
        %swap3A_443 = vector.shape_cast %mul3A_438 : vector<16xf32> to vector<1x16xf32>
        tpu.vector_store %arg12[%swap3A_439, %swap3A_440], %swap3A_443 {strides = array<i32>} : memref<64x128xf32, #tpu.memory_space<vmem>>, vector<1x16xf32>,
        %mul3A_444 = arith.mulf %get3A_273, %exp3A : vector<16xf32>
        %swap3A_445 = arith.index_cast %scan3A_264 : i32 to index
        %swap3A_446 = arith.constant 16 : index
        %swap3A_447 = tpu.vector_load %arg12[%swap3A_445, %swap3A_446] {strides = array<i32>} : memref<64x128xf32, #tpu.memory_space<vmem>>, vector<1x16xf32>,
        %swap3A_448 = vector.shape_cast %swap3A_447 : vector<1x16xf32> to vector<16xf32>
        %swap3A_449 = vector.shape_cast %mul3A_444 : vector<16xf32> to vector<1x16xf32>
        tpu.vector_store %arg12[%swap3A_445, %swap3A_446], %swap3A_449 {strides = array<i32>} : memref<64x128xf32, #tpu.memory_space<vmem>>, vector<1x16xf32>,
        %mul3A_450 = arith.mulf %get3A_277, %exp3A : vector<16xf32>
        %swap3A_451 = arith.index_cast %scan3A_264 : i32 to index
        %swap3A_452 = arith.constant 32 : index
        %swap3A_453 = tpu.vector_load %arg12[%swap3A_451, %swap3A_452] {strides = array<i32>} : memref<64x128xf32, #tpu.memory_space<vmem>>, vector<1x16xf32>,
        %swap3A_454 = vector.shape_cast %swap3A_453 : vector<1x16xf32> to vector<16xf32>
        %swap3A_455 = vector.shape_cast %mul3A_450 : vector<16xf32> to vector<1x16xf32>
        tpu.vector_store %arg12[%swap3A_451, %swap3A_452], %swap3A_455 {strides = array<i32>} : memref<64x128xf32, #tpu.memory_space<vmem>>, vector<1x16xf32>,
        %mul3A_456 = arith.mulf %get3A_281, %exp3A : vector<16xf32>
        %swap3A_457 = arith.index_cast %scan3A_264 : i32 to index
        %swap3A_458 = arith.constant 48 : index
        %swap3A_459 = tpu.vector_load %arg12[%swap3A_457, %swap3A_458] {strides = array<i32>} : memref<64x128xf32, #tpu.memory_space<vmem>>, vector<1x16xf32>,
        %swap3A_460 = vector.shape_cast %swap3A_459 : vector<1x16xf32> to vector<16xf32>
        %swap3A_461 = vector.shape_cast %mul3A_456 : vector<16xf32> to vector<1x16xf32>
        tpu.vector_store %arg12[%swap3A_457, %swap3A_458], %swap3A_461 {strides = array<i32>} : memref<64x128xf32, #tpu.memory_space<vmem>>, vector<1x16xf32>,
        %mul3A_462 = arith.mulf %get3A_285, %exp3A : vector<16xf32>
        %swap3A_463 = arith.index_cast %scan3A_264 : i32 to index
        %swap3A_464 = arith.constant 64 : index
        %swap3A_465 = tpu.vector_load %arg12[%swap3A_463, %swap3A_464] {strides = array<i32>} : memref<64x128xf32, #tpu.memory_space<vmem>>, vector<1x16xf32>,
        %swap3A_466 = vector.shape_cast %swap3A_465 : vector<1x16xf32> to vector<16xf32>
        %swap3A_467 = vector.shape_cast %mul3A_462 : vector<16xf32> to vector<1x16xf32>
        tpu.vector_store %arg12[%swap3A_463, %swap3A_464], %swap3A_467 {strides = array<i32>} : memref<64x128xf32, #tpu.memory_space<vmem>>, vector<1x16xf32>,
        %mul3A_468 = arith.mulf %get3A_289, %exp3A : vector<16xf32>
        %swap3A_469 = arith.index_cast %scan3A_264 : i32 to index
        %swap3A_470 = arith.constant 80 : index
        %swap3A_471 = tpu.vector_load %arg12[%swap3A_469, %swap3A_470] {strides = array<i32>} : memref<64x128xf32, #tpu.memory_space<vmem>>, vector<1x16xf32>,
        %swap3A_472 = vector.shape_cast %swap3A_471 : vector<1x16xf32> to vector<16xf32>
        %swap3A_473 = vector.shape_cast %mul3A_468 : vector<16xf32> to vector<1x16xf32>
        tpu.vector_store %arg12[%swap3A_469, %swap3A_470], %swap3A_473 {strides = array<i32>} : memref<64x128xf32, #tpu.memory_space<vmem>>, vector<1x16xf32>,
        %mul3A_474 = arith.mulf %get3A_293, %exp3A : vector<16xf32>
        %swap3A_475 = arith.index_cast %scan3A_264 : i32 to index
        %swap3A_476 = arith.constant 96 : index
        %swap3A_477 = tpu.vector_load %arg12[%swap3A_475, %swap3A_476] {strides = array<i32>} : memref<64x128xf32, #tpu.memory_space<vmem>>, vector<1x16xf32>,
        %swap3A_478 = vector.shape_cast %swap3A_477 : vector<1x16xf32> to vector<16xf32>
        %swap3A_479 = vector.shape_cast %mul3A_474 : vector<16xf32> to vector<1x16xf32>
        tpu.vector_store %arg12[%swap3A_475, %swap3A_476], %swap3A_479 {strides = array<i32>} : memref<64x128xf32, #tpu.memory_space<vmem>>, vector<1x16xf32>,
        %mul3A_480 = arith.mulf %get3A_297, %exp3A : vector<16xf32>
        %swap3A_481 = arith.index_cast %scan3A_264 : i32 to index
        %swap3A_482 = arith.constant 112 : index
        %swap3A_483 = tpu.vector_load %arg12[%swap3A_481, %swap3A_482] {strides = array<i32>} : memref<64x128xf32, #tpu.memory_space<vmem>>, vector<1x16xf32>,
        %swap3A_484 = vector.shape_cast %swap3A_483 : vector<1x16xf32> to vector<16xf32>
        %swap3A_485 = vector.shape_cast %mul3A_480 : vector<16xf32> to vector<1x16xf32>
        tpu.vector_store %arg12[%swap3A_481, %swap3A_482], %swap3A_485 {strides = array<i32>} : memref<64x128xf32, #tpu.memory_space<vmem>>, vector<1x16xf32>,
        %eq3A = arith.constant 0 : i32
        %eq3A_486 = vector.broadcast %eq3A : i32 to vector<16xi32>
        %eq3A_487 = arith.cmpi eq, %iota3A, %eq3A_486 : vector<16xi32>
        %jit3A = arith.constant 0.000000e+00 : f32
        %broadcast_in_dim3A_488 = vector.broadcast %jit3A : f32 to vector<16xf32>
        %select_n3A_489 = arith.select %eq3A_487, %exp3A, %broadcast_in_dim3A_488 : vector<16xi1>, vector<16xf32>
        %swap3A_490 = arith.index_cast %scan3A_264 : i32 to index
        %swap3A_491 = arith.constant 0 : index
        %swap3A_492 = tpu.vector_load %arg22[%swap3A_490, %swap3A_491] {strides = array<i32>} : memref<64x16xf32, #tpu.memory_space<vmem>>, vector<1x16xf32>,
        %swap3A_493 = vector.shape_cast %swap3A_492 : vector<1x16xf32> to vector<16xf32>
        %swap3A_494 = vector.shape_cast %select_n3A_489 : vector<16xf32> to vector<1x16xf32>
        tpu.vector_store %arg22[%swap3A_490, %swap3A_491], %swap3A_494 {strides = array<i32>} : memref<64x16xf32, #tpu.memory_space<vmem>>, vector<1x16xf32>,
        %scan3A_495 = arith.constant 0 : i32
        %scan3A_496 = arith.constant 1 : i32
        %scan3A_497 = arith.addi %scan3A_264, %scan3A_496 : i32
        %get3A_498 = arith.index_cast %scan3A_497 : i32 to index
        %get3A_499 = arith.constant 0 : index
        %get3A_500 = tpu.vector_load %arg12[%get3A_498, %get3A_499] {strides = array<i32>} : memref<64x128xf32, #tpu.memory_space<vmem>>, vector<1x16xf32>,
        %get3A_501 = vector.shape_cast %get3A_500 : vector<1x16xf32> to vector<16xf32>
        %get3A_502 = arith.index_cast %scan3A_497 : i32 to index
        %get3A_503 = arith.constant 16 : index
        %get3A_504 = tpu.vector_load %arg12[%get3A_502, %get3A_503] {strides = array<i32>} : memref<64x128xf32, #tpu.memory_space<vmem>>, vector<1x16xf32>,
        %get3A_505 = vector.shape_cast %get3A_504 : vector<1x16xf32> to vector<16xf32>
        %get3A_506 = arith.index_cast %scan3A_497 : i32 to index
        %get3A_507 = arith.constant 32 : index
        %get3A_508 = tpu.vector_load %arg12[%get3A_506, %get3A_507] {strides = array<i32>} : memref<64x128xf32, #tpu.memory_space<vmem>>, vector<1x16xf32>,
        %get3A_509 = vector.shape_cast %get3A_508 : vector<1x16xf32> to vector<16xf32>
        %get3A_510 = arith.index_cast %scan3A_497 : i32 to index
        %get3A_511 = arith.constant 48 : index
        %get3A_512 = tpu.vector_load %arg12[%get3A_510, %get3A_511] {strides = array<i32>} : memref<64x128xf32, #tpu.memory_space<vmem>>, vector<1x16xf32>,
        %get3A_513 = vector.shape_cast %get3A_512 : vector<1x16xf32> to vector<16xf32>
        %get3A_514 = arith.index_cast %scan3A_497 : i32 to index
        %get3A_515 = arith.constant 64 : index
        %get3A_516 = tpu.vector_load %arg12[%get3A_514, %get3A_515] {strides = array<i32>} : memref<64x128xf32, #tpu.memory_space<vmem>>, vector<1x16xf32>,
        %get3A_517 = vector.shape_cast %get3A_516 : vector<1x16xf32> to vector<16xf32>
        %get3A_518 = arith.index_cast %scan3A_497 : i32 to index
        %get3A_519 = arith.constant 80 : index
        %get3A_520 = tpu.vector_load %arg12[%get3A_518, %get3A_519] {strides = array<i32>} : memref<64x128xf32, #tpu.memory_space<vmem>>, vector<1x16xf32>,
        %get3A_521 = vector.shape_cast %get3A_520 : vector<1x16xf32> to vector<16xf32>
        %get3A_522 = arith.index_cast %scan3A_497 : i32 to index
        %get3A_523 = arith.constant 96 : index
        %get3A_524 = tpu.vector_load %arg12[%get3A_522, %get3A_523] {strides = array<i32>} : memref<64x128xf32, #tpu.memory_space<vmem>>, vector<1x16xf32>,
        %get3A_525 = vector.shape_cast %get3A_524 : vector<1x16xf32> to vector<16xf32>
        %get3A_526 = arith.index_cast %scan3A_497 : i32 to index
        %get3A_527 = arith.constant 112 : index
        %get3A_528 = tpu.vector_load %arg12[%get3A_526, %get3A_527] {strides = array<i32>} : memref<64x128xf32, #tpu.memory_space<vmem>>, vector<1x16xf32>,
        %get3A_529 = vector.shape_cast %get3A_528 : vector<1x16xf32> to vector<16xf32>
        %get3A_530 = arith.index_cast %scan3A_497 : i32 to index
        %get3A_531 = arith.constant 0 : index
        %get3A_532 = tpu.vector_load %arg14[%get3A_530, %get3A_531] {strides = array<i32>} : memref<64x128xf32, #tpu.memory_space<vmem>>, vector<1x16xf32>,
        %get3A_533 = vector.shape_cast %get3A_532 : vector<1x16xf32> to vector<16xf32>
        %add3A_534 = arith.addf %get3A_501, %get3A_533 : vector<16xf32>
        %mul3A_535 = arith.constant 2.000000e-01 : f32
        %mul3A_536 = vector.broadcast %mul3A_535 : f32 to vector<16xf32>
        %mul3A_537 = arith.mulf %mul3A_536, %add3A_534 : vector<16xf32>
        %max3A_538 = arith.maximumf %add3A_534, %mul3A_537 : vector<16xf32>
        %mul3A_539 = arith.mulf %max3A_538, %get3A_51 : vector<16xf32>
        %add3A_540 = arith.addf %broadcast_in_dim3A_1, %mul3A_539 : vector<16xf32>
        %get3A_541 = arith.index_cast %scan3A_497 : i32 to index
        %get3A_542 = arith.constant 16 : index
        %get3A_543 = tpu.vector_load %arg14[%get3A_541, %get3A_542] {strides = array<i32>} : memref<64x128xf32, #tpu.memory_space<vmem>>, vector<1x16xf32>,
        %get3A_544 = vector.shape_cast %get3A_543 : vector<1x16xf32> to vector<16xf32>
        %add3A_545 = arith.addf %get3A_505, %get3A_544 : vector<16xf32>
        %mul3A_546 = arith.constant 2.000000e-01 : f32
        %mul3A_547 = vector.broadcast %mul3A_546 : f32 to vector<16xf32>
        %mul3A_548 = arith.mulf %mul3A_547, %add3A_545 : vector<16xf32>
        %max3A_549 = arith.maximumf %add3A_545, %mul3A_548 : vector<16xf32>
        %mul3A_550 = arith.mulf %max3A_549, %get3A_54 : vector<16xf32>
        %add3A_551 = arith.addf %add3A_540, %mul3A_550 : vector<16xf32>
        %get3A_552 = arith.index_cast %scan3A_497 : i32 to index
        %get3A_553 = arith.constant 32 : index
        %get3A_554 = tpu.vector_load %arg14[%get3A_552, %get3A_553] {strides = array<i32>} : memref<64x128xf32, #tpu.memory_space<vmem>>, vector<1x16xf32>,
        %get3A_555 = vector.shape_cast %get3A_554 : vector<1x16xf32> to vector<16xf32>
        %add3A_556 = arith.addf %get3A_509, %get3A_555 : vector<16xf32>
        %mul3A_557 = arith.constant 2.000000e-01 : f32
        %mul3A_558 = vector.broadcast %mul3A_557 : f32 to vector<16xf32>
        %mul3A_559 = arith.mulf %mul3A_558, %add3A_556 : vector<16xf32>
        %max3A_560 = arith.maximumf %add3A_556, %mul3A_559 : vector<16xf32>
        %mul3A_561 = arith.mulf %max3A_560, %get3A_57 : vector<16xf32>
        %add3A_562 = arith.addf %add3A_551, %mul3A_561 : vector<16xf32>
        %get3A_563 = arith.index_cast %scan3A_497 : i32 to index
        %get3A_564 = arith.constant 48 : index
        %get3A_565 = tpu.vector_load %arg14[%get3A_563, %get3A_564] {strides = array<i32>} : memref<64x128xf32, #tpu.memory_space<vmem>>, vector<1x16xf32>,
        %get3A_566 = vector.shape_cast %get3A_565 : vector<1x16xf32> to vector<16xf32>
        %add3A_567 = arith.addf %get3A_513, %get3A_566 : vector<16xf32>
        %mul3A_568 = arith.constant 2.000000e-01 : f32
        %mul3A_569 = vector.broadcast %mul3A_568 : f32 to vector<16xf32>
        %mul3A_570 = arith.mulf %mul3A_569, %add3A_567 : vector<16xf32>
        %max3A_571 = arith.maximumf %add3A_567, %mul3A_570 : vector<16xf32>
        %mul3A_572 = arith.mulf %max3A_571, %get3A_60 : vector<16xf32>
        %add3A_573 = arith.addf %add3A_562, %mul3A_572 : vector<16xf32>
        %get3A_574 = arith.index_cast %scan3A_497 : i32 to index
        %get3A_575 = arith.constant 64 : index
        %get3A_576 = tpu.vector_load %arg14[%get3A_574, %get3A_575] {strides = array<i32>} : memref<64x128xf32, #tpu.memory_space<vmem>>, vector<1x16xf32>,
        %get3A_577 = vector.shape_cast %get3A_576 : vector<1x16xf32> to vector<16xf32>
        %add3A_578 = arith.addf %get3A_517, %get3A_577 : vector<16xf32>
        %mul3A_579 = arith.constant 2.000000e-01 : f32
        %mul3A_580 = vector.broadcast %mul3A_579 : f32 to vector<16xf32>
        %mul3A_581 = arith.mulf %mul3A_580, %add3A_578 : vector<16xf32>
        %max3A_582 = arith.maximumf %add3A_578, %mul3A_581 : vector<16xf32>
        %mul3A_583 = arith.mulf %max3A_582, %get3A_63 : vector<16xf32>
        %add3A_584 = arith.addf %add3A_573, %mul3A_583 : vector<16xf32>
        %get3A_585 = arith.index_cast %scan3A_497 : i32 to index
        %get3A_586 = arith.constant 80 : index
        %get3A_587 = tpu.vector_load %arg14[%get3A_585, %get3A_586] {strides = array<i32>} : memref<64x128xf32, #tpu.memory_space<vmem>>, vector<1x16xf32>,
        %get3A_588 = vector.shape_cast %get3A_587 : vector<1x16xf32> to vector<16xf32>
        %add3A_589 = arith.addf %get3A_521, %get3A_588 : vector<16xf32>
        %mul3A_590 = arith.constant 2.000000e-01 : f32
        %mul3A_591 = vector.broadcast %mul3A_590 : f32 to vector<16xf32>
        %mul3A_592 = arith.mulf %mul3A_591, %add3A_589 : vector<16xf32>
        %max3A_593 = arith.maximumf %add3A_589, %mul3A_592 : vector<16xf32>
        %mul3A_594 = arith.mulf %max3A_593, %get3A_66 : vector<16xf32>
        %add3A_595 = arith.addf %add3A_584, %mul3A_594 : vector<16xf32>
        %get3A_596 = arith.index_cast %scan3A_497 : i32 to index
        %get3A_597 = arith.constant 96 : index
        %get3A_598 = tpu.vector_load %arg14[%get3A_596, %get3A_597] {strides = array<i32>} : memref<64x128xf32, #tpu.memory_space<vmem>>, vector<1x16xf32>,
        %get3A_599 = vector.shape_cast %get3A_598 : vector<1x16xf32> to vector<16xf32>
        %add3A_600 = arith.addf %get3A_525, %get3A_599 : vector<16xf32>
        %mul3A_601 = arith.constant 2.000000e-01 : f32
        %mul3A_602 = vector.broadcast %mul3A_601 : f32 to vector<16xf32>
        %mul3A_603 = arith.mulf %mul3A_602, %add3A_600 : vector<16xf32>
        %max3A_604 = arith.maximumf %add3A_600, %mul3A_603 : vector<16xf32>
        %mul3A_605 = arith.mulf %max3A_604, %get3A_69 : vector<16xf32>
        %add3A_606 = arith.addf %add3A_595, %mul3A_605 : vector<16xf32>
        %get3A_607 = arith.index_cast %scan3A_497 : i32 to index
        %get3A_608 = arith.constant 112 : index
        %get3A_609 = tpu.vector_load %arg14[%get3A_607, %get3A_608] {strides = array<i32>} : memref<64x128xf32, #tpu.memory_space<vmem>>, vector<1x16xf32>,
        %get3A_610 = vector.shape_cast %get3A_609 : vector<1x16xf32> to vector<16xf32>
        %add3A_611 = arith.addf %get3A_529, %get3A_610 : vector<16xf32>
        %mul3A_612 = arith.constant 2.000000e-01 : f32
        %mul3A_613 = vector.broadcast %mul3A_612 : f32 to vector<16xf32>
        %mul3A_614 = arith.mulf %mul3A_613, %add3A_611 : vector<16xf32>
        %max3A_615 = arith.maximumf %add3A_611, %mul3A_614 : vector<16xf32>
        %mul3A_616 = arith.mulf %max3A_615, %get3A_72 : vector<16xf32>
        %add3A_617 = arith.addf %add3A_606, %mul3A_616 : vector<16xf32>
        %xor3A_618 = arith.constant 8 : i32
        %xor3A_619 = vector.broadcast %xor3A_618 : i32 to vector<16xi32>
        %xor3A_620 = arith.xori %iota3A, %xor3A_619 : vector<16xi32>
        %lt3A_621 = arith.constant 0 : i32
        %lt3A_622 = vector.broadcast %lt3A_621 : i32 to vector<16xi32>
        %lt3A_623 = arith.cmpi slt, %xor3A_620, %lt3A_622 : vector<16xi32>
        %add3A_624 = arith.constant 16 : i32
        %add3A_625 = vector.broadcast %add3A_624 : i32 to vector<16xi32>
        %add3A_626 = arith.addi %xor3A_620, %add3A_625 : vector<16xi32>
        %select_n3A_627 = arith.select %lt3A_623, %add3A_626, %xor3A_620 : vector<16xi1>, vector<16xi32>
        %broadcast_in_dim3A_628 = vector.shape_cast %select_n3A_627 : vector<16xi32> to vector<16x1xi32>
        %gather3A_629 = vector.shape_cast %broadcast_in_dim3A_628 : vector<16x1xi32> to vector<16xi32>
        %gather3A_630 = tpu.dynamic_gather %add3A_617[%gather3A_629] in [0] : vector<16xf32>, vector<16xi32> -> vector<16xf32>
        %add3A_631 = arith.addf %add3A_617, %gather3A_630 : vector<16xf32>
        %xor3A_632 = arith.constant 4 : i32
        %xor3A_633 = vector.broadcast %xor3A_632 : i32 to vector<16xi32>
        %xor3A_634 = arith.xori %iota3A, %xor3A_633 : vector<16xi32>
        %lt3A_635 = arith.constant 0 : i32
        %lt3A_636 = vector.broadcast %lt3A_635 : i32 to vector<16xi32>
        %lt3A_637 = arith.cmpi slt, %xor3A_634, %lt3A_636 : vector<16xi32>
        %add3A_638 = arith.constant 16 : i32
        %add3A_639 = vector.broadcast %add3A_638 : i32 to vector<16xi32>
        %add3A_640 = arith.addi %xor3A_634, %add3A_639 : vector<16xi32>
        %select_n3A_641 = arith.select %lt3A_637, %add3A_640, %xor3A_634 : vector<16xi1>, vector<16xi32>
        %broadcast_in_dim3A_642 = vector.shape_cast %select_n3A_641 : vector<16xi32> to vector<16x1xi32>
        %gather3A_643 = vector.shape_cast %broadcast_in_dim3A_642 : vector<16x1xi32> to vector<16xi32>
        %gather3A_644 = tpu.dynamic_gather %add3A_631[%gather3A_643] in [0] : vector<16xf32>, vector<16xi32> -> vector<16xf32>
        %add3A_645 = arith.addf %add3A_631, %gather3A_644 : vector<16xf32>
        %xor3A_646 = arith.constant 2 : i32
        %xor3A_647 = vector.broadcast %xor3A_646 : i32 to vector<16xi32>
        %xor3A_648 = arith.xori %iota3A, %xor3A_647 : vector<16xi32>
        %lt3A_649 = arith.constant 0 : i32
        %lt3A_650 = vector.broadcast %lt3A_649 : i32 to vector<16xi32>
        %lt3A_651 = arith.cmpi slt, %xor3A_648, %lt3A_650 : vector<16xi32>
        %add3A_652 = arith.constant 16 : i32
        %add3A_653 = vector.broadcast %add3A_652 : i32 to vector<16xi32>
        %add3A_654 = arith.addi %xor3A_648, %add3A_653 : vector<16xi32>
        %select_n3A_655 = arith.select %lt3A_651, %add3A_654, %xor3A_648 : vector<16xi1>, vector<16xi32>
        %broadcast_in_dim3A_656 = vector.shape_cast %select_n3A_655 : vector<16xi32> to vector<16x1xi32>
        %gather3A_657 = vector.shape_cast %broadcast_in_dim3A_656 : vector<16x1xi32> to vector<16xi32>
        %gather3A_658 = tpu.dynamic_gather %add3A_645[%gather3A_657] in [0] : vector<16xf32>, vector<16xi32> -> vector<16xf32>
        %add3A_659 = arith.addf %add3A_645, %gather3A_658 : vector<16xf32>
        %xor3A_660 = arith.constant 1 : i32
        %xor3A_661 = vector.broadcast %xor3A_660 : i32 to vector<16xi32>
        %xor3A_662 = arith.xori %iota3A, %xor3A_661 : vector<16xi32>
        %lt3A_663 = arith.constant 0 : i32
        %lt3A_664 = vector.broadcast %lt3A_663 : i32 to vector<16xi32>
        %lt3A_665 = arith.cmpi slt, %xor3A_662, %lt3A_664 : vector<16xi32>
        %add3A_666 = arith.constant 16 : i32
        %add3A_667 = vector.broadcast %add3A_666 : i32 to vector<16xi32>
        %add3A_668 = arith.addi %xor3A_662, %add3A_667 : vector<16xi32>
        %select_n3A_669 = arith.select %lt3A_665, %add3A_668, %xor3A_662 : vector<16xi1>, vector<16xi32>
        %broadcast_in_dim3A_670 = vector.shape_cast %select_n3A_669 : vector<16xi32> to vector<16x1xi32>
        %gather3A_671 = vector.shape_cast %broadcast_in_dim3A_670 : vector<16x1xi32> to vector<16xi32>
        %gather3A_672 = tpu.dynamic_gather %add3A_659[%gather3A_671] in [0] : vector<16xf32>, vector<16xi32> -> vector<16xf32>
        %add3A_673 = arith.addf %add3A_659, %gather3A_672 : vector<16xf32>
        %exp3A_674 = math.exp %add3A_673 : vector<16xf32>
        %mul3A_675 = arith.mulf %get3A_501, %exp3A_674 : vector<16xf32>
        %swap3A_676 = arith.index_cast %scan3A_497 : i32 to index
        %swap3A_677 = arith.constant 0 : index
        %swap3A_678 = tpu.vector_load %arg12[%swap3A_676, %swap3A_677] {strides = array<i32>} : memref<64x128xf32, #tpu.memory_space<vmem>>, vector<1x16xf32>,
        %swap3A_679 = vector.shape_cast %swap3A_678 : vector<1x16xf32> to vector<16xf32>
        %swap3A_680 = vector.shape_cast %mul3A_675 : vector<16xf32> to vector<1x16xf32>
        tpu.vector_store %arg12[%swap3A_676, %swap3A_677], %swap3A_680 {strides = array<i32>} : memref<64x128xf32, #tpu.memory_space<vmem>>, vector<1x16xf32>,
        %mul3A_681 = arith.mulf %get3A_505, %exp3A_674 : vector<16xf32>
        %swap3A_682 = arith.index_cast %scan3A_497 : i32 to index
        %swap3A_683 = arith.constant 16 : index
        %swap3A_684 = tpu.vector_load %arg12[%swap3A_682, %swap3A_683] {strides = array<i32>} : memref<64x128xf32, #tpu.memory_space<vmem>>, vector<1x16xf32>,
        %swap3A_685 = vector.shape_cast %swap3A_684 : vector<1x16xf32> to vector<16xf32>
        %swap3A_686 = vector.shape_cast %mul3A_681 : vector<16xf32> to vector<1x16xf32>
        tpu.vector_store %arg12[%swap3A_682, %swap3A_683], %swap3A_686 {strides = array<i32>} : memref<64x128xf32, #tpu.memory_space<vmem>>, vector<1x16xf32>,
        %mul3A_687 = arith.mulf %get3A_509, %exp3A_674 : vector<16xf32>
        %swap3A_688 = arith.index_cast %scan3A_497 : i32 to index
        %swap3A_689 = arith.constant 32 : index
        %swap3A_690 = tpu.vector_load %arg12[%swap3A_688, %swap3A_689] {strides = array<i32>} : memref<64x128xf32, #tpu.memory_space<vmem>>, vector<1x16xf32>,
        %swap3A_691 = vector.shape_cast %swap3A_690 : vector<1x16xf32> to vector<16xf32>
        %swap3A_692 = vector.shape_cast %mul3A_687 : vector<16xf32> to vector<1x16xf32>
        tpu.vector_store %arg12[%swap3A_688, %swap3A_689], %swap3A_692 {strides = array<i32>} : memref<64x128xf32, #tpu.memory_space<vmem>>, vector<1x16xf32>,
        %mul3A_693 = arith.mulf %get3A_513, %exp3A_674 : vector<16xf32>
        %swap3A_694 = arith.index_cast %scan3A_497 : i32 to index
        %swap3A_695 = arith.constant 48 : index
        %swap3A_696 = tpu.vector_load %arg12[%swap3A_694, %swap3A_695] {strides = array<i32>} : memref<64x128xf32, #tpu.memory_space<vmem>>, vector<1x16xf32>,
        %swap3A_697 = vector.shape_cast %swap3A_696 : vector<1x16xf32> to vector<16xf32>
        %swap3A_698 = vector.shape_cast %mul3A_693 : vector<16xf32> to vector<1x16xf32>
        tpu.vector_store %arg12[%swap3A_694, %swap3A_695], %swap3A_698 {strides = array<i32>} : memref<64x128xf32, #tpu.memory_space<vmem>>, vector<1x16xf32>,
        %mul3A_699 = arith.mulf %get3A_517, %exp3A_674 : vector<16xf32>
        %swap3A_700 = arith.index_cast %scan3A_497 : i32 to index
        %swap3A_701 = arith.constant 64 : index
        %swap3A_702 = tpu.vector_load %arg12[%swap3A_700, %swap3A_701] {strides = array<i32>} : memref<64x128xf32, #tpu.memory_space<vmem>>, vector<1x16xf32>,
        %swap3A_703 = vector.shape_cast %swap3A_702 : vector<1x16xf32> to vector<16xf32>
        %swap3A_704 = vector.shape_cast %mul3A_699 : vector<16xf32> to vector<1x16xf32>
        tpu.vector_store %arg12[%swap3A_700, %swap3A_701], %swap3A_704 {strides = array<i32>} : memref<64x128xf32, #tpu.memory_space<vmem>>, vector<1x16xf32>,
        %mul3A_705 = arith.mulf %get3A_521, %exp3A_674 : vector<16xf32>
        %swap3A_706 = arith.index_cast %scan3A_497 : i32 to index
        %swap3A_707 = arith.constant 80 : index
        %swap3A_708 = tpu.vector_load %arg12[%swap3A_706, %swap3A_707] {strides = array<i32>} : memref<64x128xf32, #tpu.memory_space<vmem>>, vector<1x16xf32>,
        %swap3A_709 = vector.shape_cast %swap3A_708 : vector<1x16xf32> to vector<16xf32>
        %swap3A_710 = vector.shape_cast %mul3A_705 : vector<16xf32> to vector<1x16xf32>
        tpu.vector_store %arg12[%swap3A_706, %swap3A_707], %swap3A_710 {strides = array<i32>} : memref<64x128xf32, #tpu.memory_space<vmem>>, vector<1x16xf32>,
        %mul3A_711 = arith.mulf %get3A_525, %exp3A_674 : vector<16xf32>
        %swap3A_712 = arith.index_cast %scan3A_497 : i32 to index
        %swap3A_713 = arith.constant 96 : index
        %swap3A_714 = tpu.vector_load %arg12[%swap3A_712, %swap3A_713] {strides = array<i32>} : memref<64x128xf32, #tpu.memory_space<vmem>>, vector<1x16xf32>,
        %swap3A_715 = vector.shape_cast %swap3A_714 : vector<1x16xf32> to vector<16xf32>
        %swap3A_716 = vector.shape_cast %mul3A_711 : vector<16xf32> to vector<1x16xf32>
        tpu.vector_store %arg12[%swap3A_712, %swap3A_713], %swap3A_716 {strides = array<i32>} : memref<64x128xf32, #tpu.memory_space<vmem>>, vector<1x16xf32>,
        %mul3A_717 = arith.mulf %get3A_529, %exp3A_674 : vector<16xf32>
        %swap3A_718 = arith.index_cast %scan3A_497 : i32 to index
        %swap3A_719 = arith.constant 112 : index
        %swap3A_720 = tpu.vector_load %arg12[%swap3A_718, %swap3A_719] {strides = array<i32>} : memref<64x128xf32, #tpu.memory_space<vmem>>, vector<1x16xf32>,
        %swap3A_721 = vector.shape_cast %swap3A_720 : vector<1x16xf32> to vector<16xf32>
        %swap3A_722 = vector.shape_cast %mul3A_717 : vector<16xf32> to vector<1x16xf32>
        tpu.vector_store %arg12[%swap3A_718, %swap3A_719], %swap3A_722 {strides = array<i32>} : memref<64x128xf32, #tpu.memory_space<vmem>>, vector<1x16xf32>,
        %eq3A_723 = arith.constant 0 : i32
        %eq3A_724 = vector.broadcast %eq3A_723 : i32 to vector<16xi32>
        %eq3A_725 = arith.cmpi eq, %iota3A, %eq3A_724 : vector<16xi32>
        %jit3A_726 = arith.constant 0.000000e+00 : f32
        %broadcast_in_dim3A_727 = vector.broadcast %jit3A_726 : f32 to vector<16xf32>
        %select_n3A_728 = arith.select %eq3A_725, %exp3A_674, %broadcast_in_dim3A_727 : vector<16xi1>, vector<16xf32>
        %swap3A_729 = arith.index_cast %scan3A_497 : i32 to index
        %swap3A_730 = arith.constant 0 : index
        %swap3A_731 = tpu.vector_load %arg22[%swap3A_729, %swap3A_730] {strides = array<i32>} : memref<64x16xf32, #tpu.memory_space<vmem>>, vector<1x16xf32>,
        %swap3A_732 = vector.shape_cast %swap3A_731 : vector<1x16xf32> to vector<16xf32>
        %swap3A_733 = vector.shape_cast %select_n3A_728 : vector<16xf32> to vector<1x16xf32>
        tpu.vector_store %arg22[%swap3A_729, %swap3A_730], %swap3A_733 {strides = array<i32>} : memref<64x16xf32, #tpu.memory_space<vmem>>, vector<1x16xf32>,
        %scan3A_734 = arith.constant 0 : i32
        %scan3A_735 = arith.constant 2 : i32
        %scan3A_736 = arith.addi %scan3A_264, %scan3A_735 : i32
        %get3A_737 = arith.index_cast %scan3A_736 : i32 to index
        %get3A_738 = arith.constant 0 : index
        %get3A_739 = tpu.vector_load %arg12[%get3A_737, %get3A_738] {strides = array<i32>} : memref<64x128xf32, #tpu.memory_space<vmem>>, vector<1x16xf32>,
        %get3A_740 = vector.shape_cast %get3A_739 : vector<1x16xf32> to vector<16xf32>
        %get3A_741 = arith.index_cast %scan3A_736 : i32 to index
        %get3A_742 = arith.constant 16 : index
        %get3A_743 = tpu.vector_load %arg12[%get3A_741, %get3A_742] {strides = array<i32>} : memref<64x128xf32, #tpu.memory_space<vmem>>, vector<1x16xf32>,
        %get3A_744 = vector.shape_cast %get3A_743 : vector<1x16xf32> to vector<16xf32>
        %get3A_745 = arith.index_cast %scan3A_736 : i32 to index
        %get3A_746 = arith.constant 32 : index
        %get3A_747 = tpu.vector_load %arg12[%get3A_745, %get3A_746] {strides = array<i32>} : memref<64x128xf32, #tpu.memory_space<vmem>>, vector<1x16xf32>,
        %get3A_748 = vector.shape_cast %get3A_747 : vector<1x16xf32> to vector<16xf32>
        %get3A_749 = arith.index_cast %scan3A_736 : i32 to index
        %get3A_750 = arith.constant 48 : index
        %get3A_751 = tpu.vector_load %arg12[%get3A_749, %get3A_750] {strides = array<i32>} : memref<64x128xf32, #tpu.memory_space<vmem>>, vector<1x16xf32>,
        %get3A_752 = vector.shape_cast %get3A_751 : vector<1x16xf32> to vector<16xf32>
        %get3A_753 = arith.index_cast %scan3A_736 : i32 to index
        %get3A_754 = arith.constant 64 : index
        %get3A_755 = tpu.vector_load %arg12[%get3A_753, %get3A_754] {strides = array<i32>} : memref<64x128xf32, #tpu.memory_space<vmem>>, vector<1x16xf32>,
        %get3A_756 = vector.shape_cast %get3A_755 : vector<1x16xf32> to vector<16xf32>
        %get3A_757 = arith.index_cast %scan3A_736 : i32 to index
        %get3A_758 = arith.constant 80 : index
        %get3A_759 = tpu.vector_load %arg12[%get3A_757, %get3A_758] {strides = array<i32>} : memref<64x128xf32, #tpu.memory_space<vmem>>, vector<1x16xf32>,
        %get3A_760 = vector.shape_cast %get3A_759 : vector<1x16xf32> to vector<16xf32>
        %get3A_761 = arith.index_cast %scan3A_736 : i32 to index
        %get3A_762 = arith.constant 96 : index
        %get3A_763 = tpu.vector_load %arg12[%get3A_761, %get3A_762] {strides = array<i32>} : memref<64x128xf32, #tpu.memory_space<vmem>>, vector<1x16xf32>,
        %get3A_764 = vector.shape_cast %get3A_763 : vector<1x16xf32> to vector<16xf32>
        %get3A_765 = arith.index_cast %scan3A_736 : i32 to index
        %get3A_766 = arith.constant 112 : index
        %get3A_767 = tpu.vector_load %arg12[%get3A_765, %get3A_766] {strides = array<i32>} : memref<64x128xf32, #tpu.memory_space<vmem>>, vector<1x16xf32>,
        %get3A_768 = vector.shape_cast %get3A_767 : vector<1x16xf32> to vector<16xf32>
        %get3A_769 = arith.index_cast %scan3A_736 : i32 to index
        %get3A_770 = arith.constant 0 : index
        %get3A_771 = tpu.vector_load %arg14[%get3A_769, %get3A_770] {strides = array<i32>} : memref<64x128xf32, #tpu.memory_space<vmem>>, vector<1x16xf32>,
        %get3A_772 = vector.shape_cast %get3A_771 : vector<1x16xf32> to vector<16xf32>
        %add3A_773 = arith.addf %get3A_740, %get3A_772 : vector<16xf32>
        %mul3A_774 = arith.constant 2.000000e-01 : f32
        %mul3A_775 = vector.broadcast %mul3A_774 : f32 to vector<16xf32>
        %mul3A_776 = arith.mulf %mul3A_775, %add3A_773 : vector<16xf32>
        %max3A_777 = arith.maximumf %add3A_773, %mul3A_776 : vector<16xf32>
        %mul3A_778 = arith.mulf %max3A_777, %get3A_51 : vector<16xf32>
        %add3A_779 = arith.addf %broadcast_in_dim3A_1, %mul3A_778 : vector<16xf32>
        %get3A_780 = arith.index_cast %scan3A_736 : i32 to index
        %get3A_781 = arith.constant 16 : index
        %get3A_782 = tpu.vector_load %arg14[%get3A_780, %get3A_781] {strides = array<i32>} : memref<64x128xf32, #tpu.memory_space<vmem>>, vector<1x16xf32>,
        %get3A_783 = vector.shape_cast %get3A_782 : vector<1x16xf32> to vector<16xf32>
        %add3A_784 = arith.addf %get3A_744, %get3A_783 : vector<16xf32>
        %mul3A_785 = arith.constant 2.000000e-01 : f32
        %mul3A_786 = vector.broadcast %mul3A_785 : f32 to vector<16xf32>
        %mul3A_787 = arith.mulf %mul3A_786, %add3A_784 : vector<16xf32>
        %max3A_788 = arith.maximumf %add3A_784, %mul3A_787 : vector<16xf32>
        %mul3A_789 = arith.mulf %max3A_788, %get3A_54 : vector<16xf32>
        %add3A_790 = arith.addf %add3A_779, %mul3A_789 : vector<16xf32>
        %get3A_791 = arith.index_cast %scan3A_736 : i32 to index
        %get3A_792 = arith.constant 32 : index
        %get3A_793 = tpu.vector_load %arg14[%get3A_791, %get3A_792] {strides = array<i32>} : memref<64x128xf32, #tpu.memory_space<vmem>>, vector<1x16xf32>,
        %get3A_794 = vector.shape_cast %get3A_793 : vector<1x16xf32> to vector<16xf32>
        %add3A_795 = arith.addf %get3A_748, %get3A_794 : vector<16xf32>
        %mul3A_796 = arith.constant 2.000000e-01 : f32
        %mul3A_797 = vector.broadcast %mul3A_796 : f32 to vector<16xf32>
        %mul3A_798 = arith.mulf %mul3A_797, %add3A_795 : vector<16xf32>
        %max3A_799 = arith.maximumf %add3A_795, %mul3A_798 : vector<16xf32>
        %mul3A_800 = arith.mulf %max3A_799, %get3A_57 : vector<16xf32>
        %add3A_801 = arith.addf %add3A_790, %mul3A_800 : vector<16xf32>
        %get3A_802 = arith.index_cast %scan3A_736 : i32 to index
        %get3A_803 = arith.constant 48 : index
        %get3A_804 = tpu.vector_load %arg14[%get3A_802, %get3A_803] {strides = array<i32>} : memref<64x128xf32, #tpu.memory_space<vmem>>, vector<1x16xf32>,
        %get3A_805 = vector.shape_cast %get3A_804 : vector<1x16xf32> to vector<16xf32>
        %add3A_806 = arith.addf %get3A_752, %get3A_805 : vector<16xf32>
        %mul3A_807 = arith.constant 2.000000e-01 : f32
        %mul3A_808 = vector.broadcast %mul3A_807 : f32 to vector<16xf32>
        %mul3A_809 = arith.mulf %mul3A_808, %add3A_806 : vector<16xf32>
        %max3A_810 = arith.maximumf %add3A_806, %mul3A_809 : vector<16xf32>
        %mul3A_811 = arith.mulf %max3A_810, %get3A_60 : vector<16xf32>
        %add3A_812 = arith.addf %add3A_801, %mul3A_811 : vector<16xf32>
        %get3A_813 = arith.index_cast %scan3A_736 : i32 to index
        %get3A_814 = arith.constant 64 : index
        %get3A_815 = tpu.vector_load %arg14[%get3A_813, %get3A_814] {strides = array<i32>} : memref<64x128xf32, #tpu.memory_space<vmem>>, vector<1x16xf32>,
        %get3A_816 = vector.shape_cast %get3A_815 : vector<1x16xf32> to vector<16xf32>
        %add3A_817 = arith.addf %get3A_756, %get3A_816 : vector<16xf32>
        %mul3A_818 = arith.constant 2.000000e-01 : f32
        %mul3A_819 = vector.broadcast %mul3A_818 : f32 to vector<16xf32>
        %mul3A_820 = arith.mulf %mul3A_819, %add3A_817 : vector<16xf32>
        %max3A_821 = arith.maximumf %add3A_817, %mul3A_820 : vector<16xf32>
        %mul3A_822 = arith.mulf %max3A_821, %get3A_63 : vector<16xf32>
        %add3A_823 = arith.addf %add3A_812, %mul3A_822 : vector<16xf32>
        %get3A_824 = arith.index_cast %scan3A_736 : i32 to index
        %get3A_825 = arith.constant 80 : index
        %get3A_826 = tpu.vector_load %arg14[%get3A_824, %get3A_825] {strides = array<i32>} : memref<64x128xf32, #tpu.memory_space<vmem>>, vector<1x16xf32>,
        %get3A_827 = vector.shape_cast %get3A_826 : vector<1x16xf32> to vector<16xf32>
        %add3A_828 = arith.addf %get3A_760, %get3A_827 : vector<16xf32>
        %mul3A_829 = arith.constant 2.000000e-01 : f32
        %mul3A_830 = vector.broadcast %mul3A_829 : f32 to vector<16xf32>
        %mul3A_831 = arith.mulf %mul3A_830, %add3A_828 : vector<16xf32>
        %max3A_832 = arith.maximumf %add3A_828, %mul3A_831 : vector<16xf32>
        %mul3A_833 = arith.mulf %max3A_832, %get3A_66 : vector<16xf32>
        %add3A_834 = arith.addf %add3A_823, %mul3A_833 : vector<16xf32>
        %get3A_835 = arith.index_cast %scan3A_736 : i32 to index
        %get3A_836 = arith.constant 96 : index
        %get3A_837 = tpu.vector_load %arg14[%get3A_835, %get3A_836] {strides = array<i32>} : memref<64x128xf32, #tpu.memory_space<vmem>>, vector<1x16xf32>,
        %get3A_838 = vector.shape_cast %get3A_837 : vector<1x16xf32> to vector<16xf32>
        %add3A_839 = arith.addf %get3A_764, %get3A_838 : vector<16xf32>
        %mul3A_840 = arith.constant 2.000000e-01 : f32
        %mul3A_841 = vector.broadcast %mul3A_840 : f32 to vector<16xf32>
        %mul3A_842 = arith.mulf %mul3A_841, %add3A_839 : vector<16xf32>
        %max3A_843 = arith.maximumf %add3A_839, %mul3A_842 : vector<16xf32>
        %mul3A_844 = arith.mulf %max3A_843, %get3A_69 : vector<16xf32>
        %add3A_845 = arith.addf %add3A_834, %mul3A_844 : vector<16xf32>
        %get3A_846 = arith.index_cast %scan3A_736 : i32 to index
        %get3A_847 = arith.constant 112 : index
        %get3A_848 = tpu.vector_load %arg14[%get3A_846, %get3A_847] {strides = array<i32>} : memref<64x128xf32, #tpu.memory_space<vmem>>, vector<1x16xf32>,
        %get3A_849 = vector.shape_cast %get3A_848 : vector<1x16xf32> to vector<16xf32>
        %add3A_850 = arith.addf %get3A_768, %get3A_849 : vector<16xf32>
        %mul3A_851 = arith.constant 2.000000e-01 : f32
        %mul3A_852 = vector.broadcast %mul3A_851 : f32 to vector<16xf32>
        %mul3A_853 = arith.mulf %mul3A_852, %add3A_850 : vector<16xf32>
        %max3A_854 = arith.maximumf %add3A_850, %mul3A_853 : vector<16xf32>
        %mul3A_855 = arith.mulf %max3A_854, %get3A_72 : vector<16xf32>
        %add3A_856 = arith.addf %add3A_845, %mul3A_855 : vector<16xf32>
        %xor3A_857 = arith.constant 8 : i32
        %xor3A_858 = vector.broadcast %xor3A_857 : i32 to vector<16xi32>
        %xor3A_859 = arith.xori %iota3A, %xor3A_858 : vector<16xi32>
        %lt3A_860 = arith.constant 0 : i32
        %lt3A_861 = vector.broadcast %lt3A_860 : i32 to vector<16xi32>
        %lt3A_862 = arith.cmpi slt, %xor3A_859, %lt3A_861 : vector<16xi32>
        %add3A_863 = arith.constant 16 : i32
        %add3A_864 = vector.broadcast %add3A_863 : i32 to vector<16xi32>
        %add3A_865 = arith.addi %xor3A_859, %add3A_864 : vector<16xi32>
        %select_n3A_866 = arith.select %lt3A_862, %add3A_865, %xor3A_859 : vector<16xi1>, vector<16xi32>
        %broadcast_in_dim3A_867 = vector.shape_cast %select_n3A_866 : vector<16xi32> to vector<16x1xi32>
        %gather3A_868 = vector.shape_cast %broadcast_in_dim3A_867 : vector<16x1xi32> to vector<16xi32>
        %gather3A_869 = tpu.dynamic_gather %add3A_856[%gather3A_868] in [0] : vector<16xf32>, vector<16xi32> -> vector<16xf32>
        %add3A_870 = arith.addf %add3A_856, %gather3A_869 : vector<16xf32>
        %xor3A_871 = arith.constant 4 : i32
        %xor3A_872 = vector.broadcast %xor3A_871 : i32 to vector<16xi32>
        %xor3A_873 = arith.xori %iota3A, %xor3A_872 : vector<16xi32>
        %lt3A_874 = arith.constant 0 : i32
        %lt3A_875 = vector.broadcast %lt3A_874 : i32 to vector<16xi32>
        %lt3A_876 = arith.cmpi slt, %xor3A_873, %lt3A_875 : vector<16xi32>
        %add3A_877 = arith.constant 16 : i32
        %add3A_878 = vector.broadcast %add3A_877 : i32 to vector<16xi32>
        %add3A_879 = arith.addi %xor3A_873, %add3A_878 : vector<16xi32>
        %select_n3A_880 = arith.select %lt3A_876, %add3A_879, %xor3A_873 : vector<16xi1>, vector<16xi32>
        %broadcast_in_dim3A_881 = vector.shape_cast %select_n3A_880 : vector<16xi32> to vector<16x1xi32>
        %gather3A_882 = vector.shape_cast %broadcast_in_dim3A_881 : vector<16x1xi32> to vector<16xi32>
        %gather3A_883 = tpu.dynamic_gather %add3A_870[%gather3A_882] in [0] : vector<16xf32>, vector<16xi32> -> vector<16xf32>
        %add3A_884 = arith.addf %add3A_870, %gather3A_883 : vector<16xf32>
        %xor3A_885 = arith.constant 2 : i32
        %xor3A_886 = vector.broadcast %xor3A_885 : i32 to vector<16xi32>
        %xor3A_887 = arith.xori %iota3A, %xor3A_886 : vector<16xi32>
        %lt3A_888 = arith.constant 0 : i32
        %lt3A_889 = vector.broadcast %lt3A_888 : i32 to vector<16xi32>
        %lt3A_890 = arith.cmpi slt, %xor3A_887, %lt3A_889 : vector<16xi32>
        %add3A_891 = arith.constant 16 : i32
        %add3A_892 = vector.broadcast %add3A_891 : i32 to vector<16xi32>
        %add3A_893 = arith.addi %xor3A_887, %add3A_892 : vector<16xi32>
        %select_n3A_894 = arith.select %lt3A_890, %add3A_893, %xor3A_887 : vector<16xi1>, vector<16xi32>
        %broadcast_in_dim3A_895 = vector.shape_cast %select_n3A_894 : vector<16xi32> to vector<16x1xi32>
        %gather3A_896 = vector.shape_cast %broadcast_in_dim3A_895 : vector<16x1xi32> to vector<16xi32>
        %gather3A_897 = tpu.dynamic_gather %add3A_884[%gather3A_896] in [0] : vector<16xf32>, vector<16xi32> -> vector<16xf32>
        %add3A_898 = arith.addf %add3A_884, %gather3A_897 : vector<16xf32>
        %xor3A_899 = arith.constant 1 : i32
        %xor3A_900 = vector.broadcast %xor3A_899 : i32 to vector<16xi32>
        %xor3A_901 = arith.xori %iota3A, %xor3A_900 : vector<16xi32>
        %lt3A_902 = arith.constant 0 : i32
        %lt3A_903 = vector.broadcast %lt3A_902 : i32 to vector<16xi32>
        %lt3A_904 = arith.cmpi slt, %xor3A_901, %lt3A_903 : vector<16xi32>
        %add3A_905 = arith.constant 16 : i32
        %add3A_906 = vector.broadcast %add3A_905 : i32 to vector<16xi32>
        %add3A_907 = arith.addi %xor3A_901, %add3A_906 : vector<16xi32>
        %select_n3A_908 = arith.select %lt3A_904, %add3A_907, %xor3A_901 : vector<16xi1>, vector<16xi32>
        %broadcast_in_dim3A_909 = vector.shape_cast %select_n3A_908 : vector<16xi32> to vector<16x1xi32>
        %gather3A_910 = vector.shape_cast %broadcast_in_dim3A_909 : vector<16x1xi32> to vector<16xi32>
        %gather3A_911 = tpu.dynamic_gather %add3A_898[%gather3A_910] in [0] : vector<16xf32>, vector<16xi32> -> vector<16xf32>
        %add3A_912 = arith.addf %add3A_898, %gather3A_911 : vector<16xf32>
        %exp3A_913 = math.exp %add3A_912 : vector<16xf32>
        %mul3A_914 = arith.mulf %get3A_740, %exp3A_913 : vector<16xf32>
        %swap3A_915 = arith.index_cast %scan3A_736 : i32 to index
        %swap3A_916 = arith.constant 0 : index
        %swap3A_917 = tpu.vector_load %arg12[%swap3A_915, %swap3A_916] {strides = array<i32>} : memref<64x128xf32, #tpu.memory_space<vmem>>, vector<1x16xf32>,
        %swap3A_918 = vector.shape_cast %swap3A_917 : vector<1x16xf32> to vector<16xf32>
        %swap3A_919 = vector.shape_cast %mul3A_914 : vector<16xf32> to vector<1x16xf32>
        tpu.vector_store %arg12[%swap3A_915, %swap3A_916], %swap3A_919 {strides = array<i32>} : memref<64x128xf32, #tpu.memory_space<vmem>>, vector<1x16xf32>,
        %mul3A_920 = arith.mulf %get3A_744, %exp3A_913 : vector<16xf32>
        %swap3A_921 = arith.index_cast %scan3A_736 : i32 to index
        %swap3A_922 = arith.constant 16 : index
        %swap3A_923 = tpu.vector_load %arg12[%swap3A_921, %swap3A_922] {strides = array<i32>} : memref<64x128xf32, #tpu.memory_space<vmem>>, vector<1x16xf32>,
        %swap3A_924 = vector.shape_cast %swap3A_923 : vector<1x16xf32> to vector<16xf32>
        %swap3A_925 = vector.shape_cast %mul3A_920 : vector<16xf32> to vector<1x16xf32>
        tpu.vector_store %arg12[%swap3A_921, %swap3A_922], %swap3A_925 {strides = array<i32>} : memref<64x128xf32, #tpu.memory_space<vmem>>, vector<1x16xf32>,
        %mul3A_926 = arith.mulf %get3A_748, %exp3A_913 : vector<16xf32>
        %swap3A_927 = arith.index_cast %scan3A_736 : i32 to index
        %swap3A_928 = arith.constant 32 : index
        %swap3A_929 = tpu.vector_load %arg12[%swap3A_927, %swap3A_928] {strides = array<i32>} : memref<64x128xf32, #tpu.memory_space<vmem>>, vector<1x16xf32>,
        %swap3A_930 = vector.shape_cast %swap3A_929 : vector<1x16xf32> to vector<16xf32>
        %swap3A_931 = vector.shape_cast %mul3A_926 : vector<16xf32> to vector<1x16xf32>
        tpu.vector_store %arg12[%swap3A_927, %swap3A_928], %swap3A_931 {strides = array<i32>} : memref<64x128xf32, #tpu.memory_space<vmem>>, vector<1x16xf32>,
        %mul3A_932 = arith.mulf %get3A_752, %exp3A_913 : vector<16xf32>
        %swap3A_933 = arith.index_cast %scan3A_736 : i32 to index
        %swap3A_934 = arith.constant 48 : index
        %swap3A_935 = tpu.vector_load %arg12[%swap3A_933, %swap3A_934] {strides = array<i32>} : memref<64x128xf32, #tpu.memory_space<vmem>>, vector<1x16xf32>,
        %swap3A_936 = vector.shape_cast %swap3A_935 : vector<1x16xf32> to vector<16xf32>
        %swap3A_937 = vector.shape_cast %mul3A_932 : vector<16xf32> to vector<1x16xf32>
        tpu.vector_store %arg12[%swap3A_933, %swap3A_934], %swap3A_937 {strides = array<i32>} : memref<64x128xf32, #tpu.memory_space<vmem>>, vector<1x16xf32>,
        %mul3A_938 = arith.mulf %get3A_756, %exp3A_913 : vector<16xf32>
        %swap3A_939 = arith.index_cast %scan3A_736 : i32 to index
        %swap3A_940 = arith.constant 64 : index
        %swap3A_941 = tpu.vector_load %arg12[%swap3A_939, %swap3A_940] {strides = array<i32>} : memref<64x128xf32, #tpu.memory_space<vmem>>, vector<1x16xf32>,
        %swap3A_942 = vector.shape_cast %swap3A_941 : vector<1x16xf32> to vector<16xf32>
        %swap3A_943 = vector.shape_cast %mul3A_938 : vector<16xf32> to vector<1x16xf32>
        tpu.vector_store %arg12[%swap3A_939, %swap3A_940], %swap3A_943 {strides = array<i32>} : memref<64x128xf32, #tpu.memory_space<vmem>>, vector<1x16xf32>,
        %mul3A_944 = arith.mulf %get3A_760, %exp3A_913 : vector<16xf32>
        %swap3A_945 = arith.index_cast %scan3A_736 : i32 to index
        %swap3A_946 = arith.constant 80 : index
        %swap3A_947 = tpu.vector_load %arg12[%swap3A_945, %swap3A_946] {strides = array<i32>} : memref<64x128xf32, #tpu.memory_space<vmem>>, vector<1x16xf32>,
        %swap3A_948 = vector.shape_cast %swap3A_947 : vector<1x16xf32> to vector<16xf32>
        %swap3A_949 = vector.shape_cast %mul3A_944 : vector<16xf32> to vector<1x16xf32>
        tpu.vector_store %arg12[%swap3A_945, %swap3A_946], %swap3A_949 {strides = array<i32>} : memref<64x128xf32, #tpu.memory_space<vmem>>, vector<1x16xf32>,
        %mul3A_950 = arith.mulf %get3A_764, %exp3A_913 : vector<16xf32>
        %swap3A_951 = arith.index_cast %scan3A_736 : i32 to index
        %swap3A_952 = arith.constant 96 : index
        %swap3A_953 = tpu.vector_load %arg12[%swap3A_951, %swap3A_952] {strides = array<i32>} : memref<64x128xf32, #tpu.memory_space<vmem>>, vector<1x16xf32>,
        %swap3A_954 = vector.shape_cast %swap3A_953 : vector<1x16xf32> to vector<16xf32>
        %swap3A_955 = vector.shape_cast %mul3A_950 : vector<16xf32> to vector<1x16xf32>
        tpu.vector_store %arg12[%swap3A_951, %swap3A_952], %swap3A_955 {strides = array<i32>} : memref<64x128xf32, #tpu.memory_space<vmem>>, vector<1x16xf32>,
        %mul3A_956 = arith.mulf %get3A_768, %exp3A_913 : vector<16xf32>
        %swap3A_957 = arith.index_cast %scan3A_736 : i32 to index
        %swap3A_958 = arith.constant 112 : index
        %swap3A_959 = tpu.vector_load %arg12[%swap3A_957, %swap3A_958] {strides = array<i32>} : memref<64x128xf32, #tpu.memory_space<vmem>>, vector<1x16xf32>,
        %swap3A_960 = vector.shape_cast %swap3A_959 : vector<1x16xf32> to vector<16xf32>
        %swap3A_961 = vector.shape_cast %mul3A_956 : vector<16xf32> to vector<1x16xf32>
        tpu.vector_store %arg12[%swap3A_957, %swap3A_958], %swap3A_961 {strides = array<i32>} : memref<64x128xf32, #tpu.memory_space<vmem>>, vector<1x16xf32>,
        %eq3A_962 = arith.constant 0 : i32
        %eq3A_963 = vector.broadcast %eq3A_962 : i32 to vector<16xi32>
        %eq3A_964 = arith.cmpi eq, %iota3A, %eq3A_963 : vector<16xi32>
        %jit3A_965 = arith.constant 0.000000e+00 : f32
        %broadcast_in_dim3A_966 = vector.broadcast %jit3A_965 : f32 to vector<16xf32>
        %select_n3A_967 = arith.select %eq3A_964, %exp3A_913, %broadcast_in_dim3A_966 : vector<16xi1>, vector<16xf32>
        %swap3A_968 = arith.index_cast %scan3A_736 : i32 to index
        %swap3A_969 = arith.constant 0 : index
        %swap3A_970 = tpu.vector_load %arg22[%swap3A_968, %swap3A_969] {strides = array<i32>} : memref<64x16xf32, #tpu.memory_space<vmem>>, vector<1x16xf32>,
        %swap3A_971 = vector.shape_cast %swap3A_970 : vector<1x16xf32> to vector<16xf32>
        %swap3A_972 = vector.shape_cast %select_n3A_967 : vector<16xf32> to vector<1x16xf32>
        tpu.vector_store %arg22[%swap3A_968, %swap3A_969], %swap3A_972 {strides = array<i32>} : memref<64x16xf32, #tpu.memory_space<vmem>>, vector<1x16xf32>,
        %scan3A_973 = arith.constant 0 : i32
        %scan3A_974 = arith.constant 3 : i32
        %scan3A_975 = arith.addi %scan3A_264, %scan3A_974 : i32
        %get3A_976 = arith.index_cast %scan3A_975 : i32 to index
        %get3A_977 = arith.constant 0 : index
        %get3A_978 = tpu.vector_load %arg12[%get3A_976, %get3A_977] {strides = array<i32>} : memref<64x128xf32, #tpu.memory_space<vmem>>, vector<1x16xf32>,
        %get3A_979 = vector.shape_cast %get3A_978 : vector<1x16xf32> to vector<16xf32>
        %get3A_980 = arith.index_cast %scan3A_975 : i32 to index
        %get3A_981 = arith.constant 16 : index
        %get3A_982 = tpu.vector_load %arg12[%get3A_980, %get3A_981] {strides = array<i32>} : memref<64x128xf32, #tpu.memory_space<vmem>>, vector<1x16xf32>,
        %get3A_983 = vector.shape_cast %get3A_982 : vector<1x16xf32> to vector<16xf32>
        %get3A_984 = arith.index_cast %scan3A_975 : i32 to index
        %get3A_985 = arith.constant 32 : index
        %get3A_986 = tpu.vector_load %arg12[%get3A_984, %get3A_985] {strides = array<i32>} : memref<64x128xf32, #tpu.memory_space<vmem>>, vector<1x16xf32>,
        %get3A_987 = vector.shape_cast %get3A_986 : vector<1x16xf32> to vector<16xf32>
        %get3A_988 = arith.index_cast %scan3A_975 : i32 to index
        %get3A_989 = arith.constant 48 : index
        %get3A_990 = tpu.vector_load %arg12[%get3A_988, %get3A_989] {strides = array<i32>} : memref<64x128xf32, #tpu.memory_space<vmem>>, vector<1x16xf32>,
        %get3A_991 = vector.shape_cast %get3A_990 : vector<1x16xf32> to vector<16xf32>
        %get3A_992 = arith.index_cast %scan3A_975 : i32 to index
        %get3A_993 = arith.constant 64 : index
        %get3A_994 = tpu.vector_load %arg12[%get3A_992, %get3A_993] {strides = array<i32>} : memref<64x128xf32, #tpu.memory_space<vmem>>, vector<1x16xf32>,
        %get3A_995 = vector.shape_cast %get3A_994 : vector<1x16xf32> to vector<16xf32>
        %get3A_996 = arith.index_cast %scan3A_975 : i32 to index
        %get3A_997 = arith.constant 80 : index
        %get3A_998 = tpu.vector_load %arg12[%get3A_996, %get3A_997] {strides = array<i32>} : memref<64x128xf32, #tpu.memory_space<vmem>>, vector<1x16xf32>,
        %get3A_999 = vector.shape_cast %get3A_998 : vector<1x16xf32> to vector<16xf32>
        %get3A_1000 = arith.index_cast %scan3A_975 : i32 to index
        %get3A_1001 = arith.constant 96 : index
        %get3A_1002 = tpu.vector_load %arg12[%get3A_1000, %get3A_1001] {strides = array<i32>} : memref<64x128xf32, #tpu.memory_space<vmem>>, vector<1x16xf32>,
        %get3A_1003 = vector.shape_cast %get3A_1002 : vector<1x16xf32> to vector<16xf32>
        %get3A_1004 = arith.index_cast %scan3A_975 : i32 to index
        %get3A_1005 = arith.constant 112 : index
        %get3A_1006 = tpu.vector_load %arg12[%get3A_1004, %get3A_1005] {strides = array<i32>} : memref<64x128xf32, #tpu.memory_space<vmem>>, vector<1x16xf32>,
        %get3A_1007 = vector.shape_cast %get3A_1006 : vector<1x16xf32> to vector<16xf32>
        %get3A_1008 = arith.index_cast %scan3A_975 : i32 to index
        %get3A_1009 = arith.constant 0 : index
        %get3A_1010 = tpu.vector_load %arg14[%get3A_1008, %get3A_1009] {strides = array<i32>} : memref<64x128xf32, #tpu.memory_space<vmem>>, vector<1x16xf32>,
        %get3A_1011 = vector.shape_cast %get3A_1010 : vector<1x16xf32> to vector<16xf32>
        %add3A_1012 = arith.addf %get3A_979, %get3A_1011 : vector<16xf32>
        %mul3A_1013 = arith.constant 2.000000e-01 : f32
        %mul3A_1014 = vector.broadcast %mul3A_1013 : f32 to vector<16xf32>
        %mul3A_1015 = arith.mulf %mul3A_1014, %add3A_1012 : vector<16xf32>
        %max3A_1016 = arith.maximumf %add3A_1012, %mul3A_1015 : vector<16xf32>
        %mul3A_1017 = arith.mulf %max3A_1016, %get3A_51 : vector<16xf32>
        %add3A_1018 = arith.addf %broadcast_in_dim3A_1, %mul3A_1017 : vector<16xf32>
        %get3A_1019 = arith.index_cast %scan3A_975 : i32 to index
        %get3A_1020 = arith.constant 16 : index
        %get3A_1021 = tpu.vector_load %arg14[%get3A_1019, %get3A_1020] {strides = array<i32>} : memref<64x128xf32, #tpu.memory_space<vmem>>, vector<1x16xf32>,
        %get3A_1022 = vector.shape_cast %get3A_1021 : vector<1x16xf32> to vector<16xf32>
        %add3A_1023 = arith.addf %get3A_983, %get3A_1022 : vector<16xf32>
        %mul3A_1024 = arith.constant 2.000000e-01 : f32
        %mul3A_1025 = vector.broadcast %mul3A_1024 : f32 to vector<16xf32>
        %mul3A_1026 = arith.mulf %mul3A_1025, %add3A_1023 : vector<16xf32>
        %max3A_1027 = arith.maximumf %add3A_1023, %mul3A_1026 : vector<16xf32>
        %mul3A_1028 = arith.mulf %max3A_1027, %get3A_54 : vector<16xf32>
        %add3A_1029 = arith.addf %add3A_1018, %mul3A_1028 : vector<16xf32>
        %get3A_1030 = arith.index_cast %scan3A_975 : i32 to index
        %get3A_1031 = arith.constant 32 : index
        %get3A_1032 = tpu.vector_load %arg14[%get3A_1030, %get3A_1031] {strides = array<i32>} : memref<64x128xf32, #tpu.memory_space<vmem>>, vector<1x16xf32>,
        %get3A_1033 = vector.shape_cast %get3A_1032 : vector<1x16xf32> to vector<16xf32>
        %add3A_1034 = arith.addf %get3A_987, %get3A_1033 : vector<16xf32>
        %mul3A_1035 = arith.constant 2.000000e-01 : f32
        %mul3A_1036 = vector.broadcast %mul3A_1035 : f32 to vector<16xf32>
        %mul3A_1037 = arith.mulf %mul3A_1036, %add3A_1034 : vector<16xf32>
        %max3A_1038 = arith.maximumf %add3A_1034, %mul3A_1037 : vector<16xf32>
        %mul3A_1039 = arith.mulf %max3A_1038, %get3A_57 : vector<16xf32>
        %add3A_1040 = arith.addf %add3A_1029, %mul3A_1039 : vector<16xf32>
        %get3A_1041 = arith.index_cast %scan3A_975 : i32 to index
        %get3A_1042 = arith.constant 48 : index
        %get3A_1043 = tpu.vector_load %arg14[%get3A_1041, %get3A_1042] {strides = array<i32>} : memref<64x128xf32, #tpu.memory_space<vmem>>, vector<1x16xf32>,
        %get3A_1044 = vector.shape_cast %get3A_1043 : vector<1x16xf32> to vector<16xf32>
        %add3A_1045 = arith.addf %get3A_991, %get3A_1044 : vector<16xf32>
        %mul3A_1046 = arith.constant 2.000000e-01 : f32
        %mul3A_1047 = vector.broadcast %mul3A_1046 : f32 to vector<16xf32>
        %mul3A_1048 = arith.mulf %mul3A_1047, %add3A_1045 : vector<16xf32>
        %max3A_1049 = arith.maximumf %add3A_1045, %mul3A_1048 : vector<16xf32>
        %mul3A_1050 = arith.mulf %max3A_1049, %get3A_60 : vector<16xf32>
        %add3A_1051 = arith.addf %add3A_1040, %mul3A_1050 : vector<16xf32>
        %get3A_1052 = arith.index_cast %scan3A_975 : i32 to index
        %get3A_1053 = arith.constant 64 : index
        %get3A_1054 = tpu.vector_load %arg14[%get3A_1052, %get3A_1053] {strides = array<i32>} : memref<64x128xf32, #tpu.memory_space<vmem>>, vector<1x16xf32>,
        %get3A_1055 = vector.shape_cast %get3A_1054 : vector<1x16xf32> to vector<16xf32>
        %add3A_1056 = arith.addf %get3A_995, %get3A_1055 : vector<16xf32>
        %mul3A_1057 = arith.constant 2.000000e-01 : f32
        %mul3A_1058 = vector.broadcast %mul3A_1057 : f32 to vector<16xf32>
        %mul3A_1059 = arith.mulf %mul3A_1058, %add3A_1056 : vector<16xf32>
        %max3A_1060 = arith.maximumf %add3A_1056, %mul3A_1059 : vector<16xf32>
        %mul3A_1061 = arith.mulf %max3A_1060, %get3A_63 : vector<16xf32>
        %add3A_1062 = arith.addf %add3A_1051, %mul3A_1061 : vector<16xf32>
        %get3A_1063 = arith.index_cast %scan3A_975 : i32 to index
        %get3A_1064 = arith.constant 80 : index
        %get3A_1065 = tpu.vector_load %arg14[%get3A_1063, %get3A_1064] {strides = array<i32>} : memref<64x128xf32, #tpu.memory_space<vmem>>, vector<1x16xf32>,
        %get3A_1066 = vector.shape_cast %get3A_1065 : vector<1x16xf32> to vector<16xf32>
        %add3A_1067 = arith.addf %get3A_999, %get3A_1066 : vector<16xf32>
        %mul3A_1068 = arith.constant 2.000000e-01 : f32
        %mul3A_1069 = vector.broadcast %mul3A_1068 : f32 to vector<16xf32>
        %mul3A_1070 = arith.mulf %mul3A_1069, %add3A_1067 : vector<16xf32>
        %max3A_1071 = arith.maximumf %add3A_1067, %mul3A_1070 : vector<16xf32>
        %mul3A_1072 = arith.mulf %max3A_1071, %get3A_66 : vector<16xf32>
        %add3A_1073 = arith.addf %add3A_1062, %mul3A_1072 : vector<16xf32>
        %get3A_1074 = arith.index_cast %scan3A_975 : i32 to index
        %get3A_1075 = arith.constant 96 : index
        %get3A_1076 = tpu.vector_load %arg14[%get3A_1074, %get3A_1075] {strides = array<i32>} : memref<64x128xf32, #tpu.memory_space<vmem>>, vector<1x16xf32>,
        %get3A_1077 = vector.shape_cast %get3A_1076 : vector<1x16xf32> to vector<16xf32>
        %add3A_1078 = arith.addf %get3A_1003, %get3A_1077 : vector<16xf32>
        %mul3A_1079 = arith.constant 2.000000e-01 : f32
        %mul3A_1080 = vector.broadcast %mul3A_1079 : f32 to vector<16xf32>
        %mul3A_1081 = arith.mulf %mul3A_1080, %add3A_1078 : vector<16xf32>
        %max3A_1082 = arith.maximumf %add3A_1078, %mul3A_1081 : vector<16xf32>
        %mul3A_1083 = arith.mulf %max3A_1082, %get3A_69 : vector<16xf32>
        %add3A_1084 = arith.addf %add3A_1073, %mul3A_1083 : vector<16xf32>
        %get3A_1085 = arith.index_cast %scan3A_975 : i32 to index
        %get3A_1086 = arith.constant 112 : index
        %get3A_1087 = tpu.vector_load %arg14[%get3A_1085, %get3A_1086] {strides = array<i32>} : memref<64x128xf32, #tpu.memory_space<vmem>>, vector<1x16xf32>,
        %get3A_1088 = vector.shape_cast %get3A_1087 : vector<1x16xf32> to vector<16xf32>
        %add3A_1089 = arith.addf %get3A_1007, %get3A_1088 : vector<16xf32>
        %mul3A_1090 = arith.constant 2.000000e-01 : f32
        %mul3A_1091 = vector.broadcast %mul3A_1090 : f32 to vector<16xf32>
        %mul3A_1092 = arith.mulf %mul3A_1091, %add3A_1089 : vector<16xf32>
        %max3A_1093 = arith.maximumf %add3A_1089, %mul3A_1092 : vector<16xf32>
        %mul3A_1094 = arith.mulf %max3A_1093, %get3A_72 : vector<16xf32>
        %add3A_1095 = arith.addf %add3A_1084, %mul3A_1094 : vector<16xf32>
        %xor3A_1096 = arith.constant 8 : i32
        %xor3A_1097 = vector.broadcast %xor3A_1096 : i32 to vector<16xi32>
        %xor3A_1098 = arith.xori %iota3A, %xor3A_1097 : vector<16xi32>
        %lt3A_1099 = arith.constant 0 : i32
        %lt3A_1100 = vector.broadcast %lt3A_1099 : i32 to vector<16xi32>
        %lt3A_1101 = arith.cmpi slt, %xor3A_1098, %lt3A_1100 : vector<16xi32>
        %add3A_1102 = arith.constant 16 : i32
        %add3A_1103 = vector.broadcast %add3A_1102 : i32 to vector<16xi32>
        %add3A_1104 = arith.addi %xor3A_1098, %add3A_1103 : vector<16xi32>
        %select_n3A_1105 = arith.select %lt3A_1101, %add3A_1104, %xor3A_1098 : vector<16xi1>, vector<16xi32>
        %broadcast_in_dim3A_1106 = vector.shape_cast %select_n3A_1105 : vector<16xi32> to vector<16x1xi32>
        %gather3A_1107 = vector.shape_cast %broadcast_in_dim3A_1106 : vector<16x1xi32> to vector<16xi32>
        %gather3A_1108 = tpu.dynamic_gather %add3A_1095[%gather3A_1107] in [0] : vector<16xf32>, vector<16xi32> -> vector<16xf32>
        %add3A_1109 = arith.addf %add3A_1095, %gather3A_1108 : vector<16xf32>
        %xor3A_1110 = arith.constant 4 : i32
        %xor3A_1111 = vector.broadcast %xor3A_1110 : i32 to vector<16xi32>
        %xor3A_1112 = arith.xori %iota3A, %xor3A_1111 : vector<16xi32>
        %lt3A_1113 = arith.constant 0 : i32
        %lt3A_1114 = vector.broadcast %lt3A_1113 : i32 to vector<16xi32>
        %lt3A_1115 = arith.cmpi slt, %xor3A_1112, %lt3A_1114 : vector<16xi32>
        %add3A_1116 = arith.constant 16 : i32
        %add3A_1117 = vector.broadcast %add3A_1116 : i32 to vector<16xi32>
        %add3A_1118 = arith.addi %xor3A_1112, %add3A_1117 : vector<16xi32>
        %select_n3A_1119 = arith.select %lt3A_1115, %add3A_1118, %xor3A_1112 : vector<16xi1>, vector<16xi32>
        %broadcast_in_dim3A_1120 = vector.shape_cast %select_n3A_1119 : vector<16xi32> to vector<16x1xi32>
        %gather3A_1121 = vector.shape_cast %broadcast_in_dim3A_1120 : vector<16x1xi32> to vector<16xi32>
        %gather3A_1122 = tpu.dynamic_gather %add3A_1109[%gather3A_1121] in [0] : vector<16xf32>, vector<16xi32> -> vector<16xf32>
        %add3A_1123 = arith.addf %add3A_1109, %gather3A_1122 : vector<16xf32>
        %xor3A_1124 = arith.constant 2 : i32
        %xor3A_1125 = vector.broadcast %xor3A_1124 : i32 to vector<16xi32>
        %xor3A_1126 = arith.xori %iota3A, %xor3A_1125 : vector<16xi32>
        %lt3A_1127 = arith.constant 0 : i32
        %lt3A_1128 = vector.broadcast %lt3A_1127 : i32 to vector<16xi32>
        %lt3A_1129 = arith.cmpi slt, %xor3A_1126, %lt3A_1128 : vector<16xi32>
        %add3A_1130 = arith.constant 16 : i32
        %add3A_1131 = vector.broadcast %add3A_1130 : i32 to vector<16xi32>
        %add3A_1132 = arith.addi %xor3A_1126, %add3A_1131 : vector<16xi32>
        %select_n3A_1133 = arith.select %lt3A_1129, %add3A_1132, %xor3A_1126 : vector<16xi1>, vector<16xi32>
        %broadcast_in_dim3A_1134 = vector.shape_cast %select_n3A_1133 : vector<16xi32> to vector<16x1xi32>
        %gather3A_1135 = vector.shape_cast %broadcast_in_dim3A_1134 : vector<16x1xi32> to vector<16xi32>
        %gather3A_1136 = tpu.dynamic_gather %add3A_1123[%gather3A_1135] in [0] : vector<16xf32>, vector<16xi32> -> vector<16xf32>
        %add3A_1137 = arith.addf %add3A_1123, %gather3A_1136 : vector<16xf32>
        %xor3A_1138 = arith.constant 1 : i32
        %xor3A_1139 = vector.broadcast %xor3A_1138 : i32 to vector<16xi32>
        %xor3A_1140 = arith.xori %iota3A, %xor3A_1139 : vector<16xi32>
        %lt3A_1141 = arith.constant 0 : i32
        %lt3A_1142 = vector.broadcast %lt3A_1141 : i32 to vector<16xi32>
        %lt3A_1143 = arith.cmpi slt, %xor3A_1140, %lt3A_1142 : vector<16xi32>
        %add3A_1144 = arith.constant 16 : i32
        %add3A_1145 = vector.broadcast %add3A_1144 : i32 to vector<16xi32>
        %add3A_1146 = arith.addi %xor3A_1140, %add3A_1145 : vector<16xi32>
        %select_n3A_1147 = arith.select %lt3A_1143, %add3A_1146, %xor3A_1140 : vector<16xi1>, vector<16xi32>
        %broadcast_in_dim3A_1148 = vector.shape_cast %select_n3A_1147 : vector<16xi32> to vector<16x1xi32>
        %gather3A_1149 = vector.shape_cast %broadcast_in_dim3A_1148 : vector<16x1xi32> to vector<16xi32>
        %gather3A_1150 = tpu.dynamic_gather %add3A_1137[%gather3A_1149] in [0] : vector<16xf32>, vector<16xi32> -> vector<16xf32>
        %add3A_1151 = arith.addf %add3A_1137, %gather3A_1150 : vector<16xf32>
        %exp3A_1152 = math.exp %add3A_1151 : vector<16xf32>
        %mul3A_1153 = arith.mulf %get3A_979, %exp3A_1152 : vector<16xf32>
        %swap3A_1154 = arith.index_cast %scan3A_975 : i32 to index
        %swap3A_1155 = arith.constant 0 : index
        %swap3A_1156 = tpu.vector_load %arg12[%swap3A_1154, %swap3A_1155] {strides = array<i32>} : memref<64x128xf32, #tpu.memory_space<vmem>>, vector<1x16xf32>,
        %swap3A_1157 = vector.shape_cast %swap3A_1156 : vector<1x16xf32> to vector<16xf32>
        %swap3A_1158 = vector.shape_cast %mul3A_1153 : vector<16xf32> to vector<1x16xf32>
        tpu.vector_store %arg12[%swap3A_1154, %swap3A_1155], %swap3A_1158 {strides = array<i32>} : memref<64x128xf32, #tpu.memory_space<vmem>>, vector<1x16xf32>,
        %mul3A_1159 = arith.mulf %get3A_983, %exp3A_1152 : vector<16xf32>
        %swap3A_1160 = arith.index_cast %scan3A_975 : i32 to index
        %swap3A_1161 = arith.constant 16 : index
        %swap3A_1162 = tpu.vector_load %arg12[%swap3A_1160, %swap3A_1161] {strides = array<i32>} : memref<64x128xf32, #tpu.memory_space<vmem>>, vector<1x16xf32>,
        %swap3A_1163 = vector.shape_cast %swap3A_1162 : vector<1x16xf32> to vector<16xf32>
        %swap3A_1164 = vector.shape_cast %mul3A_1159 : vector<16xf32> to vector<1x16xf32>
        tpu.vector_store %arg12[%swap3A_1160, %swap3A_1161], %swap3A_1164 {strides = array<i32>} : memref<64x128xf32, #tpu.memory_space<vmem>>, vector<1x16xf32>,
        %mul3A_1165 = arith.mulf %get3A_987, %exp3A_1152 : vector<16xf32>
        %swap3A_1166 = arith.index_cast %scan3A_975 : i32 to index
        %swap3A_1167 = arith.constant 32 : index
        %swap3A_1168 = tpu.vector_load %arg12[%swap3A_1166, %swap3A_1167] {strides = array<i32>} : memref<64x128xf32, #tpu.memory_space<vmem>>, vector<1x16xf32>,
        %swap3A_1169 = vector.shape_cast %swap3A_1168 : vector<1x16xf32> to vector<16xf32>
        %swap3A_1170 = vector.shape_cast %mul3A_1165 : vector<16xf32> to vector<1x16xf32>
        tpu.vector_store %arg12[%swap3A_1166, %swap3A_1167], %swap3A_1170 {strides = array<i32>} : memref<64x128xf32, #tpu.memory_space<vmem>>, vector<1x16xf32>,
        %mul3A_1171 = arith.mulf %get3A_991, %exp3A_1152 : vector<16xf32>
        %swap3A_1172 = arith.index_cast %scan3A_975 : i32 to index
        %swap3A_1173 = arith.constant 48 : index
        %swap3A_1174 = tpu.vector_load %arg12[%swap3A_1172, %swap3A_1173] {strides = array<i32>} : memref<64x128xf32, #tpu.memory_space<vmem>>, vector<1x16xf32>,
        %swap3A_1175 = vector.shape_cast %swap3A_1174 : vector<1x16xf32> to vector<16xf32>
        %swap3A_1176 = vector.shape_cast %mul3A_1171 : vector<16xf32> to vector<1x16xf32>
        tpu.vector_store %arg12[%swap3A_1172, %swap3A_1173], %swap3A_1176 {strides = array<i32>} : memref<64x128xf32, #tpu.memory_space<vmem>>, vector<1x16xf32>,
        %mul3A_1177 = arith.mulf %get3A_995, %exp3A_1152 : vector<16xf32>
        %swap3A_1178 = arith.index_cast %scan3A_975 : i32 to index
        %swap3A_1179 = arith.constant 64 : index
        %swap3A_1180 = tpu.vector_load %arg12[%swap3A_1178, %swap3A_1179] {strides = array<i32>} : memref<64x128xf32, #tpu.memory_space<vmem>>, vector<1x16xf32>,
        %swap3A_1181 = vector.shape_cast %swap3A_1180 : vector<1x16xf32> to vector<16xf32>
        %swap3A_1182 = vector.shape_cast %mul3A_1177 : vector<16xf32> to vector<1x16xf32>
        tpu.vector_store %arg12[%swap3A_1178, %swap3A_1179], %swap3A_1182 {strides = array<i32>} : memref<64x128xf32, #tpu.memory_space<vmem>>, vector<1x16xf32>,
        %mul3A_1183 = arith.mulf %get3A_999, %exp3A_1152 : vector<16xf32>
        %swap3A_1184 = arith.index_cast %scan3A_975 : i32 to index
        %swap3A_1185 = arith.constant 80 : index
        %swap3A_1186 = tpu.vector_load %arg12[%swap3A_1184, %swap3A_1185] {strides = array<i32>} : memref<64x128xf32, #tpu.memory_space<vmem>>, vector<1x16xf32>,
        %swap3A_1187 = vector.shape_cast %swap3A_1186 : vector<1x16xf32> to vector<16xf32>
        %swap3A_1188 = vector.shape_cast %mul3A_1183 : vector<16xf32> to vector<1x16xf32>
        tpu.vector_store %arg12[%swap3A_1184, %swap3A_1185], %swap3A_1188 {strides = array<i32>} : memref<64x128xf32, #tpu.memory_space<vmem>>, vector<1x16xf32>,
        %mul3A_1189 = arith.mulf %get3A_1003, %exp3A_1152 : vector<16xf32>
        %swap3A_1190 = arith.index_cast %scan3A_975 : i32 to index
        %swap3A_1191 = arith.constant 96 : index
        %swap3A_1192 = tpu.vector_load %arg12[%swap3A_1190, %swap3A_1191] {strides = array<i32>} : memref<64x128xf32, #tpu.memory_space<vmem>>, vector<1x16xf32>,
        %swap3A_1193 = vector.shape_cast %swap3A_1192 : vector<1x16xf32> to vector<16xf32>
        %swap3A_1194 = vector.shape_cast %mul3A_1189 : vector<16xf32> to vector<1x16xf32>
        tpu.vector_store %arg12[%swap3A_1190, %swap3A_1191], %swap3A_1194 {strides = array<i32>} : memref<64x128xf32, #tpu.memory_space<vmem>>, vector<1x16xf32>,
        %mul3A_1195 = arith.mulf %get3A_1007, %exp3A_1152 : vector<16xf32>
        %swap3A_1196 = arith.index_cast %scan3A_975 : i32 to index
        %swap3A_1197 = arith.constant 112 : index
        %swap3A_1198 = tpu.vector_load %arg12[%swap3A_1196, %swap3A_1197] {strides = array<i32>} : memref<64x128xf32, #tpu.memory_space<vmem>>, vector<1x16xf32>,
        %swap3A_1199 = vector.shape_cast %swap3A_1198 : vector<1x16xf32> to vector<16xf32>
        %swap3A_1200 = vector.shape_cast %mul3A_1195 : vector<16xf32> to vector<1x16xf32>
        tpu.vector_store %arg12[%swap3A_1196, %swap3A_1197], %swap3A_1200 {strides = array<i32>} : memref<64x128xf32, #tpu.memory_space<vmem>>, vector<1x16xf32>,
        %eq3A_1201 = arith.constant 0 : i32
        %eq3A_1202 = vector.broadcast %eq3A_1201 : i32 to vector<16xi32>
        %eq3A_1203 = arith.cmpi eq, %iota3A, %eq3A_1202 : vector<16xi32>
        %jit3A_1204 = arith.constant 0.000000e+00 : f32
        %broadcast_in_dim3A_1205 = vector.broadcast %jit3A_1204 : f32 to vector<16xf32>
        %select_n3A_1206 = arith.select %eq3A_1203, %exp3A_1152, %broadcast_in_dim3A_1205 : vector<16xi1>, vector<16xf32>
        %swap3A_1207 = arith.index_cast %scan3A_975 : i32 to index
        %swap3A_1208 = arith.constant 0 : index
        %swap3A_1209 = tpu.vector_load %arg22[%swap3A_1207, %swap3A_1208] {strides = array<i32>} : memref<64x16xf32, #tpu.memory_space<vmem>>, vector<1x16xf32>,
        %swap3A_1210 = vector.shape_cast %swap3A_1209 : vector<1x16xf32> to vector<16xf32>
        %swap3A_1211 = vector.shape_cast %select_n3A_1206 : vector<16xf32> to vector<1x16xf32>
        tpu.vector_store %arg22[%swap3A_1207, %swap3A_1208], %swap3A_1211 {strides = array<i32>} : memref<64x16xf32, #tpu.memory_space<vmem>>, vector<1x16xf32>,
        %scan3A_1212 = arith.constant 0 : i32
        scf.yield %scan3A_1212 : i32
      }
      %scan3A_245 = arith.constant 64 : i32
      %dma_start3A_246 = arith.constant 0 : i32
      %dma_start3A_247 = arith.constant 0 : i32
      %dma_start3A_248 = tpu.memref_slice %arg9[%dma_start3A_246, %dma_start3A_247] : memref<10112x128xf32, #tpu.memory_space<vmem_shared>> -> memref<10112x128xf32, #tpu.memory_space<vmem_shared>>
      tpu.enqueue_indirect_dma source(%arg12 : memref<64x128xf32, #tpu.memory_space<vmem>>) target(%dma_start3A_248 : memref<10112x128xf32, #tpu.memory_space<vmem_shared>>) offsets(%arg20 : memref<64xi32, #tpu.memory_space<vmem>>) semaphore(%arg29 : memref<!tpu.dma_semaphore, #tpu.memory_space<semaphore_mem>>) {add = true}
      %dma_start3A_249 = arith.constant 0 : i32
      %dma_start3A_250 = arith.constant 0 : i32
      %dma_start3A_251 = tpu.memref_slice %arg10[%dma_start3A_249, %dma_start3A_250] : memref<10112x16xf32, #tpu.memory_space<vmem_shared>> -> memref<10112x16xf32, #tpu.memory_space<vmem_shared>>
      tpu.enqueue_indirect_dma source(%arg22 : memref<64x16xf32, #tpu.memory_space<vmem>>) target(%dma_start3A_251 : memref<10112x16xf32, #tpu.memory_space<vmem_shared>>) offsets(%arg20 : memref<64xi32, #tpu.memory_space<vmem>>) semaphore(%arg29 : memref<!tpu.dma_semaphore, #tpu.memory_space<semaphore_mem>>) {add = true}
      %dma_wait3A_252 = arith.constant 0 : i32
      %dma_wait3A_253 = arith.constant 0 : i32
      %dma_wait3A_254 = tpu.memref_slice %arg9[%dma_wait3A_252, %dma_wait3A_253] : memref<10112x128xf32, #tpu.memory_space<vmem_shared>> -> memref<10112x128xf32, #tpu.memory_space<vmem_shared>>
      tpu.wait_indirect_dma semaphore(%arg29 : memref<!tpu.dma_semaphore, #tpu.memory_space<semaphore_mem>>) src(%arg12 : memref<64x128xf32, #tpu.memory_space<vmem>>) dst(%dma_wait3A_254 : memref<10112x128xf32, #tpu.memory_space<vmem_shared>>)
      %dma_wait3A_255 = arith.constant 0 : i32
      %dma_wait3A_256 = arith.constant 0 : i32
      %dma_wait3A_257 = tpu.memref_slice %arg10[%dma_wait3A_255, %dma_wait3A_256] : memref<10112x16xf32, #tpu.memory_space<vmem_shared>> -> memref<10112x16xf32, #tpu.memory_space<vmem_shared>>
      tpu.wait_indirect_dma semaphore(%arg29 : memref<!tpu.dma_semaphore, #tpu.memory_space<semaphore_mem>>) src(%arg22 : memref<64x16xf32, #tpu.memory_space<vmem>>) dst(%dma_wait3A_257 : memref<10112x16xf32, #tpu.memory_space<vmem_shared>>)
      %lt3A_258 = arith.constant 81 : i32
      %lt3A_259 = arith.cmpi slt, %scan3A_122, %lt3A_258 : i32
      %convert_element_type3A_260 = arith.extui %lt3A_259 : i1 to i32
      %cond3A_261 = arith.constant 0 : i32
      %cond3A_262 = arith.cmpi ne, %convert_element_type3A_260, %cond3A_261 : i32
      scf.if %cond3A_262 {
        %dma_wait3A_264 = tpu.memref_slice %arg4[%add3A_233] : memref<335872xi32, #tpu.memory_space<hbm>> -> memref<64xi32, #tpu.memory_space<hbm>>
        %dma_wait3A_265 = tpu.memref_slice %arg4[%add3A_233] : memref<335872xi32, #tpu.memory_space<hbm>> -> memref<64xi32, #tpu.memory_space<hbm>>
        tpu.wait_dma2 semaphore(%arg27 : memref<!tpu.dma_semaphore, #tpu.memory_space<semaphore_mem>>) src(%dma_wait3A_265 : memref<64xi32, #tpu.memory_space<hbm>>) dst(%arg16 : memref<64xi32, #tpu.memory_space<vmem>>)
        %dma_wait3A_266 = tpu.memref_slice %arg5[%add3A_233] : memref<335872xi32, #tpu.memory_space<hbm>> -> memref<64xi32, #tpu.memory_space<hbm>>
        %dma_wait3A_267 = tpu.memref_slice %arg5[%add3A_233] : memref<335872xi32, #tpu.memory_space<hbm>> -> memref<64xi32, #tpu.memory_space<hbm>>
        tpu.wait_dma2 semaphore(%arg27 : memref<!tpu.dma_semaphore, #tpu.memory_space<semaphore_mem>>) src(%dma_wait3A_267 : memref<64xi32, #tpu.memory_space<hbm>>) dst(%arg18 : memref<64xi32, #tpu.memory_space<vmem>>)
        %dma_start3A_268 = arith.constant 0 : i32
        %dma_start3A_269 = arith.constant 0 : i32
        %dma_start3A_270 = tpu.memref_slice %arg2[%dma_start3A_268, %dma_start3A_269] : memref<10000x128xf32, #tpu.memory_space<hbm>> -> memref<10000x128xf32, #tpu.memory_space<hbm>>
        tpu.enqueue_indirect_dma source(%dma_start3A_270 : memref<10000x128xf32, #tpu.memory_space<hbm>>) target(%arg12 : memref<64x128xf32, #tpu.memory_space<vmem>>) offsets(%arg16 : memref<64xi32, #tpu.memory_space<vmem>>) semaphore(%arg25 : memref<!tpu.dma_semaphore, #tpu.memory_space<semaphore_mem>>)
        %dma_start3A_271 = arith.constant 0 : i32
        %dma_start3A_272 = arith.constant 0 : i32
        %dma_start3A_273 = tpu.memref_slice %arg3[%dma_start3A_271, %dma_start3A_272] : memref<10000x128xf32, #tpu.memory_space<hbm>> -> memref<10000x128xf32, #tpu.memory_space<hbm>>
        tpu.enqueue_indirect_dma source(%dma_start3A_273 : memref<10000x128xf32, #tpu.memory_space<hbm>>) target(%arg14 : memref<64x128xf32, #tpu.memory_space<vmem>>) offsets(%arg18 : memref<64xi32, #tpu.memory_space<vmem>>) semaphore(%arg25 : memref<!tpu.dma_semaphore, #tpu.memory_space<semaphore_mem>>)
      } else {
      }
      %scan3A_263 = arith.constant 0 : i32
      scf.yield %scan3A_263 : i32
    }
    %scan3A_100 = arith.constant 82 : i32
    %barrier3A_101 = arith.constant 0 : index
    tpu.barrier barrier_id(%barrier3A_101)
    %add3A_102 = arith.constant 0 : i32
    %add3A_103 = arith.addi %mul3A_9, %add3A_102 : i32
    "tpu.region"() ({
      %run_scoped3A = tpu.sem_alloc : memref<!tpu.dma_semaphore, #tpu.memory_space<semaphore_mem>>
      %dma_start3A_122 = arith.constant 0 : i32
      %dma_start3A_123 = arith.constant 0 : i32
      %dma_start3A_124 = tpu.memref_slice %arg11[%dma_start3A_122, %dma_start3A_123] : memref<64x128xf32, #tpu.memory_space<vmem>> -> memref<64x128xf32, #tpu.memory_space<vmem>>
      %dma_start3A_125 = arith.constant 0 : i32
      %dma_start3A_126 = tpu.memref_slice %arg9[%add3A_103, %dma_start3A_125] : memref<10112x128xf32, #tpu.memory_space<vmem_shared>> -> memref<64x128xf32, #tpu.memory_space<vmem_shared>>
      %dma_start3A_127 = arith.constant 0 : i32
      %dma_start3A_128 = arith.constant 0 : i32
      %dma_start3A_129 = tpu.memref_slice %arg11[%dma_start3A_127, %dma_start3A_128] : memref<64x128xf32, #tpu.memory_space<vmem>> -> memref<64x128xf32, #tpu.memory_space<vmem>>
      %dma_start3A_130 = arith.constant 0 : i32
      %dma_start3A_131 = tpu.memref_slice %arg9[%add3A_103, %dma_start3A_130] : memref<10112x128xf32, #tpu.memory_space<vmem_shared>> -> memref<64x128xf32, #tpu.memory_space<vmem_shared>>
      tpu.enqueue_dma source(%dma_start3A_131 : memref<64x128xf32, #tpu.memory_space<vmem_shared>>) target(%dma_start3A_129 : memref<64x128xf32, #tpu.memory_space<vmem>>) target_semaphore(%run_scoped3A : memref<!tpu.dma_semaphore, #tpu.memory_space<semaphore_mem>>)
      %dma_wait3A = arith.constant 0 : i32
      %dma_wait3A_132 = arith.constant 0 : i32
      %dma_wait3A_133 = tpu.memref_slice %arg11[%dma_wait3A, %dma_wait3A_132] : memref<64x128xf32, #tpu.memory_space<vmem>> -> memref<64x128xf32, #tpu.memory_space<vmem>>
      %dma_wait3A_134 = arith.constant 0 : i32
      %dma_wait3A_135 = tpu.memref_slice %arg9[%add3A_103, %dma_wait3A_134] : memref<10112x128xf32, #tpu.memory_space<vmem_shared>> -> memref<64x128xf32, #tpu.memory_space<vmem_shared>>
      %dma_wait3A_136 = arith.constant 0 : i32
      %dma_wait3A_137 = arith.constant 0 : i32
      %dma_wait3A_138 = tpu.memref_slice %arg11[%dma_wait3A_136, %dma_wait3A_137] : memref<64x128xf32, #tpu.memory_space<vmem>> -> memref<64x128xf32, #tpu.memory_space<vmem>>
      %dma_wait3A_139 = arith.constant 0 : i32
      %dma_wait3A_140 = tpu.memref_slice %arg9[%add3A_103, %dma_wait3A_139] : memref<10112x128xf32, #tpu.memory_space<vmem_shared>> -> memref<64x128xf32, #tpu.memory_space<vmem_shared>>
      tpu.wait_dma2 semaphore(%run_scoped3A : memref<!tpu.dma_semaphore, #tpu.memory_space<semaphore_mem>>) src(%dma_wait3A_140 : memref<64x128xf32, #tpu.memory_space<vmem_shared>>) dst(%dma_wait3A_138 : memref<64x128xf32, #tpu.memory_space<vmem>>)
      tpu.yield
    }) : () -> ()
    "tpu.region"() ({
      %run_scoped3A = tpu.sem_alloc : memref<!tpu.dma_semaphore, #tpu.memory_space<semaphore_mem>>
      %dma_start3A_122 = arith.constant 0 : i32
      %dma_start3A_123 = arith.constant 0 : i32
      %dma_start3A_124 = tpu.memref_slice %arg11[%dma_start3A_122, %dma_start3A_123] : memref<64x128xf32, #tpu.memory_space<vmem>> -> memref<64x128xf32, #tpu.memory_space<vmem>>
      %dma_start3A_125 = arith.constant 0 : i32
      %dma_start3A_126 = tpu.memref_slice %arg7[%arg0, %add3A_103, %dma_start3A_125] : memref<2x10112x128xf32, #tpu.memory_space<hbm>> -> memref<1x64x128xf32, #tpu.memory_space<hbm>>
      %dma_start3A_127 = tpu.memref_squeeze %dma_start3A_126 : memref<1x64x128xf32, #tpu.memory_space<hbm>> -> memref<64x128xf32, #tpu.memory_space<hbm>>
      %dma_start3A_128 = arith.constant 0 : i32
      %dma_start3A_129 = tpu.memref_slice %arg7[%arg0, %add3A_103, %dma_start3A_128] : memref<2x10112x128xf32, #tpu.memory_space<hbm>> -> memref<1x64x128xf32, #tpu.memory_space<hbm>>
      %dma_start3A_130 = tpu.memref_squeeze %dma_start3A_129 : memref<1x64x128xf32, #tpu.memory_space<hbm>> -> memref<64x128xf32, #tpu.memory_space<hbm>>
      %dma_start3A_131 = arith.constant 0 : i32
      %dma_start3A_132 = arith.constant 0 : i32
      %dma_start3A_133 = tpu.memref_slice %arg11[%dma_start3A_131, %dma_start3A_132] : memref<64x128xf32, #tpu.memory_space<vmem>> -> memref<64x128xf32, #tpu.memory_space<vmem>>
      tpu.enqueue_dma source(%dma_start3A_133 : memref<64x128xf32, #tpu.memory_space<vmem>>) target(%dma_start3A_130 : memref<64x128xf32, #tpu.memory_space<hbm>>) target_semaphore(%run_scoped3A : memref<!tpu.dma_semaphore, #tpu.memory_space<semaphore_mem>>)
      %dma_wait3A = arith.constant 0 : i32
      %dma_wait3A_134 = arith.constant 0 : i32
      %dma_wait3A_135 = tpu.memref_slice %arg11[%dma_wait3A, %dma_wait3A_134] : memref<64x128xf32, #tpu.memory_space<vmem>> -> memref<64x128xf32, #tpu.memory_space<vmem>>
      %dma_wait3A_136 = arith.constant 0 : i32
      %dma_wait3A_137 = tpu.memref_slice %arg7[%arg0, %add3A_103, %dma_wait3A_136] : memref<2x10112x128xf32, #tpu.memory_space<hbm>> -> memref<1x64x128xf32, #tpu.memory_space<hbm>>
      %dma_wait3A_138 = tpu.memref_squeeze %dma_wait3A_137 : memref<1x64x128xf32, #tpu.memory_space<hbm>> -> memref<64x128xf32, #tpu.memory_space<hbm>>
      %dma_wait3A_139 = arith.constant 0 : i32
      %dma_wait3A_140 = tpu.memref_slice %arg7[%arg0, %add3A_103, %dma_wait3A_139] : memref<2x10112x128xf32, #tpu.memory_space<hbm>> -> memref<1x64x128xf32, #tpu.memory_space<hbm>>
      %dma_wait3A_141 = tpu.memref_squeeze %dma_wait3A_140 : memref<1x64x128xf32, #tpu.memory_space<hbm>> -> memref<64x128xf32, #tpu.memory_space<hbm>>
      %dma_wait3A_142 = arith.constant 0 : i32
      %dma_wait3A_143 = arith.constant 0 : i32
      %dma_wait3A_144 = tpu.memref_slice %arg11[%dma_wait3A_142, %dma_wait3A_143] : memref<64x128xf32, #tpu.memory_space<vmem>> -> memref<64x128xf32, #tpu.memory_space<vmem>>
      tpu.wait_dma2 semaphore(%run_scoped3A : memref<!tpu.dma_semaphore, #tpu.memory_space<semaphore_mem>>) src(%dma_wait3A_144 : memref<64x128xf32, #tpu.memory_space<vmem>>) dst(%dma_wait3A_141 : memref<64x128xf32, #tpu.memory_space<hbm>>)
      tpu.yield
    }) : () -> ()
    "tpu.region"() ({
      %run_scoped3A = tpu.sem_alloc : memref<!tpu.dma_semaphore, #tpu.memory_space<semaphore_mem>>
      %dma_start3A_122 = arith.constant 0 : i32
      %dma_start3A_123 = arith.constant 0 : i32
      %dma_start3A_124 = tpu.memref_slice %arg21[%dma_start3A_122, %dma_start3A_123] : memref<64x16xf32, #tpu.memory_space<vmem>> -> memref<64x16xf32, #tpu.memory_space<vmem>>
      %dma_start3A_125 = arith.constant 0 : i32
      %dma_start3A_126 = tpu.memref_slice %arg10[%add3A_103, %dma_start3A_125] : memref<10112x16xf32, #tpu.memory_space<vmem_shared>> -> memref<64x16xf32, #tpu.memory_space<vmem_shared>>
      %dma_start3A_127 = arith.constant 0 : i32
      %dma_start3A_128 = arith.constant 0 : i32
      %dma_start3A_129 = tpu.memref_slice %arg21[%dma_start3A_127, %dma_start3A_128] : memref<64x16xf32, #tpu.memory_space<vmem>> -> memref<64x16xf32, #tpu.memory_space<vmem>>
      %dma_start3A_130 = arith.constant 0 : i32
      %dma_start3A_131 = tpu.memref_slice %arg10[%add3A_103, %dma_start3A_130] : memref<10112x16xf32, #tpu.memory_space<vmem_shared>> -> memref<64x16xf32, #tpu.memory_space<vmem_shared>>
      tpu.enqueue_dma source(%dma_start3A_131 : memref<64x16xf32, #tpu.memory_space<vmem_shared>>) target(%dma_start3A_129 : memref<64x16xf32, #tpu.memory_space<vmem>>) target_semaphore(%run_scoped3A : memref<!tpu.dma_semaphore, #tpu.memory_space<semaphore_mem>>)
      %dma_wait3A = arith.constant 0 : i32
      %dma_wait3A_132 = arith.constant 0 : i32
      %dma_wait3A_133 = tpu.memref_slice %arg21[%dma_wait3A, %dma_wait3A_132] : memref<64x16xf32, #tpu.memory_space<vmem>> -> memref<64x16xf32, #tpu.memory_space<vmem>>
      %dma_wait3A_134 = arith.constant 0 : i32
      %dma_wait3A_135 = tpu.memref_slice %arg10[%add3A_103, %dma_wait3A_134] : memref<10112x16xf32, #tpu.memory_space<vmem_shared>> -> memref<64x16xf32, #tpu.memory_space<vmem_shared>>
      %dma_wait3A_136 = arith.constant 0 : i32
      %dma_wait3A_137 = arith.constant 0 : i32
      %dma_wait3A_138 = tpu.memref_slice %arg21[%dma_wait3A_136, %dma_wait3A_137] : memref<64x16xf32, #tpu.memory_space<vmem>> -> memref<64x16xf32, #tpu.memory_space<vmem>>
      %dma_wait3A_139 = arith.constant 0 : i32
      %dma_wait3A_140 = tpu.memref_slice %arg10[%add3A_103, %dma_wait3A_139] : memref<10112x16xf32, #tpu.memory_space<vmem_shared>> -> memref<64x16xf32, #tpu.memory_space<vmem_shared>>
      tpu.wait_dma2 semaphore(%run_scoped3A : memref<!tpu.dma_semaphore, #tpu.memory_space<semaphore_mem>>) src(%dma_wait3A_140 : memref<64x16xf32, #tpu.memory_space<vmem_shared>>) dst(%dma_wait3A_138 : memref<64x16xf32, #tpu.memory_space<vmem>>)
      tpu.yield
    }) : () -> ()
    "tpu.region"() ({
      %run_scoped3A = tpu.sem_alloc : memref<!tpu.dma_semaphore, #tpu.memory_space<semaphore_mem>>
      %dma_start3A_122 = arith.constant 0 : i32
      %dma_start3A_123 = arith.constant 0 : i32
      %dma_start3A_124 = tpu.memref_slice %arg21[%dma_start3A_122, %dma_start3A_123] : memref<64x16xf32, #tpu.memory_space<vmem>> -> memref<64x16xf32, #tpu.memory_space<vmem>>
      %dma_start3A_125 = arith.constant 0 : i32
      %dma_start3A_126 = tpu.memref_slice %arg8[%arg0, %add3A_103, %dma_start3A_125] : memref<2x10112x16xf32, #tpu.memory_space<hbm>> -> memref<1x64x16xf32, #tpu.memory_space<hbm>>
      %dma_start3A_127 = tpu.memref_squeeze %dma_start3A_126 : memref<1x64x16xf32, #tpu.memory_space<hbm>> -> memref<64x16xf32, #tpu.memory_space<hbm>>
      %dma_start3A_128 = arith.constant 0 : i32
      %dma_start3A_129 = tpu.memref_slice %arg8[%arg0, %add3A_103, %dma_start3A_128] : memref<2x10112x16xf32, #tpu.memory_space<hbm>> -> memref<1x64x16xf32, #tpu.memory_space<hbm>>
      %dma_start3A_130 = tpu.memref_squeeze %dma_start3A_129 : memref<1x64x16xf32, #tpu.memory_space<hbm>> -> memref<64x16xf32, #tpu.memory_space<hbm>>
      %dma_start3A_131 = arith.constant 0 : i32
      %dma_start3A_132 = arith.constant 0 : i32
      %dma_start3A_133 = tpu.memref_slice %arg21[%dma_start3A_131, %dma_start3A_132] : memref<64x16xf32, #tpu.memory_space<vmem>> -> memref<64x16xf32, #tpu.memory_space<vmem>>
      tpu.enqueue_dma source(%dma_start3A_133 : memref<64x16xf32, #tpu.memory_space<vmem>>) target(%dma_start3A_130 : memref<64x16xf32, #tpu.memory_space<hbm>>) target_semaphore(%run_scoped3A : memref<!tpu.dma_semaphore, #tpu.memory_space<semaphore_mem>>)
      %dma_wait3A = arith.constant 0 : i32
      %dma_wait3A_134 = arith.constant 0 : i32
      %dma_wait3A_135 = tpu.memref_slice %arg21[%dma_wait3A, %dma_wait3A_134] : memref<64x16xf32, #tpu.memory_space<vmem>> -> memref<64x16xf32, #tpu.memory_space<vmem>>
      %dma_wait3A_136 = arith.constant 0 : i32
      %dma_wait3A_137 = tpu.memref_slice %arg8[%arg0, %add3A_103, %dma_wait3A_136] : memref<2x10112x16xf32, #tpu.memory_space<hbm>> -> memref<1x64x16xf32, #tpu.memory_space<hbm>>
      %dma_wait3A_138 = tpu.memref_squeeze %dma_wait3A_137 : memref<1x64x16xf32, #tpu.memory_space<hbm>> -> memref<64x16xf32, #tpu.memory_space<hbm>>
      %dma_wait3A_139 = arith.constant 0 : i32
      %dma_wait3A_140 = tpu.memref_slice %arg8[%arg0, %add3A_103, %dma_wait3A_139] : memref<2x10112x16xf32, #tpu.memory_space<hbm>> -> memref<1x64x16xf32, #tpu.memory_space<hbm>>
      %dma_wait3A_141 = tpu.memref_squeeze %dma_wait3A_140 : memref<1x64x16xf32, #tpu.memory_space<hbm>> -> memref<64x16xf32, #tpu.memory_space<hbm>>
      %dma_wait3A_142 = arith.constant 0 : i32
      %dma_wait3A_143 = arith.constant 0 : i32
      %dma_wait3A_144 = tpu.memref_slice %arg21[%dma_wait3A_142, %dma_wait3A_143] : memref<64x16xf32, #tpu.memory_space<vmem>> -> memref<64x16xf32, #tpu.memory_space<vmem>>
      tpu.wait_dma2 semaphore(%run_scoped3A : memref<!tpu.dma_semaphore, #tpu.memory_space<semaphore_mem>>) src(%dma_wait3A_144 : memref<64x16xf32, #tpu.memory_space<vmem>>) dst(%dma_wait3A_141 : memref<64x16xf32, #tpu.memory_space<hbm>>)
      tpu.yield
    }) : () -> ()
    %add3A_104 = arith.constant 64 : i32
    %add3A_105 = arith.addi %mul3A_9, %add3A_104 : i32
    "tpu.region"() ({
      %run_scoped3A = tpu.sem_alloc : memref<!tpu.dma_semaphore, #tpu.memory_space<semaphore_mem>>
      %dma_start3A_122 = arith.constant 0 : i32
      %dma_start3A_123 = arith.constant 0 : i32
      %dma_start3A_124 = tpu.memref_slice %arg11[%dma_start3A_122, %dma_start3A_123] : memref<64x128xf32, #tpu.memory_space<vmem>> -> memref<64x128xf32, #tpu.memory_space<vmem>>
      %dma_start3A_125 = arith.constant 0 : i32
      %dma_start3A_126 = tpu.memref_slice %arg9[%add3A_105, %dma_start3A_125] : memref<10112x128xf32, #tpu.memory_space<vmem_shared>> -> memref<64x128xf32, #tpu.memory_space<vmem_shared>>
      %dma_start3A_127 = arith.constant 0 : i32
      %dma_start3A_128 = arith.constant 0 : i32
      %dma_start3A_129 = tpu.memref_slice %arg11[%dma_start3A_127, %dma_start3A_128] : memref<64x128xf32, #tpu.memory_space<vmem>> -> memref<64x128xf32, #tpu.memory_space<vmem>>
      %dma_start3A_130 = arith.constant 0 : i32
      %dma_start3A_131 = tpu.memref_slice %arg9[%add3A_105, %dma_start3A_130] : memref<10112x128xf32, #tpu.memory_space<vmem_shared>> -> memref<64x128xf32, #tpu.memory_space<vmem_shared>>
      tpu.enqueue_dma source(%dma_start3A_131 : memref<64x128xf32, #tpu.memory_space<vmem_shared>>) target(%dma_start3A_129 : memref<64x128xf32, #tpu.memory_space<vmem>>) target_semaphore(%run_scoped3A : memref<!tpu.dma_semaphore, #tpu.memory_space<semaphore_mem>>)
      %dma_wait3A = arith.constant 0 : i32
      %dma_wait3A_132 = arith.constant 0 : i32
      %dma_wait3A_133 = tpu.memref_slice %arg11[%dma_wait3A, %dma_wait3A_132] : memref<64x128xf32, #tpu.memory_space<vmem>> -> memref<64x128xf32, #tpu.memory_space<vmem>>
      %dma_wait3A_134 = arith.constant 0 : i32
      %dma_wait3A_135 = tpu.memref_slice %arg9[%add3A_105, %dma_wait3A_134] : memref<10112x128xf32, #tpu.memory_space<vmem_shared>> -> memref<64x128xf32, #tpu.memory_space<vmem_shared>>
      %dma_wait3A_136 = arith.constant 0 : i32
      %dma_wait3A_137 = arith.constant 0 : i32
      %dma_wait3A_138 = tpu.memref_slice %arg11[%dma_wait3A_136, %dma_wait3A_137] : memref<64x128xf32, #tpu.memory_space<vmem>> -> memref<64x128xf32, #tpu.memory_space<vmem>>
      %dma_wait3A_139 = arith.constant 0 : i32
      %dma_wait3A_140 = tpu.memref_slice %arg9[%add3A_105, %dma_wait3A_139] : memref<10112x128xf32, #tpu.memory_space<vmem_shared>> -> memref<64x128xf32, #tpu.memory_space<vmem_shared>>
      tpu.wait_dma2 semaphore(%run_scoped3A : memref<!tpu.dma_semaphore, #tpu.memory_space<semaphore_mem>>) src(%dma_wait3A_140 : memref<64x128xf32, #tpu.memory_space<vmem_shared>>) dst(%dma_wait3A_138 : memref<64x128xf32, #tpu.memory_space<vmem>>)
      tpu.yield
    }) : () -> ()
    "tpu.region"() ({
      %run_scoped3A = tpu.sem_alloc : memref<!tpu.dma_semaphore, #tpu.memory_space<semaphore_mem>>
      %dma_start3A_122 = arith.constant 0 : i32
      %dma_start3A_123 = arith.constant 0 : i32
      %dma_start3A_124 = tpu.memref_slice %arg11[%dma_start3A_122, %dma_start3A_123] : memref<64x128xf32, #tpu.memory_space<vmem>> -> memref<64x128xf32, #tpu.memory_space<vmem>>
      %dma_start3A_125 = arith.constant 0 : i32
      %dma_start3A_126 = tpu.memref_slice %arg7[%arg0, %add3A_105, %dma_start3A_125] : memref<2x10112x128xf32, #tpu.memory_space<hbm>> -> memref<1x64x128xf32, #tpu.memory_space<hbm>>
      %dma_start3A_127 = tpu.memref_squeeze %dma_start3A_126 : memref<1x64x128xf32, #tpu.memory_space<hbm>> -> memref<64x128xf32, #tpu.memory_space<hbm>>
      %dma_start3A_128 = arith.constant 0 : i32
      %dma_start3A_129 = tpu.memref_slice %arg7[%arg0, %add3A_105, %dma_start3A_128] : memref<2x10112x128xf32, #tpu.memory_space<hbm>> -> memref<1x64x128xf32, #tpu.memory_space<hbm>>
      %dma_start3A_130 = tpu.memref_squeeze %dma_start3A_129 : memref<1x64x128xf32, #tpu.memory_space<hbm>> -> memref<64x128xf32, #tpu.memory_space<hbm>>
      %dma_start3A_131 = arith.constant 0 : i32
      %dma_start3A_132 = arith.constant 0 : i32
      %dma_start3A_133 = tpu.memref_slice %arg11[%dma_start3A_131, %dma_start3A_132] : memref<64x128xf32, #tpu.memory_space<vmem>> -> memref<64x128xf32, #tpu.memory_space<vmem>>
      tpu.enqueue_dma source(%dma_start3A_133 : memref<64x128xf32, #tpu.memory_space<vmem>>) target(%dma_start3A_130 : memref<64x128xf32, #tpu.memory_space<hbm>>) target_semaphore(%run_scoped3A : memref<!tpu.dma_semaphore, #tpu.memory_space<semaphore_mem>>)
      %dma_wait3A = arith.constant 0 : i32
      %dma_wait3A_134 = arith.constant 0 : i32
      %dma_wait3A_135 = tpu.memref_slice %arg11[%dma_wait3A, %dma_wait3A_134] : memref<64x128xf32, #tpu.memory_space<vmem>> -> memref<64x128xf32, #tpu.memory_space<vmem>>
      %dma_wait3A_136 = arith.constant 0 : i32
      %dma_wait3A_137 = tpu.memref_slice %arg7[%arg0, %add3A_105, %dma_wait3A_136] : memref<2x10112x128xf32, #tpu.memory_space<hbm>> -> memref<1x64x128xf32, #tpu.memory_space<hbm>>
      %dma_wait3A_138 = tpu.memref_squeeze %dma_wait3A_137 : memref<1x64x128xf32, #tpu.memory_space<hbm>> -> memref<64x128xf32, #tpu.memory_space<hbm>>
      %dma_wait3A_139 = arith.constant 0 : i32
      %dma_wait3A_140 = tpu.memref_slice %arg7[%arg0, %add3A_105, %dma_wait3A_139] : memref<2x10112x128xf32, #tpu.memory_space<hbm>> -> memref<1x64x128xf32, #tpu.memory_space<hbm>>
      %dma_wait3A_141 = tpu.memref_squeeze %dma_wait3A_140 : memref<1x64x128xf32, #tpu.memory_space<hbm>> -> memref<64x128xf32, #tpu.memory_space<hbm>>
      %dma_wait3A_142 = arith.constant 0 : i32
      %dma_wait3A_143 = arith.constant 0 : i32
      %dma_wait3A_144 = tpu.memref_slice %arg11[%dma_wait3A_142, %dma_wait3A_143] : memref<64x128xf32, #tpu.memory_space<vmem>> -> memref<64x128xf32, #tpu.memory_space<vmem>>
      tpu.wait_dma2 semaphore(%run_scoped3A : memref<!tpu.dma_semaphore, #tpu.memory_space<semaphore_mem>>) src(%dma_wait3A_144 : memref<64x128xf32, #tpu.memory_space<vmem>>) dst(%dma_wait3A_141 : memref<64x128xf32, #tpu.memory_space<hbm>>)
      tpu.yield
    }) : () -> ()
    "tpu.region"() ({
      %run_scoped3A = tpu.sem_alloc : memref<!tpu.dma_semaphore, #tpu.memory_space<semaphore_mem>>
      %dma_start3A_122 = arith.constant 0 : i32
      %dma_start3A_123 = arith.constant 0 : i32
      %dma_start3A_124 = tpu.memref_slice %arg21[%dma_start3A_122, %dma_start3A_123] : memref<64x16xf32, #tpu.memory_space<vmem>> -> memref<64x16xf32, #tpu.memory_space<vmem>>
      %dma_start3A_125 = arith.constant 0 : i32
      %dma_start3A_126 = tpu.memref_slice %arg10[%add3A_105, %dma_start3A_125] : memref<10112x16xf32, #tpu.memory_space<vmem_shared>> -> memref<64x16xf32, #tpu.memory_space<vmem_shared>>
      %dma_start3A_127 = arith.constant 0 : i32
      %dma_start3A_128 = arith.constant 0 : i32
      %dma_start3A_129 = tpu.memref_slice %arg21[%dma_start3A_127, %dma_start3A_128] : memref<64x16xf32, #tpu.memory_space<vmem>> -> memref<64x16xf32, #tpu.memory_space<vmem>>
      %dma_start3A_130 = arith.constant 0 : i32
      %dma_start3A_131 = tpu.memref_slice %arg10[%add3A_105, %dma_start3A_130] : memref<10112x16xf32, #tpu.memory_space<vmem_shared>> -> memref<64x16xf32, #tpu.memory_space<vmem_shared>>
      tpu.enqueue_dma source(%dma_start3A_131 : memref<64x16xf32, #tpu.memory_space<vmem_shared>>) target(%dma_start3A_129 : memref<64x16xf32, #tpu.memory_space<vmem>>) target_semaphore(%run_scoped3A : memref<!tpu.dma_semaphore, #tpu.memory_space<semaphore_mem>>)
      %dma_wait3A = arith.constant 0 : i32
      %dma_wait3A_132 = arith.constant 0 : i32
      %dma_wait3A_133 = tpu.memref_slice %arg21[%dma_wait3A, %dma_wait3A_132] : memref<64x16xf32, #tpu.memory_space<vmem>> -> memref<64x16xf32, #tpu.memory_space<vmem>>
      %dma_wait3A_134 = arith.constant 0 : i32
      %dma_wait3A_135 = tpu.memref_slice %arg10[%add3A_105, %dma_wait3A_134] : memref<10112x16xf32, #tpu.memory_space<vmem_shared>> -> memref<64x16xf32, #tpu.memory_space<vmem_shared>>
      %dma_wait3A_136 = arith.constant 0 : i32
      %dma_wait3A_137 = arith.constant 0 : i32
      %dma_wait3A_138 = tpu.memref_slice %arg21[%dma_wait3A_136, %dma_wait3A_137] : memref<64x16xf32, #tpu.memory_space<vmem>> -> memref<64x16xf32, #tpu.memory_space<vmem>>
      %dma_wait3A_139 = arith.constant 0 : i32
      %dma_wait3A_140 = tpu.memref_slice %arg10[%add3A_105, %dma_wait3A_139] : memref<10112x16xf32, #tpu.memory_space<vmem_shared>> -> memref<64x16xf32, #tpu.memory_space<vmem_shared>>
      tpu.wait_dma2 semaphore(%run_scoped3A : memref<!tpu.dma_semaphore, #tpu.memory_space<semaphore_mem>>) src(%dma_wait3A_140 : memref<64x16xf32, #tpu.memory_space<vmem_shared>>) dst(%dma_wait3A_138 : memref<64x16xf32, #tpu.memory_space<vmem>>)
      tpu.yield
    }) : () -> ()
    "tpu.region"() ({
      %run_scoped3A = tpu.sem_alloc : memref<!tpu.dma_semaphore, #tpu.memory_space<semaphore_mem>>
      %dma_start3A_122 = arith.constant 0 : i32
      %dma_start3A_123 = arith.constant 0 : i32
      %dma_start3A_124 = tpu.memref_slice %arg21[%dma_start3A_122, %dma_start3A_123] : memref<64x16xf32, #tpu.memory_space<vmem>> -> memref<64x16xf32, #tpu.memory_space<vmem>>
      %dma_start3A_125 = arith.constant 0 : i32
      %dma_start3A_126 = tpu.memref_slice %arg8[%arg0, %add3A_105, %dma_start3A_125] : memref<2x10112x16xf32, #tpu.memory_space<hbm>> -> memref<1x64x16xf32, #tpu.memory_space<hbm>>
      %dma_start3A_127 = tpu.memref_squeeze %dma_start3A_126 : memref<1x64x16xf32, #tpu.memory_space<hbm>> -> memref<64x16xf32, #tpu.memory_space<hbm>>
      %dma_start3A_128 = arith.constant 0 : i32
      %dma_start3A_129 = tpu.memref_slice %arg8[%arg0, %add3A_105, %dma_start3A_128] : memref<2x10112x16xf32, #tpu.memory_space<hbm>> -> memref<1x64x16xf32, #tpu.memory_space<hbm>>
      %dma_start3A_130 = tpu.memref_squeeze %dma_start3A_129 : memref<1x64x16xf32, #tpu.memory_space<hbm>> -> memref<64x16xf32, #tpu.memory_space<hbm>>
      %dma_start3A_131 = arith.constant 0 : i32
      %dma_start3A_132 = arith.constant 0 : i32
      %dma_start3A_133 = tpu.memref_slice %arg21[%dma_start3A_131, %dma_start3A_132] : memref<64x16xf32, #tpu.memory_space<vmem>> -> memref<64x16xf32, #tpu.memory_space<vmem>>
      tpu.enqueue_dma source(%dma_start3A_133 : memref<64x16xf32, #tpu.memory_space<vmem>>) target(%dma_start3A_130 : memref<64x16xf32, #tpu.memory_space<hbm>>) target_semaphore(%run_scoped3A : memref<!tpu.dma_semaphore, #tpu.memory_space<semaphore_mem>>)
      %dma_wait3A = arith.constant 0 : i32
      %dma_wait3A_134 = arith.constant 0 : i32
      %dma_wait3A_135 = tpu.memref_slice %arg21[%dma_wait3A, %dma_wait3A_134] : memref<64x16xf32, #tpu.memory_space<vmem>> -> memref<64x16xf32, #tpu.memory_space<vmem>>
      %dma_wait3A_136 = arith.constant 0 : i32
      %dma_wait3A_137 = tpu.memref_slice %arg8[%arg0, %add3A_105, %dma_wait3A_136] : memref<2x10112x16xf32, #tpu.memory_space<hbm>> -> memref<1x64x16xf32, #tpu.memory_space<hbm>>
      %dma_wait3A_138 = tpu.memref_squeeze %dma_wait3A_137 : memref<1x64x16xf32, #tpu.memory_space<hbm>> -> memref<64x16xf32, #tpu.memory_space<hbm>>
      %dma_wait3A_139 = arith.constant 0 : i32
      %dma_wait3A_140 = tpu.memref_slice %arg8[%arg0, %add3A_105, %dma_wait3A_139] : memref<2x10112x16xf32, #tpu.memory_space<hbm>> -> memref<1x64x16xf32, #tpu.memory_space<hbm>>
      %dma_wait3A_141 = tpu.memref_squeeze %dma_wait3A_140 : memref<1x64x16xf32, #tpu.memory_space<hbm>> -> memref<64x16xf32, #tpu.memory_space<hbm>>
      %dma_wait3A_142 = arith.constant 0 : i32
      %dma_wait3A_143 = arith.constant 0 : i32
      %dma_wait3A_144 = tpu.memref_slice %arg21[%dma_wait3A_142, %dma_wait3A_143] : memref<64x16xf32, #tpu.memory_space<vmem>> -> memref<64x16xf32, #tpu.memory_space<vmem>>
      tpu.wait_dma2 semaphore(%run_scoped3A : memref<!tpu.dma_semaphore, #tpu.memory_space<semaphore_mem>>) src(%dma_wait3A_144 : memref<64x16xf32, #tpu.memory_space<vmem>>) dst(%dma_wait3A_141 : memref<64x16xf32, #tpu.memory_space<hbm>>)
      tpu.yield
    }) : () -> ()
    %add3A_106 = arith.constant 128 : i32
    %add3A_107 = arith.addi %mul3A_9, %add3A_106 : i32
    "tpu.region"() ({
      %run_scoped3A = tpu.sem_alloc : memref<!tpu.dma_semaphore, #tpu.memory_space<semaphore_mem>>
      %dma_start3A_122 = arith.constant 0 : i32
      %dma_start3A_123 = arith.constant 0 : i32
      %dma_start3A_124 = tpu.memref_slice %arg11[%dma_start3A_122, %dma_start3A_123] : memref<64x128xf32, #tpu.memory_space<vmem>> -> memref<64x128xf32, #tpu.memory_space<vmem>>
      %dma_start3A_125 = arith.constant 0 : i32
      %dma_start3A_126 = tpu.memref_slice %arg9[%add3A_107, %dma_start3A_125] : memref<10112x128xf32, #tpu.memory_space<vmem_shared>> -> memref<64x128xf32, #tpu.memory_space<vmem_shared>>
      %dma_start3A_127 = arith.constant 0 : i32
      %dma_start3A_128 = arith.constant 0 : i32
      %dma_start3A_129 = tpu.memref_slice %arg11[%dma_start3A_127, %dma_start3A_128] : memref<64x128xf32, #tpu.memory_space<vmem>> -> memref<64x128xf32, #tpu.memory_space<vmem>>
      %dma_start3A_130 = arith.constant 0 : i32
      %dma_start3A_131 = tpu.memref_slice %arg9[%add3A_107, %dma_start3A_130] : memref<10112x128xf32, #tpu.memory_space<vmem_shared>> -> memref<64x128xf32, #tpu.memory_space<vmem_shared>>
      tpu.enqueue_dma source(%dma_start3A_131 : memref<64x128xf32, #tpu.memory_space<vmem_shared>>) target(%dma_start3A_129 : memref<64x128xf32, #tpu.memory_space<vmem>>) target_semaphore(%run_scoped3A : memref<!tpu.dma_semaphore, #tpu.memory_space<semaphore_mem>>)
      %dma_wait3A = arith.constant 0 : i32
      %dma_wait3A_132 = arith.constant 0 : i32
      %dma_wait3A_133 = tpu.memref_slice %arg11[%dma_wait3A, %dma_wait3A_132] : memref<64x128xf32, #tpu.memory_space<vmem>> -> memref<64x128xf32, #tpu.memory_space<vmem>>
      %dma_wait3A_134 = arith.constant 0 : i32
      %dma_wait3A_135 = tpu.memref_slice %arg9[%add3A_107, %dma_wait3A_134] : memref<10112x128xf32, #tpu.memory_space<vmem_shared>> -> memref<64x128xf32, #tpu.memory_space<vmem_shared>>
      %dma_wait3A_136 = arith.constant 0 : i32
      %dma_wait3A_137 = arith.constant 0 : i32
      %dma_wait3A_138 = tpu.memref_slice %arg11[%dma_wait3A_136, %dma_wait3A_137] : memref<64x128xf32, #tpu.memory_space<vmem>> -> memref<64x128xf32, #tpu.memory_space<vmem>>
      %dma_wait3A_139 = arith.constant 0 : i32
      %dma_wait3A_140 = tpu.memref_slice %arg9[%add3A_107, %dma_wait3A_139] : memref<10112x128xf32, #tpu.memory_space<vmem_shared>> -> memref<64x128xf32, #tpu.memory_space<vmem_shared>>
      tpu.wait_dma2 semaphore(%run_scoped3A : memref<!tpu.dma_semaphore, #tpu.memory_space<semaphore_mem>>) src(%dma_wait3A_140 : memref<64x128xf32, #tpu.memory_space<vmem_shared>>) dst(%dma_wait3A_138 : memref<64x128xf32, #tpu.memory_space<vmem>>)
      tpu.yield
    }) : () -> ()
    "tpu.region"() ({
      %run_scoped3A = tpu.sem_alloc : memref<!tpu.dma_semaphore, #tpu.memory_space<semaphore_mem>>
      %dma_start3A_122 = arith.constant 0 : i32
      %dma_start3A_123 = arith.constant 0 : i32
      %dma_start3A_124 = tpu.memref_slice %arg11[%dma_start3A_122, %dma_start3A_123] : memref<64x128xf32, #tpu.memory_space<vmem>> -> memref<64x128xf32, #tpu.memory_space<vmem>>
      %dma_start3A_125 = arith.constant 0 : i32
      %dma_start3A_126 = tpu.memref_slice %arg7[%arg0, %add3A_107, %dma_start3A_125] : memref<2x10112x128xf32, #tpu.memory_space<hbm>> -> memref<1x64x128xf32, #tpu.memory_space<hbm>>
      %dma_start3A_127 = tpu.memref_squeeze %dma_start3A_126 : memref<1x64x128xf32, #tpu.memory_space<hbm>> -> memref<64x128xf32, #tpu.memory_space<hbm>>
      %dma_start3A_128 = arith.constant 0 : i32
      %dma_start3A_129 = tpu.memref_slice %arg7[%arg0, %add3A_107, %dma_start3A_128] : memref<2x10112x128xf32, #tpu.memory_space<hbm>> -> memref<1x64x128xf32, #tpu.memory_space<hbm>>
      %dma_start3A_130 = tpu.memref_squeeze %dma_start3A_129 : memref<1x64x128xf32, #tpu.memory_space<hbm>> -> memref<64x128xf32, #tpu.memory_space<hbm>>
      %dma_start3A_131 = arith.constant 0 : i32
      %dma_start3A_132 = arith.constant 0 : i32
      %dma_start3A_133 = tpu.memref_slice %arg11[%dma_start3A_131, %dma_start3A_132] : memref<64x128xf32, #tpu.memory_space<vmem>> -> memref<64x128xf32, #tpu.memory_space<vmem>>
      tpu.enqueue_dma source(%dma_start3A_133 : memref<64x128xf32, #tpu.memory_space<vmem>>) target(%dma_start3A_130 : memref<64x128xf32, #tpu.memory_space<hbm>>) target_semaphore(%run_scoped3A : memref<!tpu.dma_semaphore, #tpu.memory_space<semaphore_mem>>)
      %dma_wait3A = arith.constant 0 : i32
      %dma_wait3A_134 = arith.constant 0 : i32
      %dma_wait3A_135 = tpu.memref_slice %arg11[%dma_wait3A, %dma_wait3A_134] : memref<64x128xf32, #tpu.memory_space<vmem>> -> memref<64x128xf32, #tpu.memory_space<vmem>>
      %dma_wait3A_136 = arith.constant 0 : i32
      %dma_wait3A_137 = tpu.memref_slice %arg7[%arg0, %add3A_107, %dma_wait3A_136] : memref<2x10112x128xf32, #tpu.memory_space<hbm>> -> memref<1x64x128xf32, #tpu.memory_space<hbm>>
      %dma_wait3A_138 = tpu.memref_squeeze %dma_wait3A_137 : memref<1x64x128xf32, #tpu.memory_space<hbm>> -> memref<64x128xf32, #tpu.memory_space<hbm>>
      %dma_wait3A_139 = arith.constant 0 : i32
      %dma_wait3A_140 = tpu.memref_slice %arg7[%arg0, %add3A_107, %dma_wait3A_139] : memref<2x10112x128xf32, #tpu.memory_space<hbm>> -> memref<1x64x128xf32, #tpu.memory_space<hbm>>
      %dma_wait3A_141 = tpu.memref_squeeze %dma_wait3A_140 : memref<1x64x128xf32, #tpu.memory_space<hbm>> -> memref<64x128xf32, #tpu.memory_space<hbm>>
      %dma_wait3A_142 = arith.constant 0 : i32
      %dma_wait3A_143 = arith.constant 0 : i32
      %dma_wait3A_144 = tpu.memref_slice %arg11[%dma_wait3A_142, %dma_wait3A_143] : memref<64x128xf32, #tpu.memory_space<vmem>> -> memref<64x128xf32, #tpu.memory_space<vmem>>
      tpu.wait_dma2 semaphore(%run_scoped3A : memref<!tpu.dma_semaphore, #tpu.memory_space<semaphore_mem>>) src(%dma_wait3A_144 : memref<64x128xf32, #tpu.memory_space<vmem>>) dst(%dma_wait3A_141 : memref<64x128xf32, #tpu.memory_space<hbm>>)
      tpu.yield
    }) : () -> ()
    "tpu.region"() ({
      %run_scoped3A = tpu.sem_alloc : memref<!tpu.dma_semaphore, #tpu.memory_space<semaphore_mem>>
      %dma_start3A_122 = arith.constant 0 : i32
      %dma_start3A_123 = arith.constant 0 : i32
      %dma_start3A_124 = tpu.memref_slice %arg21[%dma_start3A_122, %dma_start3A_123] : memref<64x16xf32, #tpu.memory_space<vmem>> -> memref<64x16xf32, #tpu.memory_space<vmem>>
      %dma_start3A_125 = arith.constant 0 : i32
      %dma_start3A_126 = tpu.memref_slice %arg10[%add3A_107, %dma_start3A_125] : memref<10112x16xf32, #tpu.memory_space<vmem_shared>> -> memref<64x16xf32, #tpu.memory_space<vmem_shared>>
      %dma_start3A_127 = arith.constant 0 : i32
      %dma_start3A_128 = arith.constant 0 : i32
      %dma_start3A_129 = tpu.memref_slice %arg21[%dma_start3A_127, %dma_start3A_128] : memref<64x16xf32, #tpu.memory_space<vmem>> -> memref<64x16xf32, #tpu.memory_space<vmem>>
      %dma_start3A_130 = arith.constant 0 : i32
      %dma_start3A_131 = tpu.memref_slice %arg10[%add3A_107, %dma_start3A_130] : memref<10112x16xf32, #tpu.memory_space<vmem_shared>> -> memref<64x16xf32, #tpu.memory_space<vmem_shared>>
      tpu.enqueue_dma source(%dma_start3A_131 : memref<64x16xf32, #tpu.memory_space<vmem_shared>>) target(%dma_start3A_129 : memref<64x16xf32, #tpu.memory_space<vmem>>) target_semaphore(%run_scoped3A : memref<!tpu.dma_semaphore, #tpu.memory_space<semaphore_mem>>)
      %dma_wait3A = arith.constant 0 : i32
      %dma_wait3A_132 = arith.constant 0 : i32
      %dma_wait3A_133 = tpu.memref_slice %arg21[%dma_wait3A, %dma_wait3A_132] : memref<64x16xf32, #tpu.memory_space<vmem>> -> memref<64x16xf32, #tpu.memory_space<vmem>>
      %dma_wait3A_134 = arith.constant 0 : i32
      %dma_wait3A_135 = tpu.memref_slice %arg10[%add3A_107, %dma_wait3A_134] : memref<10112x16xf32, #tpu.memory_space<vmem_shared>> -> memref<64x16xf32, #tpu.memory_space<vmem_shared>>
      %dma_wait3A_136 = arith.constant 0 : i32
      %dma_wait3A_137 = arith.constant 0 : i32
      %dma_wait3A_138 = tpu.memref_slice %arg21[%dma_wait3A_136, %dma_wait3A_137] : memref<64x16xf32, #tpu.memory_space<vmem>> -> memref<64x16xf32, #tpu.memory_space<vmem>>
      %dma_wait3A_139 = arith.constant 0 : i32
      %dma_wait3A_140 = tpu.memref_slice %arg10[%add3A_107, %dma_wait3A_139] : memref<10112x16xf32, #tpu.memory_space<vmem_shared>> -> memref<64x16xf32, #tpu.memory_space<vmem_shared>>
      tpu.wait_dma2 semaphore(%run_scoped3A : memref<!tpu.dma_semaphore, #tpu.memory_space<semaphore_mem>>) src(%dma_wait3A_140 : memref<64x16xf32, #tpu.memory_space<vmem_shared>>) dst(%dma_wait3A_138 : memref<64x16xf32, #tpu.memory_space<vmem>>)
      tpu.yield
    }) : () -> ()
    "tpu.region"() ({
      %run_scoped3A = tpu.sem_alloc : memref<!tpu.dma_semaphore, #tpu.memory_space<semaphore_mem>>
      %dma_start3A_122 = arith.constant 0 : i32
      %dma_start3A_123 = arith.constant 0 : i32
      %dma_start3A_124 = tpu.memref_slice %arg21[%dma_start3A_122, %dma_start3A_123] : memref<64x16xf32, #tpu.memory_space<vmem>> -> memref<64x16xf32, #tpu.memory_space<vmem>>
      %dma_start3A_125 = arith.constant 0 : i32
      %dma_start3A_126 = tpu.memref_slice %arg8[%arg0, %add3A_107, %dma_start3A_125] : memref<2x10112x16xf32, #tpu.memory_space<hbm>> -> memref<1x64x16xf32, #tpu.memory_space<hbm>>
      %dma_start3A_127 = tpu.memref_squeeze %dma_start3A_126 : memref<1x64x16xf32, #tpu.memory_space<hbm>> -> memref<64x16xf32, #tpu.memory_space<hbm>>
      %dma_start3A_128 = arith.constant 0 : i32
      %dma_start3A_129 = tpu.memref_slice %arg8[%arg0, %add3A_107, %dma_start3A_128] : memref<2x10112x16xf32, #tpu.memory_space<hbm>> -> memref<1x64x16xf32, #tpu.memory_space<hbm>>
      %dma_start3A_130 = tpu.memref_squeeze %dma_start3A_129 : memref<1x64x16xf32, #tpu.memory_space<hbm>> -> memref<64x16xf32, #tpu.memory_space<hbm>>
      %dma_start3A_131 = arith.constant 0 : i32
      %dma_start3A_132 = arith.constant 0 : i32
      %dma_start3A_133 = tpu.memref_slice %arg21[%dma_start3A_131, %dma_start3A_132] : memref<64x16xf32, #tpu.memory_space<vmem>> -> memref<64x16xf32, #tpu.memory_space<vmem>>
      tpu.enqueue_dma source(%dma_start3A_133 : memref<64x16xf32, #tpu.memory_space<vmem>>) target(%dma_start3A_130 : memref<64x16xf32, #tpu.memory_space<hbm>>) target_semaphore(%run_scoped3A : memref<!tpu.dma_semaphore, #tpu.memory_space<semaphore_mem>>)
      %dma_wait3A = arith.constant 0 : i32
      %dma_wait3A_134 = arith.constant 0 : i32
      %dma_wait3A_135 = tpu.memref_slice %arg21[%dma_wait3A, %dma_wait3A_134] : memref<64x16xf32, #tpu.memory_space<vmem>> -> memref<64x16xf32, #tpu.memory_space<vmem>>
      %dma_wait3A_136 = arith.constant 0 : i32
      %dma_wait3A_137 = tpu.memref_slice %arg8[%arg0, %add3A_107, %dma_wait3A_136] : memref<2x10112x16xf32, #tpu.memory_space<hbm>> -> memref<1x64x16xf32, #tpu.memory_space<hbm>>
      %dma_wait3A_138 = tpu.memref_squeeze %dma_wait3A_137 : memref<1x64x16xf32, #tpu.memory_space<hbm>> -> memref<64x16xf32, #tpu.memory_space<hbm>>
      %dma_wait3A_139 = arith.constant 0 : i32
      %dma_wait3A_140 = tpu.memref_slice %arg8[%arg0, %add3A_107, %dma_wait3A_139] : memref<2x10112x16xf32, #tpu.memory_space<hbm>> -> memref<1x64x16xf32, #tpu.memory_space<hbm>>
      %dma_wait3A_141 = tpu.memref_squeeze %dma_wait3A_140 : memref<1x64x16xf32, #tpu.memory_space<hbm>> -> memref<64x16xf32, #tpu.memory_space<hbm>>
      %dma_wait3A_142 = arith.constant 0 : i32
      %dma_wait3A_143 = arith.constant 0 : i32
      %dma_wait3A_144 = tpu.memref_slice %arg21[%dma_wait3A_142, %dma_wait3A_143] : memref<64x16xf32, #tpu.memory_space<vmem>> -> memref<64x16xf32, #tpu.memory_space<vmem>>
      tpu.wait_dma2 semaphore(%run_scoped3A : memref<!tpu.dma_semaphore, #tpu.memory_space<semaphore_mem>>) src(%dma_wait3A_144 : memref<64x16xf32, #tpu.memory_space<vmem>>) dst(%dma_wait3A_141 : memref<64x16xf32, #tpu.memory_space<hbm>>)
      tpu.yield
    }) : () -> ()
    %add3A_108 = arith.constant 192 : i32
    %add3A_109 = arith.addi %mul3A_9, %add3A_108 : i32
    "tpu.region"() ({
      %run_scoped3A = tpu.sem_alloc : memref<!tpu.dma_semaphore, #tpu.memory_space<semaphore_mem>>
      %dma_start3A_122 = arith.constant 0 : i32
      %dma_start3A_123 = arith.constant 0 : i32
      %dma_start3A_124 = tpu.memref_slice %arg11[%dma_start3A_122, %dma_start3A_123] : memref<64x128xf32, #tpu.memory_space<vmem>> -> memref<64x128xf32, #tpu.memory_space<vmem>>
      %dma_start3A_125 = arith.constant 0 : i32
      %dma_start3A_126 = tpu.memref_slice %arg9[%add3A_109, %dma_start3A_125] : memref<10112x128xf32, #tpu.memory_space<vmem_shared>> -> memref<64x128xf32, #tpu.memory_space<vmem_shared>>
      %dma_start3A_127 = arith.constant 0 : i32
      %dma_start3A_128 = arith.constant 0 : i32
      %dma_start3A_129 = tpu.memref_slice %arg11[%dma_start3A_127, %dma_start3A_128] : memref<64x128xf32, #tpu.memory_space<vmem>> -> memref<64x128xf32, #tpu.memory_space<vmem>>
      %dma_start3A_130 = arith.constant 0 : i32
      %dma_start3A_131 = tpu.memref_slice %arg9[%add3A_109, %dma_start3A_130] : memref<10112x128xf32, #tpu.memory_space<vmem_shared>> -> memref<64x128xf32, #tpu.memory_space<vmem_shared>>
      tpu.enqueue_dma source(%dma_start3A_131 : memref<64x128xf32, #tpu.memory_space<vmem_shared>>) target(%dma_start3A_129 : memref<64x128xf32, #tpu.memory_space<vmem>>) target_semaphore(%run_scoped3A : memref<!tpu.dma_semaphore, #tpu.memory_space<semaphore_mem>>)
      %dma_wait3A = arith.constant 0 : i32
      %dma_wait3A_132 = arith.constant 0 : i32
      %dma_wait3A_133 = tpu.memref_slice %arg11[%dma_wait3A, %dma_wait3A_132] : memref<64x128xf32, #tpu.memory_space<vmem>> -> memref<64x128xf32, #tpu.memory_space<vmem>>
      %dma_wait3A_134 = arith.constant 0 : i32
      %dma_wait3A_135 = tpu.memref_slice %arg9[%add3A_109, %dma_wait3A_134] : memref<10112x128xf32, #tpu.memory_space<vmem_shared>> -> memref<64x128xf32, #tpu.memory_space<vmem_shared>>
      %dma_wait3A_136 = arith.constant 0 : i32
      %dma_wait3A_137 = arith.constant 0 : i32
      %dma_wait3A_138 = tpu.memref_slice %arg11[%dma_wait3A_136, %dma_wait3A_137] : memref<64x128xf32, #tpu.memory_space<vmem>> -> memref<64x128xf32, #tpu.memory_space<vmem>>
      %dma_wait3A_139 = arith.constant 0 : i32
      %dma_wait3A_140 = tpu.memref_slice %arg9[%add3A_109, %dma_wait3A_139] : memref<10112x128xf32, #tpu.memory_space<vmem_shared>> -> memref<64x128xf32, #tpu.memory_space<vmem_shared>>
      tpu.wait_dma2 semaphore(%run_scoped3A : memref<!tpu.dma_semaphore, #tpu.memory_space<semaphore_mem>>) src(%dma_wait3A_140 : memref<64x128xf32, #tpu.memory_space<vmem_shared>>) dst(%dma_wait3A_138 : memref<64x128xf32, #tpu.memory_space<vmem>>)
      tpu.yield
    }) : () -> ()
    "tpu.region"() ({
      %run_scoped3A = tpu.sem_alloc : memref<!tpu.dma_semaphore, #tpu.memory_space<semaphore_mem>>
      %dma_start3A_122 = arith.constant 0 : i32
      %dma_start3A_123 = arith.constant 0 : i32
      %dma_start3A_124 = tpu.memref_slice %arg11[%dma_start3A_122, %dma_start3A_123] : memref<64x128xf32, #tpu.memory_space<vmem>> -> memref<64x128xf32, #tpu.memory_space<vmem>>
      %dma_start3A_125 = arith.constant 0 : i32
      %dma_start3A_126 = tpu.memref_slice %arg7[%arg0, %add3A_109, %dma_start3A_125] : memref<2x10112x128xf32, #tpu.memory_space<hbm>> -> memref<1x64x128xf32, #tpu.memory_space<hbm>>
      %dma_start3A_127 = tpu.memref_squeeze %dma_start3A_126 : memref<1x64x128xf32, #tpu.memory_space<hbm>> -> memref<64x128xf32, #tpu.memory_space<hbm>>
      %dma_start3A_128 = arith.constant 0 : i32
      %dma_start3A_129 = tpu.memref_slice %arg7[%arg0, %add3A_109, %dma_start3A_128] : memref<2x10112x128xf32, #tpu.memory_space<hbm>> -> memref<1x64x128xf32, #tpu.memory_space<hbm>>
      %dma_start3A_130 = tpu.memref_squeeze %dma_start3A_129 : memref<1x64x128xf32, #tpu.memory_space<hbm>> -> memref<64x128xf32, #tpu.memory_space<hbm>>
      %dma_start3A_131 = arith.constant 0 : i32
      %dma_start3A_132 = arith.constant 0 : i32
      %dma_start3A_133 = tpu.memref_slice %arg11[%dma_start3A_131, %dma_start3A_132] : memref<64x128xf32, #tpu.memory_space<vmem>> -> memref<64x128xf32, #tpu.memory_space<vmem>>
      tpu.enqueue_dma source(%dma_start3A_133 : memref<64x128xf32, #tpu.memory_space<vmem>>) target(%dma_start3A_130 : memref<64x128xf32, #tpu.memory_space<hbm>>) target_semaphore(%run_scoped3A : memref<!tpu.dma_semaphore, #tpu.memory_space<semaphore_mem>>)
      %dma_wait3A = arith.constant 0 : i32
      %dma_wait3A_134 = arith.constant 0 : i32
      %dma_wait3A_135 = tpu.memref_slice %arg11[%dma_wait3A, %dma_wait3A_134] : memref<64x128xf32, #tpu.memory_space<vmem>> -> memref<64x128xf32, #tpu.memory_space<vmem>>
      %dma_wait3A_136 = arith.constant 0 : i32
      %dma_wait3A_137 = tpu.memref_slice %arg7[%arg0, %add3A_109, %dma_wait3A_136] : memref<2x10112x128xf32, #tpu.memory_space<hbm>> -> memref<1x64x128xf32, #tpu.memory_space<hbm>>
      %dma_wait3A_138 = tpu.memref_squeeze %dma_wait3A_137 : memref<1x64x128xf32, #tpu.memory_space<hbm>> -> memref<64x128xf32, #tpu.memory_space<hbm>>
      %dma_wait3A_139 = arith.constant 0 : i32
      %dma_wait3A_140 = tpu.memref_slice %arg7[%arg0, %add3A_109, %dma_wait3A_139] : memref<2x10112x128xf32, #tpu.memory_space<hbm>> -> memref<1x64x128xf32, #tpu.memory_space<hbm>>
      %dma_wait3A_141 = tpu.memref_squeeze %dma_wait3A_140 : memref<1x64x128xf32, #tpu.memory_space<hbm>> -> memref<64x128xf32, #tpu.memory_space<hbm>>
      %dma_wait3A_142 = arith.constant 0 : i32
      %dma_wait3A_143 = arith.constant 0 : i32
      %dma_wait3A_144 = tpu.memref_slice %arg11[%dma_wait3A_142, %dma_wait3A_143] : memref<64x128xf32, #tpu.memory_space<vmem>> -> memref<64x128xf32, #tpu.memory_space<vmem>>
      tpu.wait_dma2 semaphore(%run_scoped3A : memref<!tpu.dma_semaphore, #tpu.memory_space<semaphore_mem>>) src(%dma_wait3A_144 : memref<64x128xf32, #tpu.memory_space<vmem>>) dst(%dma_wait3A_141 : memref<64x128xf32, #tpu.memory_space<hbm>>)
      tpu.yield
    }) : () -> ()
    "tpu.region"() ({
      %run_scoped3A = tpu.sem_alloc : memref<!tpu.dma_semaphore, #tpu.memory_space<semaphore_mem>>
      %dma_start3A_122 = arith.constant 0 : i32
      %dma_start3A_123 = arith.constant 0 : i32
      %dma_start3A_124 = tpu.memref_slice %arg21[%dma_start3A_122, %dma_start3A_123] : memref<64x16xf32, #tpu.memory_space<vmem>> -> memref<64x16xf32, #tpu.memory_space<vmem>>
      %dma_start3A_125 = arith.constant 0 : i32
      %dma_start3A_126 = tpu.memref_slice %arg10[%add3A_109, %dma_start3A_125] : memref<10112x16xf32, #tpu.memory_space<vmem_shared>> -> memref<64x16xf32, #tpu.memory_space<vmem_shared>>
      %dma_start3A_127 = arith.constant 0 : i32
      %dma_start3A_128 = arith.constant 0 : i32
      %dma_start3A_129 = tpu.memref_slice %arg21[%dma_start3A_127, %dma_start3A_128] : memref<64x16xf32, #tpu.memory_space<vmem>> -> memref<64x16xf32, #tpu.memory_space<vmem>>
      %dma_start3A_130 = arith.constant 0 : i32
      %dma_start3A_131 = tpu.memref_slice %arg10[%add3A_109, %dma_start3A_130] : memref<10112x16xf32, #tpu.memory_space<vmem_shared>> -> memref<64x16xf32, #tpu.memory_space<vmem_shared>>
      tpu.enqueue_dma source(%dma_start3A_131 : memref<64x16xf32, #tpu.memory_space<vmem_shared>>) target(%dma_start3A_129 : memref<64x16xf32, #tpu.memory_space<vmem>>) target_semaphore(%run_scoped3A : memref<!tpu.dma_semaphore, #tpu.memory_space<semaphore_mem>>)
      %dma_wait3A = arith.constant 0 : i32
      %dma_wait3A_132 = arith.constant 0 : i32
      %dma_wait3A_133 = tpu.memref_slice %arg21[%dma_wait3A, %dma_wait3A_132] : memref<64x16xf32, #tpu.memory_space<vmem>> -> memref<64x16xf32, #tpu.memory_space<vmem>>
      %dma_wait3A_134 = arith.constant 0 : i32
      %dma_wait3A_135 = tpu.memref_slice %arg10[%add3A_109, %dma_wait3A_134] : memref<10112x16xf32, #tpu.memory_space<vmem_shared>> -> memref<64x16xf32, #tpu.memory_space<vmem_shared>>
      %dma_wait3A_136 = arith.constant 0 : i32
      %dma_wait3A_137 = arith.constant 0 : i32
      %dma_wait3A_138 = tpu.memref_slice %arg21[%dma_wait3A_136, %dma_wait3A_137] : memref<64x16xf32, #tpu.memory_space<vmem>> -> memref<64x16xf32, #tpu.memory_space<vmem>>
      %dma_wait3A_139 = arith.constant 0 : i32
      %dma_wait3A_140 = tpu.memref_slice %arg10[%add3A_109, %dma_wait3A_139] : memref<10112x16xf32, #tpu.memory_space<vmem_shared>> -> memref<64x16xf32, #tpu.memory_space<vmem_shared>>
      tpu.wait_dma2 semaphore(%run_scoped3A : memref<!tpu.dma_semaphore, #tpu.memory_space<semaphore_mem>>) src(%dma_wait3A_140 : memref<64x16xf32, #tpu.memory_space<vmem_shared>>) dst(%dma_wait3A_138 : memref<64x16xf32, #tpu.memory_space<vmem>>)
      tpu.yield
    }) : () -> ()
    "tpu.region"() ({
      %run_scoped3A = tpu.sem_alloc : memref<!tpu.dma_semaphore, #tpu.memory_space<semaphore_mem>>
      %dma_start3A_122 = arith.constant 0 : i32
      %dma_start3A_123 = arith.constant 0 : i32
      %dma_start3A_124 = tpu.memref_slice %arg21[%dma_start3A_122, %dma_start3A_123] : memref<64x16xf32, #tpu.memory_space<vmem>> -> memref<64x16xf32, #tpu.memory_space<vmem>>
      %dma_start3A_125 = arith.constant 0 : i32
      %dma_start3A_126 = tpu.memref_slice %arg8[%arg0, %add3A_109, %dma_start3A_125] : memref<2x10112x16xf32, #tpu.memory_space<hbm>> -> memref<1x64x16xf32, #tpu.memory_space<hbm>>
      %dma_start3A_127 = tpu.memref_squeeze %dma_start3A_126 : memref<1x64x16xf32, #tpu.memory_space<hbm>> -> memref<64x16xf32, #tpu.memory_space<hbm>>
      %dma_start3A_128 = arith.constant 0 : i32
      %dma_start3A_129 = tpu.memref_slice %arg8[%arg0, %add3A_109, %dma_start3A_128] : memref<2x10112x16xf32, #tpu.memory_space<hbm>> -> memref<1x64x16xf32, #tpu.memory_space<hbm>>
      %dma_start3A_130 = tpu.memref_squeeze %dma_start3A_129 : memref<1x64x16xf32, #tpu.memory_space<hbm>> -> memref<64x16xf32, #tpu.memory_space<hbm>>
      %dma_start3A_131 = arith.constant 0 : i32
      %dma_start3A_132 = arith.constant 0 : i32
      %dma_start3A_133 = tpu.memref_slice %arg21[%dma_start3A_131, %dma_start3A_132] : memref<64x16xf32, #tpu.memory_space<vmem>> -> memref<64x16xf32, #tpu.memory_space<vmem>>
      tpu.enqueue_dma source(%dma_start3A_133 : memref<64x16xf32, #tpu.memory_space<vmem>>) target(%dma_start3A_130 : memref<64x16xf32, #tpu.memory_space<hbm>>) target_semaphore(%run_scoped3A : memref<!tpu.dma_semaphore, #tpu.memory_space<semaphore_mem>>)
      %dma_wait3A = arith.constant 0 : i32
      %dma_wait3A_134 = arith.constant 0 : i32
      %dma_wait3A_135 = tpu.memref_slice %arg21[%dma_wait3A, %dma_wait3A_134] : memref<64x16xf32, #tpu.memory_space<vmem>> -> memref<64x16xf32, #tpu.memory_space<vmem>>
      %dma_wait3A_136 = arith.constant 0 : i32
      %dma_wait3A_137 = tpu.memref_slice %arg8[%arg0, %add3A_109, %dma_wait3A_136] : memref<2x10112x16xf32, #tpu.memory_space<hbm>> -> memref<1x64x16xf32, #tpu.memory_space<hbm>>
      %dma_wait3A_138 = tpu.memref_squeeze %dma_wait3A_137 : memref<1x64x16xf32, #tpu.memory_space<hbm>> -> memref<64x16xf32, #tpu.memory_space<hbm>>
      %dma_wait3A_139 = arith.constant 0 : i32
      %dma_wait3A_140 = tpu.memref_slice %arg8[%arg0, %add3A_109, %dma_wait3A_139] : memref<2x10112x16xf32, #tpu.memory_space<hbm>> -> memref<1x64x16xf32, #tpu.memory_space<hbm>>
      %dma_wait3A_141 = tpu.memref_squeeze %dma_wait3A_140 : memref<1x64x16xf32, #tpu.memory_space<hbm>> -> memref<64x16xf32, #tpu.memory_space<hbm>>
      %dma_wait3A_142 = arith.constant 0 : i32
      %dma_wait3A_143 = arith.constant 0 : i32
      %dma_wait3A_144 = tpu.memref_slice %arg21[%dma_wait3A_142, %dma_wait3A_143] : memref<64x16xf32, #tpu.memory_space<vmem>> -> memref<64x16xf32, #tpu.memory_space<vmem>>
      tpu.wait_dma2 semaphore(%run_scoped3A : memref<!tpu.dma_semaphore, #tpu.memory_space<semaphore_mem>>) src(%dma_wait3A_144 : memref<64x16xf32, #tpu.memory_space<vmem>>) dst(%dma_wait3A_141 : memref<64x16xf32, #tpu.memory_space<hbm>>)
      tpu.yield
    }) : () -> ()
    %add3A_110 = arith.constant 256 : i32
    %add3A_111 = arith.addi %mul3A_9, %add3A_110 : i32
    "tpu.region"() ({
      %run_scoped3A = tpu.sem_alloc : memref<!tpu.dma_semaphore, #tpu.memory_space<semaphore_mem>>
      %dma_start3A_122 = arith.constant 0 : i32
      %dma_start3A_123 = arith.constant 0 : i32
      %dma_start3A_124 = tpu.memref_slice %arg11[%dma_start3A_122, %dma_start3A_123] : memref<64x128xf32, #tpu.memory_space<vmem>> -> memref<64x128xf32, #tpu.memory_space<vmem>>
      %dma_start3A_125 = arith.constant 0 : i32
      %dma_start3A_126 = tpu.memref_slice %arg9[%add3A_111, %dma_start3A_125] : memref<10112x128xf32, #tpu.memory_space<vmem_shared>> -> memref<64x128xf32, #tpu.memory_space<vmem_shared>>
      %dma_start3A_127 = arith.constant 0 : i32
      %dma_start3A_128 = arith.constant 0 : i32
      %dma_start3A_129 = tpu.memref_slice %arg11[%dma_start3A_127, %dma_start3A_128] : memref<64x128xf32, #tpu.memory_space<vmem>> -> memref<64x128xf32, #tpu.memory_space<vmem>>
      %dma_start3A_130 = arith.constant 0 : i32
      %dma_start3A_131 = tpu.memref_slice %arg9[%add3A_111, %dma_start3A_130] : memref<10112x128xf32, #tpu.memory_space<vmem_shared>> -> memref<64x128xf32, #tpu.memory_space<vmem_shared>>
      tpu.enqueue_dma source(%dma_start3A_131 : memref<64x128xf32, #tpu.memory_space<vmem_shared>>) target(%dma_start3A_129 : memref<64x128xf32, #tpu.memory_space<vmem>>) target_semaphore(%run_scoped3A : memref<!tpu.dma_semaphore, #tpu.memory_space<semaphore_mem>>)
      %dma_wait3A = arith.constant 0 : i32
      %dma_wait3A_132 = arith.constant 0 : i32
      %dma_wait3A_133 = tpu.memref_slice %arg11[%dma_wait3A, %dma_wait3A_132] : memref<64x128xf32, #tpu.memory_space<vmem>> -> memref<64x128xf32, #tpu.memory_space<vmem>>
      %dma_wait3A_134 = arith.constant 0 : i32
      %dma_wait3A_135 = tpu.memref_slice %arg9[%add3A_111, %dma_wait3A_134] : memref<10112x128xf32, #tpu.memory_space<vmem_shared>> -> memref<64x128xf32, #tpu.memory_space<vmem_shared>>
      %dma_wait3A_136 = arith.constant 0 : i32
      %dma_wait3A_137 = arith.constant 0 : i32
      %dma_wait3A_138 = tpu.memref_slice %arg11[%dma_wait3A_136, %dma_wait3A_137] : memref<64x128xf32, #tpu.memory_space<vmem>> -> memref<64x128xf32, #tpu.memory_space<vmem>>
      %dma_wait3A_139 = arith.constant 0 : i32
      %dma_wait3A_140 = tpu.memref_slice %arg9[%add3A_111, %dma_wait3A_139] : memref<10112x128xf32, #tpu.memory_space<vmem_shared>> -> memref<64x128xf32, #tpu.memory_space<vmem_shared>>
      tpu.wait_dma2 semaphore(%run_scoped3A : memref<!tpu.dma_semaphore, #tpu.memory_space<semaphore_mem>>) src(%dma_wait3A_140 : memref<64x128xf32, #tpu.memory_space<vmem_shared>>) dst(%dma_wait3A_138 : memref<64x128xf32, #tpu.memory_space<vmem>>)
      tpu.yield
    }) : () -> ()
    "tpu.region"() ({
      %run_scoped3A = tpu.sem_alloc : memref<!tpu.dma_semaphore, #tpu.memory_space<semaphore_mem>>
      %dma_start3A_122 = arith.constant 0 : i32
      %dma_start3A_123 = arith.constant 0 : i32
      %dma_start3A_124 = tpu.memref_slice %arg11[%dma_start3A_122, %dma_start3A_123] : memref<64x128xf32, #tpu.memory_space<vmem>> -> memref<64x128xf32, #tpu.memory_space<vmem>>
      %dma_start3A_125 = arith.constant 0 : i32
      %dma_start3A_126 = tpu.memref_slice %arg7[%arg0, %add3A_111, %dma_start3A_125] : memref<2x10112x128xf32, #tpu.memory_space<hbm>> -> memref<1x64x128xf32, #tpu.memory_space<hbm>>
      %dma_start3A_127 = tpu.memref_squeeze %dma_start3A_126 : memref<1x64x128xf32, #tpu.memory_space<hbm>> -> memref<64x128xf32, #tpu.memory_space<hbm>>
      %dma_start3A_128 = arith.constant 0 : i32
      %dma_start3A_129 = tpu.memref_slice %arg7[%arg0, %add3A_111, %dma_start3A_128] : memref<2x10112x128xf32, #tpu.memory_space<hbm>> -> memref<1x64x128xf32, #tpu.memory_space<hbm>>
      %dma_start3A_130 = tpu.memref_squeeze %dma_start3A_129 : memref<1x64x128xf32, #tpu.memory_space<hbm>> -> memref<64x128xf32, #tpu.memory_space<hbm>>
      %dma_start3A_131 = arith.constant 0 : i32
      %dma_start3A_132 = arith.constant 0 : i32
      %dma_start3A_133 = tpu.memref_slice %arg11[%dma_start3A_131, %dma_start3A_132] : memref<64x128xf32, #tpu.memory_space<vmem>> -> memref<64x128xf32, #tpu.memory_space<vmem>>
      tpu.enqueue_dma source(%dma_start3A_133 : memref<64x128xf32, #tpu.memory_space<vmem>>) target(%dma_start3A_130 : memref<64x128xf32, #tpu.memory_space<hbm>>) target_semaphore(%run_scoped3A : memref<!tpu.dma_semaphore, #tpu.memory_space<semaphore_mem>>)
      %dma_wait3A = arith.constant 0 : i32
      %dma_wait3A_134 = arith.constant 0 : i32
      %dma_wait3A_135 = tpu.memref_slice %arg11[%dma_wait3A, %dma_wait3A_134] : memref<64x128xf32, #tpu.memory_space<vmem>> -> memref<64x128xf32, #tpu.memory_space<vmem>>
      %dma_wait3A_136 = arith.constant 0 : i32
      %dma_wait3A_137 = tpu.memref_slice %arg7[%arg0, %add3A_111, %dma_wait3A_136] : memref<2x10112x128xf32, #tpu.memory_space<hbm>> -> memref<1x64x128xf32, #tpu.memory_space<hbm>>
      %dma_wait3A_138 = tpu.memref_squeeze %dma_wait3A_137 : memref<1x64x128xf32, #tpu.memory_space<hbm>> -> memref<64x128xf32, #tpu.memory_space<hbm>>
      %dma_wait3A_139 = arith.constant 0 : i32
      %dma_wait3A_140 = tpu.memref_slice %arg7[%arg0, %add3A_111, %dma_wait3A_139] : memref<2x10112x128xf32, #tpu.memory_space<hbm>> -> memref<1x64x128xf32, #tpu.memory_space<hbm>>
      %dma_wait3A_141 = tpu.memref_squeeze %dma_wait3A_140 : memref<1x64x128xf32, #tpu.memory_space<hbm>> -> memref<64x128xf32, #tpu.memory_space<hbm>>
      %dma_wait3A_142 = arith.constant 0 : i32
      %dma_wait3A_143 = arith.constant 0 : i32
      %dma_wait3A_144 = tpu.memref_slice %arg11[%dma_wait3A_142, %dma_wait3A_143] : memref<64x128xf32, #tpu.memory_space<vmem>> -> memref<64x128xf32, #tpu.memory_space<vmem>>
      tpu.wait_dma2 semaphore(%run_scoped3A : memref<!tpu.dma_semaphore, #tpu.memory_space<semaphore_mem>>) src(%dma_wait3A_144 : memref<64x128xf32, #tpu.memory_space<vmem>>) dst(%dma_wait3A_141 : memref<64x128xf32, #tpu.memory_space<hbm>>)
      tpu.yield
    }) : () -> ()
    "tpu.region"() ({
      %run_scoped3A = tpu.sem_alloc : memref<!tpu.dma_semaphore, #tpu.memory_space<semaphore_mem>>
      %dma_start3A_122 = arith.constant 0 : i32
      %dma_start3A_123 = arith.constant 0 : i32
      %dma_start3A_124 = tpu.memref_slice %arg21[%dma_start3A_122, %dma_start3A_123] : memref<64x16xf32, #tpu.memory_space<vmem>> -> memref<64x16xf32, #tpu.memory_space<vmem>>
      %dma_start3A_125 = arith.constant 0 : i32
      %dma_start3A_126 = tpu.memref_slice %arg10[%add3A_111, %dma_start3A_125] : memref<10112x16xf32, #tpu.memory_space<vmem_shared>> -> memref<64x16xf32, #tpu.memory_space<vmem_shared>>
      %dma_start3A_127 = arith.constant 0 : i32
      %dma_start3A_128 = arith.constant 0 : i32
      %dma_start3A_129 = tpu.memref_slice %arg21[%dma_start3A_127, %dma_start3A_128] : memref<64x16xf32, #tpu.memory_space<vmem>> -> memref<64x16xf32, #tpu.memory_space<vmem>>
      %dma_start3A_130 = arith.constant 0 : i32
      %dma_start3A_131 = tpu.memref_slice %arg10[%add3A_111, %dma_start3A_130] : memref<10112x16xf32, #tpu.memory_space<vmem_shared>> -> memref<64x16xf32, #tpu.memory_space<vmem_shared>>
      tpu.enqueue_dma source(%dma_start3A_131 : memref<64x16xf32, #tpu.memory_space<vmem_shared>>) target(%dma_start3A_129 : memref<64x16xf32, #tpu.memory_space<vmem>>) target_semaphore(%run_scoped3A : memref<!tpu.dma_semaphore, #tpu.memory_space<semaphore_mem>>)
      %dma_wait3A = arith.constant 0 : i32
      %dma_wait3A_132 = arith.constant 0 : i32
      %dma_wait3A_133 = tpu.memref_slice %arg21[%dma_wait3A, %dma_wait3A_132] : memref<64x16xf32, #tpu.memory_space<vmem>> -> memref<64x16xf32, #tpu.memory_space<vmem>>
      %dma_wait3A_134 = arith.constant 0 : i32
      %dma_wait3A_135 = tpu.memref_slice %arg10[%add3A_111, %dma_wait3A_134] : memref<10112x16xf32, #tpu.memory_space<vmem_shared>> -> memref<64x16xf32, #tpu.memory_space<vmem_shared>>
      %dma_wait3A_136 = arith.constant 0 : i32
      %dma_wait3A_137 = arith.constant 0 : i32
      %dma_wait3A_138 = tpu.memref_slice %arg21[%dma_wait3A_136, %dma_wait3A_137] : memref<64x16xf32, #tpu.memory_space<vmem>> -> memref<64x16xf32, #tpu.memory_space<vmem>>
      %dma_wait3A_139 = arith.constant 0 : i32
      %dma_wait3A_140 = tpu.memref_slice %arg10[%add3A_111, %dma_wait3A_139] : memref<10112x16xf32, #tpu.memory_space<vmem_shared>> -> memref<64x16xf32, #tpu.memory_space<vmem_shared>>
      tpu.wait_dma2 semaphore(%run_scoped3A : memref<!tpu.dma_semaphore, #tpu.memory_space<semaphore_mem>>) src(%dma_wait3A_140 : memref<64x16xf32, #tpu.memory_space<vmem_shared>>) dst(%dma_wait3A_138 : memref<64x16xf32, #tpu.memory_space<vmem>>)
      tpu.yield
    }) : () -> ()
    "tpu.region"() ({
      %run_scoped3A = tpu.sem_alloc : memref<!tpu.dma_semaphore, #tpu.memory_space<semaphore_mem>>
      %dma_start3A_122 = arith.constant 0 : i32
      %dma_start3A_123 = arith.constant 0 : i32
      %dma_start3A_124 = tpu.memref_slice %arg21[%dma_start3A_122, %dma_start3A_123] : memref<64x16xf32, #tpu.memory_space<vmem>> -> memref<64x16xf32, #tpu.memory_space<vmem>>
      %dma_start3A_125 = arith.constant 0 : i32
      %dma_start3A_126 = tpu.memref_slice %arg8[%arg0, %add3A_111, %dma_start3A_125] : memref<2x10112x16xf32, #tpu.memory_space<hbm>> -> memref<1x64x16xf32, #tpu.memory_space<hbm>>
      %dma_start3A_127 = tpu.memref_squeeze %dma_start3A_126 : memref<1x64x16xf32, #tpu.memory_space<hbm>> -> memref<64x16xf32, #tpu.memory_space<hbm>>
      %dma_start3A_128 = arith.constant 0 : i32
      %dma_start3A_129 = tpu.memref_slice %arg8[%arg0, %add3A_111, %dma_start3A_128] : memref<2x10112x16xf32, #tpu.memory_space<hbm>> -> memref<1x64x16xf32, #tpu.memory_space<hbm>>
      %dma_start3A_130 = tpu.memref_squeeze %dma_start3A_129 : memref<1x64x16xf32, #tpu.memory_space<hbm>> -> memref<64x16xf32, #tpu.memory_space<hbm>>
      %dma_start3A_131 = arith.constant 0 : i32
      %dma_start3A_132 = arith.constant 0 : i32
      %dma_start3A_133 = tpu.memref_slice %arg21[%dma_start3A_131, %dma_start3A_132] : memref<64x16xf32, #tpu.memory_space<vmem>> -> memref<64x16xf32, #tpu.memory_space<vmem>>
      tpu.enqueue_dma source(%dma_start3A_133 : memref<64x16xf32, #tpu.memory_space<vmem>>) target(%dma_start3A_130 : memref<64x16xf32, #tpu.memory_space<hbm>>) target_semaphore(%run_scoped3A : memref<!tpu.dma_semaphore, #tpu.memory_space<semaphore_mem>>)
      %dma_wait3A = arith.constant 0 : i32
      %dma_wait3A_134 = arith.constant 0 : i32
      %dma_wait3A_135 = tpu.memref_slice %arg21[%dma_wait3A, %dma_wait3A_134] : memref<64x16xf32, #tpu.memory_space<vmem>> -> memref<64x16xf32, #tpu.memory_space<vmem>>
      %dma_wait3A_136 = arith.constant 0 : i32
      %dma_wait3A_137 = tpu.memref_slice %arg8[%arg0, %add3A_111, %dma_wait3A_136] : memref<2x10112x16xf32, #tpu.memory_space<hbm>> -> memref<1x64x16xf32, #tpu.memory_space<hbm>>
      %dma_wait3A_138 = tpu.memref_squeeze %dma_wait3A_137 : memref<1x64x16xf32, #tpu.memory_space<hbm>> -> memref<64x16xf32, #tpu.memory_space<hbm>>
      %dma_wait3A_139 = arith.constant 0 : i32
      %dma_wait3A_140 = tpu.memref_slice %arg8[%arg0, %add3A_111, %dma_wait3A_139] : memref<2x10112x16xf32, #tpu.memory_space<hbm>> -> memref<1x64x16xf32, #tpu.memory_space<hbm>>
      %dma_wait3A_141 = tpu.memref_squeeze %dma_wait3A_140 : memref<1x64x16xf32, #tpu.memory_space<hbm>> -> memref<64x16xf32, #tpu.memory_space<hbm>>
      %dma_wait3A_142 = arith.constant 0 : i32
      %dma_wait3A_143 = arith.constant 0 : i32
      %dma_wait3A_144 = tpu.memref_slice %arg21[%dma_wait3A_142, %dma_wait3A_143] : memref<64x16xf32, #tpu.memory_space<vmem>> -> memref<64x16xf32, #tpu.memory_space<vmem>>
      tpu.wait_dma2 semaphore(%run_scoped3A : memref<!tpu.dma_semaphore, #tpu.memory_space<semaphore_mem>>) src(%dma_wait3A_144 : memref<64x16xf32, #tpu.memory_space<vmem>>) dst(%dma_wait3A_141 : memref<64x16xf32, #tpu.memory_space<hbm>>)
      tpu.yield
    }) : () -> ()
    %add3A_112 = arith.constant 320 : i32
    %add3A_113 = arith.addi %mul3A_9, %add3A_112 : i32
    "tpu.region"() ({
      %run_scoped3A = tpu.sem_alloc : memref<!tpu.dma_semaphore, #tpu.memory_space<semaphore_mem>>
      %dma_start3A_122 = arith.constant 0 : i32
      %dma_start3A_123 = arith.constant 0 : i32
      %dma_start3A_124 = tpu.memref_slice %arg11[%dma_start3A_122, %dma_start3A_123] : memref<64x128xf32, #tpu.memory_space<vmem>> -> memref<64x128xf32, #tpu.memory_space<vmem>>
      %dma_start3A_125 = arith.constant 0 : i32
      %dma_start3A_126 = tpu.memref_slice %arg9[%add3A_113, %dma_start3A_125] : memref<10112x128xf32, #tpu.memory_space<vmem_shared>> -> memref<64x128xf32, #tpu.memory_space<vmem_shared>>
      %dma_start3A_127 = arith.constant 0 : i32
      %dma_start3A_128 = arith.constant 0 : i32
      %dma_start3A_129 = tpu.memref_slice %arg11[%dma_start3A_127, %dma_start3A_128] : memref<64x128xf32, #tpu.memory_space<vmem>> -> memref<64x128xf32, #tpu.memory_space<vmem>>
      %dma_start3A_130 = arith.constant 0 : i32
      %dma_start3A_131 = tpu.memref_slice %arg9[%add3A_113, %dma_start3A_130] : memref<10112x128xf32, #tpu.memory_space<vmem_shared>> -> memref<64x128xf32, #tpu.memory_space<vmem_shared>>
      tpu.enqueue_dma source(%dma_start3A_131 : memref<64x128xf32, #tpu.memory_space<vmem_shared>>) target(%dma_start3A_129 : memref<64x128xf32, #tpu.memory_space<vmem>>) target_semaphore(%run_scoped3A : memref<!tpu.dma_semaphore, #tpu.memory_space<semaphore_mem>>)
      %dma_wait3A = arith.constant 0 : i32
      %dma_wait3A_132 = arith.constant 0 : i32
      %dma_wait3A_133 = tpu.memref_slice %arg11[%dma_wait3A, %dma_wait3A_132] : memref<64x128xf32, #tpu.memory_space<vmem>> -> memref<64x128xf32, #tpu.memory_space<vmem>>
      %dma_wait3A_134 = arith.constant 0 : i32
      %dma_wait3A_135 = tpu.memref_slice %arg9[%add3A_113, %dma_wait3A_134] : memref<10112x128xf32, #tpu.memory_space<vmem_shared>> -> memref<64x128xf32, #tpu.memory_space<vmem_shared>>
      %dma_wait3A_136 = arith.constant 0 : i32
      %dma_wait3A_137 = arith.constant 0 : i32
      %dma_wait3A_138 = tpu.memref_slice %arg11[%dma_wait3A_136, %dma_wait3A_137] : memref<64x128xf32, #tpu.memory_space<vmem>> -> memref<64x128xf32, #tpu.memory_space<vmem>>
      %dma_wait3A_139 = arith.constant 0 : i32
      %dma_wait3A_140 = tpu.memref_slice %arg9[%add3A_113, %dma_wait3A_139] : memref<10112x128xf32, #tpu.memory_space<vmem_shared>> -> memref<64x128xf32, #tpu.memory_space<vmem_shared>>
      tpu.wait_dma2 semaphore(%run_scoped3A : memref<!tpu.dma_semaphore, #tpu.memory_space<semaphore_mem>>) src(%dma_wait3A_140 : memref<64x128xf32, #tpu.memory_space<vmem_shared>>) dst(%dma_wait3A_138 : memref<64x128xf32, #tpu.memory_space<vmem>>)
      tpu.yield
    }) : () -> ()
    "tpu.region"() ({
      %run_scoped3A = tpu.sem_alloc : memref<!tpu.dma_semaphore, #tpu.memory_space<semaphore_mem>>
      %dma_start3A_122 = arith.constant 0 : i32
      %dma_start3A_123 = arith.constant 0 : i32
      %dma_start3A_124 = tpu.memref_slice %arg11[%dma_start3A_122, %dma_start3A_123] : memref<64x128xf32, #tpu.memory_space<vmem>> -> memref<64x128xf32, #tpu.memory_space<vmem>>
      %dma_start3A_125 = arith.constant 0 : i32
      %dma_start3A_126 = tpu.memref_slice %arg7[%arg0, %add3A_113, %dma_start3A_125] : memref<2x10112x128xf32, #tpu.memory_space<hbm>> -> memref<1x64x128xf32, #tpu.memory_space<hbm>>
      %dma_start3A_127 = tpu.memref_squeeze %dma_start3A_126 : memref<1x64x128xf32, #tpu.memory_space<hbm>> -> memref<64x128xf32, #tpu.memory_space<hbm>>
      %dma_start3A_128 = arith.constant 0 : i32
      %dma_start3A_129 = tpu.memref_slice %arg7[%arg0, %add3A_113, %dma_start3A_128] : memref<2x10112x128xf32, #tpu.memory_space<hbm>> -> memref<1x64x128xf32, #tpu.memory_space<hbm>>
      %dma_start3A_130 = tpu.memref_squeeze %dma_start3A_129 : memref<1x64x128xf32, #tpu.memory_space<hbm>> -> memref<64x128xf32, #tpu.memory_space<hbm>>
      %dma_start3A_131 = arith.constant 0 : i32
      %dma_start3A_132 = arith.constant 0 : i32
      %dma_start3A_133 = tpu.memref_slice %arg11[%dma_start3A_131, %dma_start3A_132] : memref<64x128xf32, #tpu.memory_space<vmem>> -> memref<64x128xf32, #tpu.memory_space<vmem>>
      tpu.enqueue_dma source(%dma_start3A_133 : memref<64x128xf32, #tpu.memory_space<vmem>>) target(%dma_start3A_130 : memref<64x128xf32, #tpu.memory_space<hbm>>) target_semaphore(%run_scoped3A : memref<!tpu.dma_semaphore, #tpu.memory_space<semaphore_mem>>)
      %dma_wait3A = arith.constant 0 : i32
      %dma_wait3A_134 = arith.constant 0 : i32
      %dma_wait3A_135 = tpu.memref_slice %arg11[%dma_wait3A, %dma_wait3A_134] : memref<64x128xf32, #tpu.memory_space<vmem>> -> memref<64x128xf32, #tpu.memory_space<vmem>>
      %dma_wait3A_136 = arith.constant 0 : i32
      %dma_wait3A_137 = tpu.memref_slice %arg7[%arg0, %add3A_113, %dma_wait3A_136] : memref<2x10112x128xf32, #tpu.memory_space<hbm>> -> memref<1x64x128xf32, #tpu.memory_space<hbm>>
      %dma_wait3A_138 = tpu.memref_squeeze %dma_wait3A_137 : memref<1x64x128xf32, #tpu.memory_space<hbm>> -> memref<64x128xf32, #tpu.memory_space<hbm>>
      %dma_wait3A_139 = arith.constant 0 : i32
      %dma_wait3A_140 = tpu.memref_slice %arg7[%arg0, %add3A_113, %dma_wait3A_139] : memref<2x10112x128xf32, #tpu.memory_space<hbm>> -> memref<1x64x128xf32, #tpu.memory_space<hbm>>
      %dma_wait3A_141 = tpu.memref_squeeze %dma_wait3A_140 : memref<1x64x128xf32, #tpu.memory_space<hbm>> -> memref<64x128xf32, #tpu.memory_space<hbm>>
      %dma_wait3A_142 = arith.constant 0 : i32
      %dma_wait3A_143 = arith.constant 0 : i32
      %dma_wait3A_144 = tpu.memref_slice %arg11[%dma_wait3A_142, %dma_wait3A_143] : memref<64x128xf32, #tpu.memory_space<vmem>> -> memref<64x128xf32, #tpu.memory_space<vmem>>
      tpu.wait_dma2 semaphore(%run_scoped3A : memref<!tpu.dma_semaphore, #tpu.memory_space<semaphore_mem>>) src(%dma_wait3A_144 : memref<64x128xf32, #tpu.memory_space<vmem>>) dst(%dma_wait3A_141 : memref<64x128xf32, #tpu.memory_space<hbm>>)
      tpu.yield
    }) : () -> ()
    "tpu.region"() ({
      %run_scoped3A = tpu.sem_alloc : memref<!tpu.dma_semaphore, #tpu.memory_space<semaphore_mem>>
      %dma_start3A_122 = arith.constant 0 : i32
      %dma_start3A_123 = arith.constant 0 : i32
      %dma_start3A_124 = tpu.memref_slice %arg21[%dma_start3A_122, %dma_start3A_123] : memref<64x16xf32, #tpu.memory_space<vmem>> -> memref<64x16xf32, #tpu.memory_space<vmem>>
      %dma_start3A_125 = arith.constant 0 : i32
      %dma_start3A_126 = tpu.memref_slice %arg10[%add3A_113, %dma_start3A_125] : memref<10112x16xf32, #tpu.memory_space<vmem_shared>> -> memref<64x16xf32, #tpu.memory_space<vmem_shared>>
      %dma_start3A_127 = arith.constant 0 : i32
      %dma_start3A_128 = arith.constant 0 : i32
      %dma_start3A_129 = tpu.memref_slice %arg21[%dma_start3A_127, %dma_start3A_128] : memref<64x16xf32, #tpu.memory_space<vmem>> -> memref<64x16xf32, #tpu.memory_space<vmem>>
      %dma_start3A_130 = arith.constant 0 : i32
      %dma_start3A_131 = tpu.memref_slice %arg10[%add3A_113, %dma_start3A_130] : memref<10112x16xf32, #tpu.memory_space<vmem_shared>> -> memref<64x16xf32, #tpu.memory_space<vmem_shared>>
      tpu.enqueue_dma source(%dma_start3A_131 : memref<64x16xf32, #tpu.memory_space<vmem_shared>>) target(%dma_start3A_129 : memref<64x16xf32, #tpu.memory_space<vmem>>) target_semaphore(%run_scoped3A : memref<!tpu.dma_semaphore, #tpu.memory_space<semaphore_mem>>)
      %dma_wait3A = arith.constant 0 : i32
      %dma_wait3A_132 = arith.constant 0 : i32
      %dma_wait3A_133 = tpu.memref_slice %arg21[%dma_wait3A, %dma_wait3A_132] : memref<64x16xf32, #tpu.memory_space<vmem>> -> memref<64x16xf32, #tpu.memory_space<vmem>>
      %dma_wait3A_134 = arith.constant 0 : i32
      %dma_wait3A_135 = tpu.memref_slice %arg10[%add3A_113, %dma_wait3A_134] : memref<10112x16xf32, #tpu.memory_space<vmem_shared>> -> memref<64x16xf32, #tpu.memory_space<vmem_shared>>
      %dma_wait3A_136 = arith.constant 0 : i32
      %dma_wait3A_137 = arith.constant 0 : i32
      %dma_wait3A_138 = tpu.memref_slice %arg21[%dma_wait3A_136, %dma_wait3A_137] : memref<64x16xf32, #tpu.memory_space<vmem>> -> memref<64x16xf32, #tpu.memory_space<vmem>>
      %dma_wait3A_139 = arith.constant 0 : i32
      %dma_wait3A_140 = tpu.memref_slice %arg10[%add3A_113, %dma_wait3A_139] : memref<10112x16xf32, #tpu.memory_space<vmem_shared>> -> memref<64x16xf32, #tpu.memory_space<vmem_shared>>
      tpu.wait_dma2 semaphore(%run_scoped3A : memref<!tpu.dma_semaphore, #tpu.memory_space<semaphore_mem>>) src(%dma_wait3A_140 : memref<64x16xf32, #tpu.memory_space<vmem_shared>>) dst(%dma_wait3A_138 : memref<64x16xf32, #tpu.memory_space<vmem>>)
      tpu.yield
    }) : () -> ()
    "tpu.region"() ({
      %run_scoped3A = tpu.sem_alloc : memref<!tpu.dma_semaphore, #tpu.memory_space<semaphore_mem>>
      %dma_start3A_122 = arith.constant 0 : i32
      %dma_start3A_123 = arith.constant 0 : i32
      %dma_start3A_124 = tpu.memref_slice %arg21[%dma_start3A_122, %dma_start3A_123] : memref<64x16xf32, #tpu.memory_space<vmem>> -> memref<64x16xf32, #tpu.memory_space<vmem>>
      %dma_start3A_125 = arith.constant 0 : i32
      %dma_start3A_126 = tpu.memref_slice %arg8[%arg0, %add3A_113, %dma_start3A_125] : memref<2x10112x16xf32, #tpu.memory_space<hbm>> -> memref<1x64x16xf32, #tpu.memory_space<hbm>>
      %dma_start3A_127 = tpu.memref_squeeze %dma_start3A_126 : memref<1x64x16xf32, #tpu.memory_space<hbm>> -> memref<64x16xf32, #tpu.memory_space<hbm>>
      %dma_start3A_128 = arith.constant 0 : i32
      %dma_start3A_129 = tpu.memref_slice %arg8[%arg0, %add3A_113, %dma_start3A_128] : memref<2x10112x16xf32, #tpu.memory_space<hbm>> -> memref<1x64x16xf32, #tpu.memory_space<hbm>>
      %dma_start3A_130 = tpu.memref_squeeze %dma_start3A_129 : memref<1x64x16xf32, #tpu.memory_space<hbm>> -> memref<64x16xf32, #tpu.memory_space<hbm>>
      %dma_start3A_131 = arith.constant 0 : i32
      %dma_start3A_132 = arith.constant 0 : i32
      %dma_start3A_133 = tpu.memref_slice %arg21[%dma_start3A_131, %dma_start3A_132] : memref<64x16xf32, #tpu.memory_space<vmem>> -> memref<64x16xf32, #tpu.memory_space<vmem>>
      tpu.enqueue_dma source(%dma_start3A_133 : memref<64x16xf32, #tpu.memory_space<vmem>>) target(%dma_start3A_130 : memref<64x16xf32, #tpu.memory_space<hbm>>) target_semaphore(%run_scoped3A : memref<!tpu.dma_semaphore, #tpu.memory_space<semaphore_mem>>)
      %dma_wait3A = arith.constant 0 : i32
      %dma_wait3A_134 = arith.constant 0 : i32
      %dma_wait3A_135 = tpu.memref_slice %arg21[%dma_wait3A, %dma_wait3A_134] : memref<64x16xf32, #tpu.memory_space<vmem>> -> memref<64x16xf32, #tpu.memory_space<vmem>>
      %dma_wait3A_136 = arith.constant 0 : i32
      %dma_wait3A_137 = tpu.memref_slice %arg8[%arg0, %add3A_113, %dma_wait3A_136] : memref<2x10112x16xf32, #tpu.memory_space<hbm>> -> memref<1x64x16xf32, #tpu.memory_space<hbm>>
      %dma_wait3A_138 = tpu.memref_squeeze %dma_wait3A_137 : memref<1x64x16xf32, #tpu.memory_space<hbm>> -> memref<64x16xf32, #tpu.memory_space<hbm>>
      %dma_wait3A_139 = arith.constant 0 : i32
      %dma_wait3A_140 = tpu.memref_slice %arg8[%arg0, %add3A_113, %dma_wait3A_139] : memref<2x10112x16xf32, #tpu.memory_space<hbm>> -> memref<1x64x16xf32, #tpu.memory_space<hbm>>
      %dma_wait3A_141 = tpu.memref_squeeze %dma_wait3A_140 : memref<1x64x16xf32, #tpu.memory_space<hbm>> -> memref<64x16xf32, #tpu.memory_space<hbm>>
      %dma_wait3A_142 = arith.constant 0 : i32
      %dma_wait3A_143 = arith.constant 0 : i32
      %dma_wait3A_144 = tpu.memref_slice %arg21[%dma_wait3A_142, %dma_wait3A_143] : memref<64x16xf32, #tpu.memory_space<vmem>> -> memref<64x16xf32, #tpu.memory_space<vmem>>
      tpu.wait_dma2 semaphore(%run_scoped3A : memref<!tpu.dma_semaphore, #tpu.memory_space<semaphore_mem>>) src(%dma_wait3A_144 : memref<64x16xf32, #tpu.memory_space<vmem>>) dst(%dma_wait3A_141 : memref<64x16xf32, #tpu.memory_space<hbm>>)
      tpu.yield
    }) : () -> ()
    %add3A_114 = arith.constant 384 : i32
    %add3A_115 = arith.addi %mul3A_9, %add3A_114 : i32
    "tpu.region"() ({
      %run_scoped3A = tpu.sem_alloc : memref<!tpu.dma_semaphore, #tpu.memory_space<semaphore_mem>>
      %dma_start3A_122 = arith.constant 0 : i32
      %dma_start3A_123 = arith.constant 0 : i32
      %dma_start3A_124 = tpu.memref_slice %arg11[%dma_start3A_122, %dma_start3A_123] : memref<64x128xf32, #tpu.memory_space<vmem>> -> memref<64x128xf32, #tpu.memory_space<vmem>>
      %dma_start3A_125 = arith.constant 0 : i32
      %dma_start3A_126 = tpu.memref_slice %arg9[%add3A_115, %dma_start3A_125] : memref<10112x128xf32, #tpu.memory_space<vmem_shared>> -> memref<64x128xf32, #tpu.memory_space<vmem_shared>>
      %dma_start3A_127 = arith.constant 0 : i32
      %dma_start3A_128 = arith.constant 0 : i32
      %dma_start3A_129 = tpu.memref_slice %arg11[%dma_start3A_127, %dma_start3A_128] : memref<64x128xf32, #tpu.memory_space<vmem>> -> memref<64x128xf32, #tpu.memory_space<vmem>>
      %dma_start3A_130 = arith.constant 0 : i32
      %dma_start3A_131 = tpu.memref_slice %arg9[%add3A_115, %dma_start3A_130] : memref<10112x128xf32, #tpu.memory_space<vmem_shared>> -> memref<64x128xf32, #tpu.memory_space<vmem_shared>>
      tpu.enqueue_dma source(%dma_start3A_131 : memref<64x128xf32, #tpu.memory_space<vmem_shared>>) target(%dma_start3A_129 : memref<64x128xf32, #tpu.memory_space<vmem>>) target_semaphore(%run_scoped3A : memref<!tpu.dma_semaphore, #tpu.memory_space<semaphore_mem>>)
      %dma_wait3A = arith.constant 0 : i32
      %dma_wait3A_132 = arith.constant 0 : i32
      %dma_wait3A_133 = tpu.memref_slice %arg11[%dma_wait3A, %dma_wait3A_132] : memref<64x128xf32, #tpu.memory_space<vmem>> -> memref<64x128xf32, #tpu.memory_space<vmem>>
      %dma_wait3A_134 = arith.constant 0 : i32
      %dma_wait3A_135 = tpu.memref_slice %arg9[%add3A_115, %dma_wait3A_134] : memref<10112x128xf32, #tpu.memory_space<vmem_shared>> -> memref<64x128xf32, #tpu.memory_space<vmem_shared>>
      %dma_wait3A_136 = arith.constant 0 : i32
      %dma_wait3A_137 = arith.constant 0 : i32
      %dma_wait3A_138 = tpu.memref_slice %arg11[%dma_wait3A_136, %dma_wait3A_137] : memref<64x128xf32, #tpu.memory_space<vmem>> -> memref<64x128xf32, #tpu.memory_space<vmem>>
      %dma_wait3A_139 = arith.constant 0 : i32
      %dma_wait3A_140 = tpu.memref_slice %arg9[%add3A_115, %dma_wait3A_139] : memref<10112x128xf32, #tpu.memory_space<vmem_shared>> -> memref<64x128xf32, #tpu.memory_space<vmem_shared>>
      tpu.wait_dma2 semaphore(%run_scoped3A : memref<!tpu.dma_semaphore, #tpu.memory_space<semaphore_mem>>) src(%dma_wait3A_140 : memref<64x128xf32, #tpu.memory_space<vmem_shared>>) dst(%dma_wait3A_138 : memref<64x128xf32, #tpu.memory_space<vmem>>)
      tpu.yield
    }) : () -> ()
    "tpu.region"() ({
      %run_scoped3A = tpu.sem_alloc : memref<!tpu.dma_semaphore, #tpu.memory_space<semaphore_mem>>
      %dma_start3A_122 = arith.constant 0 : i32
      %dma_start3A_123 = arith.constant 0 : i32
      %dma_start3A_124 = tpu.memref_slice %arg11[%dma_start3A_122, %dma_start3A_123] : memref<64x128xf32, #tpu.memory_space<vmem>> -> memref<64x128xf32, #tpu.memory_space<vmem>>
      %dma_start3A_125 = arith.constant 0 : i32
      %dma_start3A_126 = tpu.memref_slice %arg7[%arg0, %add3A_115, %dma_start3A_125] : memref<2x10112x128xf32, #tpu.memory_space<hbm>> -> memref<1x64x128xf32, #tpu.memory_space<hbm>>
      %dma_start3A_127 = tpu.memref_squeeze %dma_start3A_126 : memref<1x64x128xf32, #tpu.memory_space<hbm>> -> memref<64x128xf32, #tpu.memory_space<hbm>>
      %dma_start3A_128 = arith.constant 0 : i32
      %dma_start3A_129 = tpu.memref_slice %arg7[%arg0, %add3A_115, %dma_start3A_128] : memref<2x10112x128xf32, #tpu.memory_space<hbm>> -> memref<1x64x128xf32, #tpu.memory_space<hbm>>
      %dma_start3A_130 = tpu.memref_squeeze %dma_start3A_129 : memref<1x64x128xf32, #tpu.memory_space<hbm>> -> memref<64x128xf32, #tpu.memory_space<hbm>>
      %dma_start3A_131 = arith.constant 0 : i32
      %dma_start3A_132 = arith.constant 0 : i32
      %dma_start3A_133 = tpu.memref_slice %arg11[%dma_start3A_131, %dma_start3A_132] : memref<64x128xf32, #tpu.memory_space<vmem>> -> memref<64x128xf32, #tpu.memory_space<vmem>>
      tpu.enqueue_dma source(%dma_start3A_133 : memref<64x128xf32, #tpu.memory_space<vmem>>) target(%dma_start3A_130 : memref<64x128xf32, #tpu.memory_space<hbm>>) target_semaphore(%run_scoped3A : memref<!tpu.dma_semaphore, #tpu.memory_space<semaphore_mem>>)
      %dma_wait3A = arith.constant 0 : i32
      %dma_wait3A_134 = arith.constant 0 : i32
      %dma_wait3A_135 = tpu.memref_slice %arg11[%dma_wait3A, %dma_wait3A_134] : memref<64x128xf32, #tpu.memory_space<vmem>> -> memref<64x128xf32, #tpu.memory_space<vmem>>
      %dma_wait3A_136 = arith.constant 0 : i32
      %dma_wait3A_137 = tpu.memref_slice %arg7[%arg0, %add3A_115, %dma_wait3A_136] : memref<2x10112x128xf32, #tpu.memory_space<hbm>> -> memref<1x64x128xf32, #tpu.memory_space<hbm>>
      %dma_wait3A_138 = tpu.memref_squeeze %dma_wait3A_137 : memref<1x64x128xf32, #tpu.memory_space<hbm>> -> memref<64x128xf32, #tpu.memory_space<hbm>>
      %dma_wait3A_139 = arith.constant 0 : i32
      %dma_wait3A_140 = tpu.memref_slice %arg7[%arg0, %add3A_115, %dma_wait3A_139] : memref<2x10112x128xf32, #tpu.memory_space<hbm>> -> memref<1x64x128xf32, #tpu.memory_space<hbm>>
      %dma_wait3A_141 = tpu.memref_squeeze %dma_wait3A_140 : memref<1x64x128xf32, #tpu.memory_space<hbm>> -> memref<64x128xf32, #tpu.memory_space<hbm>>
      %dma_wait3A_142 = arith.constant 0 : i32
      %dma_wait3A_143 = arith.constant 0 : i32
      %dma_wait3A_144 = tpu.memref_slice %arg11[%dma_wait3A_142, %dma_wait3A_143] : memref<64x128xf32, #tpu.memory_space<vmem>> -> memref<64x128xf32, #tpu.memory_space<vmem>>
      tpu.wait_dma2 semaphore(%run_scoped3A : memref<!tpu.dma_semaphore, #tpu.memory_space<semaphore_mem>>) src(%dma_wait3A_144 : memref<64x128xf32, #tpu.memory_space<vmem>>) dst(%dma_wait3A_141 : memref<64x128xf32, #tpu.memory_space<hbm>>)
      tpu.yield
    }) : () -> ()
    "tpu.region"() ({
      %run_scoped3A = tpu.sem_alloc : memref<!tpu.dma_semaphore, #tpu.memory_space<semaphore_mem>>
      %dma_start3A_122 = arith.constant 0 : i32
      %dma_start3A_123 = arith.constant 0 : i32
      %dma_start3A_124 = tpu.memref_slice %arg21[%dma_start3A_122, %dma_start3A_123] : memref<64x16xf32, #tpu.memory_space<vmem>> -> memref<64x16xf32, #tpu.memory_space<vmem>>
      %dma_start3A_125 = arith.constant 0 : i32
      %dma_start3A_126 = tpu.memref_slice %arg10[%add3A_115, %dma_start3A_125] : memref<10112x16xf32, #tpu.memory_space<vmem_shared>> -> memref<64x16xf32, #tpu.memory_space<vmem_shared>>
      %dma_start3A_127 = arith.constant 0 : i32
      %dma_start3A_128 = arith.constant 0 : i32
      %dma_start3A_129 = tpu.memref_slice %arg21[%dma_start3A_127, %dma_start3A_128] : memref<64x16xf32, #tpu.memory_space<vmem>> -> memref<64x16xf32, #tpu.memory_space<vmem>>
      %dma_start3A_130 = arith.constant 0 : i32
      %dma_start3A_131 = tpu.memref_slice %arg10[%add3A_115, %dma_start3A_130] : memref<10112x16xf32, #tpu.memory_space<vmem_shared>> -> memref<64x16xf32, #tpu.memory_space<vmem_shared>>
      tpu.enqueue_dma source(%dma_start3A_131 : memref<64x16xf32, #tpu.memory_space<vmem_shared>>) target(%dma_start3A_129 : memref<64x16xf32, #tpu.memory_space<vmem>>) target_semaphore(%run_scoped3A : memref<!tpu.dma_semaphore, #tpu.memory_space<semaphore_mem>>)
      %dma_wait3A = arith.constant 0 : i32
      %dma_wait3A_132 = arith.constant 0 : i32
      %dma_wait3A_133 = tpu.memref_slice %arg21[%dma_wait3A, %dma_wait3A_132] : memref<64x16xf32, #tpu.memory_space<vmem>> -> memref<64x16xf32, #tpu.memory_space<vmem>>
      %dma_wait3A_134 = arith.constant 0 : i32
      %dma_wait3A_135 = tpu.memref_slice %arg10[%add3A_115, %dma_wait3A_134] : memref<10112x16xf32, #tpu.memory_space<vmem_shared>> -> memref<64x16xf32, #tpu.memory_space<vmem_shared>>
      %dma_wait3A_136 = arith.constant 0 : i32
      %dma_wait3A_137 = arith.constant 0 : i32
      %dma_wait3A_138 = tpu.memref_slice %arg21[%dma_wait3A_136, %dma_wait3A_137] : memref<64x16xf32, #tpu.memory_space<vmem>> -> memref<64x16xf32, #tpu.memory_space<vmem>>
      %dma_wait3A_139 = arith.constant 0 : i32
      %dma_wait3A_140 = tpu.memref_slice %arg10[%add3A_115, %dma_wait3A_139] : memref<10112x16xf32, #tpu.memory_space<vmem_shared>> -> memref<64x16xf32, #tpu.memory_space<vmem_shared>>
      tpu.wait_dma2 semaphore(%run_scoped3A : memref<!tpu.dma_semaphore, #tpu.memory_space<semaphore_mem>>) src(%dma_wait3A_140 : memref<64x16xf32, #tpu.memory_space<vmem_shared>>) dst(%dma_wait3A_138 : memref<64x16xf32, #tpu.memory_space<vmem>>)
      tpu.yield
    }) : () -> ()
    "tpu.region"() ({
      %run_scoped3A = tpu.sem_alloc : memref<!tpu.dma_semaphore, #tpu.memory_space<semaphore_mem>>
      %dma_start3A_122 = arith.constant 0 : i32
      %dma_start3A_123 = arith.constant 0 : i32
      %dma_start3A_124 = tpu.memref_slice %arg21[%dma_start3A_122, %dma_start3A_123] : memref<64x16xf32, #tpu.memory_space<vmem>> -> memref<64x16xf32, #tpu.memory_space<vmem>>
      %dma_start3A_125 = arith.constant 0 : i32
      %dma_start3A_126 = tpu.memref_slice %arg8[%arg0, %add3A_115, %dma_start3A_125] : memref<2x10112x16xf32, #tpu.memory_space<hbm>> -> memref<1x64x16xf32, #tpu.memory_space<hbm>>
      %dma_start3A_127 = tpu.memref_squeeze %dma_start3A_126 : memref<1x64x16xf32, #tpu.memory_space<hbm>> -> memref<64x16xf32, #tpu.memory_space<hbm>>
      %dma_start3A_128 = arith.constant 0 : i32
      %dma_start3A_129 = tpu.memref_slice %arg8[%arg0, %add3A_115, %dma_start3A_128] : memref<2x10112x16xf32, #tpu.memory_space<hbm>> -> memref<1x64x16xf32, #tpu.memory_space<hbm>>
      %dma_start3A_130 = tpu.memref_squeeze %dma_start3A_129 : memref<1x64x16xf32, #tpu.memory_space<hbm>> -> memref<64x16xf32, #tpu.memory_space<hbm>>
      %dma_start3A_131 = arith.constant 0 : i32
      %dma_start3A_132 = arith.constant 0 : i32
      %dma_start3A_133 = tpu.memref_slice %arg21[%dma_start3A_131, %dma_start3A_132] : memref<64x16xf32, #tpu.memory_space<vmem>> -> memref<64x16xf32, #tpu.memory_space<vmem>>
      tpu.enqueue_dma source(%dma_start3A_133 : memref<64x16xf32, #tpu.memory_space<vmem>>) target(%dma_start3A_130 : memref<64x16xf32, #tpu.memory_space<hbm>>) target_semaphore(%run_scoped3A : memref<!tpu.dma_semaphore, #tpu.memory_space<semaphore_mem>>)
      %dma_wait3A = arith.constant 0 : i32
      %dma_wait3A_134 = arith.constant 0 : i32
      %dma_wait3A_135 = tpu.memref_slice %arg21[%dma_wait3A, %dma_wait3A_134] : memref<64x16xf32, #tpu.memory_space<vmem>> -> memref<64x16xf32, #tpu.memory_space<vmem>>
      %dma_wait3A_136 = arith.constant 0 : i32
      %dma_wait3A_137 = tpu.memref_slice %arg8[%arg0, %add3A_115, %dma_wait3A_136] : memref<2x10112x16xf32, #tpu.memory_space<hbm>> -> memref<1x64x16xf32, #tpu.memory_space<hbm>>
      %dma_wait3A_138 = tpu.memref_squeeze %dma_wait3A_137 : memref<1x64x16xf32, #tpu.memory_space<hbm>> -> memref<64x16xf32, #tpu.memory_space<hbm>>
      %dma_wait3A_139 = arith.constant 0 : i32
      %dma_wait3A_140 = tpu.memref_slice %arg8[%arg0, %add3A_115, %dma_wait3A_139] : memref<2x10112x16xf32, #tpu.memory_space<hbm>> -> memref<1x64x16xf32, #tpu.memory_space<hbm>>
      %dma_wait3A_141 = tpu.memref_squeeze %dma_wait3A_140 : memref<1x64x16xf32, #tpu.memory_space<hbm>> -> memref<64x16xf32, #tpu.memory_space<hbm>>
      %dma_wait3A_142 = arith.constant 0 : i32
      %dma_wait3A_143 = arith.constant 0 : i32
      %dma_wait3A_144 = tpu.memref_slice %arg21[%dma_wait3A_142, %dma_wait3A_143] : memref<64x16xf32, #tpu.memory_space<vmem>> -> memref<64x16xf32, #tpu.memory_space<vmem>>
      tpu.wait_dma2 semaphore(%run_scoped3A : memref<!tpu.dma_semaphore, #tpu.memory_space<semaphore_mem>>) src(%dma_wait3A_144 : memref<64x16xf32, #tpu.memory_space<vmem>>) dst(%dma_wait3A_141 : memref<64x16xf32, #tpu.memory_space<hbm>>)
      tpu.yield
    }) : () -> ()
    %add3A_116 = arith.constant 448 : i32
    %add3A_117 = arith.addi %mul3A_9, %add3A_116 : i32
    "tpu.region"() ({
      %run_scoped3A = tpu.sem_alloc : memref<!tpu.dma_semaphore, #tpu.memory_space<semaphore_mem>>
      %dma_start3A_122 = arith.constant 0 : i32
      %dma_start3A_123 = arith.constant 0 : i32
      %dma_start3A_124 = tpu.memref_slice %arg11[%dma_start3A_122, %dma_start3A_123] : memref<64x128xf32, #tpu.memory_space<vmem>> -> memref<64x128xf32, #tpu.memory_space<vmem>>
      %dma_start3A_125 = arith.constant 0 : i32
      %dma_start3A_126 = tpu.memref_slice %arg9[%add3A_117, %dma_start3A_125] : memref<10112x128xf32, #tpu.memory_space<vmem_shared>> -> memref<64x128xf32, #tpu.memory_space<vmem_shared>>
      %dma_start3A_127 = arith.constant 0 : i32
      %dma_start3A_128 = arith.constant 0 : i32
      %dma_start3A_129 = tpu.memref_slice %arg11[%dma_start3A_127, %dma_start3A_128] : memref<64x128xf32, #tpu.memory_space<vmem>> -> memref<64x128xf32, #tpu.memory_space<vmem>>
      %dma_start3A_130 = arith.constant 0 : i32
      %dma_start3A_131 = tpu.memref_slice %arg9[%add3A_117, %dma_start3A_130] : memref<10112x128xf32, #tpu.memory_space<vmem_shared>> -> memref<64x128xf32, #tpu.memory_space<vmem_shared>>
      tpu.enqueue_dma source(%dma_start3A_131 : memref<64x128xf32, #tpu.memory_space<vmem_shared>>) target(%dma_start3A_129 : memref<64x128xf32, #tpu.memory_space<vmem>>) target_semaphore(%run_scoped3A : memref<!tpu.dma_semaphore, #tpu.memory_space<semaphore_mem>>)
      %dma_wait3A = arith.constant 0 : i32
      %dma_wait3A_132 = arith.constant 0 : i32
      %dma_wait3A_133 = tpu.memref_slice %arg11[%dma_wait3A, %dma_wait3A_132] : memref<64x128xf32, #tpu.memory_space<vmem>> -> memref<64x128xf32, #tpu.memory_space<vmem>>
      %dma_wait3A_134 = arith.constant 0 : i32
      %dma_wait3A_135 = tpu.memref_slice %arg9[%add3A_117, %dma_wait3A_134] : memref<10112x128xf32, #tpu.memory_space<vmem_shared>> -> memref<64x128xf32, #tpu.memory_space<vmem_shared>>
      %dma_wait3A_136 = arith.constant 0 : i32
      %dma_wait3A_137 = arith.constant 0 : i32
      %dma_wait3A_138 = tpu.memref_slice %arg11[%dma_wait3A_136, %dma_wait3A_137] : memref<64x128xf32, #tpu.memory_space<vmem>> -> memref<64x128xf32, #tpu.memory_space<vmem>>
      %dma_wait3A_139 = arith.constant 0 : i32
      %dma_wait3A_140 = tpu.memref_slice %arg9[%add3A_117, %dma_wait3A_139] : memref<10112x128xf32, #tpu.memory_space<vmem_shared>> -> memref<64x128xf32, #tpu.memory_space<vmem_shared>>
      tpu.wait_dma2 semaphore(%run_scoped3A : memref<!tpu.dma_semaphore, #tpu.memory_space<semaphore_mem>>) src(%dma_wait3A_140 : memref<64x128xf32, #tpu.memory_space<vmem_shared>>) dst(%dma_wait3A_138 : memref<64x128xf32, #tpu.memory_space<vmem>>)
      tpu.yield
    }) : () -> ()
    "tpu.region"() ({
      %run_scoped3A = tpu.sem_alloc : memref<!tpu.dma_semaphore, #tpu.memory_space<semaphore_mem>>
      %dma_start3A_122 = arith.constant 0 : i32
      %dma_start3A_123 = arith.constant 0 : i32
      %dma_start3A_124 = tpu.memref_slice %arg11[%dma_start3A_122, %dma_start3A_123] : memref<64x128xf32, #tpu.memory_space<vmem>> -> memref<64x128xf32, #tpu.memory_space<vmem>>
      %dma_start3A_125 = arith.constant 0 : i32
      %dma_start3A_126 = tpu.memref_slice %arg7[%arg0, %add3A_117, %dma_start3A_125] : memref<2x10112x128xf32, #tpu.memory_space<hbm>> -> memref<1x64x128xf32, #tpu.memory_space<hbm>>
      %dma_start3A_127 = tpu.memref_squeeze %dma_start3A_126 : memref<1x64x128xf32, #tpu.memory_space<hbm>> -> memref<64x128xf32, #tpu.memory_space<hbm>>
      %dma_start3A_128 = arith.constant 0 : i32
      %dma_start3A_129 = tpu.memref_slice %arg7[%arg0, %add3A_117, %dma_start3A_128] : memref<2x10112x128xf32, #tpu.memory_space<hbm>> -> memref<1x64x128xf32, #tpu.memory_space<hbm>>
      %dma_start3A_130 = tpu.memref_squeeze %dma_start3A_129 : memref<1x64x128xf32, #tpu.memory_space<hbm>> -> memref<64x128xf32, #tpu.memory_space<hbm>>
      %dma_start3A_131 = arith.constant 0 : i32
      %dma_start3A_132 = arith.constant 0 : i32
      %dma_start3A_133 = tpu.memref_slice %arg11[%dma_start3A_131, %dma_start3A_132] : memref<64x128xf32, #tpu.memory_space<vmem>> -> memref<64x128xf32, #tpu.memory_space<vmem>>
      tpu.enqueue_dma source(%dma_start3A_133 : memref<64x128xf32, #tpu.memory_space<vmem>>) target(%dma_start3A_130 : memref<64x128xf32, #tpu.memory_space<hbm>>) target_semaphore(%run_scoped3A : memref<!tpu.dma_semaphore, #tpu.memory_space<semaphore_mem>>)
      %dma_wait3A = arith.constant 0 : i32
      %dma_wait3A_134 = arith.constant 0 : i32
      %dma_wait3A_135 = tpu.memref_slice %arg11[%dma_wait3A, %dma_wait3A_134] : memref<64x128xf32, #tpu.memory_space<vmem>> -> memref<64x128xf32, #tpu.memory_space<vmem>>
      %dma_wait3A_136 = arith.constant 0 : i32
      %dma_wait3A_137 = tpu.memref_slice %arg7[%arg0, %add3A_117, %dma_wait3A_136] : memref<2x10112x128xf32, #tpu.memory_space<hbm>> -> memref<1x64x128xf32, #tpu.memory_space<hbm>>
      %dma_wait3A_138 = tpu.memref_squeeze %dma_wait3A_137 : memref<1x64x128xf32, #tpu.memory_space<hbm>> -> memref<64x128xf32, #tpu.memory_space<hbm>>
      %dma_wait3A_139 = arith.constant 0 : i32
      %dma_wait3A_140 = tpu.memref_slice %arg7[%arg0, %add3A_117, %dma_wait3A_139] : memref<2x10112x128xf32, #tpu.memory_space<hbm>> -> memref<1x64x128xf32, #tpu.memory_space<hbm>>
      %dma_wait3A_141 = tpu.memref_squeeze %dma_wait3A_140 : memref<1x64x128xf32, #tpu.memory_space<hbm>> -> memref<64x128xf32, #tpu.memory_space<hbm>>
      %dma_wait3A_142 = arith.constant 0 : i32
      %dma_wait3A_143 = arith.constant 0 : i32
      %dma_wait3A_144 = tpu.memref_slice %arg11[%dma_wait3A_142, %dma_wait3A_143] : memref<64x128xf32, #tpu.memory_space<vmem>> -> memref<64x128xf32, #tpu.memory_space<vmem>>
      tpu.wait_dma2 semaphore(%run_scoped3A : memref<!tpu.dma_semaphore, #tpu.memory_space<semaphore_mem>>) src(%dma_wait3A_144 : memref<64x128xf32, #tpu.memory_space<vmem>>) dst(%dma_wait3A_141 : memref<64x128xf32, #tpu.memory_space<hbm>>)
      tpu.yield
    }) : () -> ()
    "tpu.region"() ({
      %run_scoped3A = tpu.sem_alloc : memref<!tpu.dma_semaphore, #tpu.memory_space<semaphore_mem>>
      %dma_start3A_122 = arith.constant 0 : i32
      %dma_start3A_123 = arith.constant 0 : i32
      %dma_start3A_124 = tpu.memref_slice %arg21[%dma_start3A_122, %dma_start3A_123] : memref<64x16xf32, #tpu.memory_space<vmem>> -> memref<64x16xf32, #tpu.memory_space<vmem>>
      %dma_start3A_125 = arith.constant 0 : i32
      %dma_start3A_126 = tpu.memref_slice %arg10[%add3A_117, %dma_start3A_125] : memref<10112x16xf32, #tpu.memory_space<vmem_shared>> -> memref<64x16xf32, #tpu.memory_space<vmem_shared>>
      %dma_start3A_127 = arith.constant 0 : i32
      %dma_start3A_128 = arith.constant 0 : i32
      %dma_start3A_129 = tpu.memref_slice %arg21[%dma_start3A_127, %dma_start3A_128] : memref<64x16xf32, #tpu.memory_space<vmem>> -> memref<64x16xf32, #tpu.memory_space<vmem>>
      %dma_start3A_130 = arith.constant 0 : i32
      %dma_start3A_131 = tpu.memref_slice %arg10[%add3A_117, %dma_start3A_130] : memref<10112x16xf32, #tpu.memory_space<vmem_shared>> -> memref<64x16xf32, #tpu.memory_space<vmem_shared>>
      tpu.enqueue_dma source(%dma_start3A_131 : memref<64x16xf32, #tpu.memory_space<vmem_shared>>) target(%dma_start3A_129 : memref<64x16xf32, #tpu.memory_space<vmem>>) target_semaphore(%run_scoped3A : memref<!tpu.dma_semaphore, #tpu.memory_space<semaphore_mem>>)
      %dma_wait3A = arith.constant 0 : i32
      %dma_wait3A_132 = arith.constant 0 : i32
      %dma_wait3A_133 = tpu.memref_slice %arg21[%dma_wait3A, %dma_wait3A_132] : memref<64x16xf32, #tpu.memory_space<vmem>> -> memref<64x16xf32, #tpu.memory_space<vmem>>
      %dma_wait3A_134 = arith.constant 0 : i32
      %dma_wait3A_135 = tpu.memref_slice %arg10[%add3A_117, %dma_wait3A_134] : memref<10112x16xf32, #tpu.memory_space<vmem_shared>> -> memref<64x16xf32, #tpu.memory_space<vmem_shared>>
      %dma_wait3A_136 = arith.constant 0 : i32
      %dma_wait3A_137 = arith.constant 0 : i32
      %dma_wait3A_138 = tpu.memref_slice %arg21[%dma_wait3A_136, %dma_wait3A_137] : memref<64x16xf32, #tpu.memory_space<vmem>> -> memref<64x16xf32, #tpu.memory_space<vmem>>
      %dma_wait3A_139 = arith.constant 0 : i32
      %dma_wait3A_140 = tpu.memref_slice %arg10[%add3A_117, %dma_wait3A_139] : memref<10112x16xf32, #tpu.memory_space<vmem_shared>> -> memref<64x16xf32, #tpu.memory_space<vmem_shared>>
      tpu.wait_dma2 semaphore(%run_scoped3A : memref<!tpu.dma_semaphore, #tpu.memory_space<semaphore_mem>>) src(%dma_wait3A_140 : memref<64x16xf32, #tpu.memory_space<vmem_shared>>) dst(%dma_wait3A_138 : memref<64x16xf32, #tpu.memory_space<vmem>>)
      tpu.yield
    }) : () -> ()
    "tpu.region"() ({
      %run_scoped3A = tpu.sem_alloc : memref<!tpu.dma_semaphore, #tpu.memory_space<semaphore_mem>>
      %dma_start3A_122 = arith.constant 0 : i32
      %dma_start3A_123 = arith.constant 0 : i32
      %dma_start3A_124 = tpu.memref_slice %arg21[%dma_start3A_122, %dma_start3A_123] : memref<64x16xf32, #tpu.memory_space<vmem>> -> memref<64x16xf32, #tpu.memory_space<vmem>>
      %dma_start3A_125 = arith.constant 0 : i32
      %dma_start3A_126 = tpu.memref_slice %arg8[%arg0, %add3A_117, %dma_start3A_125] : memref<2x10112x16xf32, #tpu.memory_space<hbm>> -> memref<1x64x16xf32, #tpu.memory_space<hbm>>
      %dma_start3A_127 = tpu.memref_squeeze %dma_start3A_126 : memref<1x64x16xf32, #tpu.memory_space<hbm>> -> memref<64x16xf32, #tpu.memory_space<hbm>>
      %dma_start3A_128 = arith.constant 0 : i32
      %dma_start3A_129 = tpu.memref_slice %arg8[%arg0, %add3A_117, %dma_start3A_128] : memref<2x10112x16xf32, #tpu.memory_space<hbm>> -> memref<1x64x16xf32, #tpu.memory_space<hbm>>
      %dma_start3A_130 = tpu.memref_squeeze %dma_start3A_129 : memref<1x64x16xf32, #tpu.memory_space<hbm>> -> memref<64x16xf32, #tpu.memory_space<hbm>>
      %dma_start3A_131 = arith.constant 0 : i32
      %dma_start3A_132 = arith.constant 0 : i32
      %dma_start3A_133 = tpu.memref_slice %arg21[%dma_start3A_131, %dma_start3A_132] : memref<64x16xf32, #tpu.memory_space<vmem>> -> memref<64x16xf32, #tpu.memory_space<vmem>>
      tpu.enqueue_dma source(%dma_start3A_133 : memref<64x16xf32, #tpu.memory_space<vmem>>) target(%dma_start3A_130 : memref<64x16xf32, #tpu.memory_space<hbm>>) target_semaphore(%run_scoped3A : memref<!tpu.dma_semaphore, #tpu.memory_space<semaphore_mem>>)
      %dma_wait3A = arith.constant 0 : i32
      %dma_wait3A_134 = arith.constant 0 : i32
      %dma_wait3A_135 = tpu.memref_slice %arg21[%dma_wait3A, %dma_wait3A_134] : memref<64x16xf32, #tpu.memory_space<vmem>> -> memref<64x16xf32, #tpu.memory_space<vmem>>
      %dma_wait3A_136 = arith.constant 0 : i32
      %dma_wait3A_137 = tpu.memref_slice %arg8[%arg0, %add3A_117, %dma_wait3A_136] : memref<2x10112x16xf32, #tpu.memory_space<hbm>> -> memref<1x64x16xf32, #tpu.memory_space<hbm>>
      %dma_wait3A_138 = tpu.memref_squeeze %dma_wait3A_137 : memref<1x64x16xf32, #tpu.memory_space<hbm>> -> memref<64x16xf32, #tpu.memory_space<hbm>>
      %dma_wait3A_139 = arith.constant 0 : i32
      %dma_wait3A_140 = tpu.memref_slice %arg8[%arg0, %add3A_117, %dma_wait3A_139] : memref<2x10112x16xf32, #tpu.memory_space<hbm>> -> memref<1x64x16xf32, #tpu.memory_space<hbm>>
      %dma_wait3A_141 = tpu.memref_squeeze %dma_wait3A_140 : memref<1x64x16xf32, #tpu.memory_space<hbm>> -> memref<64x16xf32, #tpu.memory_space<hbm>>
      %dma_wait3A_142 = arith.constant 0 : i32
      %dma_wait3A_143 = arith.constant 0 : i32
      %dma_wait3A_144 = tpu.memref_slice %arg21[%dma_wait3A_142, %dma_wait3A_143] : memref<64x16xf32, #tpu.memory_space<vmem>> -> memref<64x16xf32, #tpu.memory_space<vmem>>
      tpu.wait_dma2 semaphore(%run_scoped3A : memref<!tpu.dma_semaphore, #tpu.memory_space<semaphore_mem>>) src(%dma_wait3A_144 : memref<64x16xf32, #tpu.memory_space<vmem>>) dst(%dma_wait3A_141 : memref<64x16xf32, #tpu.memory_space<hbm>>)
      tpu.yield
    }) : () -> ()
    %add3A_118 = arith.constant 512 : i32
    %add3A_119 = arith.addi %mul3A_9, %add3A_118 : i32
    "tpu.region"() ({
      %run_scoped3A = tpu.sem_alloc : memref<!tpu.dma_semaphore, #tpu.memory_space<semaphore_mem>>
      %dma_start3A_122 = arith.constant 0 : i32
      %dma_start3A_123 = arith.constant 0 : i32
      %dma_start3A_124 = tpu.memref_slice %arg11[%dma_start3A_122, %dma_start3A_123] : memref<64x128xf32, #tpu.memory_space<vmem>> -> memref<64x128xf32, #tpu.memory_space<vmem>>
      %dma_start3A_125 = arith.constant 0 : i32
      %dma_start3A_126 = tpu.memref_slice %arg9[%add3A_119, %dma_start3A_125] : memref<10112x128xf32, #tpu.memory_space<vmem_shared>> -> memref<64x128xf32, #tpu.memory_space<vmem_shared>>
      %dma_start3A_127 = arith.constant 0 : i32
      %dma_start3A_128 = arith.constant 0 : i32
      %dma_start3A_129 = tpu.memref_slice %arg11[%dma_start3A_127, %dma_start3A_128] : memref<64x128xf32, #tpu.memory_space<vmem>> -> memref<64x128xf32, #tpu.memory_space<vmem>>
      %dma_start3A_130 = arith.constant 0 : i32
      %dma_start3A_131 = tpu.memref_slice %arg9[%add3A_119, %dma_start3A_130] : memref<10112x128xf32, #tpu.memory_space<vmem_shared>> -> memref<64x128xf32, #tpu.memory_space<vmem_shared>>
      tpu.enqueue_dma source(%dma_start3A_131 : memref<64x128xf32, #tpu.memory_space<vmem_shared>>) target(%dma_start3A_129 : memref<64x128xf32, #tpu.memory_space<vmem>>) target_semaphore(%run_scoped3A : memref<!tpu.dma_semaphore, #tpu.memory_space<semaphore_mem>>)
      %dma_wait3A = arith.constant 0 : i32
      %dma_wait3A_132 = arith.constant 0 : i32
      %dma_wait3A_133 = tpu.memref_slice %arg11[%dma_wait3A, %dma_wait3A_132] : memref<64x128xf32, #tpu.memory_space<vmem>> -> memref<64x128xf32, #tpu.memory_space<vmem>>
      %dma_wait3A_134 = arith.constant 0 : i32
      %dma_wait3A_135 = tpu.memref_slice %arg9[%add3A_119, %dma_wait3A_134] : memref<10112x128xf32, #tpu.memory_space<vmem_shared>> -> memref<64x128xf32, #tpu.memory_space<vmem_shared>>
      %dma_wait3A_136 = arith.constant 0 : i32
      %dma_wait3A_137 = arith.constant 0 : i32
      %dma_wait3A_138 = tpu.memref_slice %arg11[%dma_wait3A_136, %dma_wait3A_137] : memref<64x128xf32, #tpu.memory_space<vmem>> -> memref<64x128xf32, #tpu.memory_space<vmem>>
      %dma_wait3A_139 = arith.constant 0 : i32
      %dma_wait3A_140 = tpu.memref_slice %arg9[%add3A_119, %dma_wait3A_139] : memref<10112x128xf32, #tpu.memory_space<vmem_shared>> -> memref<64x128xf32, #tpu.memory_space<vmem_shared>>
      tpu.wait_dma2 semaphore(%run_scoped3A : memref<!tpu.dma_semaphore, #tpu.memory_space<semaphore_mem>>) src(%dma_wait3A_140 : memref<64x128xf32, #tpu.memory_space<vmem_shared>>) dst(%dma_wait3A_138 : memref<64x128xf32, #tpu.memory_space<vmem>>)
      tpu.yield
    }) : () -> ()
    "tpu.region"() ({
      %run_scoped3A = tpu.sem_alloc : memref<!tpu.dma_semaphore, #tpu.memory_space<semaphore_mem>>
      %dma_start3A_122 = arith.constant 0 : i32
      %dma_start3A_123 = arith.constant 0 : i32
      %dma_start3A_124 = tpu.memref_slice %arg11[%dma_start3A_122, %dma_start3A_123] : memref<64x128xf32, #tpu.memory_space<vmem>> -> memref<64x128xf32, #tpu.memory_space<vmem>>
      %dma_start3A_125 = arith.constant 0 : i32
      %dma_start3A_126 = tpu.memref_slice %arg7[%arg0, %add3A_119, %dma_start3A_125] : memref<2x10112x128xf32, #tpu.memory_space<hbm>> -> memref<1x64x128xf32, #tpu.memory_space<hbm>>
      %dma_start3A_127 = tpu.memref_squeeze %dma_start3A_126 : memref<1x64x128xf32, #tpu.memory_space<hbm>> -> memref<64x128xf32, #tpu.memory_space<hbm>>
      %dma_start3A_128 = arith.constant 0 : i32
      %dma_start3A_129 = tpu.memref_slice %arg7[%arg0, %add3A_119, %dma_start3A_128] : memref<2x10112x128xf32, #tpu.memory_space<hbm>> -> memref<1x64x128xf32, #tpu.memory_space<hbm>>
      %dma_start3A_130 = tpu.memref_squeeze %dma_start3A_129 : memref<1x64x128xf32, #tpu.memory_space<hbm>> -> memref<64x128xf32, #tpu.memory_space<hbm>>
      %dma_start3A_131 = arith.constant 0 : i32
      %dma_start3A_132 = arith.constant 0 : i32
      %dma_start3A_133 = tpu.memref_slice %arg11[%dma_start3A_131, %dma_start3A_132] : memref<64x128xf32, #tpu.memory_space<vmem>> -> memref<64x128xf32, #tpu.memory_space<vmem>>
      tpu.enqueue_dma source(%dma_start3A_133 : memref<64x128xf32, #tpu.memory_space<vmem>>) target(%dma_start3A_130 : memref<64x128xf32, #tpu.memory_space<hbm>>) target_semaphore(%run_scoped3A : memref<!tpu.dma_semaphore, #tpu.memory_space<semaphore_mem>>)
      %dma_wait3A = arith.constant 0 : i32
      %dma_wait3A_134 = arith.constant 0 : i32
      %dma_wait3A_135 = tpu.memref_slice %arg11[%dma_wait3A, %dma_wait3A_134] : memref<64x128xf32, #tpu.memory_space<vmem>> -> memref<64x128xf32, #tpu.memory_space<vmem>>
      %dma_wait3A_136 = arith.constant 0 : i32
      %dma_wait3A_137 = tpu.memref_slice %arg7[%arg0, %add3A_119, %dma_wait3A_136] : memref<2x10112x128xf32, #tpu.memory_space<hbm>> -> memref<1x64x128xf32, #tpu.memory_space<hbm>>
      %dma_wait3A_138 = tpu.memref_squeeze %dma_wait3A_137 : memref<1x64x128xf32, #tpu.memory_space<hbm>> -> memref<64x128xf32, #tpu.memory_space<hbm>>
      %dma_wait3A_139 = arith.constant 0 : i32
      %dma_wait3A_140 = tpu.memref_slice %arg7[%arg0, %add3A_119, %dma_wait3A_139] : memref<2x10112x128xf32, #tpu.memory_space<hbm>> -> memref<1x64x128xf32, #tpu.memory_space<hbm>>
      %dma_wait3A_141 = tpu.memref_squeeze %dma_wait3A_140 : memref<1x64x128xf32, #tpu.memory_space<hbm>> -> memref<64x128xf32, #tpu.memory_space<hbm>>
      %dma_wait3A_142 = arith.constant 0 : i32
      %dma_wait3A_143 = arith.constant 0 : i32
      %dma_wait3A_144 = tpu.memref_slice %arg11[%dma_wait3A_142, %dma_wait3A_143] : memref<64x128xf32, #tpu.memory_space<vmem>> -> memref<64x128xf32, #tpu.memory_space<vmem>>
      tpu.wait_dma2 semaphore(%run_scoped3A : memref<!tpu.dma_semaphore, #tpu.memory_space<semaphore_mem>>) src(%dma_wait3A_144 : memref<64x128xf32, #tpu.memory_space<vmem>>) dst(%dma_wait3A_141 : memref<64x128xf32, #tpu.memory_space<hbm>>)
      tpu.yield
    }) : () -> ()
    "tpu.region"() ({
      %run_scoped3A = tpu.sem_alloc : memref<!tpu.dma_semaphore, #tpu.memory_space<semaphore_mem>>
      %dma_start3A_122 = arith.constant 0 : i32
      %dma_start3A_123 = arith.constant 0 : i32
      %dma_start3A_124 = tpu.memref_slice %arg21[%dma_start3A_122, %dma_start3A_123] : memref<64x16xf32, #tpu.memory_space<vmem>> -> memref<64x16xf32, #tpu.memory_space<vmem>>
      %dma_start3A_125 = arith.constant 0 : i32
      %dma_start3A_126 = tpu.memref_slice %arg10[%add3A_119, %dma_start3A_125] : memref<10112x16xf32, #tpu.memory_space<vmem_shared>> -> memref<64x16xf32, #tpu.memory_space<vmem_shared>>
      %dma_start3A_127 = arith.constant 0 : i32
      %dma_start3A_128 = arith.constant 0 : i32
      %dma_start3A_129 = tpu.memref_slice %arg21[%dma_start3A_127, %dma_start3A_128] : memref<64x16xf32, #tpu.memory_space<vmem>> -> memref<64x16xf32, #tpu.memory_space<vmem>>
      %dma_start3A_130 = arith.constant 0 : i32
      %dma_start3A_131 = tpu.memref_slice %arg10[%add3A_119, %dma_start3A_130] : memref<10112x16xf32, #tpu.memory_space<vmem_shared>> -> memref<64x16xf32, #tpu.memory_space<vmem_shared>>
      tpu.enqueue_dma source(%dma_start3A_131 : memref<64x16xf32, #tpu.memory_space<vmem_shared>>) target(%dma_start3A_129 : memref<64x16xf32, #tpu.memory_space<vmem>>) target_semaphore(%run_scoped3A : memref<!tpu.dma_semaphore, #tpu.memory_space<semaphore_mem>>)
      %dma_wait3A = arith.constant 0 : i32
      %dma_wait3A_132 = arith.constant 0 : i32
      %dma_wait3A_133 = tpu.memref_slice %arg21[%dma_wait3A, %dma_wait3A_132] : memref<64x16xf32, #tpu.memory_space<vmem>> -> memref<64x16xf32, #tpu.memory_space<vmem>>
      %dma_wait3A_134 = arith.constant 0 : i32
      %dma_wait3A_135 = tpu.memref_slice %arg10[%add3A_119, %dma_wait3A_134] : memref<10112x16xf32, #tpu.memory_space<vmem_shared>> -> memref<64x16xf32, #tpu.memory_space<vmem_shared>>
      %dma_wait3A_136 = arith.constant 0 : i32
      %dma_wait3A_137 = arith.constant 0 : i32
      %dma_wait3A_138 = tpu.memref_slice %arg21[%dma_wait3A_136, %dma_wait3A_137] : memref<64x16xf32, #tpu.memory_space<vmem>> -> memref<64x16xf32, #tpu.memory_space<vmem>>
      %dma_wait3A_139 = arith.constant 0 : i32
      %dma_wait3A_140 = tpu.memref_slice %arg10[%add3A_119, %dma_wait3A_139] : memref<10112x16xf32, #tpu.memory_space<vmem_shared>> -> memref<64x16xf32, #tpu.memory_space<vmem_shared>>
      tpu.wait_dma2 semaphore(%run_scoped3A : memref<!tpu.dma_semaphore, #tpu.memory_space<semaphore_mem>>) src(%dma_wait3A_140 : memref<64x16xf32, #tpu.memory_space<vmem_shared>>) dst(%dma_wait3A_138 : memref<64x16xf32, #tpu.memory_space<vmem>>)
      tpu.yield
    }) : () -> ()
    "tpu.region"() ({
      %run_scoped3A = tpu.sem_alloc : memref<!tpu.dma_semaphore, #tpu.memory_space<semaphore_mem>>
      %dma_start3A_122 = arith.constant 0 : i32
      %dma_start3A_123 = arith.constant 0 : i32
      %dma_start3A_124 = tpu.memref_slice %arg21[%dma_start3A_122, %dma_start3A_123] : memref<64x16xf32, #tpu.memory_space<vmem>> -> memref<64x16xf32, #tpu.memory_space<vmem>>
      %dma_start3A_125 = arith.constant 0 : i32
      %dma_start3A_126 = tpu.memref_slice %arg8[%arg0, %add3A_119, %dma_start3A_125] : memref<2x10112x16xf32, #tpu.memory_space<hbm>> -> memref<1x64x16xf32, #tpu.memory_space<hbm>>
      %dma_start3A_127 = tpu.memref_squeeze %dma_start3A_126 : memref<1x64x16xf32, #tpu.memory_space<hbm>> -> memref<64x16xf32, #tpu.memory_space<hbm>>
      %dma_start3A_128 = arith.constant 0 : i32
      %dma_start3A_129 = tpu.memref_slice %arg8[%arg0, %add3A_119, %dma_start3A_128] : memref<2x10112x16xf32, #tpu.memory_space<hbm>> -> memref<1x64x16xf32, #tpu.memory_space<hbm>>
      %dma_start3A_130 = tpu.memref_squeeze %dma_start3A_129 : memref<1x64x16xf32, #tpu.memory_space<hbm>> -> memref<64x16xf32, #tpu.memory_space<hbm>>
      %dma_start3A_131 = arith.constant 0 : i32
      %dma_start3A_132 = arith.constant 0 : i32
      %dma_start3A_133 = tpu.memref_slice %arg21[%dma_start3A_131, %dma_start3A_132] : memref<64x16xf32, #tpu.memory_space<vmem>> -> memref<64x16xf32, #tpu.memory_space<vmem>>
      tpu.enqueue_dma source(%dma_start3A_133 : memref<64x16xf32, #tpu.memory_space<vmem>>) target(%dma_start3A_130 : memref<64x16xf32, #tpu.memory_space<hbm>>) target_semaphore(%run_scoped3A : memref<!tpu.dma_semaphore, #tpu.memory_space<semaphore_mem>>)
      %dma_wait3A = arith.constant 0 : i32
      %dma_wait3A_134 = arith.constant 0 : i32
      %dma_wait3A_135 = tpu.memref_slice %arg21[%dma_wait3A, %dma_wait3A_134] : memref<64x16xf32, #tpu.memory_space<vmem>> -> memref<64x16xf32, #tpu.memory_space<vmem>>
      %dma_wait3A_136 = arith.constant 0 : i32
      %dma_wait3A_137 = tpu.memref_slice %arg8[%arg0, %add3A_119, %dma_wait3A_136] : memref<2x10112x16xf32, #tpu.memory_space<hbm>> -> memref<1x64x16xf32, #tpu.memory_space<hbm>>
      %dma_wait3A_138 = tpu.memref_squeeze %dma_wait3A_137 : memref<1x64x16xf32, #tpu.memory_space<hbm>> -> memref<64x16xf32, #tpu.memory_space<hbm>>
      %dma_wait3A_139 = arith.constant 0 : i32
      %dma_wait3A_140 = tpu.memref_slice %arg8[%arg0, %add3A_119, %dma_wait3A_139] : memref<2x10112x16xf32, #tpu.memory_space<hbm>> -> memref<1x64x16xf32, #tpu.memory_space<hbm>>
      %dma_wait3A_141 = tpu.memref_squeeze %dma_wait3A_140 : memref<1x64x16xf32, #tpu.memory_space<hbm>> -> memref<64x16xf32, #tpu.memory_space<hbm>>
      %dma_wait3A_142 = arith.constant 0 : i32
      %dma_wait3A_143 = arith.constant 0 : i32
      %dma_wait3A_144 = tpu.memref_slice %arg21[%dma_wait3A_142, %dma_wait3A_143] : memref<64x16xf32, #tpu.memory_space<vmem>> -> memref<64x16xf32, #tpu.memory_space<vmem>>
      tpu.wait_dma2 semaphore(%run_scoped3A : memref<!tpu.dma_semaphore, #tpu.memory_space<semaphore_mem>>) src(%dma_wait3A_144 : memref<64x16xf32, #tpu.memory_space<vmem>>) dst(%dma_wait3A_141 : memref<64x16xf32, #tpu.memory_space<hbm>>)
      tpu.yield
    }) : () -> ()
    %add3A_120 = arith.constant 576 : i32
    %add3A_121 = arith.addi %mul3A_9, %add3A_120 : i32
    "tpu.region"() ({
      %run_scoped3A = tpu.sem_alloc : memref<!tpu.dma_semaphore, #tpu.memory_space<semaphore_mem>>
      %dma_start3A_122 = arith.constant 0 : i32
      %dma_start3A_123 = arith.constant 0 : i32
      %dma_start3A_124 = tpu.memref_slice %arg11[%dma_start3A_122, %dma_start3A_123] : memref<64x128xf32, #tpu.memory_space<vmem>> -> memref<56x128xf32, #tpu.memory_space<vmem>>
      %dma_start3A_125 = arith.constant 0 : i32
      %dma_start3A_126 = tpu.memref_slice %arg9[%add3A_121, %dma_start3A_125] : memref<10112x128xf32, #tpu.memory_space<vmem_shared>> -> memref<56x128xf32, #tpu.memory_space<vmem_shared>>
      %dma_start3A_127 = arith.constant 0 : i32
      %dma_start3A_128 = arith.constant 0 : i32
      %dma_start3A_129 = tpu.memref_slice %arg11[%dma_start3A_127, %dma_start3A_128] : memref<64x128xf32, #tpu.memory_space<vmem>> -> memref<56x128xf32, #tpu.memory_space<vmem>>
      %dma_start3A_130 = arith.constant 0 : i32
      %dma_start3A_131 = tpu.memref_slice %arg9[%add3A_121, %dma_start3A_130] : memref<10112x128xf32, #tpu.memory_space<vmem_shared>> -> memref<56x128xf32, #tpu.memory_space<vmem_shared>>
      tpu.enqueue_dma source(%dma_start3A_131 : memref<56x128xf32, #tpu.memory_space<vmem_shared>>) target(%dma_start3A_129 : memref<56x128xf32, #tpu.memory_space<vmem>>) target_semaphore(%run_scoped3A : memref<!tpu.dma_semaphore, #tpu.memory_space<semaphore_mem>>)
      %dma_wait3A = arith.constant 0 : i32
      %dma_wait3A_132 = arith.constant 0 : i32
      %dma_wait3A_133 = tpu.memref_slice %arg11[%dma_wait3A, %dma_wait3A_132] : memref<64x128xf32, #tpu.memory_space<vmem>> -> memref<56x128xf32, #tpu.memory_space<vmem>>
      %dma_wait3A_134 = arith.constant 0 : i32
      %dma_wait3A_135 = tpu.memref_slice %arg9[%add3A_121, %dma_wait3A_134] : memref<10112x128xf32, #tpu.memory_space<vmem_shared>> -> memref<56x128xf32, #tpu.memory_space<vmem_shared>>
      %dma_wait3A_136 = arith.constant 0 : i32
      %dma_wait3A_137 = arith.constant 0 : i32
      %dma_wait3A_138 = tpu.memref_slice %arg11[%dma_wait3A_136, %dma_wait3A_137] : memref<64x128xf32, #tpu.memory_space<vmem>> -> memref<56x128xf32, #tpu.memory_space<vmem>>
      %dma_wait3A_139 = arith.constant 0 : i32
      %dma_wait3A_140 = tpu.memref_slice %arg9[%add3A_121, %dma_wait3A_139] : memref<10112x128xf32, #tpu.memory_space<vmem_shared>> -> memref<56x128xf32, #tpu.memory_space<vmem_shared>>
      tpu.wait_dma2 semaphore(%run_scoped3A : memref<!tpu.dma_semaphore, #tpu.memory_space<semaphore_mem>>) src(%dma_wait3A_140 : memref<56x128xf32, #tpu.memory_space<vmem_shared>>) dst(%dma_wait3A_138 : memref<56x128xf32, #tpu.memory_space<vmem>>)
      tpu.yield
    }) : () -> ()
    "tpu.region"() ({
      %run_scoped3A = tpu.sem_alloc : memref<!tpu.dma_semaphore, #tpu.memory_space<semaphore_mem>>
      %dma_start3A_122 = arith.constant 0 : i32
      %dma_start3A_123 = arith.constant 0 : i32
      %dma_start3A_124 = tpu.memref_slice %arg11[%dma_start3A_122, %dma_start3A_123] : memref<64x128xf32, #tpu.memory_space<vmem>> -> memref<56x128xf32, #tpu.memory_space<vmem>>
      %dma_start3A_125 = arith.constant 0 : i32
      %dma_start3A_126 = tpu.memref_slice %arg7[%arg0, %add3A_121, %dma_start3A_125] : memref<2x10112x128xf32, #tpu.memory_space<hbm>> -> memref<1x56x128xf32, #tpu.memory_space<hbm>>
      %dma_start3A_127 = tpu.memref_squeeze %dma_start3A_126 : memref<1x56x128xf32, #tpu.memory_space<hbm>> -> memref<56x128xf32, #tpu.memory_space<hbm>>
      %dma_start3A_128 = arith.constant 0 : i32
      %dma_start3A_129 = tpu.memref_slice %arg7[%arg0, %add3A_121, %dma_start3A_128] : memref<2x10112x128xf32, #tpu.memory_space<hbm>> -> memref<1x56x128xf32, #tpu.memory_space<hbm>>
      %dma_start3A_130 = tpu.memref_squeeze %dma_start3A_129 : memref<1x56x128xf32, #tpu.memory_space<hbm>> -> memref<56x128xf32, #tpu.memory_space<hbm>>
      %dma_start3A_131 = arith.constant 0 : i32
      %dma_start3A_132 = arith.constant 0 : i32
      %dma_start3A_133 = tpu.memref_slice %arg11[%dma_start3A_131, %dma_start3A_132] : memref<64x128xf32, #tpu.memory_space<vmem>> -> memref<56x128xf32, #tpu.memory_space<vmem>>
      tpu.enqueue_dma source(%dma_start3A_133 : memref<56x128xf32, #tpu.memory_space<vmem>>) target(%dma_start3A_130 : memref<56x128xf32, #tpu.memory_space<hbm>>) target_semaphore(%run_scoped3A : memref<!tpu.dma_semaphore, #tpu.memory_space<semaphore_mem>>)
      %dma_wait3A = arith.constant 0 : i32
      %dma_wait3A_134 = arith.constant 0 : i32
      %dma_wait3A_135 = tpu.memref_slice %arg11[%dma_wait3A, %dma_wait3A_134] : memref<64x128xf32, #tpu.memory_space<vmem>> -> memref<56x128xf32, #tpu.memory_space<vmem>>
      %dma_wait3A_136 = arith.constant 0 : i32
      %dma_wait3A_137 = tpu.memref_slice %arg7[%arg0, %add3A_121, %dma_wait3A_136] : memref<2x10112x128xf32, #tpu.memory_space<hbm>> -> memref<1x56x128xf32, #tpu.memory_space<hbm>>
      %dma_wait3A_138 = tpu.memref_squeeze %dma_wait3A_137 : memref<1x56x128xf32, #tpu.memory_space<hbm>> -> memref<56x128xf32, #tpu.memory_space<hbm>>
      %dma_wait3A_139 = arith.constant 0 : i32
      %dma_wait3A_140 = tpu.memref_slice %arg7[%arg0, %add3A_121, %dma_wait3A_139] : memref<2x10112x128xf32, #tpu.memory_space<hbm>> -> memref<1x56x128xf32, #tpu.memory_space<hbm>>
      %dma_wait3A_141 = tpu.memref_squeeze %dma_wait3A_140 : memref<1x56x128xf32, #tpu.memory_space<hbm>> -> memref<56x128xf32, #tpu.memory_space<hbm>>
      %dma_wait3A_142 = arith.constant 0 : i32
      %dma_wait3A_143 = arith.constant 0 : i32
      %dma_wait3A_144 = tpu.memref_slice %arg11[%dma_wait3A_142, %dma_wait3A_143] : memref<64x128xf32, #tpu.memory_space<vmem>> -> memref<56x128xf32, #tpu.memory_space<vmem>>
      tpu.wait_dma2 semaphore(%run_scoped3A : memref<!tpu.dma_semaphore, #tpu.memory_space<semaphore_mem>>) src(%dma_wait3A_144 : memref<56x128xf32, #tpu.memory_space<vmem>>) dst(%dma_wait3A_141 : memref<56x128xf32, #tpu.memory_space<hbm>>)
      tpu.yield
    }) : () -> ()
    "tpu.region"() ({
      %run_scoped3A = tpu.sem_alloc : memref<!tpu.dma_semaphore, #tpu.memory_space<semaphore_mem>>
      %dma_start3A_122 = arith.constant 0 : i32
      %dma_start3A_123 = arith.constant 0 : i32
      %dma_start3A_124 = tpu.memref_slice %arg21[%dma_start3A_122, %dma_start3A_123] : memref<64x16xf32, #tpu.memory_space<vmem>> -> memref<56x16xf32, #tpu.memory_space<vmem>>
      %dma_start3A_125 = arith.constant 0 : i32
      %dma_start3A_126 = tpu.memref_slice %arg10[%add3A_121, %dma_start3A_125] : memref<10112x16xf32, #tpu.memory_space<vmem_shared>> -> memref<56x16xf32, #tpu.memory_space<vmem_shared>>
      %dma_start3A_127 = arith.constant 0 : i32
      %dma_start3A_128 = arith.constant 0 : i32
      %dma_start3A_129 = tpu.memref_slice %arg21[%dma_start3A_127, %dma_start3A_128] : memref<64x16xf32, #tpu.memory_space<vmem>> -> memref<56x16xf32, #tpu.memory_space<vmem>>
      %dma_start3A_130 = arith.constant 0 : i32
      %dma_start3A_131 = tpu.memref_slice %arg10[%add3A_121, %dma_start3A_130] : memref<10112x16xf32, #tpu.memory_space<vmem_shared>> -> memref<56x16xf32, #tpu.memory_space<vmem_shared>>
      tpu.enqueue_dma source(%dma_start3A_131 : memref<56x16xf32, #tpu.memory_space<vmem_shared>>) target(%dma_start3A_129 : memref<56x16xf32, #tpu.memory_space<vmem>>) target_semaphore(%run_scoped3A : memref<!tpu.dma_semaphore, #tpu.memory_space<semaphore_mem>>)
      %dma_wait3A = arith.constant 0 : i32
      %dma_wait3A_132 = arith.constant 0 : i32
      %dma_wait3A_133 = tpu.memref_slice %arg21[%dma_wait3A, %dma_wait3A_132] : memref<64x16xf32, #tpu.memory_space<vmem>> -> memref<56x16xf32, #tpu.memory_space<vmem>>
      %dma_wait3A_134 = arith.constant 0 : i32
      %dma_wait3A_135 = tpu.memref_slice %arg10[%add3A_121, %dma_wait3A_134] : memref<10112x16xf32, #tpu.memory_space<vmem_shared>> -> memref<56x16xf32, #tpu.memory_space<vmem_shared>>
      %dma_wait3A_136 = arith.constant 0 : i32
      %dma_wait3A_137 = arith.constant 0 : i32
      %dma_wait3A_138 = tpu.memref_slice %arg21[%dma_wait3A_136, %dma_wait3A_137] : memref<64x16xf32, #tpu.memory_space<vmem>> -> memref<56x16xf32, #tpu.memory_space<vmem>>
      %dma_wait3A_139 = arith.constant 0 : i32
      %dma_wait3A_140 = tpu.memref_slice %arg10[%add3A_121, %dma_wait3A_139] : memref<10112x16xf32, #tpu.memory_space<vmem_shared>> -> memref<56x16xf32, #tpu.memory_space<vmem_shared>>
      tpu.wait_dma2 semaphore(%run_scoped3A : memref<!tpu.dma_semaphore, #tpu.memory_space<semaphore_mem>>) src(%dma_wait3A_140 : memref<56x16xf32, #tpu.memory_space<vmem_shared>>) dst(%dma_wait3A_138 : memref<56x16xf32, #tpu.memory_space<vmem>>)
      tpu.yield
    }) : () -> ()
    "tpu.region"() ({
      %run_scoped3A = tpu.sem_alloc : memref<!tpu.dma_semaphore, #tpu.memory_space<semaphore_mem>>
      %dma_start3A_122 = arith.constant 0 : i32
      %dma_start3A_123 = arith.constant 0 : i32
      %dma_start3A_124 = tpu.memref_slice %arg21[%dma_start3A_122, %dma_start3A_123] : memref<64x16xf32, #tpu.memory_space<vmem>> -> memref<56x16xf32, #tpu.memory_space<vmem>>
      %dma_start3A_125 = arith.constant 0 : i32
      %dma_start3A_126 = tpu.memref_slice %arg8[%arg0, %add3A_121, %dma_start3A_125] : memref<2x10112x16xf32, #tpu.memory_space<hbm>> -> memref<1x56x16xf32, #tpu.memory_space<hbm>>
      %dma_start3A_127 = tpu.memref_squeeze %dma_start3A_126 : memref<1x56x16xf32, #tpu.memory_space<hbm>> -> memref<56x16xf32, #tpu.memory_space<hbm>>
      %dma_start3A_128 = arith.constant 0 : i32
      %dma_start3A_129 = tpu.memref_slice %arg8[%arg0, %add3A_121, %dma_start3A_128] : memref<2x10112x16xf32, #tpu.memory_space<hbm>> -> memref<1x56x16xf32, #tpu.memory_space<hbm>>
      %dma_start3A_130 = tpu.memref_squeeze %dma_start3A_129 : memref<1x56x16xf32, #tpu.memory_space<hbm>> -> memref<56x16xf32, #tpu.memory_space<hbm>>
      %dma_start3A_131 = arith.constant 0 : i32
      %dma_start3A_132 = arith.constant 0 : i32
      %dma_start3A_133 = tpu.memref_slice %arg21[%dma_start3A_131, %dma_start3A_132] : memref<64x16xf32, #tpu.memory_space<vmem>> -> memref<56x16xf32, #tpu.memory_space<vmem>>
      tpu.enqueue_dma source(%dma_start3A_133 : memref<56x16xf32, #tpu.memory_space<vmem>>) target(%dma_start3A_130 : memref<56x16xf32, #tpu.memory_space<hbm>>) target_semaphore(%run_scoped3A : memref<!tpu.dma_semaphore, #tpu.memory_space<semaphore_mem>>)
      %dma_wait3A = arith.constant 0 : i32
      %dma_wait3A_134 = arith.constant 0 : i32
      %dma_wait3A_135 = tpu.memref_slice %arg21[%dma_wait3A, %dma_wait3A_134] : memref<64x16xf32, #tpu.memory_space<vmem>> -> memref<56x16xf32, #tpu.memory_space<vmem>>
      %dma_wait3A_136 = arith.constant 0 : i32
      %dma_wait3A_137 = tpu.memref_slice %arg8[%arg0, %add3A_121, %dma_wait3A_136] : memref<2x10112x16xf32, #tpu.memory_space<hbm>> -> memref<1x56x16xf32, #tpu.memory_space<hbm>>
      %dma_wait3A_138 = tpu.memref_squeeze %dma_wait3A_137 : memref<1x56x16xf32, #tpu.memory_space<hbm>> -> memref<56x16xf32, #tpu.memory_space<hbm>>
      %dma_wait3A_139 = arith.constant 0 : i32
      %dma_wait3A_140 = tpu.memref_slice %arg8[%arg0, %add3A_121, %dma_wait3A_139] : memref<2x10112x16xf32, #tpu.memory_space<hbm>> -> memref<1x56x16xf32, #tpu.memory_space<hbm>>
      %dma_wait3A_141 = tpu.memref_squeeze %dma_wait3A_140 : memref<1x56x16xf32, #tpu.memory_space<hbm>> -> memref<56x16xf32, #tpu.memory_space<hbm>>
      %dma_wait3A_142 = arith.constant 0 : i32
      %dma_wait3A_143 = arith.constant 0 : i32
      %dma_wait3A_144 = tpu.memref_slice %arg21[%dma_wait3A_142, %dma_wait3A_143] : memref<64x16xf32, #tpu.memory_space<vmem>> -> memref<56x16xf32, #tpu.memory_space<vmem>>
      tpu.wait_dma2 semaphore(%run_scoped3A : memref<!tpu.dma_semaphore, #tpu.memory_space<semaphore_mem>>) src(%dma_wait3A_144 : memref<56x16xf32, #tpu.memory_space<vmem>>) dst(%dma_wait3A_141 : memref<56x16xf32, #tpu.memory_space<hbm>>)
      tpu.yield
    }) : () -> ()
    return
  }
}

module attributes {stable_mosaic.version = 14 : i64} {
  func.func @_project_body(%arg0: i32, %arg1: memref<1000x128xf32, #tpu.memory_space<vmem>>, %arg2: memref<128x128xf32, #tpu.memory_space<vmem>>, %arg3: memref<128x128xf32, #tpu.memory_space<vmem>>, %arg4: memref<1000x128xf32, #tpu.memory_space<vmem>>, %arg5: memref<1000x128xf32, #tpu.memory_space<vmem>>) attributes {dimension_semantics = [#tpu.dimension_semantics<arbitrary>], iteration_bounds = array<i64: 10>, scalar_prefetch = 0 : i64, scratch_operands = 0 : i64, tpu.core_type = #tpu.core_type<tc>, window_params = [{transform_indices = @transform_0, window_bounds = array<i64: 1000, 128>}, {pipeline_mode = #tpu.pipeline_mode<synchronous>, transform_indices = @transform_1, window_bounds = array<i64: 128, 128>}, {pipeline_mode = #tpu.pipeline_mode<synchronous>, transform_indices = @transform_2, window_bounds = array<i64: 128, 128>}, {transform_indices = @transform_3, window_bounds = array<i64: 1000, 128>}, {transform_indices = @transform_4, window_bounds = array<i64: 1000, 128>}]} {
    %get3A = arith.constant 0 : index
    %get3A_0 = arith.constant 0 : index
    %get3A_1 = vector.load %arg1[%get3A, %get3A_0] : memref<1000x128xf32, #tpu.memory_space<vmem>>, vector<1000x128xf32>
    %get3A_2 = arith.constant 0 : index
    %get3A_3 = arith.constant 0 : index
    %get3A_4 = vector.load %arg2[%get3A_2, %get3A_3] : memref<128x128xf32, #tpu.memory_space<vmem>>, vector<128x128xf32>
    %dot_general3A = arith.constant dense<0.000000e+00> : vector<1000x128xf32>
    %dot_general3A_5 = tpu.matmul %get3A_1, %get3A_4, %dot_general3A {dimension_numbers = #tpu.dot_dimension_numbers<[1], [0], [0], [1], [0, 0, 1, 1], [], []>, transpose_lhs_hint = false} : vector<1000x128xf32>, vector<128x128xf32>, vector<1000x128xf32> -> vector<1000x128xf32>
    %swap3A = arith.constant 0 : index
    %swap3A_6 = arith.constant 0 : index
    %swap3A_7 = vector.load %arg4[%swap3A, %swap3A_6] : memref<1000x128xf32, #tpu.memory_space<vmem>>, vector<1000x128xf32>
    tpu.vector_store %arg4[%swap3A, %swap3A_6], %dot_general3A_5 {strides = array<i32>} : memref<1000x128xf32, #tpu.memory_space<vmem>>, vector<1000x128xf32>,
    %get3A_8 = arith.constant 0 : index
    %get3A_9 = arith.constant 0 : index
    %get3A_10 = vector.load %arg3[%get3A_8, %get3A_9] : memref<128x128xf32, #tpu.memory_space<vmem>>, vector<128x128xf32>
    %dot_general3A_11 = arith.constant dense<0.000000e+00> : vector<1000x128xf32>
    %dot_general3A_12 = tpu.matmul %get3A_1, %get3A_10, %dot_general3A_11 {dimension_numbers = #tpu.dot_dimension_numbers<[1], [0], [0], [1], [0, 0, 1, 1], [], []>, transpose_lhs_hint = false} : vector<1000x128xf32>, vector<128x128xf32>, vector<1000x128xf32> -> vector<1000x128xf32>
    %swap3A_13 = arith.constant 0 : index
    %swap3A_14 = arith.constant 0 : index
    %swap3A_15 = vector.load %arg5[%swap3A_13, %swap3A_14] : memref<1000x128xf32, #tpu.memory_space<vmem>>, vector<1000x128xf32>
    tpu.vector_store %arg5[%swap3A_13, %swap3A_14], %dot_general3A_12 {strides = array<i32>} : memref<1000x128xf32, #tpu.memory_space<vmem>>, vector<1000x128xf32>,
    return
  }
  func.func @transform_0(%arg0: i32) -> (i32, i32) {
    %c0_i32 = arith.constant 0 : i32
    %c0_i32_0 = arith.constant 0 : i32
    return %arg0, %c0_i32 : i32, i32
  }
  func.func @transform_1(%arg0: i32) -> (i32, i32) {
    %c0_i32 = arith.constant 0 : i32
    %c0_i32_0 = arith.constant 0 : i32
    %c0_i32_1 = arith.constant 0 : i32
    return %c0_i32, %c0_i32_0 : i32, i32
  }
  func.func @transform_2(%arg0: i32) -> (i32, i32) {
    %c0_i32 = arith.constant 0 : i32
    %c0_i32_0 = arith.constant 0 : i32
    %c0_i32_1 = arith.constant 0 : i32
    return %c0_i32, %c0_i32_0 : i32, i32
  }
  func.func @transform_3(%arg0: i32) -> (i32, i32) {
    %c0_i32 = arith.constant 0 : i32
    %c0_i32_0 = arith.constant 0 : i32
    return %arg0, %c0_i32 : i32, i32
  }
  func.func @transform_4(%arg0: i32) -> (i32, i32) {
    %c0_i32 = arith.constant 0 : i32
    %c0_i32_0 = arith.constant 0 : i32
    return %arg0, %c0_i32 : i32, i32
  }
}

module attributes {stable_mosaic.version = 14 : i64} {
  func.func @_epilogue_body(%arg0: i32, %arg1: memref<2x1000x128xf32, #tpu.memory_space<vmem>>, %arg2: memref<2x1000x16xf32, #tpu.memory_space<vmem>>, %arg3: memref<1000x128xf32, #tpu.memory_space<vmem>>) attributes {dimension_semantics = [#tpu.dimension_semantics<arbitrary>], iteration_bounds = array<i64: 10>, scalar_prefetch = 0 : i64, scratch_operands = 0 : i64, tpu.core_type = #tpu.core_type<tc>, window_params = [{transform_indices = @transform_0, window_bounds = array<i64: 2, 1000, 128>}, {transform_indices = @transform_1, window_bounds = array<i64: 2, 1000, 16>}, {transform_indices = @transform_2, window_bounds = array<i64: 1000, 128>}]} {
    %get3A = arith.constant 0 : index
    %get3A_0 = arith.constant 0 : index
    %get3A_1 = arith.constant 0 : index
    %get3A_2 = vector.load %arg1[%get3A, %get3A_0, %get3A_1] : memref<2x1000x128xf32, #tpu.memory_space<vmem>>, vector<1x1000x128xf32>
    %get3A_3 = vector.shape_cast %get3A_2 : vector<1x1000x128xf32> to vector<1000x128xf32>
    %get3A_4 = arith.constant 1 : index
    %get3A_5 = arith.constant 0 : index
    %get3A_6 = arith.constant 0 : index
    %get3A_7 = vector.load %arg1[%get3A_4, %get3A_5, %get3A_6] : memref<2x1000x128xf32, #tpu.memory_space<vmem>>, vector<1x1000x128xf32>
    %get3A_8 = vector.shape_cast %get3A_7 : vector<1x1000x128xf32> to vector<1000x128xf32>
    %add3A = arith.addf %get3A_3, %get3A_8 : vector<1000x128xf32>
    %get3A_9 = arith.constant 0 : index
    %get3A_10 = arith.constant 0 : index
    %get3A_11 = arith.constant 0 : index
    %get3A_12 = vector.load %arg2[%get3A_9, %get3A_10, %get3A_11] : memref<2x1000x16xf32, #tpu.memory_space<vmem>>, vector<1x1000x1xf32>
    %get3A_13 = vector.shape_cast %get3A_12 : vector<1x1000x1xf32> to vector<1000x1xf32>
    %get3A_14 = arith.constant 1 : index
    %get3A_15 = arith.constant 0 : index
    %get3A_16 = arith.constant 0 : index
    %get3A_17 = vector.load %arg2[%get3A_14, %get3A_15, %get3A_16] : memref<2x1000x16xf32, #tpu.memory_space<vmem>>, vector<1x1000x1xf32>
    %get3A_18 = vector.shape_cast %get3A_17 : vector<1x1000x1xf32> to vector<1000x1xf32>
    %add3A_19 = arith.addf %get3A_13, %get3A_18 : vector<1000x1xf32>
    %add3A_20 = arith.constant 1.000000e-16 : f32
    %add3A_21 = vector.broadcast %add3A_20 : f32 to vector<1000x1xf32>
    %add3A_22 = arith.addf %add3A_19, %add3A_21 : vector<1000x1xf32>
    %div3A = vector.broadcast %add3A_22 : vector<1000x1xf32> to vector<1000x128xf32>
    %div3A_23 = arith.divf %add3A, %div3A : vector<1000x128xf32>
    %swap3A = arith.constant 0 : index
    %swap3A_24 = arith.constant 0 : index
    %swap3A_25 = vector.load %arg3[%swap3A, %swap3A_24] : memref<1000x128xf32, #tpu.memory_space<vmem>>, vector<1000x128xf32>
    tpu.vector_store %arg3[%swap3A, %swap3A_24], %div3A_23 {strides = array<i32>} : memref<1000x128xf32, #tpu.memory_space<vmem>>, vector<1000x128xf32>,
    return
  }
  func.func @transform_0(%arg0: i32) -> (i32, i32, i32) {
    %c0_i32 = arith.constant 0 : i32
    %c0_i32_0 = arith.constant 0 : i32
    %c0_i32_1 = arith.constant 0 : i32
    return %c0_i32, %arg0, %c0_i32_0 : i32, i32, i32
  }
  func.func @transform_1(%arg0: i32) -> (i32, i32, i32) {
    %c0_i32 = arith.constant 0 : i32
    %c0_i32_0 = arith.constant 0 : i32
    %c0_i32_1 = arith.constant 0 : i32
    return %c0_i32, %arg0, %c0_i32_0 : i32, i32, i32
  }
  func.func @transform_2(%arg0: i32) -> (i32, i32) {
    %c0_i32 = arith.constant 0 : i32
    %c0_i32_0 = arith.constant 0 : i32
    return %arg0, %c0_i32 : i32, i32
  }
}

</mosaic_0001>

<sc_bundles>
// kernel: kernel.5.cloned.1.call-start
scs
__scs_entry_jumppad:
0x0: {  	(pc) =	sbr.rel $0x88, $3  }
0x1: {  	(tag) =	ssettag $0x0;
	lr =	simm.s32 $0x1  }
0x2: {  	[smem:$0x3F9C] =	sst lr;
	_ =	strace $0xD0000000  }
0x3: {  	_ = 	snop  }
0x4: {  	_ = 	snop  }
0x5: {  	_ = 	snop  }
0x6: {  	_ = 	snop  }
0x7: {  	_ = 	snop  }
__scs_overlays_trampoline_lowered:
0x8: {  	[smem:$0x3FAB] =	sst s0  }
0x9: {  	[smem:$0x3FAC] =	sst s1  }
0xa: {  	[smem:$0x3FAD] =	sst s2  }
0xb: {  	[smem:$0x3FAE] =	sst s3  }
0xc: {  	[smem:$0x3FAF] =	sst s4  }
0xd: {  	[smem:$0x3FB0] =	sst s5  }
0xe: {  	[smem:$0x3FB1] =	sst s6  }
0xf: {  	[smem:$0x3FB2] =	sst s7  }
0x10: {  	[smem:$0x3FB3] =	sst s8  }
0x11: {  	[smem:$0x3FB4] =	sst s9;
	s0 =	simm.s32 @!p0 $0x0  }
0x12: {  	s1 =	sld [smem:$0x3F9A];
	s0 =	simm.s32 @p0 $0x1  }
0x13: {  	[smem:$0x3FB5] =	sst s0;
	s0 =	simm.s32 @!p1 $0x0  }
0x14: {  	s2 =	sld [smem:$0x3F99];
	s0 =	simm.s32 @p1 $0x1  }
0x15: {  	[smem:$0x3FB6] =	sst s0;
	s0 =	simm.s32 @!p2 $0x0  }
0x16: {  	s3 =	sld [smem:$0x3FDB];
	s0 =	simm.s32 @p2 $0x1  }
0x17: {  	s4 =	simm.s32 $0x1BF5;
	[smem:$0x3FB8] =	sst s0  }
0x18: {  	s0 =	sld [smem:$0x3F9B];
	_ =	swait.ge [sflag:s4], $0x0  }
0x19: {  	s7 =	sld [smem:$0x3F9C]  }
0x1a: {  	s8 =	sadd.s32 $0xFFFFE003, lr  }
0x1b: {  	s9 =	sadd.s32 $0xFFFFFEF7, lr;
	s5 =	simm.s32 $0xFFFFFFFF;
	p2 =	slt.u32 s8, $0xFFFFF086  }
0x1c: {  	p1 =	slt.u32 s9, $0xF7A;
	s5 =	simm.s32 @!p2 $0x0  }
0x1d: {  	s5 =	simm.s32 @p1 $0x1;
	p0 =	seq.s32 s7, s2  }
0x1e: {  	s7 =	smul.u32 @!p0 $0xF7A, s2;
	p2 =	seq.s32 @!p0 s5, $0x0  }
0x1f: {  	s9 =	smul.u32 $0xF7A, s1;
	s8 =	simm.s32 @!p0 $0x1BF5;
	p2 =	por !p2, p0  }
0x20: {  	[sflag:s8] =	ssyncset.s32 @!p0 $0xFFFFF086;
	s6 =	sadd.s32 @!p0 s3, s7;
	s7 =	simm.s32 @!p0 $0x108  }
0x21: {  	s3 =	sadd.s32 s3, s9;
	s6 =	sadd.s32 @!p0 $0x88, s6;
	s7 =	simm.s32 @p2 $0x1082  }
0x22: {  	[simem:s7], [sflag:s8] =	dma.local @!p0 [hbm:s6], $0xF7A  }
0x23: {  	s9 =	sor.u32 $0xD0000000, s2;
	s6 =	simm.s32 $0x108;
	_ =	swait.ge @!p0 [sflag:s8], $0x0  }
0x24: {  	s3 =	sadd.s32 $0x88, s3;
	s6 =	simm.s32 @!p1 $0x1082;
	[sflag:s4] =	ssyncset.s32 $0xFFFFF086  }
0x25: {  	[simem:s6], [sflag:s4] =	dma.local [hbm:s3], $0xF7A  }
0x26: {  	[smem:$0x3F9C] =	sst s1;
	(tag) =	ssettag s2;
	_ =	strace s9  }
0x27: {  	s1 =	sld [smem:$0x3FAC]  }
0x28: {  	s2 =	sld [smem:$0x3FAD]  }
0x29: {  	s4 =	sld [smem:$0x3FAF]  }
0x2a: {  	p0 =	seq.s32 s5, $0x0;
	s5 =	sld [smem:$0x3FB0]  }
0x2b: {  	s6 =	sld [smem:$0x3FB1]  }
0x2c: {  	s7 =	sld [smem:$0x3FB2]  }
0x2d: {  	s3 =	simm.s32 $0x108;
	s8 =	sld [smem:$0x3FB3]  }
0x2e: {  	s3 =	simm.s32 @!p0 $0x1082;
	s9 =	sld [smem:$0x3FB4]  }
0x2f: {  	lr =	sadd.s32 s0, s3;
	s0 =	sld [smem:$0x3FAB]  }
0x30: {  	s3 =	sld [smem:$0x3FAE]  }
0x31: {  	[smem:$0x3FB7] =	sst s10  }
0x32: {  	s10 =	sld [smem:$0x3FB5];
	_ =	sdelay $0x3  }
0x33: {  	p0 =	seq.s32 s10, $0x1;
	s10 =	sld [smem:$0x3FB7];
	_ =	sdelay $0x3  }
0x34: {  	[smem:$0x3FB7] =	sst s10  }
0x35: {  	s10 =	sld [smem:$0x3FB6];
	_ =	sdelay $0x3  }
0x36: {  	p1 =	seq.s32 s10, $0x1;
	s10 =	sld [smem:$0x3FB7];
	_ =	sdelay $0x3  }
0x37: {  	[smem:$0x3FB7] =	sst s10  }
0x38: {  	s10 =	sld [smem:$0x3FB8]  }
0x39: {  	_ = 	snop;
	(pc) =	sbr.ind lr, $3  }
0x3a: {  	_ = 	snop  }
0x3b: {  	_ = 	snop  }
0x3c: {  	p2 =	seq.s32 s10, $0x1;
	s10 =	sld [smem:$0x3FB7]  }
0x3d: {  	_ =	shalt  }
0x3e: {  	_ =	shalt  }
0x3f: {  	_ =	shalt  }
0x40: {  	_ =	shalt  }
0x41: {  	_ =	shalt  }
0x42: {  	_ =	shalt  }
0x43: {  	_ =	shalt  }
0x44: {  	_ =	shalt  }
0x45: {  	_ =	shalt  }
0x46: {  	_ =	shalt  }
0x47: {  	_ =	shalt  }
0x48: {  	_ =	shalt  }
0x49: {  	_ =	shalt  }
0x4a: {  	_ =	shalt  }
0x4b: {  	_ =	shalt  }
0x4c: {  	_ =	shalt  }
0x4d: {  	_ =	shalt  }
0x4e: {  	_ =	shalt  }
0x4f: {  	_ =	shalt  }
0x50: {  	_ =	shalt  }
0x51: {  	_ =	shalt  }
0x52: {  	_ =	shalt  }
0x53: {  	_ =	shalt  }
0x54: {  	_ =	shalt  }
0x55: {  	_ =	shalt  }
0x56: {  	_ =	shalt  }
0x57: {  	_ =	shalt  }
0x58: {  	_ =	shalt  }
0x59: {  	_ =	shalt  }
0x5a: {  	_ =	shalt  }
0x5b: {  	_ =	shalt  }
0x5c: {  	_ =	shalt  }
0x5d: {  	_ =	shalt  }
0x5e: {  	_ =	shalt  }
0x5f: {  	_ =	shalt  }
0x60: {  	_ =	shalt  }
0x61: {  	_ =	shalt  }
0x62: {  	_ =	shalt  }
0x63: {  	_ =	shalt  }
0x64: {  	_ =	shalt  }
0x65: {  	_ =	shalt  }
0x66: {  	_ =	shalt  }
0x67: {  	_ =	shalt  }
0x68: {  	_ =	shalt  }
0x69: {  	_ =	shalt  }
0x6a: {  	_ =	shalt  }
0x6b: {  	_ =	shalt  }
0x6c: {  	_ =	shalt  }
0x6d: {  	_ =	shalt  }
0x6e: {  	_ =	shalt  }
0x6f: {  	_ =	shalt  }
0x70: {  	_ =	shalt  }
0x71: {  	_ =	shalt  }
0x72: {  	_ =	shalt  }
0x73: {  	_ =	shalt  }
0x74: {  	_ =	shalt  }
0x75: {  	_ =	shalt  }
0x76: {  	_ =	shalt  }
0x77: {  	_ =	shalt  }
0x78: {  	_ =	shalt  }
0x79: {  	_ =	shalt  }
0x7a: {  	_ =	shalt  }
0x7b: {  	_ =	shalt  }
0x7c: {  	_ =	shalt  }
0x7d: {  	_ =	shalt  }
0x7e: {  	_ =	shalt  }
0x7f: {  	_ =	shalt  }
0x80: {  	_ =	shalt  }
0x81: {  	_ =	shalt  }
0x82: {  	_ =	shalt  }
0x83: {  	_ =	shalt  }
0x84: {  	_ =	shalt  }
0x85: {  	_ =	shalt  }
0x86: {  	_ =	shalt  }
0x87: {  	_ =	shalt  }
.Lfunc_end0:
.L_simem_size_0:
called_computation_lowered:
.L_overlay_start_0:
0x88: {  	s2 =	sld [smem:$0x3FD9]  }
0x89: {  	s3 =	sld [smem:$0x3FFE];
	_ =	sdelay $0x1  }
0x8a: {  	s1 =	srdreg.scid  }
0x8b: {  	s0 =	sand.u32 $0x1, s1  }
0x8c: {  	s17 =	sshll.u32 s0, $0xA;
	s2 =	sadd.s32 s3, s2  }
0x8d: {  	s2 =	sadd.s32 s2, s17  }
0x8e: {  	[smem:$0x3FC3] =	sst s2  }
0x8f: {  	_ = 	snop  }
0x90: {  	s2 =	sld [smem:$0x3FC5]  }
0x91: {  	s18 =	sld [smem:$0x3FD0];
	(tm) =	ssettm $0x1  }
0x92: {  	s4 =	sld [smem:$0x3FFB];
	_ =	sdelay $0x3  }
0x93: {  	_ =	strace s4  }
0x94: {  	s4 =	sld [smem:$0x3FFC];
	_ =	sdelay $0x3  }
0x95: {  	_ =	strace s4  }
0x96: {  	s4 =	sld [smem:$0x3FFD];
	_ =	sdelay $0x3  }
0x97: {  	_ =	strace s4  }
0x98: {  	_ =	strace $0x8FFFFFFF  }
0x99: {  	s19 =	sld [smem:$0x3FDB];
	_ =	sdelay $0x1  }
0x9a: {  	s5 =	simm.s32 $_scs_section_size  }
0x9b: {  	s6 =	simm.s32 $_size__tile_overlayer_lowered;
	s7 =	simm.s32 $_tile_overlayer_lowered  }
0x9c: {  	s22 =	simm.s32 $0x1BFF;
	s21 =	sshll.u32 s7, $0x1;
	s4 =	sadd.s32 s5, s19  }
0x9d: {  	s8 =	simm.s32 $0x0;
	s20 =	sshll.u32 s6, $0x1;
	s6 =	sadd.s32 s21, s4  }
0x9e: {  	[timem:s8], [sflag:s22] =	dma.local [hbm:s6], s20  }
0x9f: {  	_ =	swait.ge [sflag:s22], s20  }
0xa0: {  	s5 =	ssub.s32 $0x0, s20;
	[sflag:s22] =	ssyncset.done $0x0  }
0xa1: {  	[sflag:s22] =	ssyncadd.s32 s5;
	_ =	sdelay $0x1  }
0xa2: {  	s23 =	simm.s32 $0x1B8B  }
0xa3: {  	_ =	swait.ge [sflag:s23], $0x1  }
0xa4: {  	[sflag:s23] =	ssyncset.done $0x0  }
0xa5: {  	s25 =	simm.s32 $0x1B8E;
	s24 =	sld [smem:$0x3FFE];
	[sflag:s23] =	ssyncadd.s32 $0xFFFFFFFF  }
0xa6: {  	s26 =	simm.s32 $execute0_lowered;
	[smem:$0x3FD2] =	sst s25  }
0xa7: {  	s6 =	sshll.u32 s26, $0x1;
	_ =	strace $0x80000046;
	[dreg:$0x1] =	wrdreg $0xFFFFFFFF  }
0xa8: {  	s28 =	simm.s32 $_size_execute0_lowered;
	s4 =	sadd.s32 s4, s6;
	[dreg:$0x0] =	wrdreg $0x0  }
0xa9: {  	s6 =	sshll.u32 s28, $0x1;
	[dreg:$0x2] =	wrdreg s4  }
0xaa: {  	[dreg:$0x3] =	wrdreg s6  }
0xab: {  	[dreg:$0x4] =	wrdreg $0xC0  }
0xac: {  	_ =	task [dreg:s8], $0x5FFFF  }
0xad: {  	[dreg:$0x1] =	wrdreg $0xFFFFFFFF  }
0xae: {  	[dreg:$0x0] =	wrdreg $0x60  }
0xaf: {  	[dreg:$0x2] =	wrdreg s18  }
0xb0: {  	[dreg:$0x3] =	wrdreg s24  }
0xb1: {  	[dreg:$0x4] =	wrdreg s2  }
0xb2: {  	[dreg:$0x5] =	wrdreg $0x0  }
0xb3: {  	[dreg:$0x6] =	wrdreg $0x13C000  }
0xb4: {  	[dreg:$0x7] =	wrdreg $0x9  }
0xb5: {  	_ =	task.clear_ibuf [dreg:s8], $0x8FFFF;
	_ =	strace $0x90000046  }
0xb6: {  	s29 =	simm.s32 $0x9;
	_ =	strace $0x80000048  }
0xb7: {  	_ =	swait.ge [sflag:s29], $0x1  }
0xb8: {  	[sflag:s29] =	ssyncadd.s32 $0xFFFFFFFF  }
0xb9: {  	_ =	strace $0x90000048  }
0xba: {  	_ =	sfence  }
0xbb: {  	s30 =	sld [smem:$0x0];
	_ =	sdelay $0x2  }
0xbc: {  	s31 =	sshll.u32 s1, $0xD;
	s1 =	sshrl.u32 s1, $0x2  }
0xbd: {  	s3 =	sand.u32 $0x4000, s31;
	s1 =	sadd.s32 s1, s30  }
0xbe: {  	s0 =	sor.u32 s3, s0;
	s1 =	sshll.u32 s1, $0x11  }
0xbf: {  	s0 =	sor.u32 s1, s0  }
0xc0: {  	s0 =	sadd.s32 $0x8F2B, s0  }
0xc1: {  	[sflag:s0] =	ssyncadd.remote.s32 $0x1  }
0xc2: {  	_ =	sfence.sel $0xFFFF  }
0xc3: {  	[dreg:$0x0] =	wrdreg $0xFFFFFFFF;
	(pc) =	sbr.abs _section_cstart, $3  }
0xc4: {  	[dreg:$0x1] =	wrdreg $0xFFFFFFFF  }
0xc5: {  	_ =	task.clear_ibuf [dreg:s8], $0x2FFFF;
	_ =	strace $0x9FFFFFFF  }
0xc6: {  	(tm) =	ssettm $0x7FFFFFFF  }
0xc7: {  	_ =	shalt  }
tec
execute0_lowered:
.L_overlay_start_1:
0x0: {  	(tag) =	ssettag $0x1  }
0x1: {  	s0 =	srdreg.scid;
	s4 =	stileid.u32  }
0x2: {  	s26 =	stileid.u32;
	s10 =	smul.u32 $0x278, s4  }
0x3: {  	s1 =	rddreg [dreg:$0x1];
	s2 =	sand.u32 $0x1, s0;
	s26 =	smul.u32 $0x2780, s26  }
0x4: {  	s11 =	sadd.s32 $0x46600, s1;
	s0 =	ssub.s32 $0x2, s2;
	s18 =	smul.u32 $0x13C000, s2  }
0x5: {  	s3 =	sshrl.u32 s0, $0x1;
	s14 =	sadd.s32 $0x40, s10;
	s15 =	sadd.s32 $0x80, s10  }
0x6: {  	s16 =	sadd.s32 $0xC0, s10;
	s17 =	sadd.s32 $0x100, s10;
	s19 =	sadd.s32 $0x140, s10  }
0x7: {  	s20 =	sadd.s32 $0x180, s10;
	s21 =	sadd.s32 $0x1C0, s10;
	s22 =	sadd.s32 $0x200, s10  }
0x8: {  	s23 =	sadd.s32 $0x240, s10;
	s0 =	ssub.s32 s0, s3;
	s3 =	smul.u32 $0x13C00, s4  }
0x9: {  	s7 =	sshll.u32 s14, $0x7;
	s4 =	sshll.u32 s15, $0x7;
	s5 =	sshll.u32 s16, $0x7  }
0xa: {  	s8 =	sshll.u32 s17, $0x7;
	s9 =	sshll.u32 s19, $0x7;
	s6 =	sshll.u32 s20, $0x7  }
0xb: {  	s31 =	sshll.u32 s15, $0x4;
	s17 =	sshll.u32 s17, $0x4;
	s19 =	sshll.u32 s19, $0x4  }
0xc: {  	s20 =	sshll.u32 s20, $0x4;
	s15 =	sshll.u32 s22, $0x4;
	s24 =	sadd.s32 s18, s7  }
0xd: {  	[smem:$0x7FA] =	sst s0;
	s12 =	sadd.s32 s3, s18;
	s10 =	sshrl.u32 s24, $0x3  }
0xe: {  	s25 =	sadd.s32 s18, s4;
	s12 =	sshrl.u32 s12, $0x3;
	s10 =	sadd.s32 s11, s10  }
0xf: {  	s24 =	sshrl.u32 s25, $0x3;
	s13 =	sadd.s32 s11, s12;
	[dreg:$0x7] =	wrdreg s10  }
0x10: {  	s10 =	sadd.s32 s11, s24;
	[dreg:$0x6] =	wrdreg s13;
	s13 =	sadd.s32 s18, s5  }
0x11: {  	s24 =	sadd.s32 s18, s9;
	[dreg:$0x8] =	wrdreg s10;
	s25 =	sshrl.u32 s13, $0x3  }
0x12: {  	s24 =	sshrl.u32 s24, $0x3;
	s13 =	sadd.s32 s18, s8;
	s12 =	sadd.s32 s11, s25  }
0x13: {  	s10 =	sshrl.u32 s13, $0x3;
	s25 =	sadd.s32 s18, s6;
	[dreg:$0x9] =	wrdreg s12  }
0x14: {  	s10 =	sadd.s32 s11, s10;
	s25 =	sshrl.u32 s25, $0x3;
	s12 =	sshll.u32 s22, $0x7  }
0x15: {  	[dreg:$0xa] =	wrdreg s10;
	s10 =	sadd.s32 s11, s24;
	s13 =	sadd.s32 s11, s25  }
0x16: {  	s25 =	sadd.s32 s18, s12;
	[dreg:$0xc] =	wrdreg s13;
	s13 =	sshll.u32 s21, $0x7  }
0x17: {  	[dreg:$0xb] =	wrdreg s10;
	s10 =	sshll.u32 s23, $0x7;
	s24 =	sadd.s32 s18, s13  }
0x18: {  	s0 =	sshrl.u32 s25, $0x3;
	s18 =	sadd.s32 s18, s10;
	s24 =	sshrl.u32 s24, $0x3  }
0x19: {  	s25 =	sadd.s32 s11, s0;
	s0 =	sshll.u32 s16, $0x4;
	s24 =	sadd.s32 s11, s24  }
0x1a: {  	s18 =	sshrl.u32 s18, $0x3;
	[dreg:$0xd] =	wrdreg s24;
	s24 =	smul.u32 $0x27800, s2  }
0x1b: {  	[dreg:$0xe] =	wrdreg s25;
	s25 =	sshll.u32 s14, $0x4;
	s18 =	sadd.s32 s11, s18  }
0x1c: {  	s14 =	sshll.u32 s23, $0x4;
	[dreg:$0xf] =	wrdreg s18;
	s22 =	sadd.s32 s26, s24  }
0x1d: {  	s23 =	sadd.s32 s24, s25;
	s18 =	sshrl.u32 s22, $0x3;
	s22 =	sadd.s32 $0x3C800, s1  }
0x1e: {  	s16 =	sshll.u32 s21, $0x4;
	s21 =	sshrl.u32 s23, $0x3;
	s18 =	sadd.s32 s22, s18  }
0x1f: {  	s23 =	sadd.s32 s24, s31;
	s21 =	sadd.s32 s22, s21;
	[dreg:$0x10] =	wrdreg s18  }
0x20: {  	s11 =	simm.s32 $0x0;
	s23 =	sshrl.u32 s23, $0x3;
	[dreg:$0x11] =	wrdreg s21  }
0x21: {  	s18 =	sadd.s32 s22, s23;
	s21 =	sadd.s32 s24, s0;
	s23 =	sadd.s32 s24, s17  }
0x22: {  	[dreg:$0x12] =	wrdreg s18;
	s18 =	sshrl.u32 s21, $0x3;
	s21 =	sshrl.u32 s23, $0x3  }
0x23: {  	[smem:$0x7FF] =	sst s11;
	s23 =	sadd.s32 s24, s19;
	s21 =	sadd.s32 s22, s21  }
0x24: {  	s18 =	sadd.s32 s22, s18;
	[dreg:$0x14] =	wrdreg s21;
	s21 =	sshrl.u32 s23, $0x3  }
0x25: {  	[dreg:$0x13] =	wrdreg s18;
	s23 =	sadd.s32 s24, s20;
	s18 =	sadd.s32 s22, s21  }
0x26: {  	s21 =	sadd.s32 s24, s16;
	s23 =	sshrl.u32 s23, $0x3;
	[dreg:$0x15] =	wrdreg s18  }
0x27: {  	s21 =	sshrl.u32 s21, $0x3;
	s18 =	rddreg [dreg:$0x0];
	s23 =	sadd.s32 s22, s23  }
0x28: {  	[dreg:$0x16] =	wrdreg s23;
	s21 =	sadd.s32 s22, s21  }
0x29: {  	[dreg:$0x17] =	wrdreg s21;
	s21 =	sadd.s32 s24, s15  }
0x2a: {  	s23 =	rddreg [dreg:$0x3];
	s24 =	sadd.s32 s24, s14;
	s21 =	sshrl.u32 s21, $0x3  }
0x2b: {  	s28 =	sshrl.u32 s24, $0x3;
	s24 =	rddreg [dreg:$0x4];
	s21 =	sadd.s32 s22, s21  }
0x2c: {  	s22 =	sadd.s32 s22, s28;
	[dreg:$0x18] =	wrdreg s21  }
0x2d: {  	[dreg:$0x19] =	wrdreg s22;
	s22 =	sadd.s32 s3, s23  }
0x2e: {  	s26 =	sadd.s32 s26, s24;
	_ =	strace $0x80000047;
	[dreg:$0x1a] =	wrdreg s22  }
0x2f: {  	s3 =	sadd.s32 s7, s23;
	[dreg:$0x1b] =	wrdreg s26  }
0x30: {  	s7 =	sadd.s32 s25, s24;
	[dreg:$0x1c] =	wrdreg s3  }
0x31: {  	s25 =	sadd.s32 s5, s23;
	[dreg:$0x1d] =	wrdreg s7  }
0x32: {  	s29 =	sadd.s32 $0xB200, s1;
	s0 =	sadd.s32 s0, s24;
	[smem:$0x7EA] =	sst s25  }
0x33: {  	s30 =	sadd.s32 $0xE00, s1;
	s5 =	sadd.s32 s6, s23;
	[smem:$0x7EB] =	sst s0  }
0x34: {  	s2 =	sshll.u32 s2, $0x4;
	s6 =	sadd.s32 s20, s24;
	[smem:$0x7F0] =	sst s5  }
0x35: {  	s28 =	sadd.s32 $0x15600, s1;
	s16 =	sadd.s32 s16, s24;
	[smem:$0x7F1] =	sst s6  }
0x36: {  	s15 =	sadd.s32 s15, s24;
	s21 =	stileid.u32;
	[smem:$0x7FC] =	sst s16  }
0x37: {  	s1 =	sor.u32 s21, s2;
	s21 =	sadd.s32 s4, s23;
	[smem:$0x7FD] =	sst s15  }
0x38: {  	s22 =	sadd.s32 s31, s24;
	[dreg:$0x1e] =	wrdreg s21  }
0x39: {  	s26 =	sadd.s32 s8, s23;
	[dreg:$0x1f] =	wrdreg s22  }
0x3a: {  	s2 =	sadd.s32 s17, s24;
	[smem:$0x7EC] =	sst s26  }
0x3b: {  	s3 =	sadd.s32 s9, s23;
	[smem:$0x7ED] =	sst s2  }
0x3c: {  	s4 =	sadd.s32 s19, s24;
	[smem:$0x7EE] =	sst s3  }
0x3d: {  	s8 =	sadd.s32 s13, s23;
	[smem:$0x7EF] =	sst s4  }
0x3e: {  	v0 =	vimm.s32 $0xFEDCBA98;
	s9 =	sadd.s32 s12, s23;
	[smem:$0x7F2] =	sst s8  }
0x3f: {  	v1 =	vimm.s32 $0x76543210;
	v2 =	vimm.s32 $0xBA98FEDC;
	s12 =	sadd.s32 s10, s23;
	s17 =	sadd.s32 s14, s24;
	[smem:$0x7F3] =	sst s9  }
0x40: {  	v3 =	vimm.s32 $0x32107654;
	v4 =	vimm.s32 $0xDCFE98BA;
	s31 =	simm.s32 $0x1E500;
	s5 =	simm.s32 $0x5;
	[smem:$0x7F4] =	sst s12  }
0x41: {  	v5 =	vimm.s32 $0x54761032;
	v6 =	vimm.s32 $0xEFCDAB89;
	s6 =	simm.s32 $0x2;
	s10 =	simm.s32 $0x4;
	[smem:$0x7F5] =	sst s17  }
0x42: {  	v7 =	vimm.s32 $0x67452301;
	s7 =	smul.u32 $0x2900, s1;
	s25 =	sld [smem:$0x7FA];
	s2 =	simm.s32 $0x1C380  }
0x43: {  	v0 =	vunpack.c.l.s4.s8 v0;
	v1 =	vunpack.c.l.s4.s8 v1;
	v2 =	vunpack.c.l.s4.s8 v2;
	s3 =	simm.s32 $0x1;
	s4 =	simm.s32 $0x1E480;
	s8 =	simm.s32 $0x1E900  }
0x44: {  	v3 =	vunpack.c.l.s4.s8 v3;
	v4 =	vunpack.c.l.s4.s8 v4;
	v5 =	vunpack.c.l.s4.s8 v5;
	s9 =	simm.s32 $0x6;
	s13 =	sshrl.u32 s7, $0x3;
	s26 =	sor.u32 $0xC0, s7  }
0x45: {  	v6 =	vunpack.c.l.s4.s8 v6;
	v7 =	vunpack.c.l.s4.s8 v7;
	v0 =	vunpack.c.0.s8.s32 v0;
	s19 =	sadd.s32 s29, s13;
	s20 =	sor.u32 $0x8, s13;
	s1 =	sadd.s32 s30, s13  }
0x46: {  	v2 =	vunpack.c.0.s8.s32 v2;
	v3 =	vunpack.c.0.s8.s32 v3;
	v4 =	vunpack.c.0.s8.s32 v4;
	s0 =	smax.u32 s25, $0x1;
	s25 =	simm.s32 $0x7;
	[smem:$0x7F6] =	sst s19  }
.Ltmp0:
0x47: {  	v5 =	vunpack.c.0.s8.s32 v5;
	v6 =	vunpack.c.0.s8.s32 v6;
	v7 =	vunpack.c.0.s8.s32 v7;
	s13 =	simm.s32 $0x0;
	[smem:$0x7F7] =	sst s1;
	(pc) =	sbr.rel .LBB2_1-.Ltmp0, $4  }
0x48: {  	v1 =	vunpack.c.0.s8.s32 v1;
	v2 =	vcombine.low v3, v2;
	s21 =	sadd.s32 s29, s20;
	s22 =	sadd.s32 s30, s20;
	s20 =	sor.u32 $0x80, s7  }
0x49: {  	v3 =	vcombine.low v5, v4;
	v4 =	vand.u32 $0xF, v0;
	v5 =	vcombine.low v7, v6;
	[smem:$0x7FB] =	sst s0;
	s19 =	simm.s32 $0x16380;
	s0 =	simm.s32 $0x1E3C0  }
0x4a: {  	vm0 =	vmmov $0x1;
	v0 =	vimm.f32 $0.0e+00;
	v1 =	vcombine.low v4, v1;
	s1 =	simm.s32 $0x18380;
	s7 =	simm.s32 $0x1E4C0;
	[smem:$0x7F8] =	sst s21  }
0x4b: {  	v2 =	vand.u32 $0xF, v2;
	v3 =	vand.u32 $0xF, v3;
	v4 =	vand.u32 $0xF, v5;
	[smem:$0x7F9] =	sst s22;
	s22 =	simm.s32 $0x40;
	s21 =	simm.s32 $0x1E440  }
.LBB2_10:
0x4c: {  	[bflag:$0x0] =	sbarrier.arrive $0xFFFF  }
0x4d: {  	s12 =	rddreg [dreg:$0x1a]  }
0x4e: {  	[tilespmem:s19], [sflag:$0x7] =	stream.linear.gather [spmem:s12], $0x2000, $0x38;
	[tilespmem:$0x1ED80] =	vst v63  }
0x4f: {  	_ =	swait.ge [sflag:s25], $0x2000  }
0x50: {  	[sflag:s25] =	ssyncset.done $0x0  }
0x51: {  	s15 =	rddreg [dreg:$0x6];
	[sflag:s25] =	ssyncadd.s32 $0xFFFFE000  }
0x52: {  	[hbm4b:s15+s11] =	stream.linear.scatter [tilespmem:s19], [sflag:$0x7], $0x2000, $0x38;
	[tilespmem:$0x1ED80] =	vst v63  }
0x53: {  	_ =	swait.ge [sflag:s25], $0x2000  }
0x54: {  	[sflag:s25] =	ssyncset.done $0x0  }
0x55: {  	s16 =	rddreg [dreg:$0x1b];
	[sflag:s25] =	ssyncadd.s32 $0xFFFFE000  }
0x56: {  	[tilespmem:s31], [sflag:$0x7] =	stream.linear.gather [spmem:s16], $0x400, $0x38;
	[tilespmem:$0x1ED80] =	vst v63  }
0x57: {  	_ =	swait.ge [sflag:s25], $0x400  }
0x58: {  	[sflag:s25] =	ssyncset.done $0x0  }
0x59: {  	s17 =	rddreg [dreg:$0x10];
	[sflag:s25] =	ssyncadd.s32 $0xFFFFFC00  }
0x5a: {  	[hbm4b:s17+s11] =	stream.linear.scatter [tilespmem:s31], [sflag:$0x7], $0x400, $0x38;
	[tilespmem:$0x1ED80] =	vst v63  }
0x5b: {  	_ =	swait.ge [sflag:s25], $0x400  }
0x5c: {  	[sflag:s25] =	ssyncset.done $0x0  }
0x5d: {  	s13 =	rddreg [dreg:$0x1c];
	[sflag:s25] =	ssyncadd.s32 $0xFFFFFC00  }
0x5e: {  	[tilespmem:s19], [sflag:$0x7] =	stream.linear.gather [spmem:s13], $0x2000, $0x38;
	[tilespmem:$0x1ED80] =	vst v63  }
0x5f: {  	_ =	swait.ge [sflag:s25], $0x2000  }
0x60: {  	[sflag:s25] =	ssyncset.done $0x0  }
0x61: {  	s14 =	rddreg [dreg:$0x7];
	[sflag:s25] =	ssyncadd.s32 $0xFFFFE000  }
0x62: {  	[hbm4b:s14+s11] =	stream.linear.scatter [tilespmem:s19], [sflag:$0x7], $0x2000, $0x38;
	[tilespmem:$0x1ED80] =	vst v63  }
0x63: {  	_ =	swait.ge [sflag:s25], $0x2000  }
0x64: {  	[sflag:s25] =	ssyncset.done $0x0  }
0x65: {  	s15 =	rddreg [dreg:$0x1d];
	[sflag:s25] =	ssyncadd.s32 $0xFFFFE000  }
0x66: {  	[tilespmem:s31], [sflag:$0x7] =	stream.linear.gather [spmem:s15], $0x400, $0x38;
	[tilespmem:$0x1ED80] =	vst v63  }
0x67: {  	_ =	swait.ge [sflag:s25], $0x400  }
0x68: {  	[sflag:s25] =	ssyncset.done $0x0  }
0x69: {  	s16 =	rddreg [dreg:$0x11];
	[sflag:s25] =	ssyncadd.s32 $0xFFFFFC00  }
0x6a: {  	[hbm4b:s16+s11] =	stream.linear.scatter [tilespmem:s31], [sflag:$0x7], $0x400, $0x38;
	[tilespmem:$0x1ED80] =	vst v63  }
0x6b: {  	_ =	swait.ge [sflag:s25], $0x400  }
0x6c: {  	[sflag:s25] =	ssyncset.done $0x0  }
0x6d: {  	s17 =	rddreg [dreg:$0x1e];
	[sflag:s25] =	ssyncadd.s32 $0xFFFFFC00  }
0x6e: {  	[tilespmem:s19], [sflag:$0x7] =	stream.linear.gather [spmem:s17], $0x2000, $0x38;
	[tilespmem:$0x1ED80] =	vst v63  }
0x6f: {  	_ =	swait.ge [sflag:s25], $0x2000  }
0x70: {  	[sflag:s25] =	ssyncset.done $0x0  }
0x71: {  	s13 =	rddreg [dreg:$0x8];
	[sflag:s25] =	ssyncadd.s32 $0xFFFFE000  }
0x72: {  	[hbm4b:s13+s11] =	stream.linear.scatter [tilespmem:s19], [sflag:$0x7], $0x2000, $0x38;
	[tilespmem:$0x1ED80] =	vst v63  }
0x73: {  	_ =	swait.ge [sflag:s25], $0x2000  }
0x74: {  	[sflag:s25] =	ssyncset.done $0x0  }
0x75: {  	s14 =	rddreg [dreg:$0x1f];
	[sflag:s25] =	ssyncadd.s32 $0xFFFFE000  }
0x76: {  	[tilespmem:s31], [sflag:$0x7] =	stream.linear.gather [spmem:s14], $0x400, $0x38;
	[tilespmem:$0x1ED80] =	vst v63  }
0x77: {  	_ =	swait.ge [sflag:s25], $0x400  }
0x78: {  	[sflag:s25] =	ssyncset.done $0x0  }
0x79: {  	s15 =	rddreg [dreg:$0x12];
	[sflag:s25] =	ssyncadd.s32 $0xFFFFFC00  }
0x7a: {  	[hbm4b:s15+s11] =	stream.linear.scatter [tilespmem:s31], [sflag:$0x7], $0x400, $0x38;
	[tilespmem:$0x1ED80] =	vst v63  }
0x7b: {  	_ =	swait.ge [sflag:s25], $0x400  }
0x7c: {  	s16 =	sld [smem:$0x7EA]  }
0x7d: {  	[sflag:s25] =	ssyncset.done $0x0  }
0x7e: {  	[sflag:s25] =	ssyncadd.s32 $0xFFFFFC00  }
0x7f: {  	[tilespmem:s19], [sflag:$0x7] =	stream.linear.gather [spmem:s16], $0x2000, $0x38;
	[tilespmem:$0x1ED80] =	vst v63  }
0x80: {  	_ =	swait.ge [sflag:s25], $0x2000  }
0x81: {  	[sflag:s25] =	ssyncset.done $0x0  }
0x82: {  	s17 =	rddreg [dreg:$0x9];
	[sflag:s25] =	ssyncadd.s32 $0xFFFFE000  }
0x83: {  	[hbm4b:s17+s11] =	stream.linear.scatter [tilespmem:s19], [sflag:$0x7], $0x2000, $0x38;
	[tilespmem:$0x1ED80] =	vst v63  }
0x84: {  	_ =	swait.ge [sflag:s25], $0x2000  }
0x85: {  	s13 =	sld [smem:$0x7EB]  }
0x86: {  	[sflag:s25] =	ssyncset.done $0x0  }
0x87: {  	[sflag:s25] =	ssyncadd.s32 $0xFFFFE000  }
0x88: {  	[tilespmem:s31], [sflag:$0x7] =	stream.linear.gather [spmem:s13], $0x400, $0x38;
	[tilespmem:$0x1ED80] =	vst v63  }
0x89: {  	_ =	swait.ge [sflag:s25], $0x400  }
0x8a: {  	[sflag:s25] =	ssyncset.done $0x0  }
0x8b: {  	s14 =	rddreg [dreg:$0x13];
	[sflag:s25] =	ssyncadd.s32 $0xFFFFFC00  }
0x8c: {  	[hbm4b:s14+s11] =	stream.linear.scatter [tilespmem:s31], [sflag:$0x7], $0x400, $0x38;
	[tilespmem:$0x1ED80] =	vst v63  }
0x8d: {  	_ =	swait.ge [sflag:s25], $0x400  }
0x8e: {  	s15 =	sld [smem:$0x7EC]  }
0x8f: {  	[sflag:s25] =	ssyncset.done $0x0  }
0x90: {  	[sflag:s25] =	ssyncadd.s32 $0xFFFFFC00  }
0x91: {  	[tilespmem:s19], [sflag:$0x7] =	stream.linear.gather [spmem:s15], $0x2000, $0x38;
	[tilespmem:$0x1ED80] =	vst v63  }
0x92: {  	_ =	swait.ge [sflag:s25], $0x2000  }
0x93: {  	[sflag:s25] =	ssyncset.done $0x0  }
0x94: {  	s16 =	rddreg [dreg:$0xa];
	[sflag:s25] =	ssyncadd.s32 $0xFFFFE000  }
0x95: {  	[hbm4b:s16+s11] =	stream.linear.scatter [tilespmem:s19], [sflag:$0x7], $0x2000, $0x38;
	[tilespmem:$0x1ED80] =	vst v63  }
0x96: {  	_ =	swait.ge [sflag:s25], $0x2000  }
0x97: {  	s17 =	sld [smem:$0x7ED]  }
0x98: {  	[sflag:s25] =	ssyncset.done $0x0  }
0x99: {  	[sflag:s25] =	ssyncadd.s32 $0xFFFFE000  }
0x9a: {  	[tilespmem:s31], [sflag:$0x7] =	stream.linear.gather [spmem:s17], $0x400, $0x38;
	[tilespmem:$0x1ED80] =	vst v63  }
0x9b: {  	_ =	swait.ge [sflag:s25], $0x400  }
0x9c: {  	[sflag:s25] =	ssyncset.done $0x0  }
0x9d: {  	s13 =	rddreg [dreg:$0x14];
	[sflag:s25] =	ssyncadd.s32 $0xFFFFFC00  }
0x9e: {  	[hbm4b:s13+s11] =	stream.linear.scatter [tilespmem:s31], [sflag:$0x7], $0x400, $0x38;
	[tilespmem:$0x1ED80] =	vst v63  }
0x9f: {  	_ =	swait.ge [sflag:s25], $0x400  }
0xa0: {  	s14 =	sld [smem:$0x7EE]  }
0xa1: {  	[sflag:s25] =	ssyncset.done $0x0  }
0xa2: {  	[sflag:s25] =	ssyncadd.s32 $0xFFFFFC00  }
0xa3: {  	[tilespmem:s19], [sflag:$0x7] =	stream.linear.gather [spmem:s14], $0x2000, $0x38;
	[tilespmem:$0x1ED80] =	vst v63  }
0xa4: {  	_ =	swait.ge [sflag:s25], $0x2000  }
0xa5: {  	[sflag:s25] =	ssyncset.done $0x0  }
0xa6: {  	s15 =	rddreg [dreg:$0xb];
	[sflag:s25] =	ssyncadd.s32 $0xFFFFE000  }
0xa7: {  	[hbm4b:s15+s11] =	stream.linear.scatter [tilespmem:s19], [sflag:$0x7], $0x2000, $0x38;
	[tilespmem:$0x1ED80] =	vst v63  }
0xa8: {  	_ =	swait.ge [sflag:s25], $0x2000  }
0xa9: {  	s16 =	sld [smem:$0x7EF]  }
0xaa: {  	[sflag:s25] =	ssyncset.done $0x0  }
0xab: {  	[sflag:s25] =	ssyncadd.s32 $0xFFFFE000  }
0xac: {  	[tilespmem:s31], [sflag:$0x7] =	stream.linear.gather [spmem:s16], $0x400, $0x38;
	[tilespmem:$0x1ED80] =	vst v63  }
0xad: {  	_ =	swait.ge [sflag:s25], $0x400  }
0xae: {  	[sflag:s25] =	ssyncset.done $0x0  }
0xaf: {  	s17 =	rddreg [dreg:$0x15];
	[sflag:s25] =	ssyncadd.s32 $0xFFFFFC00  }
0xb0: {  	[hbm4b:s17+s11] =	stream.linear.scatter [tilespmem:s31], [sflag:$0x7], $0x400, $0x38;
	[tilespmem:$0x1ED80] =	vst v63  }
0xb1: {  	_ =	swait.ge [sflag:s25], $0x400  }
0xb2: {  	s13 =	sld [smem:$0x7F0]  }
0xb3: {  	[sflag:s25] =	ssyncset.done $0x0  }
0xb4: {  	[sflag:s25] =	ssyncadd.s32 $0xFFFFFC00  }
0xb5: {  	[tilespmem:s19], [sflag:$0x7] =	stream.linear.gather [spmem:s13], $0x2000, $0x38;
	[tilespmem:$0x1ED80] =	vst v63  }
0xb6: {  	_ =	swait.ge [sflag:s25], $0x2000  }
0xb7: {  	[sflag:s25] =	ssyncset.done $0x0  }
0xb8: {  	s14 =	rddreg [dreg:$0xc];
	[sflag:s25] =	ssyncadd.s32 $0xFFFFE000  }
0xb9: {  	[hbm4b:s14+s11] =	stream.linear.scatter [tilespmem:s19], [sflag:$0x7], $0x2000, $0x38;
	[tilespmem:$0x1ED80] =	vst v63  }
0xba: {  	_ =	swait.ge [sflag:s25], $0x2000  }
0xbb: {  	s15 =	sld [smem:$0x7F1]  }
0xbc: {  	[sflag:s25] =	ssyncset.done $0x0  }
0xbd: {  	[sflag:s25] =	ssyncadd.s32 $0xFFFFE000  }
0xbe: {  	[tilespmem:s31], [sflag:$0x7] =	stream.linear.gather [spmem:s15], $0x400, $0x38;
	[tilespmem:$0x1ED80] =	vst v63  }
0xbf: {  	_ =	swait.ge [sflag:s25], $0x400  }
0xc0: {  	[sflag:s25] =	ssyncset.done $0x0  }
0xc1: {  	s16 =	rddreg [dreg:$0x16];
	[sflag:s25] =	ssyncadd.s32 $0xFFFFFC00  }
0xc2: {  	[hbm4b:s16+s11] =	stream.linear.scatter [tilespmem:s31], [sflag:$0x7], $0x400, $0x38;
	[tilespmem:$0x1ED80] =	vst v63  }
0xc3: {  	_ =	swait.ge [sflag:s25], $0x400  }
0xc4: {  	s17 =	sld [smem:$0x7F2]  }
0xc5: {  	[sflag:s25] =	ssyncset.done $0x0  }
0xc6: {  	[sflag:s25] =	ssyncadd.s32 $0xFFFFFC00  }
0xc7: {  	[tilespmem:s19], [sflag:$0x7] =	stream.linear.gather [spmem:s17], $0x2000, $0x38;
	[tilespmem:$0x1ED80] =	vst v63  }
0xc8: {  	_ =	swait.ge [sflag:s25], $0x2000  }
0xc9: {  	[sflag:s25] =	ssyncset.done $0x0  }
0xca: {  	s13 =	rddreg [dreg:$0xd];
	[sflag:s25] =	ssyncadd.s32 $0xFFFFE000  }
0xcb: {  	[hbm4b:s13+s11] =	stream.linear.scatter [tilespmem:s19], [sflag:$0x7], $0x2000, $0x38;
	[tilespmem:$0x1ED80] =	vst v63  }
0xcc: {  	_ =	swait.ge [sflag:s25], $0x2000  }
0xcd: {  	s16 =	sld [smem:$0x7FC]  }
0xce: {  	[sflag:s25] =	ssyncset.done $0x0  }
0xcf: {  	[sflag:s25] =	ssyncadd.s32 $0xFFFFE000  }
0xd0: {  	[tilespmem:s31], [sflag:$0x7] =	stream.linear.gather [spmem:s16], $0x400, $0x38;
	[tilespmem:$0x1ED80] =	vst v63  }
0xd1: {  	_ =	swait.ge [sflag:s25], $0x400  }
0xd2: {  	[sflag:s25] =	ssyncset.done $0x0  }
0xd3: {  	s14 =	rddreg [dreg:$0x17];
	[sflag:s25] =	ssyncadd.s32 $0xFFFFFC00  }
0xd4: {  	[hbm4b:s14+s11] =	stream.linear.scatter [tilespmem:s31], [sflag:$0x7], $0x400, $0x38;
	[tilespmem:$0x1ED80] =	vst v63  }
0xd5: {  	_ =	swait.ge [sflag:s25], $0x400  }
0xd6: {  	s15 =	sld [smem:$0x7F3]  }
0xd7: {  	[sflag:s25] =	ssyncset.done $0x0  }
0xd8: {  	[sflag:s25] =	ssyncadd.s32 $0xFFFFFC00  }
0xd9: {  	[tilespmem:s19], [sflag:$0x7] =	stream.linear.gather [spmem:s15], $0x2000, $0x38;
	[tilespmem:$0x1ED80] =	vst v63  }
0xda: {  	_ =	swait.ge [sflag:s25], $0x2000  }
0xdb: {  	[sflag:s25] =	ssyncset.done $0x0  }
0xdc: {  	s17 =	rddreg [dreg:$0xe];
	[sflag:s25] =	ssyncadd.s32 $0xFFFFE000  }
0xdd: {  	[hbm4b:s17+s11] =	stream.linear.scatter [tilespmem:s19], [sflag:$0x7], $0x2000, $0x38;
	[tilespmem:$0x1ED80] =	vst v63  }
0xde: {  	_ =	swait.ge [sflag:s25], $0x2000  }
0xdf: {  	s15 =	sld [smem:$0x7FD]  }
0xe0: {  	[sflag:s25] =	ssyncset.done $0x0  }
0xe1: {  	[sflag:s25] =	ssyncadd.s32 $0xFFFFE000  }
0xe2: {  	[tilespmem:s31], [sflag:$0x7] =	stream.linear.gather [spmem:s15], $0x400, $0x38;
	[tilespmem:$0x1ED80] =	vst v63  }
0xe3: {  	_ =	swait.ge [sflag:s25], $0x400  }
0xe4: {  	[sflag:s25] =	ssyncset.done $0x0  }
0xe5: {  	s13 =	rddreg [dreg:$0x18];
	[sflag:s25] =	ssyncadd.s32 $0xFFFFFC00  }
0xe6: {  	[hbm4b:s13+s11] =	stream.linear.scatter [tilespmem:s31], [sflag:$0x7], $0x400, $0x38;
	[tilespmem:$0x1ED80] =	vst v63  }
0xe7: {  	_ =	swait.ge [sflag:s25], $0x400  }
0xe8: {  	s14 =	sld [smem:$0x7F4]  }
0xe9: {  	[sflag:s25] =	ssyncset.done $0x0  }
0xea: {  	[sflag:s25] =	ssyncadd.s32 $0xFFFFFC00  }
0xeb: {  	[tilespmem:s19], [sflag:$0x7] =	stream.linear.gather [spmem:s14], $0x1C00, $0x38;
	[tilespmem:$0x1ED80] =	vst v63  }
0xec: {  	_ =	swait.ge [sflag:s25], $0x1C00  }
0xed: {  	[sflag:s25] =	ssyncset.done $0x0  }
0xee: {  	s17 =	rddreg [dreg:$0xf];
	[sflag:s25] =	ssyncadd.s32 $0xFFFFE400  }
0xef: {  	[hbm4b:s17+s11] =	stream.linear.scatter [tilespmem:s19], [sflag:$0x7], $0x1C00, $0x38;
	[tilespmem:$0x1ED80] =	vst v63  }
0xf0: {  	_ =	swait.ge [sflag:s25], $0x1C00  }
0xf1: {  	s13 =	sld [smem:$0x7F5]  }
0xf2: {  	[sflag:s25] =	ssyncset.done $0x0  }
0xf3: {  	[sflag:s25] =	ssyncadd.s32 $0xFFFFE400  }
0xf4: {  	[tilespmem:s31], [sflag:$0x7] =	stream.linear.gather [spmem:s13], $0x380, $0x38;
	[tilespmem:$0x1ED80] =	vst v63  }
0xf5: {  	_ =	swait.ge [sflag:s25], $0x380  }
0xf6: {  	[sflag:s25] =	ssyncset.done $0x0  }
0xf7: {  	s14 =	rddreg [dreg:$0x19];
	[sflag:s25] =	ssyncadd.s32 $0xFFFFFC80  }
0xf8: {  	[hbm4b:s14+s11] =	stream.linear.scatter [tilespmem:s31], [sflag:$0x7], $0x380, $0x38;
	[tilespmem:$0x1ED80] =	vst v63  }
0xf9: {  	_ =	swait.ge [sflag:s25], $0x380  }
0xfa: {  	s13 =	sld [smem:$0x7E9]  }
0xfb: {  	s17 =	sld [smem:$0x7FB];
	_ =	sdelay $0x1  }
0xfc: {  	s13 =	sadd.s32 $0x1, s13  }
0xfd: {  	p0 =	sne.s32 s13, s17  }
.Ltmp1:
0xfe: {  	_ = 	snop;
	(pc) =	sbr.rel @!p0 .LBB2_11-.Ltmp1, $3  }
0xff: {  	_ =	sdelay $0x1  }
0x100: {  	[sflag:s25] =	ssyncset.done $0x0  }
0x101: {  	[sflag:s25] =	ssyncadd.s32 $0xFFFFFC80  }
.LBB2_1:
0x102: {  	s12 =	simm.s32 $0x163C0  }
0x103: {  	[tilespmem:s12+$0xFFFFFFD0] =	vst v0  }
0x104: {  	[tilespmem:s12+$0xFFFFFFE0] =	vst v0  }
0x105: {  	[tilespmem:s12+$0xFFFFFFF0] =	vst v0  }
0x106: {  	[tilespmem:s12+$0x0] =	vst v0  }
0x107: {  	[tilespmem:s12+$0x10] =	vst v0  }
0x108: {  	[tilespmem:s12+$0x20] =	vst v0  }
0x109: {  	[tilespmem:s12+$0x30] =	vst v0  }
0x10a: {  	[smem:$0x7E9] =	sst s13;
	s14 =	simm.s32 $0x0;
	s13 =	simm.s32 $0x40;
	[tilespmem:s12+$0xFFFFFFC0] =	vst v0  }
.LBB2_2:
0x10b: {  	p0 =	sne.s32 s13, $0xFC0;
	[tilespmem:s14+$0x1E500] =	vst v0;
	s12 =	sadd.s32 $0x80, s12  }
0x10c: {  	[tilespmem:s12+$0xFFFFFFD0] =	vst v0  }
0x10d: {  	[tilespmem:s12+$0xFFFFFFE0] =	vst v0  }
0x10e: {  	[tilespmem:s12+$0xFFFFFFF0] =	vst v0  }
.Ltmp2:
0x10f: {  	[tilespmem:s12+$0x0] =	vst v0;
	(pc) =	sbr.rel @p0 .LBB2_2-.Ltmp2, $4  }
0x110: {  	[tilespmem:s12+$0x10] =	vst v0  }
0x111: {  	[tilespmem:s12+$0x20] =	vst v0  }
0x112: {  	[tilespmem:s12+$0x30] =	vst v0  }
0x113: {  	s14 =	sshra.s32 s13, $0x2;
	s13 =	sadd.s32 $0x40, s13;
	[tilespmem:s12+$0xFFFFFFC0] =	vst v0  }
0x114: {  	[tilespmem:s14+$0x1E500] =	vst v0;
	s12 =	rddreg [dreg:$0x1a]  }
0x115: {  	[spmem:s12] =	stream.linear.scatter [tilespmem:s19], [sflag:$0x7], $0x2000, $0x38;
	[tilespmem:$0x1ED80] =	vst v63  }
0x116: {  	_ =	swait.ge [sflag:s25], $0x2000  }
0x117: {  	[sflag:s25] =	ssyncset.done $0x0  }
0x118: {  	s14 =	rddreg [dreg:$0x1b];
	[sflag:s25] =	ssyncadd.s32 $0xFFFFE000  }
0x119: {  	[spmem:s14] =	stream.linear.scatter [tilespmem:s31], [sflag:$0x7], $0x400, $0x38;
	[tilespmem:$0x1ED80] =	vst v63  }
0x11a: {  	_ =	swait.ge [sflag:s25], $0x400  }
0x11b: {  	[sflag:s25] =	ssyncset.done $0x0  }
0x11c: {  	s17 =	rddreg [dreg:$0x1c];
	[sflag:s25] =	ssyncadd.s32 $0xFFFFFC00  }
0x11d: {  	[spmem:s17] =	stream.linear.scatter [tilespmem:s19], [sflag:$0x7], $0x2000, $0x38;
	[tilespmem:$0x1ED80] =	vst v63  }
0x11e: {  	_ =	swait.ge [sflag:s25], $0x2000  }
0x11f: {  	[sflag:s25] =	ssyncset.done $0x0  }
0x120: {  	s13 =	rddreg [dreg:$0x1d];
	[sflag:s25] =	ssyncadd.s32 $0xFFFFE000  }
0x121: {  	[spmem:s13] =	stream.linear.scatter [tilespmem:s31], [sflag:$0x7], $0x400, $0x38;
	[tilespmem:$0x1ED80] =	vst v63  }
0x122: {  	_ =	swait.ge [sflag:s25], $0x400  }
0x123: {  	[sflag:s25] =	ssyncset.done $0x0  }
0x124: {  	s14 =	rddreg [dreg:$0x1e];
	[sflag:s25] =	ssyncadd.s32 $0xFFFFFC00  }
0x125: {  	[spmem:s14] =	stream.linear.scatter [tilespmem:s19], [sflag:$0x7], $0x2000, $0x38;
	[tilespmem:$0x1ED80] =	vst v63  }
0x126: {  	_ =	swait.ge [sflag:s25], $0x2000  }
0x127: {  	[sflag:s25] =	ssyncset.done $0x0  }
0x128: {  	s17 =	rddreg [dreg:$0x1f];
	[sflag:s25] =	ssyncadd.s32 $0xFFFFE000  }
0x129: {  	[spmem:s17] =	stream.linear.scatter [tilespmem:s31], [sflag:$0x7], $0x400, $0x38;
	[tilespmem:$0x1ED80] =	vst v63  }
0x12a: {  	_ =	swait.ge [sflag:s25], $0x400  }
0x12b: {  	s13 =	sld [smem:$0x7EA]  }
0x12c: {  	[sflag:s25] =	ssyncset.done $0x0  }
0x12d: {  	[sflag:s25] =	ssyncadd.s32 $0xFFFFFC00  }
0x12e: {  	[spmem:s13] =	stream.linear.scatter [tilespmem:s19], [sflag:$0x7], $0x2000, $0x38;
	[tilespmem:$0x1ED80] =	vst v63  }
0x12f: {  	_ =	swait.ge [sflag:s25], $0x2000  }
0x130: {  	s14 =	sld [smem:$0x7EB]  }
0x131: {  	[sflag:s25] =	ssyncset.done $0x0  }
0x132: {  	[sflag:s25] =	ssyncadd.s32 $0xFFFFE000  }
0x133: {  	[spmem:s14] =	stream.linear.scatter [tilespmem:s31], [sflag:$0x7], $0x400, $0x38;
	[tilespmem:$0x1ED80] =	vst v63  }
0x134: {  	_ =	swait.ge [sflag:s25], $0x400  }
0x135: {  	s17 =	sld [smem:$0x7EC]  }
0x136: {  	[sflag:s25] =	ssyncset.done $0x0  }
0x137: {  	[sflag:s25] =	ssyncadd.s32 $0xFFFFFC00  }
0x138: {  	[spmem:s17] =	stream.linear.scatter [tilespmem:s19], [sflag:$0x7], $0x2000, $0x38;
	[tilespmem:$0x1ED80] =	vst v63  }
0x139: {  	_ =	swait.ge [sflag:s25], $0x2000  }
0x13a: {  	s13 =	sld [smem:$0x7ED]  }
0x13b: {  	[sflag:s25] =	ssyncset.done $0x0  }
0x13c: {  	[sflag:s25] =	ssyncadd.s32 $0xFFFFE000  }
0x13d: {  	[spmem:s13] =	stream.linear.scatter [tilespmem:s31], [sflag:$0x7], $0x400, $0x38;
	[tilespmem:$0x1ED80] =	vst v63  }
0x13e: {  	_ =	swait.ge [sflag:s25], $0x400  }
0x13f: {  	s14 =	sld [smem:$0x7EE]  }
0x140: {  	[sflag:s25] =	ssyncset.done $0x0  }
0x141: {  	[sflag:s25] =	ssyncadd.s32 $0xFFFFFC00  }
0x142: {  	[spmem:s14] =	stream.linear.scatter [tilespmem:s19], [sflag:$0x7], $0x2000, $0x38;
	[tilespmem:$0x1ED80] =	vst v63  }
0x143: {  	_ =	swait.ge [sflag:s25], $0x2000  }
0x144: {  	s17 =	sld [smem:$0x7EF]  }
0x145: {  	[sflag:s25] =	ssyncset.done $0x0  }
0x146: {  	[sflag:s25] =	ssyncadd.s32 $0xFFFFE000  }
0x147: {  	[spmem:s17] =	stream.linear.scatter [tilespmem:s31], [sflag:$0x7], $0x400, $0x38;
	[tilespmem:$0x1ED80] =	vst v63  }
0x148: {  	_ =	swait.ge [sflag:s25], $0x400  }
0x149: {  	s13 =	sld [smem:$0x7F0]  }
0x14a: {  	[sflag:s25] =	ssyncset.done $0x0  }
0x14b: {  	[sflag:s25] =	ssyncadd.s32 $0xFFFFFC00  }
0x14c: {  	[spmem:s13] =	stream.linear.scatter [tilespmem:s19], [sflag:$0x7], $0x2000, $0x38;
	[tilespmem:$0x1ED80] =	vst v63  }
0x14d: {  	_ =	swait.ge [sflag:s25], $0x2000  }
0x14e: {  	s14 =	sld [smem:$0x7F1]  }
0x14f: {  	[sflag:s25] =	ssyncset.done $0x0  }
0x150: {  	[sflag:s25] =	ssyncadd.s32 $0xFFFFE000  }
0x151: {  	[spmem:s14] =	stream.linear.scatter [tilespmem:s31], [sflag:$0x7], $0x400, $0x38;
	[tilespmem:$0x1ED80] =	vst v63  }
0x152: {  	_ =	swait.ge [sflag:s25], $0x400  }
0x153: {  	s17 =	sld [smem:$0x7F2]  }
0x154: {  	[sflag:s25] =	ssyncset.done $0x0  }
0x155: {  	[sflag:s25] =	ssyncadd.s32 $0xFFFFFC00  }
0x156: {  	[spmem:s17] =	stream.linear.scatter [tilespmem:s19], [sflag:$0x7], $0x2000, $0x38;
	[tilespmem:$0x1ED80] =	vst v63  }
0x157: {  	_ =	swait.ge [sflag:s25], $0x2000  }
0x158: {  	[sflag:s25] =	ssyncset.done $0x0  }
0x159: {  	[sflag:s25] =	ssyncadd.s32 $0xFFFFE000  }
0x15a: {  	[spmem:s16] =	stream.linear.scatter [tilespmem:s31], [sflag:$0x7], $0x400, $0x38;
	[tilespmem:$0x1ED80] =	vst v63  }
0x15b: {  	_ =	swait.ge [sflag:s25], $0x400  }
0x15c: {  	s13 =	sld [smem:$0x7F3]  }
0x15d: {  	[sflag:s25] =	ssyncset.done $0x0  }
0x15e: {  	[sflag:s25] =	ssyncadd.s32 $0xFFFFFC00  }
0x15f: {  	[spmem:s13] =	stream.linear.scatter [tilespmem:s19], [sflag:$0x7], $0x2000, $0x38;
	[tilespmem:$0x1ED80] =	vst v63  }
0x160: {  	_ =	swait.ge [sflag:s25], $0x2000  }
0x161: {  	[sflag:s25] =	ssyncset.done $0x0  }
0x162: {  	[sflag:s25] =	ssyncadd.s32 $0xFFFFE000  }
0x163: {  	[spmem:s15] =	stream.linear.scatter [tilespmem:s31], [sflag:$0x7], $0x400, $0x38;
	[tilespmem:$0x1ED80] =	vst v63  }
0x164: {  	_ =	swait.ge [sflag:s25], $0x400  }
0x165: {  	s14 =	sld [smem:$0x7F4]  }
0x166: {  	[sflag:s25] =	ssyncset.done $0x0  }
0x167: {  	[sflag:s25] =	ssyncadd.s32 $0xFFFFFC00  }
0x168: {  	[spmem:s14] =	stream.linear.scatter [tilespmem:s19], [sflag:$0x7], $0x1C00, $0x38;
	[tilespmem:$0x1ED80] =	vst v63  }
0x169: {  	_ =	swait.ge [sflag:s25], $0x1C00  }
0x16a: {  	s15 =	sld [smem:$0x7F5]  }
0x16b: {  	[sflag:s25] =	ssyncset.done $0x0  }
0x16c: {  	[sflag:s25] =	ssyncadd.s32 $0xFFFFE400  }
0x16d: {  	[spmem:s15] =	stream.linear.scatter [tilespmem:s31], [sflag:$0x7], $0x380, $0x38;
	[tilespmem:$0x1ED80] =	vst v63  }
0x16e: {  	_ =	swait.ge [sflag:s25], $0x380  }
0x16f: {  	[sflag:s25] =	ssyncset.done $0x0  }
0x170: {  	[sflag:s25] =	ssyncadd.s32 $0xFFFFFC80  }
0x171: {  	s17 =	simm.s32 $0x1ED00;
	s13 =	simm.s32 $0x0;
	s16 =	rddreg [dreg:$0x2]  }
0x172: {  	[tilespmem:s17], [sflag:$0x7] =	stream.linear.gather [hbm4b:s16+s13], $0x80, $0x38;
	[tilespmem:$0x1ED80] =	vst v63  }
0x173: {  	_ =	swait.ge [sflag:s25], $0x80  }
0x174: {  	[sflag:s25] =	ssyncset.done $0x0  }
0x175: {  	[sflag:s25] =	ssyncadd.s32 $0xFFFFFF80  }
0x176: {  	[bflag:$0x0] =	sbarrier.arrive $0xFFFF  }
0x177: {  	v5 =	vld [tilespmem:$0x1ED00]  }
0x178: {  	v6 =	vld [tilespmem:$0x1ED10]  }
0x179: {  	v7 =	vld [tilespmem:$0x1ED20]  }
0x17a: {  	v8 =	vld [tilespmem:$0x1ED30]  }
0x17b: {  	v9 =	vld [tilespmem:$0x1ED40];
	s14 =	sld [smem:$0x7F6]  }
0x17c: {  	v10 =	vld [tilespmem:$0x1ED50]  }
0x17d: {  	s15 =	simm.s32 $0x1E380;
	v11 =	vld [tilespmem:$0x1ED60]  }
0x17e: {  	v12 =	vld [tilespmem:$0x1ED70];
	[tilespmem:s15], [sflag:$0x7] =	stream.linear.gather [hbm4b:s14+s13], $0x40, $0x38  }
0x17f: {  	_ =	swait.ge [sflag:s25], $0x40  }
0x180: {  	s16 =	sld [smem:$0x7F7]  }
0x181: {  	[sflag:s25] =	ssyncset.done $0x0  }
0x182: {  	s17 =	simm.s32 $0x1E400;
	[sflag:s25] =	ssyncadd.s32 $0xFFFFFFC0  }
0x183: {  	[tilespmem:s17], [sflag:$0x7] =	stream.linear.gather [hbm4b:s16+s13], $0x40, $0x38;
	[tilespmem:$0x1ED80] =	vst v63  }
0x184: {  	_ =	swait.ge [sflag:s25], $0x40  }
0x185: {  	[sflag:s25] =	ssyncset.done $0x0  }
0x186: {  	[sflag:s25] =	ssyncadd.s32 $0xFFFFFFC0  }
0x187: {  	[tilespmem:s19], [sflag:$0x1] =	stream.indirect.gather [hbm4b:s18+s22], $0x80, s15, s22, $0xb8;
	[tilespmem:$0x1ED80] =	vst v63  }
0x188: {  	s14 =	simm.s32 $0x1A380;
	s16 =	sld [smem:$0x7F8]  }
0x189: {  	[tilespmem:s14], [sflag:$0x1] =	stream.indirect.gather [hbm4b:s28+s22], $0x80, s17, s22, $0xb8;
	[tilespmem:$0x1ED80] =	vst v63  }
0x18a: {  	_ = 	snop  }
0x18b: {  	[tilespmem:s0], [sflag:$0x7] =	stream.linear.gather [hbm4b:s16+s13], $0x40, $0x38;
	[tilespmem:$0x1ED80] =	vst v63  }
0x18c: {  	_ =	swait.ge [sflag:s25], $0x40  }
0x18d: {  	s17 =	sld [smem:$0x7F9]  }
0x18e: {  	[sflag:s25] =	ssyncset.done $0x0  }
0x18f: {  	[sflag:s25] =	ssyncadd.s32 $0xFFFFFFC0  }
0x190: {  	[tilespmem:s21], [sflag:$0x7] =	stream.linear.gather [hbm4b:s17+s13], $0x40, $0x38;
	[tilespmem:$0x1ED80] =	vst v63  }
0x191: {  	_ =	swait.ge [sflag:s25], $0x40  }
0x192: {  	[sflag:s25] =	ssyncset.done $0x0  }
0x193: {  	[sflag:s25] =	ssyncadd.s32 $0xFFFFFFC0  }
0x194: {  	[tilespmem:s1], [sflag:$0x2] =	stream.indirect.gather [hbm4b:s18+s22], $0x80, s0, s22, $0xb8;
	[tilespmem:$0x1ED80] =	vst v63  }
0x195: {  	_ = 	snop  }
0x196: {  	[tilespmem:s2], [sflag:$0x2] =	stream.indirect.gather [hbm4b:s28+s22], $0x80, s21, s22, $0xb8;
	[tilespmem:$0x1ED80] =	vst v63  }
.LBB2_4:
0x197: {  	_ =	swait.ge [sflag:s3], $0x2000  }
0x198: {  	[sflag:s3] =	ssyncset.done $0x0  }
0x199: {  	[sflag:s3] =	ssyncadd.s32 $0xFFFFE000  }
0x19a: {  	_ =	swait.ge [sflag:s3], $0x2000  }
0x19b: {  	[sflag:s3] =	ssyncset.done $0x0  }
0x19c: {  	[sflag:s3] =	ssyncadd.s32 $0xFFFFE000  }
0x19d: {  	v13 =	vld [tilespmem:$0x1E400]  }
0x19e: {  	v14 =	vld [tilespmem:$0x1E410]  }
0x19f: {  	v15 =	vld [tilespmem:$0x1E420]  }
0x1a0: {  	v16 =	vld [tilespmem:$0x1E430];
	_ =	sdelay $0x1  }
0x1a1: {  	s14 =	sshll.u32 s13, $0x7;
	p0 =	seq.s32 s13, $0x51;
	[tilespmem:$0x1E480] =	vst v13  }
0x1a2: {  	s12 =	sadd.s32 @!p0 s14, s20;
	[tilespmem:$0x1E490] =	vst v14  }
0x1a3: {  	s12 =	sshrl.u32 @!p0 s12, $0x3;
	[tilespmem:$0x1E4A0] =	vst v15  }
0x1a4: {  	s16 =	simm.s32 @!p0 $0x0;
	s17 =	simm.s32 @!p0 $0x1E380;
	s15 =	sadd.s32 @!p0 s29, s12;
	[tilespmem:$0x1E4B0] =	vst v16  }
0x1a5: {  	[tilespmem:s17], [sflag:$0x3] =	stream.linear.gather @!p0 [hbm4b:s15+s16], $0x40, $0x38;
	[tilespmem:$0x1ED80] =	vst v63  }
0x1a6: {  	s12 =	sadd.s32 @!p0 s30, s12;
	s15 =	simm.s32 @!p0 $0x1E400;
	s17 =	simm.s32 $0x16480  }
0x1a7: {  	[tilespmem:s15], [sflag:$0x3] =	stream.linear.gather @!p0 [hbm4b:s12+s16], $0x40, $0x38;
	[tilespmem:$0x1ED80] =	vst v63  }
0x1a8: {  	s15 =	simm.s32 $0xFFFFFFFC;
	s16 =	simm.s32 $0x1E520;
	s12 =	simm.s32 $0x1A480  }
.LBB2_5:
0x1a9: {  	v13 =	vld [tilespmem:s17+$0xFFFFFF00]  }
0x1aa: {  	v14 =	vld [tilespmem:s12+$0xFFFFFF00]  }
0x1ab: {  	v15 =	vld [tilespmem:s17+$0xFFFFFF10]  }
0x1ac: {  	v16 =	vld [tilespmem:s12+$0xFFFFFF10]  }
0x1ad: {  	v17 =	vld [tilespmem:s17+$0xFFFFFF20]  }
0x1ae: {  	v18 =	vld [tilespmem:s12+$0xFFFFFF20]  }
0x1af: {  	v19 =	vld [tilespmem:s17+$0xFFFFFF30];
	v14 =	vadd.f32 v14, v13  }
0x1b0: {  	v20 =	vld [tilespmem:s12+$0xFFFFFF30]  }
0x1b1: {  	v21 =	vld [tilespmem:s17+$0xFFFFFF40];
	v16 =	vadd.f32 v16, v15;
	v22 =	vmul.f32 $2.000000030e-01, v14  }
0x1b2: {  	v23 =	vld [tilespmem:s12+$0xFFFFFF40]  }
0x1b3: {  	v24 =	vld [tilespmem:s17+$0xFFFFFF50];
	v18 =	vadd.f32 v18, v17;
	v60 =	vmul.f32 $2.000000030e-01, v16;
	v14 =	vmax.f32 v14, v22  }
0x1b4: {  	v25 =	vld [tilespmem:s12+$0xFFFFFF50];
	v14 =	vmul.f32 v14, v5  }
0x1b5: {  	v26 =	vld [tilespmem:s17+$0xFFFFFF60];
	v20 =	vadd.f32 v20, v19;
	v61 =	vmul.f32 $2.000000030e-01, v18;
	v16 =	vmax.f32 v16, v60  }
0x1b6: {  	v27 =	vld [tilespmem:s12+$0xFFFFFF60];
	v16 =	vmul.f32 v16, v6;
	v14 =	vadd.f32 $0.0e+00, v14  }
0x1b7: {  	v28 =	vld [tilespmem:s17+$0xFFFFFF70];
	v23 =	vadd.f32 v23, v21;
	v62 =	vmul.f32 $2.000000030e-01, v20;
	v18 =	vmax.f32 v18, v61  }
0x1b8: {  	v29 =	vld [tilespmem:s12+$0xFFFFFF70];
	v63 =	vmul.f32 v18, v7;
	v14 =	vadd.f32 v16, v14  }
0x1b9: {  	v25 =	vadd.f32 v25, v24;
	v30 =	vmul.f32 $2.000000030e-01, v23;
	v20 =	vmax.f32 v20, v62  }
0x1ba: {  	v31 =	vmul.f32 v20, v8;
	v14 =	vadd.f32 v63, v14  }
0x1bb: {  	v34 =	vadd.f32 v27, v26;
	v33 =	vmul.f32 $2.000000030e-01, v25;
	v32 =	vmax.f32 v23, v30  }
0x1bc: {  	v35 =	vmul.f32 v32, v9;
	v14 =	vadd.f32 v31, v14  }
0x1bd: {  	v37 =	vmul.f32 $2.000000030e-01, v34;
	v36 =	vmax.f32 v25, v33;
	v18 =	vadd.f32 v29, v28  }
0x1be: {  	v38 =	vmul.f32 v36, v10;
	v14 =	vadd.f32 v35, v14  }
0x1bf: {  	v39 =	vmax.f32 v34, v37;
	v40 =	vmul.f32 $2.000000030e-01, v18  }
0x1c0: {  	v41 =	vmul.f32 v39, v11;
	v14 =	vadd.f32 v38, v14  }
0x1c1: {  	v18 =	vmax.f32 v18, v40  }
0x1c2: {  	v42 =	vmul.f32 v18, v12;
	v14 =	vadd.f32 v41, v14;
	_ =	sdelay $0x1  }
0x1c3: {  	v14 =	vadd.f32 v42, v14;
	_ =	sdelay $0x1  }
0x1c4: {  	v16 =	vperm.xlane v14, v1;
	_ =	sdelay $0x1  }
0x1c5: {  	v14 =	vadd.f32 v14, v16;
	_ =	sdelay $0x1  }
0x1c6: {  	v16 =	vperm.xlane v14, v2;
	_ =	sdelay $0x1  }
0x1c7: {  	v14 =	vadd.f32 v14, v16;
	_ =	sdelay $0x1  }
0x1c8: {  	v16 =	vperm.xlane v14, v3;
	_ =	sdelay $0x1  }
0x1c9: {  	v14 =	vadd.f32 v14, v16;
	_ =	sdelay $0x1  }
0x1ca: {  	v16 =	vperm.xlane v14, v4;
	_ =	sdelay $0x1  }
0x1cb: {  	v14 =	vadd.f32 v14, v16;
	_ =	sdelay $0x1  }
0x1cc: {  	v14 =	vmul.f32 $1.442695020e+00, v14;
	_ =	sdelay $0x1  }
0x1cd: {  	(erf) = vpow2.f32 v14;
	_ =	sdelay $0x8  }
0x1ce: {  	v14 =	vpop (erf)  }
0x1cf: {  	v13 =	vmul.f32 v14, v13  }
0x1d0: {  	v15 =	vmul.f32 v14, v15  }
0x1d1: {  	[tilespmem:s17+$0xFFFFFF00] =	vst v13;
	v13 =	vmul.f32 v14, v17  }
0x1d2: {  	[tilespmem:s17+$0xFFFFFF10] =	vst v15;
	v15 =	vmul.f32 v14, v19  }
0x1d3: {  	[tilespmem:s17+$0xFFFFFF20] =	vst v13;
	v13 =	vmul.f32 v14, v21  }
0x1d4: {  	[tilespmem:s17+$0xFFFFFF30] =	vst v15;
	v15 =	vmul.f32 v14, v24  }
0x1d5: {  	[tilespmem:s17+$0xFFFFFF40] =	vst v13;
	v13 =	vmul.f32 v14, v26  }
0x1d6: {  	[tilespmem:s17+$0xFFFFFF50] =	vst v15;
	v15 =	vmul.f32 v14, v28  }
0x1d7: {  	[tilespmem:s17+$0xFFFFFF60] =	vst v13  }
0x1d8: {  	[tilespmem:s17+$0xFFFFFF70] =	vst v15;
	v13 =	vnsel vm0, $0x0, v14  }
0x1d9: {  	[tilespmem:s16+$0xFFFFFFE0] =	vst v13  }
0x1da: {  	v13 =	vld [tilespmem:s17+$0xFFFFFF80]  }
0x1db: {  	v14 =	vld [tilespmem:s12+$0xFFFFFF80]  }
0x1dc: {  	v15 =	vld [tilespmem:s17+$0xFFFFFF90]  }
0x1dd: {  	v43 =	vld [tilespmem:s12+$0xFFFFFF90]  }
0x1de: {  	v44 =	vld [tilespmem:s17+$0xFFFFFFA0]  }
0x1df: {  	v45 =	vld [tilespmem:s12+$0xFFFFFFA0]  }
0x1e0: {  	v46 =	vld [tilespmem:s17+$0xFFFFFFB0];
	v14 =	vadd.f32 v14, v13  }
0x1e1: {  	v47 =	vld [tilespmem:s12+$0xFFFFFFB0]  }
0x1e2: {  	v48 =	vld [tilespmem:s17+$0xFFFFFFC0];
	v16 =	vadd.f32 v43, v15;
	v49 =	vmul.f32 $2.000000030e-01, v14  }
0x1e3: {  	v50 =	vld [tilespmem:s12+$0xFFFFFFC0]  }
0x1e4: {  	v51 =	vld [tilespmem:s17+$0xFFFFFFD0];
	v18 =	vadd.f32 v45, v44;
	v52 =	vmul.f32 $2.000000030e-01, v16;
	v14 =	vmax.f32 v14, v49  }
0x1e5: {  	v53 =	vld [tilespmem:s12+$0xFFFFFFD0];
	v14 =	vmul.f32 v14, v5  }
0x1e6: {  	v54 =	vld [tilespmem:s17+$0xFFFFFFE0];
	v20 =	vadd.f32 v47, v46;
	v55 =	vmul.f32 $2.000000030e-01, v18;
	v16 =	vmax.f32 v16, v52  }
0x1e7: {  	v56 =	vld [tilespmem:s12+$0xFFFFFFE0];
	v16 =	vmul.f32 v16, v6;
	v14 =	vadd.f32 $0.0e+00, v14  }
0x1e8: {  	v57 =	vld [tilespmem:s17+$0xFFFFFFF0];
	v23 =	vadd.f32 v50, v48;
	v58 =	vmul.f32 $2.000000030e-01, v20;
	v18 =	vmax.f32 v18, v55  }
0x1e9: {  	v60 =	vld [tilespmem:s12+$0xFFFFFFF0];
	v59 =	vmul.f32 v18, v7;
	v14 =	vadd.f32 v16, v14  }
0x1ea: {  	v25 =	vadd.f32 v53, v51;
	v61 =	vmul.f32 $2.000000030e-01, v23;
	v20 =	vmax.f32 v20, v58  }
0x1eb: {  	v62 =	vmul.f32 v20, v8;
	v14 =	vadd.f32 v59, v14  }
0x1ec: {  	v30 =	vadd.f32 v56, v54;
	v29 =	vmul.f32 $2.000000030e-01, v25;
	v63 =	vmax.f32 v23, v61  }
0x1ed: {  	v31 =	vmul.f32 v63, v9;
	v14 =	vadd.f32 v62, v14  }
0x1ee: {  	v33 =	vmul.f32 $2.000000030e-01, v30;
	v32 =	vmax.f32 v25, v29;
	v18 =	vadd.f32 v60, v57  }
0x1ef: {  	v34 =	vmul.f32 v32, v10;
	v14 =	vadd.f32 v31, v14  }
0x1f0: {  	v35 =	vmax.f32 v30, v33;
	v36 =	vmul.f32 $2.000000030e-01, v18  }
0x1f1: {  	v37 =	vmul.f32 v35, v11;
	v14 =	vadd.f32 v34, v14  }
0x1f2: {  	v18 =	vmax.f32 v18, v36  }
0x1f3: {  	v38 =	vmul.f32 v18, v12;
	v14 =	vadd.f32 v37, v14;
	_ =	sdelay $0x1  }
0x1f4: {  	v14 =	vadd.f32 v38, v14;
	_ =	sdelay $0x1  }
0x1f5: {  	v16 =	vperm.xlane v14, v1;
	_ =	sdelay $0x1  }
0x1f6: {  	v14 =	vadd.f32 v14, v16;
	_ =	sdelay $0x1  }
0x1f7: {  	v16 =	vperm.xlane v14, v2;
	_ =	sdelay $0x1  }
0x1f8: {  	v14 =	vadd.f32 v14, v16;
	_ =	sdelay $0x1  }
0x1f9: {  	v16 =	vperm.xlane v14, v3;
	_ =	sdelay $0x1  }
0x1fa: {  	v14 =	vadd.f32 v14, v16;
	_ =	sdelay $0x1  }
0x1fb: {  	v16 =	vperm.xlane v14, v4;
	_ =	sdelay $0x1  }
0x1fc: {  	v14 =	vadd.f32 v14, v16;
	_ =	sdelay $0x1  }
0x1fd: {  	v14 =	vmul.f32 $1.442695020e+00, v14;
	_ =	sdelay $0x1  }
0x1fe: {  	(erf) = vpow2.f32 v14;
	_ =	sdelay $0x8  }
0x1ff: {  	v14 =	vpop (erf)  }
0x200: {  	v13 =	vmul.f32 v14, v13  }
0x201: {  	v15 =	vmul.f32 v14, v15  }
0x202: {  	[tilespmem:s17+$0xFFFFFF80] =	vst v13;
	v13 =	vmul.f32 v14, v44  }
0x203: {  	[tilespmem:s17+$0xFFFFFF90] =	vst v15;
	v15 =	vmul.f32 v14, v46  }
0x204: {  	[tilespmem:s17+$0xFFFFFFA0] =	vst v13;
	v13 =	vmul.f32 v14, v48  }
0x205: {  	[tilespmem:s17+$0xFFFFFFB0] =	vst v15;
	v15 =	vmul.f32 v14, v51  }
0x206: {  	[tilespmem:s17+$0xFFFFFFC0] =	vst v13;
	v13 =	vmul.f32 v14, v54  }
0x207: {  	[tilespmem:s17+$0xFFFFFFD0] =	vst v15;
	v15 =	vmul.f32 v14, v57  }
0x208: {  	[tilespmem:s17+$0xFFFFFFE0] =	vst v13  }
0x209: {  	[tilespmem:s17+$0xFFFFFFF0] =	vst v15;
	v13 =	vnsel vm0, $0x0, v14  }
0x20a: {  	[tilespmem:s16+$0xFFFFFFF0] =	vst v13  }
0x20b: {  	v13 =	vld [tilespmem:s17+$0x0]  }
0x20c: {  	v14 =	vld [tilespmem:s12+$0x0]  }
0x20d: {  	v15 =	vld [tilespmem:s17+$0x10]  }
0x20e: {  	v39 =	vld [tilespmem:s12+$0x10]  }
0x20f: {  	v40 =	vld [tilespmem:s17+$0x20]  }
0x210: {  	v41 =	vld [tilespmem:s12+$0x20]  }
0x211: {  	v42 =	vld [tilespmem:s17+$0x30];
	v14 =	vadd.f32 v14, v13  }
0x212: {  	v43 =	vld [tilespmem:s12+$0x30]  }
0x213: {  	v44 =	vld [tilespmem:s17+$0x40];
	v16 =	vadd.f32 v39, v15;
	v45 =	vmul.f32 $2.000000030e-01, v14  }
0x214: {  	v46 =	vld [tilespmem:s12+$0x40]  }
0x215: {  	v47 =	vld [tilespmem:s17+$0x50];
	v18 =	vadd.f32 v41, v40;
	v48 =	vmul.f32 $2.000000030e-01, v16;
	v14 =	vmax.f32 v14, v45  }
0x216: {  	v49 =	vld [tilespmem:s12+$0x50];
	v14 =	vmul.f32 v14, v5  }
0x217: {  	v50 =	vld [tilespmem:s17+$0x60];
	v20 =	vadd.f32 v43, v42;
	v51 =	vmul.f32 $2.000000030e-01, v18;
	v16 =	vmax.f32 v16, v48  }
0x218: {  	v52 =	vld [tilespmem:s12+$0x60];
	v16 =	vmul.f32 v16, v6;
	v14 =	vadd.f32 $0.0e+00, v14  }
0x219: {  	v53 =	vld [tilespmem:s17+$0x70];
	v23 =	vadd.f32 v46, v44;
	v54 =	vmul.f32 $2.000000030e-01, v20;
	v18 =	vmax.f32 v18, v51  }
0x21a: {  	v56 =	vld [tilespmem:s12+$0x70];
	v55 =	vmul.f32 v18, v7;
	v14 =	vadd.f32 v16, v14  }
0x21b: {  	v25 =	vadd.f32 v49, v47;
	v57 =	vmul.f32 $2.000000030e-01, v23;
	v20 =	vmax.f32 v20, v54  }
0x21c: {  	v58 =	vmul.f32 v20, v8;
	v14 =	vadd.f32 v55, v14  }
0x21d: {  	v61 =	vadd.f32 v52, v50;
	v60 =	vmul.f32 $2.000000030e-01, v25;
	v59 =	vmax.f32 v23, v57  }
0x21e: {  	v62 =	vmul.f32 v59, v9;
	v14 =	vadd.f32 v58, v14  }
0x21f: {  	v63 =	vmax.f32 v25, v60;
	v25 =	vmul.f32 $2.000000030e-01, v61;
	v18 =	vadd.f32 v56, v53  }
0x220: {  	v27 =	vmul.f32 v63, v10;
	v14 =	vadd.f32 v62, v14  }
0x221: {  	v29 =	vmax.f32 v61, v25;
	v30 =	vmul.f32 $2.000000030e-01, v18  }
0x222: {  	v31 =	vmul.f32 v29, v11;
	v14 =	vadd.f32 v27, v14  }
0x223: {  	v18 =	vmax.f32 v18, v30  }
0x224: {  	v32 =	vmul.f32 v18, v12;
	v14 =	vadd.f32 v31, v14;
	_ =	sdelay $0x1  }
0x225: {  	v14 =	vadd.f32 v32, v14;
	_ =	sdelay $0x1  }
0x226: {  	v16 =	vperm.xlane v14, v1;
	_ =	sdelay $0x1  }
0x227: {  	v14 =	vadd.f32 v14, v16;
	_ =	sdelay $0x1  }
0x228: {  	v16 =	vperm.xlane v14, v2;
	_ =	sdelay $0x1  }
0x229: {  	v14 =	vadd.f32 v14, v16;
	_ =	sdelay $0x1  }
0x22a: {  	v16 =	vperm.xlane v14, v3;
	_ =	sdelay $0x1  }
0x22b: {  	v14 =	vadd.f32 v14, v16;
	_ =	sdelay $0x1  }
0x22c: {  	v16 =	vperm.xlane v14, v4;
	_ =	sdelay $0x1  }
0x22d: {  	v14 =	vadd.f32 v14, v16;
	_ =	sdelay $0x1  }
0x22e: {  	v14 =	vmul.f32 $1.442695020e+00, v14;
	_ =	sdelay $0x1  }
0x22f: {  	(erf) = vpow2.f32 v14;
	_ =	sdelay $0x8  }
0x230: {  	v14 =	vpop (erf)  }
0x231: {  	v13 =	vmul.f32 v14, v13  }
0x232: {  	v15 =	vmul.f32 v14, v15  }
0x233: {  	[tilespmem:s17+$0x0] =	vst v13;
	v13 =	vmul.f32 v14, v40  }
0x234: {  	[tilespmem:s17+$0x10] =	vst v15;
	v15 =	vmul.f32 v14, v42  }
0x235: {  	[tilespmem:s17+$0x20] =	vst v13;
	v13 =	vmul.f32 v14, v44  }
0x236: {  	[tilespmem:s17+$0x30] =	vst v15;
	v15 =	vmul.f32 v14, v47  }
0x237: {  	[tilespmem:s17+$0x40] =	vst v13;
	v13 =	vmul.f32 v14, v50  }
0x238: {  	[tilespmem:s17+$0x50] =	vst v15;
	v15 =	vmul.f32 v14, v53  }
0x239: {  	[tilespmem:s17+$0x60] =	vst v13  }
0x23a: {  	[tilespmem:s17+$0x70] =	vst v15;
	v13 =	vnsel vm0, $0x0, v14  }
0x23b: {  	[tilespmem:s16+$0x0] =	vst v13  }
0x23c: {  	v13 =	vld [tilespmem:s17+$0x80]  }
0x23d: {  	v14 =	vld [tilespmem:s12+$0x80]  }
0x23e: {  	v15 =	vld [tilespmem:s17+$0x90]  }
0x23f: {  	v33 =	vld [tilespmem:s12+$0x90]  }
0x240: {  	v34 =	vld [tilespmem:s17+$0xA0]  }
0x241: {  	v35 =	vld [tilespmem:s12+$0xA0]  }
0x242: {  	v36 =	vld [tilespmem:s17+$0xB0];
	v14 =	vadd.f32 v14, v13  }
0x243: {  	v37 =	vld [tilespmem:s12+$0xB0]  }
0x244: {  	v38 =	vld [tilespmem:s17+$0xC0];
	v16 =	vadd.f32 v33, v15;
	v39 =	vmul.f32 $2.000000030e-01, v14  }
0x245: {  	v40 =	vld [tilespmem:s12+$0xC0]  }
0x246: {  	v41 =	vld [tilespmem:s17+$0xD0];
	v18 =	vadd.f32 v35, v34;
	v42 =	vmul.f32 $2.000000030e-01, v16;
	v14 =	vmax.f32 v14, v39  }
0x247: {  	v43 =	vld [tilespmem:s12+$0xD0];
	v14 =	vmul.f32 v14, v5  }
0x248: {  	v44 =	vld [tilespmem:s17+$0xE0];
	v20 =	vadd.f32 v37, v36;
	v45 =	vmul.f32 $2.000000030e-01, v18;
	v16 =	vmax.f32 v16, v42  }
0x249: {  	v46 =	vld [tilespmem:s12+$0xE0];
	v16 =	vmul.f32 v16, v6;
	v14 =	vadd.f32 $0.0e+00, v14  }
0x24a: {  	v47 =	vld [tilespmem:s17+$0xF0];
	v23 =	vadd.f32 v40, v38;
	v48 =	vmul.f32 $2.000000030e-01, v20;
	v18 =	vmax.f32 v18, v45  }
0x24b: {  	v50 =	vld [tilespmem:s12+$0xF0];
	v49 =	vmul.f32 v18, v7;
	v14 =	vadd.f32 v16, v14  }
0x24c: {  	v25 =	vadd.f32 v43, v41;
	v51 =	vmul.f32 $2.000000030e-01, v23;
	v20 =	vmax.f32 v20, v48  }
0x24d: {  	v52 =	vmul.f32 v20, v8;
	v14 =	vadd.f32 v49, v14  }
0x24e: {  	v55 =	vadd.f32 v46, v44;
	v54 =	vmul.f32 $2.000000030e-01, v25;
	v53 =	vmax.f32 v23, v51  }
0x24f: {  	v56 =	vmul.f32 v53, v9;
	v14 =	vadd.f32 v52, v14  }
0x250: {  	v58 =	vmul.f32 $2.000000030e-01, v55;
	v57 =	vmax.f32 v25, v54;
	v18 =	vadd.f32 v50, v47  }
0x251: {  	v59 =	vmul.f32 v57, v10;
	v14 =	vadd.f32 v56, v14  }
0x252: {  	v60 =	vmax.f32 v55, v58;
	v61 =	vmul.f32 $2.000000030e-01, v18  }
0x253: {  	v62 =	vmul.f32 v60, v11;
	v14 =	vadd.f32 v59, v14  }
0x254: {  	v18 =	vmax.f32 v18, v61  }
0x255: {  	v63 =	vmul.f32 v18, v12;
	v14 =	vadd.f32 v62, v14;
	_ =	sdelay $0x1  }
0x256: {  	v14 =	vadd.f32 v63, v14;
	_ =	sdelay $0x1  }
0x257: {  	v16 =	vperm.xlane v14, v1;
	_ =	sdelay $0x1  }
0x258: {  	v14 =	vadd.f32 v14, v16;
	_ =	sdelay $0x1  }
0x259: {  	v16 =	vperm.xlane v14, v2;
	_ =	sdelay $0x1  }
0x25a: {  	v14 =	vadd.f32 v14, v16;
	_ =	sdelay $0x1  }
0x25b: {  	v16 =	vperm.xlane v14, v3;
	_ =	sdelay $0x1  }
0x25c: {  	v14 =	vadd.f32 v14, v16;
	_ =	sdelay $0x1  }
0x25d: {  	v16 =	vperm.xlane v14, v4;
	_ =	sdelay $0x1  }
0x25e: {  	v14 =	vadd.f32 v14, v16;
	_ =	sdelay $0x1  }
0x25f: {  	v14 =	vmul.f32 $1.442695020e+00, v14;
	_ =	sdelay $0x1  }
0x260: {  	(erf) = vpow2.f32 v14;
	_ =	sdelay $0x8  }
0x261: {  	v14 =	vpop (erf)  }
0x262: {  	v13 =	vmul.f32 v14, v13  }
0x263: {  	v15 =	vmul.f32 v14, v15  }
0x264: {  	[tilespmem:s17+$0x80] =	vst v13;
	v13 =	vmul.f32 v14, v34  }
0x265: {  	[tilespmem:s17+$0x90] =	vst v15;
	v15 =	vmul.f32 v14, v36  }
0x266: {  	s15 =	sadd.s32 $0x4, s15;
	[tilespmem:s17+$0xA0] =	vst v13;
	v13 =	vmul.f32 v14, v38  }
0x267: {  	p1 =	slt.u32 s15, $0x3C;
	[tilespmem:s17+$0xB0] =	vst v15;
	v15 =	vmul.f32 v14, v41  }
.Ltmp3:
0x268: {  	[tilespmem:s17+$0xC0] =	vst v13;
	v13 =	vmul.f32 v14, v44;
	(pc) =	sbr.rel @p1 .LBB2_5-.Ltmp3, $4  }
0x269: {  	[tilespmem:s17+$0xD0] =	vst v15;
	v15 =	vmul.f32 v14, v47  }
0x26a: {  	[tilespmem:s17+$0xE0] =	vst v13  }
0x26b: {  	[tilespmem:s17+$0xF0] =	vst v15;
	v13 =	vnsel vm0, $0x0, v14  }
0x26c: {  	s12 =	sadd.s32 $0x200, s12;
	s17 =	sadd.s32 $0x200, s17;
	[tilespmem:s16+$0x10] =	vst v13;
	s16 =	sadd.s32 $0x40, s16  }
0x26d: {  	[spmem:s23] =	stream.indirect.scatter.add.f32 [tilespmem:s19], [sflag:$0x5], $0x80, s4, s22, $0xb8;
	[tilespmem:$0x1ED80] =	vst v63  }
0x26e: {  	_ = 	snop  }
0x26f: {  	[spmem:s24] =	stream.indirect.scatter.add.f32 [tilespmem:s31], [sflag:$0x5], $0x10, s4, s22, $0xb8;
	[tilespmem:$0x1ED80] =	vst v63  }
0x270: {  	_ =	swait.ge [sflag:s5], $0x2000  }
0x271: {  	[sflag:s5] =	ssyncset.done $0x0  }
0x272: {  	[sflag:s5] =	ssyncadd.s32 $0xFFFFE000  }
0x273: {  	_ =	swait.ge [sflag:s5], $0x400  }
0x274: {  	[sflag:s5] =	ssyncset.done $0x0  }
0x275: {  	s12 =	simm.s32 @!p0 $0x3;
	[sflag:s5] =	ssyncadd.s32 $0xFFFFFC00  }
0x276: {  	_ =	swait.ge @!p0 [sflag:s12], $0x40  }
0x277: {  	[sflag:s12] =	ssyncset.done @!p0 $0x0  }
0x278: {  	[sflag:s12] =	ssyncadd.s32 @!p0 $0xFFFFFFC0  }
0x279: {  	_ =	swait.ge @!p0 [sflag:s12], $0x40  }
0x27a: {  	s15 =	simm.s32 @!p0 $0x1E380;
	[sflag:s12] =	ssyncset.done @!p0 $0x0  }
0x27b: {  	s16 =	simm.s32 @!p0 $0x16380;
	[sflag:s12] =	ssyncadd.s32 @!p0 $0xFFFFFFC0;
	s12 =	simm.s32 @!p0 $0x40  }
0x27c: {  	[tilespmem:s16], [sflag:$0x1] =	stream.indirect.gather @!p0 [hbm4b:s18+s12], $0x80, s15, s12, $0xb8;
	[tilespmem:$0x1ED80] =	vst v63  }
0x27d: {  	s15 =	simm.s32 @!p0 $0x1E400;
	s16 =	simm.s32 @!p0 $0x1A380  }
0x27e: {  	[tilespmem:s16], [sflag:$0x1] =	stream.indirect.gather @!p0 [hbm4b:s28+s12], $0x80, s15, s12, $0xb8;
	[tilespmem:$0x1ED80] =	vst v63  }
0x27f: {  	_ =	swait.ge [sflag:s6], $0x2000  }
0x280: {  	[sflag:s6] =	ssyncset.done $0x0  }
0x281: {  	[sflag:s6] =	ssyncadd.s32 $0xFFFFE000  }
0x282: {  	_ =	swait.ge [sflag:s6], $0x2000  }
0x283: {  	[sflag:s6] =	ssyncset.done $0x0  }
0x284: {  	[sflag:s6] =	ssyncadd.s32 $0xFFFFE000  }
0x285: {  	v13 =	vld [tilespmem:$0x1E440]  }
0x286: {  	v14 =	vld [tilespmem:$0x1E450]  }
0x287: {  	v15 =	vld [tilespmem:$0x1E460]  }
0x288: {  	v16 =	vld [tilespmem:$0x1E470];
	_ =	sdelay $0x1  }
0x289: {  	[tilespmem:$0x1E4C0] =	vst v13  }
0x28a: {  	s12 =	sadd.s32 @!p0 s14, s26;
	[tilespmem:$0x1E4D0] =	vst v14  }
0x28b: {  	s12 =	sshrl.u32 @!p0 s12, $0x3;
	[tilespmem:$0x1E4E0] =	vst v15  }
0x28c: {  	s15 =	simm.s32 @!p0 $0x0;
	s16 =	simm.s32 @!p0 $0x1E3C0;
	s14 =	sadd.s32 @!p0 s29, s12;
	[tilespmem:$0x1E4F0] =	vst v16  }
0x28d: {  	[tilespmem:s16], [sflag:$0x4] =	stream.linear.gather @!p0 [hbm4b:s14+s15], $0x40, $0x38;
	[tilespmem:$0x1ED80] =	vst v63  }
0x28e: {  	s12 =	sadd.s32 @!p0 s30, s12;
	s14 =	simm.s32 @!p0 $0x1E440;
	s16 =	simm.s32 $0x18480  }
0x28f: {  	[tilespmem:s14], [sflag:$0x4] =	stream.linear.gather @!p0 [hbm4b:s12+s15], $0x40, $0x38;
	[tilespmem:$0x1ED80] =	vst v63  }
0x290: {  	s14 =	simm.s32 $0xFFFFFFFC;
	s15 =	simm.s32 $0x1E920;
	s12 =	simm.s32 $0x1C480  }
.LBB2_7:
0x291: {  	v13 =	vld [tilespmem:s16+$0xFFFFFF00]  }
0x292: {  	v14 =	vld [tilespmem:s12+$0xFFFFFF00]  }
0x293: {  	v15 =	vld [tilespmem:s16+$0xFFFFFF10]  }
0x294: {  	v16 =	vld [tilespmem:s12+$0xFFFFFF10]  }
0x295: {  	v17 =	vld [tilespmem:s16+$0xFFFFFF20]  }
0x296: {  	v18 =	vld [tilespmem:s12+$0xFFFFFF20]  }
0x297: {  	v19 =	vld [tilespmem:s16+$0xFFFFFF30];
	v14 =	vadd.f32 v14, v13  }
0x298: {  	v20 =	vld [tilespmem:s12+$0xFFFFFF30]  }
0x299: {  	v21 =	vld [tilespmem:s16+$0xFFFFFF40];
	v16 =	vadd.f32 v16, v15;
	v22 =	vmul.f32 $2.000000030e-01, v14  }
0x29a: {  	v23 =	vld [tilespmem:s12+$0xFFFFFF40]  }
0x29b: {  	v24 =	vld [tilespmem:s16+$0xFFFFFF50];
	v18 =	vadd.f32 v18, v17;
	v60 =	vmul.f32 $2.000000030e-01, v16;
	v14 =	vmax.f32 v14, v22  }
0x29c: {  	v25 =	vld [tilespmem:s12+$0xFFFFFF50];
	v14 =	vmul.f32 v14, v5  }
0x29d: {  	v26 =	vld [tilespmem:s16+$0xFFFFFF60];
	v20 =	vadd.f32 v20, v19;
	v61 =	vmul.f32 $2.000000030e-01, v18;
	v16 =	vmax.f32 v16, v60  }
0x29e: {  	v27 =	vld [tilespmem:s12+$0xFFFFFF60];
	v16 =	vmul.f32 v16, v6;
	v14 =	vadd.f32 $0.0e+00, v14  }
0x29f: {  	v28 =	vld [tilespmem:s16+$0xFFFFFF70];
	v23 =	vadd.f32 v23, v21;
	v62 =	vmul.f32 $2.000000030e-01, v20;
	v18 =	vmax.f32 v18, v61  }
0x2a0: {  	v29 =	vld [tilespmem:s12+$0xFFFFFF70];
	v63 =	vmul.f32 v18, v7;
	v14 =	vadd.f32 v16, v14  }
0x2a1: {  	v25 =	vadd.f32 v25, v24;
	v30 =	vmul.f32 $2.000000030e-01, v23;
	v20 =	vmax.f32 v20, v62  }
0x2a2: {  	v31 =	vmul.f32 v20, v8;
	v14 =	vadd.f32 v63, v14  }
0x2a3: {  	v34 =	vadd.f32 v27, v26;
	v33 =	vmul.f32 $2.000000030e-01, v25;
	v32 =	vmax.f32 v23, v30  }
0x2a4: {  	v35 =	vmul.f32 v32, v9;
	v14 =	vadd.f32 v31, v14  }
0x2a5: {  	v37 =	vmul.f32 $2.000000030e-01, v34;
	v36 =	vmax.f32 v25, v33;
	v18 =	vadd.f32 v29, v28  }
0x2a6: {  	v38 =	vmul.f32 v36, v10;
	v14 =	vadd.f32 v35, v14  }
0x2a7: {  	v39 =	vmax.f32 v34, v37;
	v40 =	vmul.f32 $2.000000030e-01, v18  }
0x2a8: {  	v41 =	vmul.f32 v39, v11;
	v14 =	vadd.f32 v38, v14  }
0x2a9: {  	v18 =	vmax.f32 v18, v40  }
0x2aa: {  	v42 =	vmul.f32 v18, v12;
	v14 =	vadd.f32 v41, v14;
	_ =	sdelay $0x1  }
0x2ab: {  	v14 =	vadd.f32 v42, v14;
	_ =	sdelay $0x1  }
0x2ac: {  	v16 =	vperm.xlane v14, v1;
	_ =	sdelay $0x1  }
0x2ad: {  	v14 =	vadd.f32 v14, v16;
	_ =	sdelay $0x1  }
0x2ae: {  	v16 =	vperm.xlane v14, v2;
	_ =	sdelay $0x1  }
0x2af: {  	v14 =	vadd.f32 v14, v16;
	_ =	sdelay $0x1  }
0x2b0: {  	v16 =	vperm.xlane v14, v3;
	_ =	sdelay $0x1  }
0x2b1: {  	v14 =	vadd.f32 v14, v16;
	_ =	sdelay $0x1  }
0x2b2: {  	v16 =	vperm.xlane v14, v4;
	_ =	sdelay $0x1  }
0x2b3: {  	v14 =	vadd.f32 v14, v16;
	_ =	sdelay $0x1  }
0x2b4: {  	v14 =	vmul.f32 $1.442695020e+00, v14;
	_ =	sdelay $0x1  }
0x2b5: {  	(erf) = vpow2.f32 v14;
	_ =	sdelay $0x8  }
0x2b6: {  	v14 =	vpop (erf)  }
0x2b7: {  	v13 =	vmul.f32 v14, v13  }
0x2b8: {  	v15 =	vmul.f32 v14, v15  }
0x2b9: {  	[tilespmem:s16+$0xFFFFFF00] =	vst v13;
	v13 =	vmul.f32 v14, v17  }
0x2ba: {  	[tilespmem:s16+$0xFFFFFF10] =	vst v15;
	v15 =	vmul.f32 v14, v19  }
0x2bb: {  	[tilespmem:s16+$0xFFFFFF20] =	vst v13;
	v13 =	vmul.f32 v14, v21  }
0x2bc: {  	[tilespmem:s16+$0xFFFFFF30] =	vst v15;
	v15 =	vmul.f32 v14, v24  }
0x2bd: {  	[tilespmem:s16+$0xFFFFFF40] =	vst v13;
	v13 =	vmul.f32 v14, v26  }
0x2be: {  	[tilespmem:s16+$0xFFFFFF50] =	vst v15;
	v15 =	vmul.f32 v14, v28  }
0x2bf: {  	[tilespmem:s16+$0xFFFFFF60] =	vst v13  }
0x2c0: {  	[tilespmem:s16+$0xFFFFFF70] =	vst v15;
	v13 =	vnsel vm0, $0x0, v14  }
0x2c1: {  	[tilespmem:s15+$0xFFFFFFE0] =	vst v13  }
0x2c2: {  	v13 =	vld [tilespmem:s16+$0xFFFFFF80]  }
0x2c3: {  	v14 =	vld [tilespmem:s12+$0xFFFFFF80]  }
0x2c4: {  	v15 =	vld [tilespmem:s16+$0xFFFFFF90]  }
0x2c5: {  	v43 =	vld [tilespmem:s12+$0xFFFFFF90]  }
0x2c6: {  	v44 =	vld [tilespmem:s16+$0xFFFFFFA0]  }
0x2c7: {  	v45 =	vld [tilespmem:s12+$0xFFFFFFA0]  }
0x2c8: {  	v46 =	vld [tilespmem:s16+$0xFFFFFFB0];
	v14 =	vadd.f32 v14, v13  }
0x2c9: {  	v47 =	vld [tilespmem:s12+$0xFFFFFFB0]  }
0x2ca: {  	v48 =	vld [tilespmem:s16+$0xFFFFFFC0];
	v16 =	vadd.f32 v43, v15;
	v49 =	vmul.f32 $2.000000030e-01, v14  }
0x2cb: {  	v50 =	vld [tilespmem:s12+$0xFFFFFFC0]  }
0x2cc: {  	v51 =	vld [tilespmem:s16+$0xFFFFFFD0];
	v18 =	vadd.f32 v45, v44;
	v52 =	vmul.f32 $2.000000030e-01, v16;
	v14 =	vmax.f32 v14, v49  }
0x2cd: {  	v53 =	vld [tilespmem:s12+$0xFFFFFFD0];
	v14 =	vmul.f32 v14, v5  }
0x2ce: {  	v54 =	vld [tilespmem:s16+$0xFFFFFFE0];
	v20 =	vadd.f32 v47, v46;
	v55 =	vmul.f32 $2.000000030e-01, v18;
	v16 =	vmax.f32 v16, v52  }
0x2cf: {  	v56 =	vld [tilespmem:s12+$0xFFFFFFE0];
	v16 =	vmul.f32 v16, v6;
	v14 =	vadd.f32 $0.0e+00, v14  }
0x2d0: {  	v57 =	vld [tilespmem:s16+$0xFFFFFFF0];
	v23 =	vadd.f32 v50, v48;
	v58 =	vmul.f32 $2.000000030e-01, v20;
	v18 =	vmax.f32 v18, v55  }
0x2d1: {  	v60 =	vld [tilespmem:s12+$0xFFFFFFF0];
	v59 =	vmul.f32 v18, v7;
	v14 =	vadd.f32 v16, v14  }
0x2d2: {  	v25 =	vadd.f32 v53, v51;
	v61 =	vmul.f32 $2.000000030e-01, v23;
	v20 =	vmax.f32 v20, v58  }
0x2d3: {  	v62 =	vmul.f32 v20, v8;
	v14 =	vadd.f32 v59, v14  }
0x2d4: {  	v30 =	vadd.f32 v56, v54;
	v29 =	vmul.f32 $2.000000030e-01, v25;
	v63 =	vmax.f32 v23, v61  }
0x2d5: {  	v31 =	vmul.f32 v63, v9;
	v14 =	vadd.f32 v62, v14  }
0x2d6: {  	v33 =	vmul.f32 $2.000000030e-01, v30;
	v32 =	vmax.f32 v25, v29;
	v18 =	vadd.f32 v60, v57  }
0x2d7: {  	v34 =	vmul.f32 v32, v10;
	v14 =	vadd.f32 v31, v14  }
0x2d8: {  	v35 =	vmax.f32 v30, v33;
	v36 =	vmul.f32 $2.000000030e-01, v18  }
0x2d9: {  	v37 =	vmul.f32 v35, v11;
	v14 =	vadd.f32 v34, v14  }
0x2da: {  	v18 =	vmax.f32 v18, v36  }
0x2db: {  	v38 =	vmul.f32 v18, v12;
	v14 =	vadd.f32 v37, v14;
	_ =	sdelay $0x1  }
0x2dc: {  	v14 =	vadd.f32 v38, v14;
	_ =	sdelay $0x1  }
0x2dd: {  	v16 =	vperm.xlane v14, v1;
	_ =	sdelay $0x1  }
0x2de: {  	v14 =	vadd.f32 v14, v16;
	_ =	sdelay $0x1  }
0x2df: {  	v16 =	vperm.xlane v14, v2;
	_ =	sdelay $0x1  }
0x2e0: {  	v14 =	vadd.f32 v14, v16;
	_ =	sdelay $0x1  }
0x2e1: {  	v16 =	vperm.xlane v14, v3;
	_ =	sdelay $0x1  }
0x2e2: {  	v14 =	vadd.f32 v14, v16;
	_ =	sdelay $0x1  }
0x2e3: {  	v16 =	vperm.xlane v14, v4;
	_ =	sdelay $0x1  }
0x2e4: {  	v14 =	vadd.f32 v14, v16;
	_ =	sdelay $0x1  }
0x2e5: {  	v14 =	vmul.f32 $1.442695020e+00, v14;
	_ =	sdelay $0x1  }
0x2e6: {  	(erf) = vpow2.f32 v14;
	_ =	sdelay $0x8  }
0x2e7: {  	v14 =	vpop (erf)  }
0x2e8: {  	v13 =	vmul.f32 v14, v13  }
0x2e9: {  	v15 =	vmul.f32 v14, v15  }
0x2ea: {  	[tilespmem:s16+$0xFFFFFF80] =	vst v13;
	v13 =	vmul.f32 v14, v44  }
0x2eb: {  	[tilespmem:s16+$0xFFFFFF90] =	vst v15;
	v15 =	vmul.f32 v14, v46  }
0x2ec: {  	[tilespmem:s16+$0xFFFFFFA0] =	vst v13;
	v13 =	vmul.f32 v14, v48  }
0x2ed: {  	[tilespmem:s16+$0xFFFFFFB0] =	vst v15;
	v15 =	vmul.f32 v14, v51  }
0x2ee: {  	[tilespmem:s16+$0xFFFFFFC0] =	vst v13;
	v13 =	vmul.f32 v14, v54  }
0x2ef: {  	[tilespmem:s16+$0xFFFFFFD0] =	vst v15;
	v15 =	vmul.f32 v14, v57  }
0x2f0: {  	[tilespmem:s16+$0xFFFFFFE0] =	vst v13  }
0x2f1: {  	[tilespmem:s16+$0xFFFFFFF0] =	vst v15;
	v13 =	vnsel vm0, $0x0, v14  }
0x2f2: {  	[tilespmem:s15+$0xFFFFFFF0] =	vst v13  }
0x2f3: {  	v13 =	vld [tilespmem:s16+$0x0]  }
0x2f4: {  	v14 =	vld [tilespmem:s12+$0x0]  }
0x2f5: {  	v15 =	vld [tilespmem:s16+$0x10]  }
0x2f6: {  	v39 =	vld [tilespmem:s12+$0x10]  }
0x2f7: {  	v40 =	vld [tilespmem:s16+$0x20]  }
0x2f8: {  	v41 =	vld [tilespmem:s12+$0x20]  }
0x2f9: {  	v42 =	vld [tilespmem:s16+$0x30];
	v14 =	vadd.f32 v14, v13  }
0x2fa: {  	v43 =	vld [tilespmem:s12+$0x30]  }
0x2fb: {  	v44 =	vld [tilespmem:s16+$0x40];
	v16 =	vadd.f32 v39, v15;
	v45 =	vmul.f32 $2.000000030e-01, v14  }
0x2fc: {  	v46 =	vld [tilespmem:s12+$0x40]  }
0x2fd: {  	v47 =	vld [tilespmem:s16+$0x50];
	v18 =	vadd.f32 v41, v40;
	v48 =	vmul.f32 $2.000000030e-01, v16;
	v14 =	vmax.f32 v14, v45  }
0x2fe: {  	v49 =	vld [tilespmem:s12+$0x50];
	v14 =	vmul.f32 v14, v5  }
0x2ff: {  	v50 =	vld [tilespmem:s16+$0x60];
	v20 =	vadd.f32 v43, v42;
	v51 =	vmul.f32 $2.000000030e-01, v18;
	v16 =	vmax.f32 v16, v48  }
0x300: {  	v52 =	vld [tilespmem:s12+$0x60];
	v16 =	vmul.f32 v16, v6;
	v14 =	vadd.f32 $0.0e+00, v14  }
0x301: {  	v53 =	vld [tilespmem:s16+$0x70];
	v23 =	vadd.f32 v46, v44;
	v54 =	vmul.f32 $2.000000030e-01, v20;
	v18 =	vmax.f32 v18, v51  }
0x302: {  	v56 =	vld [tilespmem:s12+$0x70];
	v55 =	vmul.f32 v18, v7;
	v14 =	vadd.f32 v16, v14  }
0x303: {  	v25 =	vadd.f32 v49, v47;
	v57 =	vmul.f32 $2.000000030e-01, v23;
	v20 =	vmax.f32 v20, v54  }
0x304: {  	v58 =	vmul.f32 v20, v8;
	v14 =	vadd.f32 v55, v14  }
0x305: {  	v61 =	vadd.f32 v52, v50;
	v60 =	vmul.f32 $2.000000030e-01, v25;
	v59 =	vmax.f32 v23, v57  }
0x306: {  	v62 =	vmul.f32 v59, v9;
	v14 =	vadd.f32 v58, v14  }
0x307: {  	v63 =	vmax.f32 v25, v60;
	v25 =	vmul.f32 $2.000000030e-01, v61;
	v18 =	vadd.f32 v56, v53  }
0x308: {  	v27 =	vmul.f32 v63, v10;
	v14 =	vadd.f32 v62, v14  }
0x309: {  	v29 =	vmax.f32 v61, v25;
	v30 =	vmul.f32 $2.000000030e-01, v18  }
0x30a: {  	v31 =	vmul.f32 v29, v11;
	v14 =	vadd.f32 v27, v14  }
0x30b: {  	v18 =	vmax.f32 v18, v30  }
0x30c: {  	v32 =	vmul.f32 v18, v12;
	v14 =	vadd.f32 v31, v14;
	_ =	sdelay $0x1  }
0x30d: {  	v14 =	vadd.f32 v32, v14;
	_ =	sdelay $0x1  }
0x30e: {  	v16 =	vperm.xlane v14, v1;
	_ =	sdelay $0x1  }
0x30f: {  	v14 =	vadd.f32 v14, v16;
	_ =	sdelay $0x1  }
0x310: {  	v16 =	vperm.xlane v14, v2;
	_ =	sdelay $0x1  }
0x311: {  	v14 =	vadd.f32 v14, v16;
	_ =	sdelay $0x1  }
0x312: {  	v16 =	vperm.xlane v14, v3;
	_ =	sdelay $0x1  }
0x313: {  	v14 =	vadd.f32 v14, v16;
	_ =	sdelay $0x1  }
0x314: {  	v16 =	vperm.xlane v14, v4;
	_ =	sdelay $0x1  }
0x315: {  	v14 =	vadd.f32 v14, v16;
	_ =	sdelay $0x1  }
0x316: {  	v14 =	vmul.f32 $1.442695020e+00, v14;
	_ =	sdelay $0x1  }
0x317: {  	(erf) = vpow2.f32 v14;
	_ =	sdelay $0x8  }
0x318: {  	v14 =	vpop (erf)  }
0x319: {  	v13 =	vmul.f32 v14, v13  }
0x31a: {  	v15 =	vmul.f32 v14, v15  }
0x31b: {  	[tilespmem:s16+$0x0] =	vst v13;
	v13 =	vmul.f32 v14, v40  }
0x31c: {  	[tilespmem:s16+$0x10] =	vst v15;
	v15 =	vmul.f32 v14, v42  }
0x31d: {  	[tilespmem:s16+$0x20] =	vst v13;
	v13 =	vmul.f32 v14, v44  }
0x31e: {  	[tilespmem:s16+$0x30] =	vst v15;
	v15 =	vmul.f32 v14, v47  }
0x31f: {  	[tilespmem:s16+$0x40] =	vst v13;
	v13 =	vmul.f32 v14, v50  }
0x320: {  	[tilespmem:s16+$0x50] =	vst v15;
	v15 =	vmul.f32 v14, v53  }
0x321: {  	[tilespmem:s16+$0x60] =	vst v13  }
0x322: {  	[tilespmem:s16+$0x70] =	vst v15;
	v13 =	vnsel vm0, $0x0, v14  }
0x323: {  	[tilespmem:s15+$0x0] =	vst v13  }
0x324: {  	v13 =	vld [tilespmem:s16+$0x80]  }
0x325: {  	v14 =	vld [tilespmem:s12+$0x80]  }
0x326: {  	v15 =	vld [tilespmem:s16+$0x90]  }
0x327: {  	v33 =	vld [tilespmem:s12+$0x90]  }
0x328: {  	v34 =	vld [tilespmem:s16+$0xA0]  }
0x329: {  	v35 =	vld [tilespmem:s12+$0xA0]  }
0x32a: {  	v36 =	vld [tilespmem:s16+$0xB0];
	v14 =	vadd.f32 v14, v13  }
0x32b: {  	v37 =	vld [tilespmem:s12+$0xB0]  }
0x32c: {  	v38 =	vld [tilespmem:s16+$0xC0];
	v16 =	vadd.f32 v33, v15;
	v39 =	vmul.f32 $2.000000030e-01, v14  }
0x32d: {  	v40 =	vld [tilespmem:s12+$0xC0]  }
0x32e: {  	v41 =	vld [tilespmem:s16+$0xD0];
	v18 =	vadd.f32 v35, v34;
	v42 =	vmul.f32 $2.000000030e-01, v16;
	v14 =	vmax.f32 v14, v39  }
0x32f: {  	v43 =	vld [tilespmem:s12+$0xD0];
	v14 =	vmul.f32 v14, v5  }
0x330: {  	v44 =	vld [tilespmem:s16+$0xE0];
	v20 =	vadd.f32 v37, v36;
	v45 =	vmul.f32 $2.000000030e-01, v18;
	v16 =	vmax.f32 v16, v42  }
0x331: {  	v46 =	vld [tilespmem:s12+$0xE0];
	v16 =	vmul.f32 v16, v6;
	v14 =	vadd.f32 $0.0e+00, v14  }
0x332: {  	v47 =	vld [tilespmem:s16+$0xF0];
	v23 =	vadd.f32 v40, v38;
	v48 =	vmul.f32 $2.000000030e-01, v20;
	v18 =	vmax.f32 v18, v45  }
0x333: {  	v50 =	vld [tilespmem:s12+$0xF0];
	v49 =	vmul.f32 v18, v7;
	v14 =	vadd.f32 v16, v14  }
0x334: {  	v25 =	vadd.f32 v43, v41;
	v51 =	vmul.f32 $2.000000030e-01, v23;
	v20 =	vmax.f32 v20, v48  }
0x335: {  	v52 =	vmul.f32 v20, v8;
	v14 =	vadd.f32 v49, v14  }
0x336: {  	v55 =	vadd.f32 v46, v44;
	v54 =	vmul.f32 $2.000000030e-01, v25;
	v53 =	vmax.f32 v23, v51  }
0x337: {  	v56 =	vmul.f32 v53, v9;
	v14 =	vadd.f32 v52, v14  }
0x338: {  	v58 =	vmul.f32 $2.000000030e-01, v55;
	v57 =	vmax.f32 v25, v54;
	v18 =	vadd.f32 v50, v47  }
0x339: {  	v59 =	vmul.f32 v57, v10;
	v14 =	vadd.f32 v56, v14  }
0x33a: {  	v60 =	vmax.f32 v55, v58;
	v61 =	vmul.f32 $2.000000030e-01, v18  }
0x33b: {  	v62 =	vmul.f32 v60, v11;
	v14 =	vadd.f32 v59, v14  }
0x33c: {  	v18 =	vmax.f32 v18, v61  }
0x33d: {  	v63 =	vmul.f32 v18, v12;
	v14 =	vadd.f32 v62, v14;
	_ =	sdelay $0x1  }
0x33e: {  	v14 =	vadd.f32 v63, v14;
	_ =	sdelay $0x1  }
0x33f: {  	v16 =	vperm.xlane v14, v1;
	_ =	sdelay $0x1  }
0x340: {  	v14 =	vadd.f32 v14, v16;
	_ =	sdelay $0x1  }
0x341: {  	v16 =	vperm.xlane v14, v2;
	_ =	sdelay $0x1  }
0x342: {  	v14 =	vadd.f32 v14, v16;
	_ =	sdelay $0x1  }
0x343: {  	v16 =	vperm.xlane v14, v3;
	_ =	sdelay $0x1  }
0x344: {  	v14 =	vadd.f32 v14, v16;
	_ =	sdelay $0x1  }
0x345: {  	v16 =	vperm.xlane v14, v4;
	_ =	sdelay $0x1  }
0x346: {  	v14 =	vadd.f32 v14, v16;
	_ =	sdelay $0x1  }
0x347: {  	v14 =	vmul.f32 $1.442695020e+00, v14;
	_ =	sdelay $0x1  }
0x348: {  	(erf) = vpow2.f32 v14;
	_ =	sdelay $0x8  }
0x349: {  	v14 =	vpop (erf)  }
0x34a: {  	v13 =	vmul.f32 v14, v13  }
0x34b: {  	v15 =	vmul.f32 v14, v15  }
0x34c: {  	[tilespmem:s16+$0x80] =	vst v13;
	v13 =	vmul.f32 v14, v34  }
0x34d: {  	[tilespmem:s16+$0x90] =	vst v15;
	v15 =	vmul.f32 v14, v36  }
0x34e: {  	s14 =	sadd.s32 $0x4, s14;
	[tilespmem:s16+$0xA0] =	vst v13;
	v13 =	vmul.f32 v14, v38  }
0x34f: {  	p1 =	slt.u32 s14, $0x3C;
	[tilespmem:s16+$0xB0] =	vst v15;
	v15 =	vmul.f32 v14, v41  }
.Ltmp4:
0x350: {  	[tilespmem:s16+$0xC0] =	vst v13;
	v13 =	vmul.f32 v14, v44;
	(pc) =	sbr.rel @p1 .LBB2_7-.Ltmp4, $4  }
0x351: {  	[tilespmem:s16+$0xD0] =	vst v15;
	v15 =	vmul.f32 v14, v47  }
0x352: {  	[tilespmem:s16+$0xE0] =	vst v13  }
0x353: {  	[tilespmem:s16+$0xF0] =	vst v15;
	v13 =	vnsel vm0, $0x0, v14  }
0x354: {  	s12 =	sadd.s32 $0x200, s12;
	s16 =	sadd.s32 $0x200, s16;
	[tilespmem:s15+$0x10] =	vst v13;
	s15 =	sadd.s32 $0x40, s15  }
0x355: {  	[spmem:s23] =	stream.indirect.scatter.add.f32 [tilespmem:s1], [sflag:$0x6], $0x80, s7, s22, $0xb8;
	[tilespmem:$0x1ED80] =	vst v63  }
0x356: {  	_ = 	snop  }
0x357: {  	[spmem:s24] =	stream.indirect.scatter.add.f32 [tilespmem:s8], [sflag:$0x6], $0x10, s7, s22, $0xb8;
	[tilespmem:$0x1ED80] =	vst v63  }
0x358: {  	_ =	swait.ge [sflag:s9], $0x2000  }
.Ltmp5:
0x359: {  	[sflag:s9] =	ssyncset.done $0x0;
	(pc) =	sbr.rel @p0 .LBB2_10-.Ltmp5, $4  }
0x35a: {  	[sflag:s9] =	ssyncadd.s32 $0xFFFFE000  }
0x35b: {  	_ =	swait.ge [sflag:s9], $0x400  }
0x35c: {  	[sflag:s9] =	ssyncset.done $0x0  }
0x35d: {  	[sflag:s9] =	ssyncadd.s32 $0xFFFFFC00  }
0x35e: {  	_ =	swait.ge [sflag:s10], $0x40  }
0x35f: {  	[sflag:s10] =	ssyncset.done $0x0  }
0x360: {  	[sflag:s10] =	ssyncadd.s32 $0xFFFFFFC0  }
0x361: {  	_ =	swait.ge [sflag:s10], $0x40  }
.Ltmp6:
0x362: {  	[sflag:s10] =	ssyncset.done $0x0;
	(pc) =	sbr.rel .LBB2_4-.Ltmp6, $4  }
0x363: {  	[sflag:s10] =	ssyncadd.s32 $0xFFFFFFC0  }
0x364: {  	[tilespmem:s1], [sflag:$0x2] =	stream.indirect.gather [hbm4b:s18+s22], $0x80, s0, s22, $0xb8;
	[tilespmem:$0x1ED80] =	vst v63  }
0x365: {  	s13 =	sadd.s32 $0x1, s13  }
0x366: {  	[tilespmem:s2], [sflag:$0x2] =	stream.indirect.gather [hbm4b:s28+s22], $0x80, s21, s22, $0xb8;
	[tilespmem:$0x1ED80] =	vst v63  }
.LBB2_11:
0x367: {  	_ =	sfence.sel $0x180000  }
0x368: {  	[bflag:$0x0] =	sbarrier.arrive $0xFFFF  }
0x369: {  	_ =	strace $0x90000047  }
0x36a: {  	s0 =	stileid.u32;
	[bflag:$0x2] =	sbarrier.arrive $0xFFFF  }
0x36b: {  	p0 =	sne.s32 s0, $0x0;
	s0 =	rddreg [dreg:$0x5]  }
0x36c: {  	s0 =	sadd.s32 @!p0 $0x100000, s0  }
0x36d: {  	[sflag:s0] =	ssyncadd.tile.s32 @!p0 $0x1;
	_ =	shalt  }
.Lfunc_end2:
_tile_overlayer_lowered:
.L_overlay_start_2:
0x36e: {  	(tag) =	ssettag $0x2  }
0x36f: {  	s0 =	rddreg [dreg:$0x0];
	s2 =	stileid.u32  }
0x370: {  	s1 =	rddreg [dreg:$0x1];
	p0 =	sne.s32 s2, $0x0  }
0x371: {  	s3 =	rddreg [dreg:$0x2];
	[bflag:$0x3] =	sbarrier.arrive $0xFFFF;
	s2 =	simm.s32 @!p0 $0x1C07  }
0x372: {  	[timem:s3], [sflag:s2] =	dma.local @!p0 [hbm:s0], s1  }
0x373: {  	s0 =	simm.s32 @!p0 $0x7  }
0x374: {  	_ =	swait.ge @!p0 [sflag:s0], s1  }
0x375: {  	s1 =	ssub.s32 @!p0 $0x0, s1;
	[sflag:s0] =	ssyncset.done @!p0 $0x0  }
0x376: {  	[sflag:s0] =	ssyncadd.s32 @!p0 s1  }
0x377: {  	[bflag:$0x3] =	sbarrier.arrive $0xFFFF  }
0x378: {  	_ =	shalt  }

</sc_bundles>
